<compile_context>
chip_gen: v7x
topology: tpu7x:2x2x1
jax: 0.10.2.dev20260603
libtpu: 0.0.44.dev20260713+nightly
codegen_flags: <defaults>
</compile_context>

<pallas_src>
import functools

import jax
import jax.numpy as jnp
from jax import lax
from jax.experimental import pallas as pl
from jax.experimental.pallas import tpu as pltpu
from jax.experimental.pallas import tpu_sc as plsc

_N = 10000
_E = 320000
_H = 128
_C = 64
_NC = 2
_NS = 16
_EPW = _E // _NS
_CHUNK = 80
_NCHUNK = _EPW // _CHUNK
_ACCROWS = _N + 8
_OWN = 624
_TAIL = _N - _NS * _OWN
_ZTAIL = _ACCROWS - _NS * _OWN
_DEGW = 16
_ZROWS = 24
_ROWBLK = 2000

_HIGH = jax.lax.Precision.DEFAULT


def _make_sc_agg(half: int, with_deg: bool, depth: int, look: int):
    mesh = plsc.VectorSubcoreMesh(core_axis_name="c", subcore_axis_name="s",
                                  num_cores=_NC)
    outs = [jax.ShapeDtypeStruct((_NC, _N, half), jnp.float32)]
    if with_deg:
        outs.append(jax.ShapeDtypeStruct((_NC, _N, _DEGW), jnp.float32))
    scratch = [
        pltpu.VMEM((_NCHUNK, _CHUNK), jnp.int32),
        pltpu.VMEM((_NCHUNK, _CHUNK), jnp.int32),
    ] + [
        pltpu.VMEM((_CHUNK, half), jnp.float32)
        for _ in range(depth)
    ] + [
        pltpu.VMEM((_ZROWS, half), jnp.float32),
        pltpu.VMEM_SHARED((_ACCROWS, half), jnp.float32),
    ] + [pltpu.SemaphoreType.DMA] * (2 * depth)
    if with_deg:
        scratch += [
            pltpu.VMEM((_CHUNK, _DEGW), jnp.float32),
            pltpu.VMEM((_ZROWS, _DEGW), jnp.float32),
            pltpu.VMEM_SHARED((_ACCROWS, _DEGW), jnp.float32),
        ]

    def body(p_hbm, src_hbm, dst_hbm, *rest):
        if with_deg:
            parts_hbm, degparts_hbm = rest[0], rest[1]
            rest = rest[2:]
        else:
            parts_hbm = rest[0]
            rest = rest[1:]
        src_v, dst_v = rest[0], rest[1]
        rows = rest[2:2 + depth]
        zb = rest[2 + depth]
        acc = rest[3 + depth]
        gsem = rest[4 + depth:4 + 2 * depth]
        ssem = rest[4 + 2 * depth:4 + 3 * depth]
        if with_deg:
            ones_v, zb16, dacc = rest[4 + 3 * depth:]
        c = lax.axis_index("c")
        s = lax.axis_index("s")
        base = s * _OWN
        phalf = p_hbm.at[c]

        pltpu.async_copy(src_hbm.at[s], src_v, gsem[0])
        pltpu.async_copy(dst_hbm.at[s], dst_v, gsem[1])

        @pl.loop(0, _ZROWS)
        def _(i):
            @pl.loop(0, half, step=16)
            def _(j):
                zb.at[pl.ds(i, 1), pl.ds(j, 16)][...] = jnp.zeros(
                    (1, 16), jnp.float32)

        @pl.loop(0, _OWN // _ZROWS)
        def _(k):
            pltpu.async_copy(zb, acc.at[pl.ds(base + k * _ZROWS, _ZROWS)],
                             ssem[0])

        @pl.when(s == 0)
        def _():
            pltpu.async_copy(zb.at[pl.ds(0, _ZTAIL)],
                             acc.at[pl.ds(_NS * _OWN, _ZTAIL)], ssem[0])

        if with_deg:
            @pl.loop(0, _CHUNK)
            def _(i):
                ones_v.at[pl.ds(i, 1), pl.ds(0, 16)][...] = jnp.ones(
                    (1, 16), jnp.float32)

            @pl.loop(0, _ZROWS)
            def _(i):
                zb16.at[pl.ds(i, 1), pl.ds(0, 16)][...] = jnp.zeros(
                    (1, 16), jnp.float32)

            @pl.loop(0, _OWN // _ZROWS)
            def _(k):
                pltpu.async_copy(zb16,
                                 dacc.at[pl.ds(base + k * _ZROWS, _ZROWS)],
                                 ssem[1])

            @pl.when(s == 0)
            def _():
                pltpu.async_copy(zb16.at[pl.ds(0, _ZTAIL)],
                                 dacc.at[pl.ds(_NS * _OWN, _ZTAIL)], ssem[1])

        pltpu.make_async_copy(src_hbm.at[s], src_v, gsem[0]).wait()
        pltpu.make_async_copy(dst_hbm.at[s], dst_v, gsem[1]).wait()

        @pl.loop(0, _OWN // _ZROWS)
        def _(k):
            pltpu.make_async_copy(zb, acc.at[pl.ds(base + k * _ZROWS, _ZROWS)],
                                  ssem[0]).wait()

        @pl.when(s == 0)
        def _():
            pltpu.make_async_copy(zb.at[pl.ds(0, _ZTAIL)],
                                  acc.at[pl.ds(_NS * _OWN, _ZTAIL)],
                                  ssem[0]).wait()

        if with_deg:
            @pl.loop(0, _OWN // _ZROWS)
            def _(k):
                pltpu.make_async_copy(
                    zb16, dacc.at[pl.ds(base + k * _ZROWS, _ZROWS)],
                    ssem[1]).wait()

            @pl.when(s == 0)
            def _():
                pltpu.make_async_copy(zb16.at[pl.ds(0, _ZTAIL)],
                                      dacc.at[pl.ds(_NS * _OWN, _ZTAIL)],
                                      ssem[1]).wait()

        plsc.subcore_barrier()

        for b in range(look):
            pltpu.async_copy(phalf.at[src_v.at[b]], rows[b], gsem[b])

        @pl.loop(0, _NCHUNK, step=depth)
        def _(j):
            for k in range(depth):
                m = j + k
                k2 = (k + look) % depth

                @pl.when(m < _NCHUNK)
                def _():
                    pltpu.make_async_copy(phalf.at[src_v.at[m]], rows[k],
                                          gsem[k]).wait()
                    pltpu.async_copy(rows[k], acc.at[dst_v.at[m]], ssem[k],
                                     add=True)
                    if with_deg:
                        @pl.when(m % _NC == c)
                        def _():
                            pltpu.async_copy(ones_v, dacc.at[dst_v.at[m]],
                                             ssem[k], add=True)

                    @pl.when(m + look < _NCHUNK)
                    def _():
                        @pl.when(m - look >= 0)
                        def _():
                            pltpu.make_async_copy(
                                rows[k2], acc.at[dst_v.at[m - look]],
                                ssem[k2]).wait()
                            if with_deg:
                                @pl.when((m - look) % _NC == c)
                                def _():
                                    pltpu.make_async_copy(
                                        ones_v, dacc.at[dst_v.at[m - look]],
                                        ssem[k2]).wait()

                        pltpu.async_copy(phalf.at[src_v.at[m + look]],
                                         rows[k2], gsem[k2])

        for i in range(depth):
            m = _NCHUNK - depth + i
            pltpu.make_async_copy(rows[m % depth], acc.at[dst_v.at[m]],
                                  ssem[m % depth]).wait()
            if with_deg:
                @pl.when(m % _NC == c)
                def _():
                    pltpu.make_async_copy(ones_v, dacc.at[dst_v.at[m]],
                                          ssem[m % depth]).wait()

        plsc.subcore_barrier()

        pltpu.sync_copy(acc.at[pl.ds(base, _OWN)],
                        parts_hbm.at[c].at[pl.ds(base, _OWN)])

        @pl.when(s == 0)
        def _():
            pltpu.sync_copy(acc.at[pl.ds(_NS * _OWN, _TAIL)],
                            parts_hbm.at[c].at[pl.ds(_NS * _OWN, _TAIL)])

        if with_deg:
            pltpu.sync_copy(dacc.at[pl.ds(base, _OWN)],
                            degparts_hbm.at[c].at[pl.ds(base, _OWN)])

            @pl.when(s == 0)
            def _():
                pltpu.sync_copy(dacc.at[pl.ds(_NS * _OWN, _TAIL)],
                                degparts_hbm.at[c].at[pl.ds(_NS * _OWN, _TAIL)])

    return pl.kernel(
        body,
        out_type=tuple(outs) if with_deg else outs[0],
        mesh=mesh,
        scratch_types=scratch,
        compiler_params=pltpu.CompilerParams(use_tc_tiling_on_sc=False),
    )


@functools.lru_cache(maxsize=None)
def _sc_agg(half: int, with_deg: bool, depth: int, look: int):
    return _make_sc_agg(half, with_deg, depth, look)


def _tc_pre(x, Ws, Wn):
    n, h = x.shape
    wo = Ws.shape[1]
    half = wo // 2

    def kern(x_ref, ws_ref, wn_ref, s_ref, p_ref):
        xb = x_ref[...]
        s_ref[...] = jnp.dot(xb, ws_ref[...], precision=_HIGH,
                             preferred_element_type=jnp.float32)
        p = jnp.dot(xb, wn_ref[...], precision=_HIGH,
                    preferred_element_type=jnp.float32)
        p_ref[0] = p[:, :half]
        p_ref[1] = p[:, half:]

    return pl.pallas_call(
        kern,
        grid=(n // _ROWBLK,),
        in_specs=[
            pl.BlockSpec((_ROWBLK, h), lambda i: (i, 0)),
            pl.BlockSpec((h, wo), lambda i: (0, 0)),
            pl.BlockSpec((h, wo), lambda i: (0, 0)),
        ],
        out_specs=[
            pl.BlockSpec((_ROWBLK, wo), lambda i: (i, 0)),
            pl.BlockSpec((_NC, _ROWBLK, half), lambda i: (0, i, 0)),
        ],
        out_shape=[
            jax.ShapeDtypeStruct((n, wo), jnp.float32),
            jax.ShapeDtypeStruct((_NC, n, half), jnp.float32),
        ],
    )(x, Ws, Wn)


def _combine(parts_ref, deg_ref):
    deg = deg_ref[0, :, 0] + deg_ref[1, :, 0]
    inv = 1.0 / jnp.maximum(deg, 1.0)
    agg = jnp.concatenate([parts_ref[0], parts_ref[1]], axis=-1)
    return agg * inv[:, None]


def _tc_mid(s, parts, degparts, b, g, be, Wsn, Wnn):
    n, h = s.shape
    wo = Wsn.shape[1]
    half = wo // 2
    ph = parts.shape[2]

    def kern(s_ref, parts_ref, deg_ref, b_ref, g_ref, be_ref, ws_ref, wn_ref,
             sn_ref, pn_ref):
        t = s_ref[...] + _combine(parts_ref, deg_ref) + b_ref[...]
        mu = jnp.mean(t, axis=-1, keepdims=True)
        var = jnp.mean((t - mu) ** 2, axis=-1, keepdims=True)
        y = (t - mu) * lax.rsqrt(var + 1e-5) * g_ref[...] + be_ref[...]
        hb = jnp.maximum(y, 0.0)
        sn_ref[...] = jnp.dot(hb, ws_ref[...], precision=_HIGH,
                              preferred_element_type=jnp.float32)
        p = jnp.dot(hb, wn_ref[...], precision=_HIGH,
                    preferred_element_type=jnp.float32)
        pn_ref[0] = p[:, :half]
        pn_ref[1] = p[:, half:]

    return pl.pallas_call(
        kern,
        grid=(n // _ROWBLK,),
        in_specs=[
            pl.BlockSpec((_ROWBLK, h), lambda i: (i, 0)),
            pl.BlockSpec((_NC, _ROWBLK, ph), lambda i: (0, i, 0)),
            pl.BlockSpec((_NC, _ROWBLK, _DEGW), lambda i: (0, i, 0)),
            pl.BlockSpec((1, h), lambda i: (0, 0)),
            pl.BlockSpec((1, h), lambda i: (0, 0)),
            pl.BlockSpec((1, h), lambda i: (0, 0)),
            pl.BlockSpec((h, wo), lambda i: (0, 0)),
            pl.BlockSpec((h, wo), lambda i: (0, 0)),
        ],
        out_specs=[
            pl.BlockSpec((_ROWBLK, wo), lambda i: (i, 0)),
            pl.BlockSpec((_NC, _ROWBLK, half), lambda i: (0, i, 0)),
        ],
        out_shape=[
            jax.ShapeDtypeStruct((n, wo), jnp.float32),
            jax.ShapeDtypeStruct((_NC, n, half), jnp.float32),
        ],
    )(s, parts, degparts, b.reshape(1, h), g.reshape(1, h), be.reshape(1, h),
      Wsn, Wnn)


def _tc_post(s, parts, degparts, b):
    n, w = s.shape
    ph = parts.shape[2]

    def kern(s_ref, parts_ref, deg_ref, b_ref, out_ref):
        out_ref[...] = s_ref[...] + _combine(parts_ref, deg_ref) + b_ref[...]

    return pl.pallas_call(
        kern,
        grid=(n // _ROWBLK,),
        in_specs=[
            pl.BlockSpec((_ROWBLK, w), lambda i: (i, 0)),
            pl.BlockSpec((_NC, _ROWBLK, ph), lambda i: (0, i, 0)),
            pl.BlockSpec((_NC, _ROWBLK, _DEGW), lambda i: (0, i, 0)),
            pl.BlockSpec((1, w), lambda i: (0, 0)),
        ],
        out_specs=pl.BlockSpec((_ROWBLK, w), lambda i: (i, 0)),
        out_shape=jax.ShapeDtypeStruct((n, w), jnp.float32),
    )(s, parts, degparts, b.reshape(1, w))


def kernel(x, edge_index, Ws0, Wn0, b0, g0, be0, Ws1, Wn1, b1, g1, be1,
           Ws2, Wn2, b2):
    src = edge_index[0].reshape(_NS, _NCHUNK, _CHUNK)
    dst = edge_index[1].reshape(_NS, _NCHUNK, _CHUNK)

    s0, p0 = _tc_pre(x, Ws0, Wn0)
    parts0, degp = _sc_agg(_H // 2, True, 4, 2)(p0, src, dst)
    s1, p1 = _tc_mid(s0, parts0, degp, b0, g0, be0, Ws1, Wn1)
    parts1 = _sc_agg(_H // 2, False, 6, 3)(p1, src, dst)
    s2, p2 = _tc_mid(s1, parts1, degp, b1, g1, be1, Ws2, Wn2)
    parts2 = _sc_agg(_C // 2, False, 8, 4)(p2, src, dst)
    return _tc_post(s2, parts2, degp, b2)

# --- scband reference (transcript-rebuilt; emitter-appended) ---
"""Pipeline reference for scband-sage-modelfull-1709396984375 (READ-ONLY COPY).

The authoritative reference and input builder live on the scoring server;
editing this copy changes nothing except your own understanding.
"""

import jax, jax.numpy as jnp
import numpy as np

N = 10000
E = 320000
DIN = 128
H = 128
C = 64


def setup_inputs(seed: int = 0) -> dict:
    key = jax.random.key(seed)
    ks = jax.random.split(key, 10)
    x = jax.random.normal(ks[0], (N, DIN), dtype=jnp.float32)
    edge_index = jax.random.randint(ks[1], (2, E), 0, N, dtype=jnp.int32)

    def lin(k, i, o):
        return (jax.random.normal(k, (i, o), dtype=jnp.float32) / np.sqrt(i)).astype(jnp.float32)

    return {
        "x": x,
        "edge_index": edge_index,
        "Ws0": lin(ks[2], DIN, H), "Wn0": lin(ks[3], DIN, H), "b0": jnp.zeros((H,), jnp.float32),
        "g0": jnp.ones((H,), jnp.float32), "be0": jnp.zeros((H,), jnp.float32),
        "Ws1": lin(ks[4], H, H), "Wn1": lin(ks[5], H, H), "b1": jnp.zeros((H,), jnp.float32),
        "g1": jnp.ones((H,), jnp.float32), "be1": jnp.zeros((H,), jnp.float32),
        "Ws2": lin(ks[6], H, C), "Wn2": lin(ks[7], H, C), "b2": jnp.zeros((C,), jnp.float32),
    }


def _sage(h, src, dst, Ws, Wn, b, n):
    # DGL SAGEConv(aggregator_type='mean'): mean over in-neighbor messages,
    # then out = h_self @ W_self + mean_neigh @ W_neigh + bias
    msgs = h[src]
    agg = jax.ops.segment_sum(msgs, dst, num_segments=n)
    deg = jax.ops.segment_sum(jnp.ones((src.shape[0],), jnp.float32), dst, num_segments=n)
    mean = agg / jnp.maximum(deg, 1.0)[:, None]
    return h @ Ws + mean @ Wn + b


def _ln(x, g, b, eps=1e-5):
    mu = x.mean(-1, keepdims=True)
    var = ((x - mu) ** 2).mean(-1, keepdims=True)
    return (x - mu) / jnp.sqrt(var + eps) * g + b


def reference(x, edge_index, Ws0, Wn0, b0, g0, be0, Ws1, Wn1, b1, g1, be1, Ws2, Wn2, b2):
    src, dst = edge_index[0], edge_index[1]
    n = x.shape[0]
    h = _sage(x, src, dst, Ws0, Wn0, b0, n)
    h = jax.nn.relu(_ln(h, g0, be0))
    # dropout: eval mode (identity)
    h = _sage(h, src, dst, Ws1, Wn1, b1, n)
    h = jax.nn.relu(_ln(h, g1, be1))
    h = _sage(h, src, dst, Ws2, Wn2, b2, n)
    return h

if __name__ == "__main__":
    import jax
    _d = setup_inputs()
    print(jax.jit(kernel)(*tuple(_d.values())))

</pallas_src>

<mosaic_0001>
#map = affine_map<(d0, d1) -> (0, 0, 0)>
module attributes {stable_mosaic.version = 14 : i64} {
  func.func @body(%arg0: i32, %arg1: i32, %arg2: memref<2x10000x64xf32, #tpu.memory_space<hbm>>, %arg3: memref<16x250x80xi32, #tpu.memory_space<hbm>>, %arg4: memref<16x250x80xi32, #tpu.memory_space<hbm>>, %arg5: memref<2x10000x64xf32, #tpu.memory_space<hbm>>, %arg6: memref<2x10000x16xf32, #tpu.memory_space<hbm>>, %arg7: memref<250x80xi32, #tpu.memory_space<vmem>>, %arg8: memref<250x80xi32, #tpu.memory_space<vmem>>, %arg9: memref<80x64xf32, #tpu.memory_space<vmem>>, %arg10: memref<80x64xf32, #tpu.memory_space<vmem>>, %arg11: memref<80x64xf32, #tpu.memory_space<vmem>>, %arg12: memref<80x64xf32, #tpu.memory_space<vmem>>, %arg13: memref<24x64xf32, #tpu.memory_space<vmem>>, %arg14: memref<10008x64xf32, #tpu.memory_space<vmem_shared>>, %arg15: memref<!tpu.dma_semaphore, #tpu.memory_space<semaphore_mem>>, %arg16: memref<!tpu.dma_semaphore, #tpu.memory_space<semaphore_mem>>, %arg17: memref<!tpu.dma_semaphore, #tpu.memory_space<semaphore_mem>>, %arg18: memref<!tpu.dma_semaphore, #tpu.memory_space<semaphore_mem>>, %arg19: memref<!tpu.dma_semaphore, #tpu.memory_space<semaphore_mem>>, %arg20: memref<!tpu.dma_semaphore, #tpu.memory_space<semaphore_mem>>, %arg21: memref<!tpu.dma_semaphore, #tpu.memory_space<semaphore_mem>>, %arg22: memref<!tpu.dma_semaphore, #tpu.memory_space<semaphore_mem>>, %arg23: memref<80x16xf32, #tpu.memory_space<vmem>>, %arg24: memref<24x16xf32, #tpu.memory_space<vmem>>, %arg25: memref<10008x16xf32, #tpu.memory_space<vmem_shared>>) attributes {dimension_semantics = [#tpu.dimension_semantics<core_parallel>, #tpu.dimension_semantics<subcore_parallel>], iteration_bounds = array<i64: 2, 16>, scalar_prefetch = 0 : i64, scratch_operands = 19 : i64, tpu.core_type = #tpu.core_type<sc_vector_subcore>, window_params = [{transform_indices = #map}, {transform_indices = #map}, {transform_indices = #map}, {transform_indices = #map}, {transform_indices = #map}]} {
    %mul3A = arith.constant 624 : i32
    %mul3A_0 = arith.muli %arg1, %mul3A : i32
    %dma_start3A = arith.constant 0 : i32
    %dma_start3A_1 = arith.constant 0 : i32
    %dma_start3A_2 = tpu.memref_slice %arg3[%arg1, %dma_start3A, %dma_start3A_1] : memref<16x250x80xi32, #tpu.memory_space<hbm>> -> memref<1x250x80xi32, #tpu.memory_space<hbm>>
    %dma_start3A_3 = tpu.memref_squeeze %dma_start3A_2 : memref<1x250x80xi32, #tpu.memory_space<hbm>> -> memref<250x80xi32, #tpu.memory_space<hbm>>
    %dma_start3A_4 = arith.constant 0 : i32
    %dma_start3A_5 = arith.constant 0 : i32
    %dma_start3A_6 = tpu.memref_slice %arg3[%arg1, %dma_start3A_4, %dma_start3A_5] : memref<16x250x80xi32, #tpu.memory_space<hbm>> -> memref<1x250x80xi32, #tpu.memory_space<hbm>>
    %dma_start3A_7 = tpu.memref_squeeze %dma_start3A_6 : memref<1x250x80xi32, #tpu.memory_space<hbm>> -> memref<250x80xi32, #tpu.memory_space<hbm>>
    tpu.enqueue_dma source(%dma_start3A_7 : memref<250x80xi32, #tpu.memory_space<hbm>>) target(%arg7 : memref<250x80xi32, #tpu.memory_space<vmem>>) target_semaphore(%arg15 : memref<!tpu.dma_semaphore, #tpu.memory_space<semaphore_mem>>)
    %dma_start3A_8 = arith.constant 0 : i32
    %dma_start3A_9 = arith.constant 0 : i32
    %dma_start3A_10 = tpu.memref_slice %arg4[%arg1, %dma_start3A_8, %dma_start3A_9] : memref<16x250x80xi32, #tpu.memory_space<hbm>> -> memref<1x250x80xi32, #tpu.memory_space<hbm>>
    %dma_start3A_11 = tpu.memref_squeeze %dma_start3A_10 : memref<1x250x80xi32, #tpu.memory_space<hbm>> -> memref<250x80xi32, #tpu.memory_space<hbm>>
    %dma_start3A_12 = arith.constant 0 : i32
    %dma_start3A_13 = arith.constant 0 : i32
    %dma_start3A_14 = tpu.memref_slice %arg4[%arg1, %dma_start3A_12, %dma_start3A_13] : memref<16x250x80xi32, #tpu.memory_space<hbm>> -> memref<1x250x80xi32, #tpu.memory_space<hbm>>
    %dma_start3A_15 = tpu.memref_squeeze %dma_start3A_14 : memref<1x250x80xi32, #tpu.memory_space<hbm>> -> memref<250x80xi32, #tpu.memory_space<hbm>>
    tpu.enqueue_dma source(%dma_start3A_15 : memref<250x80xi32, #tpu.memory_space<hbm>>) target(%arg8 : memref<250x80xi32, #tpu.memory_space<vmem>>) target_semaphore(%arg16 : memref<!tpu.dma_semaphore, #tpu.memory_space<semaphore_mem>>)
    %scan3A = arith.constant 0 : i32
    %scan3A_16 = arith.constant 24 : i32
    %scan3A_17 = arith.addi %scan3A, %scan3A_16 : i32
    %scan3A_18 = arith.constant 1 : i32
    scf.for %scan3A_168 = %scan3A to %scan3A_17 step %scan3A_18  : i32 {
      %mul3A_169 = arith.constant 1 : i32
      %mul3A_170 = arith.muli %scan3A_168, %mul3A_169 : i32
      %add3A = arith.constant 0 : i32
      %add3A_171 = arith.addi %add3A, %mul3A_170 : i32
      %scan3A_172 = arith.constant 0 : i32
      %scan3A_173 = arith.constant 4 : i32
      %scan3A_174 = arith.addi %scan3A_172, %scan3A_173 : i32
      %scan3A_175 = arith.constant 1 : i32
      scf.for %scan3A_177 = %scan3A_172 to %scan3A_174 step %scan3A_175  : i32 {
        %mul3A_178 = arith.constant 16 : i32
        %mul3A_179 = arith.muli %scan3A_177, %mul3A_178 : i32
        %add3A_180 = arith.constant 0 : i32
        %add3A_181 = arith.addi %add3A_180, %mul3A_179 : i32
        %broadcast_in_dim3A = arith.constant 0.000000e+00 : f32
        %broadcast_in_dim3A_182 = vector.broadcast %broadcast_in_dim3A : f32 to vector<1x16xf32>
        %swap3A = arith.index_cast %add3A_171 : i32 to index
        %swap3A_183 = arith.index_cast %add3A_181 : i32 to index
        %swap3A_184 = tpu.vector_load %arg13[%swap3A, %swap3A_183] {strides = array<i32>} : memref<24x64xf32, #tpu.memory_space<vmem>>, vector<1x16xf32>,
        %swap3A_185 = vector.shape_cast %swap3A_184 : vector<1x16xf32> to vector<1x16xf32>
        %swap3A_186 = vector.shape_cast %broadcast_in_dim3A_182 : vector<1x16xf32> to vector<1x16xf32>
        tpu.vector_store %arg13[%swap3A, %swap3A_183], %swap3A_186 {strides = array<i32>} : memref<24x64xf32, #tpu.memory_space<vmem>>, vector<1x16xf32>,
      }
      %scan3A_176 = arith.constant 4 : i32
    }
    %scan3A_19 = arith.constant 24 : i32
    %scan3A_20 = arith.constant 0 : i32
    %scan3A_21 = arith.constant 26 : i32
    %scan3A_22 = arith.addi %scan3A_20, %scan3A_21 : i32
    %scan3A_23 = arith.constant 1 : i32
    scf.for %scan3A_168 = %scan3A_20 to %scan3A_22 step %scan3A_23  : i32 {
      %mul3A_169 = arith.constant 1 : i32
      %mul3A_170 = arith.muli %scan3A_168, %mul3A_169 : i32
      %add3A = arith.constant 0 : i32
      %add3A_171 = arith.addi %add3A, %mul3A_170 : i32
      %mul3A_172 = arith.constant 24 : i32
      %mul3A_173 = arith.muli %add3A_171, %mul3A_172 : i32
      %add3A_174 = arith.addi %mul3A_0, %mul3A_173 : i32
      %dma_start3A_175 = arith.constant 0 : i32
      %dma_start3A_176 = tpu.memref_slice %arg14[%add3A_174, %dma_start3A_175] : memref<10008x64xf32, #tpu.memory_space<vmem_shared>> -> memref<24x64xf32, #tpu.memory_space<vmem_shared>>
      %dma_start3A_177 = arith.constant 0 : i32
      %dma_start3A_178 = tpu.memref_slice %arg14[%add3A_174, %dma_start3A_177] : memref<10008x64xf32, #tpu.memory_space<vmem_shared>> -> memref<24x64xf32, #tpu.memory_space<vmem_shared>>
      tpu.enqueue_dma source(%arg13 : memref<24x64xf32, #tpu.memory_space<vmem>>) target(%dma_start3A_178 : memref<24x64xf32, #tpu.memory_space<vmem_shared>>) target_semaphore(%arg19 : memref<!tpu.dma_semaphore, #tpu.memory_space<semaphore_mem>>)
    }
    %scan3A_24 = arith.constant 26 : i32
    %eq3A = arith.constant 0 : i32
    %eq3A_25 = arith.cmpi eq, %arg1, %eq3A : i32
    %convert_element_type3A = arith.extui %eq3A_25 : i1 to i32
    %cond3A = arith.constant 0 : i32
    %cond3A_26 = arith.cmpi ne, %convert_element_type3A, %cond3A : i32
    scf.if %cond3A_26 {
      %dma_start3A_168 = arith.constant 0 : i32
      %dma_start3A_169 = arith.constant 0 : i32
      %dma_start3A_170 = tpu.memref_slice %arg13[%dma_start3A_168, %dma_start3A_169] : memref<24x64xf32, #tpu.memory_space<vmem>> -> memref<24x64xf32, #tpu.memory_space<vmem>>
      %dma_start3A_171 = arith.constant 9984 : i32
      %dma_start3A_172 = arith.constant 0 : i32
      %dma_start3A_173 = tpu.memref_slice %arg14[%dma_start3A_171, %dma_start3A_172] : memref<10008x64xf32, #tpu.memory_space<vmem_shared>> -> memref<24x64xf32, #tpu.memory_space<vmem_shared>>
      %dma_start3A_174 = arith.constant 9984 : i32
      %dma_start3A_175 = arith.constant 0 : i32
      %dma_start3A_176 = tpu.memref_slice %arg14[%dma_start3A_174, %dma_start3A_175] : memref<10008x64xf32, #tpu.memory_space<vmem_shared>> -> memref<24x64xf32, #tpu.memory_space<vmem_shared>>
      %dma_start3A_177 = arith.constant 0 : i32
      %dma_start3A_178 = arith.constant 0 : i32
      %dma_start3A_179 = tpu.memref_slice %arg13[%dma_start3A_177, %dma_start3A_178] : memref<24x64xf32, #tpu.memory_space<vmem>> -> memref<24x64xf32, #tpu.memory_space<vmem>>
      tpu.enqueue_dma source(%dma_start3A_179 : memref<24x64xf32, #tpu.memory_space<vmem>>) target(%dma_start3A_176 : memref<24x64xf32, #tpu.memory_space<vmem_shared>>) target_semaphore(%arg19 : memref<!tpu.dma_semaphore, #tpu.memory_space<semaphore_mem>>)
    } else {
    }
    %scan3A_27 = arith.constant 0 : i32
    %scan3A_28 = arith.constant 80 : i32
    %scan3A_29 = arith.addi %scan3A_27, %scan3A_28 : i32
    %scan3A_30 = arith.constant 1 : i32
    scf.for %scan3A_168 = %scan3A_27 to %scan3A_29 step %scan3A_30  : i32 {
      %mul3A_169 = arith.constant 1 : i32
      %mul3A_170 = arith.muli %scan3A_168, %mul3A_169 : i32
      %add3A = arith.constant 0 : i32
      %add3A_171 = arith.addi %add3A, %mul3A_170 : i32
      %broadcast_in_dim3A = arith.constant 1.000000e+00 : f32
      %broadcast_in_dim3A_172 = vector.broadcast %broadcast_in_dim3A : f32 to vector<1x16xf32>
      %swap3A = arith.index_cast %add3A_171 : i32 to index
      %swap3A_173 = arith.constant 0 : index
      %swap3A_174 = tpu.vector_load %arg23[%swap3A, %swap3A_173] {strides = array<i32>} : memref<80x16xf32, #tpu.memory_space<vmem>>, vector<1x16xf32>,
      %swap3A_175 = vector.shape_cast %swap3A_174 : vector<1x16xf32> to vector<1x16xf32>
      %swap3A_176 = vector.shape_cast %broadcast_in_dim3A_172 : vector<1x16xf32> to vector<1x16xf32>
      tpu.vector_store %arg23[%swap3A, %swap3A_173], %swap3A_176 {strides = array<i32>} : memref<80x16xf32, #tpu.memory_space<vmem>>, vector<1x16xf32>,
    }
    %scan3A_31 = arith.constant 80 : i32
    %scan3A_32 = arith.constant 0 : i32
    %scan3A_33 = arith.constant 24 : i32
    %scan3A_34 = arith.addi %scan3A_32, %scan3A_33 : i32
    %scan3A_35 = arith.constant 1 : i32
    scf.for %scan3A_168 = %scan3A_32 to %scan3A_34 step %scan3A_35  : i32 {
      %mul3A_169 = arith.constant 1 : i32
      %mul3A_170 = arith.muli %scan3A_168, %mul3A_169 : i32
      %add3A = arith.constant 0 : i32
      %add3A_171 = arith.addi %add3A, %mul3A_170 : i32
      %broadcast_in_dim3A = arith.constant 0.000000e+00 : f32
      %broadcast_in_dim3A_172 = vector.broadcast %broadcast_in_dim3A : f32 to vector<1x16xf32>
      %swap3A = arith.index_cast %add3A_171 : i32 to index
      %swap3A_173 = arith.constant 0 : index
      %swap3A_174 = tpu.vector_load %arg24[%swap3A, %swap3A_173] {strides = array<i32>} : memref<24x16xf32, #tpu.memory_space<vmem>>, vector<1x16xf32>,
      %swap3A_175 = vector.shape_cast %swap3A_174 : vector<1x16xf32> to vector<1x16xf32>
      %swap3A_176 = vector.shape_cast %broadcast_in_dim3A_172 : vector<1x16xf32> to vector<1x16xf32>
      tpu.vector_store %arg24[%swap3A, %swap3A_173], %swap3A_176 {strides = array<i32>} : memref<24x16xf32, #tpu.memory_space<vmem>>, vector<1x16xf32>,
    }
    %scan3A_36 = arith.constant 24 : i32
    %scan3A_37 = arith.constant 0 : i32
    %scan3A_38 = arith.constant 26 : i32
    %scan3A_39 = arith.addi %scan3A_37, %scan3A_38 : i32
    %scan3A_40 = arith.constant 1 : i32
    scf.for %scan3A_168 = %scan3A_37 to %scan3A_39 step %scan3A_40  : i32 {
      %mul3A_169 = arith.constant 1 : i32
      %mul3A_170 = arith.muli %scan3A_168, %mul3A_169 : i32
      %add3A = arith.constant 0 : i32
      %add3A_171 = arith.addi %add3A, %mul3A_170 : i32
      %mul3A_172 = arith.constant 24 : i32
      %mul3A_173 = arith.muli %add3A_171, %mul3A_172 : i32
      %add3A_174 = arith.addi %mul3A_0, %mul3A_173 : i32
      %dma_start3A_175 = arith.constant 0 : i32
      %dma_start3A_176 = tpu.memref_slice %arg25[%add3A_174, %dma_start3A_175] : memref<10008x16xf32, #tpu.memory_space<vmem_shared>> -> memref<24x16xf32, #tpu.memory_space<vmem_shared>>
      %dma_start3A_177 = arith.constant 0 : i32
      %dma_start3A_178 = tpu.memref_slice %arg25[%add3A_174, %dma_start3A_177] : memref<10008x16xf32, #tpu.memory_space<vmem_shared>> -> memref<24x16xf32, #tpu.memory_space<vmem_shared>>
      tpu.enqueue_dma source(%arg24 : memref<24x16xf32, #tpu.memory_space<vmem>>) target(%dma_start3A_178 : memref<24x16xf32, #tpu.memory_space<vmem_shared>>) target_semaphore(%arg20 : memref<!tpu.dma_semaphore, #tpu.memory_space<semaphore_mem>>)
    }
    %scan3A_41 = arith.constant 26 : i32
    %eq3A_42 = arith.constant 0 : i32
    %eq3A_43 = arith.cmpi eq, %arg1, %eq3A_42 : i32
    %convert_element_type3A_44 = arith.extui %eq3A_43 : i1 to i32
    %cond3A_45 = arith.constant 0 : i32
    %cond3A_46 = arith.cmpi ne, %convert_element_type3A_44, %cond3A_45 : i32
    scf.if %cond3A_46 {
      %dma_start3A_168 = arith.constant 0 : i32
      %dma_start3A_169 = arith.constant 0 : i32
      %dma_start3A_170 = tpu.memref_slice %arg24[%dma_start3A_168, %dma_start3A_169] : memref<24x16xf32, #tpu.memory_space<vmem>> -> memref<24x16xf32, #tpu.memory_space<vmem>>
      %dma_start3A_171 = arith.constant 9984 : i32
      %dma_start3A_172 = arith.constant 0 : i32
      %dma_start3A_173 = tpu.memref_slice %arg25[%dma_start3A_171, %dma_start3A_172] : memref<10008x16xf32, #tpu.memory_space<vmem_shared>> -> memref<24x16xf32, #tpu.memory_space<vmem_shared>>
      %dma_start3A_174 = arith.constant 9984 : i32
      %dma_start3A_175 = arith.constant 0 : i32
      %dma_start3A_176 = tpu.memref_slice %arg25[%dma_start3A_174, %dma_start3A_175] : memref<10008x16xf32, #tpu.memory_space<vmem_shared>> -> memref<24x16xf32, #tpu.memory_space<vmem_shared>>
      %dma_start3A_177 = arith.constant 0 : i32
      %dma_start3A_178 = arith.constant 0 : i32
      %dma_start3A_179 = tpu.memref_slice %arg24[%dma_start3A_177, %dma_start3A_178] : memref<24x16xf32, #tpu.memory_space<vmem>> -> memref<24x16xf32, #tpu.memory_space<vmem>>
      tpu.enqueue_dma source(%dma_start3A_179 : memref<24x16xf32, #tpu.memory_space<vmem>>) target(%dma_start3A_176 : memref<24x16xf32, #tpu.memory_space<vmem_shared>>) target_semaphore(%arg20 : memref<!tpu.dma_semaphore, #tpu.memory_space<semaphore_mem>>)
    } else {
    }
    %dma_wait3A = arith.constant 0 : i32
    %dma_wait3A_47 = arith.constant 0 : i32
    %dma_wait3A_48 = tpu.memref_slice %arg3[%arg1, %dma_wait3A, %dma_wait3A_47] : memref<16x250x80xi32, #tpu.memory_space<hbm>> -> memref<1x250x80xi32, #tpu.memory_space<hbm>>
    %dma_wait3A_49 = tpu.memref_squeeze %dma_wait3A_48 : memref<1x250x80xi32, #tpu.memory_space<hbm>> -> memref<250x80xi32, #tpu.memory_space<hbm>>
    %dma_wait3A_50 = arith.constant 0 : i32
    %dma_wait3A_51 = arith.constant 0 : i32
    %dma_wait3A_52 = tpu.memref_slice %arg3[%arg1, %dma_wait3A_50, %dma_wait3A_51] : memref<16x250x80xi32, #tpu.memory_space<hbm>> -> memref<1x250x80xi32, #tpu.memory_space<hbm>>
    %dma_wait3A_53 = tpu.memref_squeeze %dma_wait3A_52 : memref<1x250x80xi32, #tpu.memory_space<hbm>> -> memref<250x80xi32, #tpu.memory_space<hbm>>
    tpu.wait_dma2 semaphore(%arg15 : memref<!tpu.dma_semaphore, #tpu.memory_space<semaphore_mem>>) src(%dma_wait3A_53 : memref<250x80xi32, #tpu.memory_space<hbm>>) dst(%arg7 : memref<250x80xi32, #tpu.memory_space<vmem>>)
    %dma_wait3A_54 = arith.constant 0 : i32
    %dma_wait3A_55 = arith.constant 0 : i32
    %dma_wait3A_56 = tpu.memref_slice %arg4[%arg1, %dma_wait3A_54, %dma_wait3A_55] : memref<16x250x80xi32, #tpu.memory_space<hbm>> -> memref<1x250x80xi32, #tpu.memory_space<hbm>>
    %dma_wait3A_57 = tpu.memref_squeeze %dma_wait3A_56 : memref<1x250x80xi32, #tpu.memory_space<hbm>> -> memref<250x80xi32, #tpu.memory_space<hbm>>
    %dma_wait3A_58 = arith.constant 0 : i32
    %dma_wait3A_59 = arith.constant 0 : i32
    %dma_wait3A_60 = tpu.memref_slice %arg4[%arg1, %dma_wait3A_58, %dma_wait3A_59] : memref<16x250x80xi32, #tpu.memory_space<hbm>> -> memref<1x250x80xi32, #tpu.memory_space<hbm>>
    %dma_wait3A_61 = tpu.memref_squeeze %dma_wait3A_60 : memref<1x250x80xi32, #tpu.memory_space<hbm>> -> memref<250x80xi32, #tpu.memory_space<hbm>>
    tpu.wait_dma2 semaphore(%arg16 : memref<!tpu.dma_semaphore, #tpu.memory_space<semaphore_mem>>) src(%dma_wait3A_61 : memref<250x80xi32, #tpu.memory_space<hbm>>) dst(%arg8 : memref<250x80xi32, #tpu.memory_space<vmem>>)
    %scan3A_62 = arith.constant 0 : i32
    %scan3A_63 = arith.constant 26 : i32
    %scan3A_64 = arith.addi %scan3A_62, %scan3A_63 : i32
    %scan3A_65 = arith.constant 1 : i32
    scf.for %scan3A_168 = %scan3A_62 to %scan3A_64 step %scan3A_65  : i32 {
      %mul3A_169 = arith.constant 1 : i32
      %mul3A_170 = arith.muli %scan3A_168, %mul3A_169 : i32
      %add3A = arith.constant 0 : i32
      %add3A_171 = arith.addi %add3A, %mul3A_170 : i32
      %mul3A_172 = arith.constant 24 : i32
      %mul3A_173 = arith.muli %add3A_171, %mul3A_172 : i32
      %add3A_174 = arith.addi %mul3A_0, %mul3A_173 : i32
      %dma_wait3A_175 = arith.constant 0 : i32
      %dma_wait3A_176 = tpu.memref_slice %arg14[%add3A_174, %dma_wait3A_175] : memref<10008x64xf32, #tpu.memory_space<vmem_shared>> -> memref<24x64xf32, #tpu.memory_space<vmem_shared>>
      %dma_wait3A_177 = arith.constant 0 : i32
      %dma_wait3A_178 = tpu.memref_slice %arg14[%add3A_174, %dma_wait3A_177] : memref<10008x64xf32, #tpu.memory_space<vmem_shared>> -> memref<24x64xf32, #tpu.memory_space<vmem_shared>>
      tpu.wait_dma2 semaphore(%arg19 : memref<!tpu.dma_semaphore, #tpu.memory_space<semaphore_mem>>) src(%arg13 : memref<24x64xf32, #tpu.memory_space<vmem>>) dst(%dma_wait3A_178 : memref<24x64xf32, #tpu.memory_space<vmem_shared>>)
    }
    %scan3A_66 = arith.constant 26 : i32
    %eq3A_67 = arith.constant 0 : i32
    %eq3A_68 = arith.cmpi eq, %arg1, %eq3A_67 : i32
    %convert_element_type3A_69 = arith.extui %eq3A_68 : i1 to i32
    %cond3A_70 = arith.constant 0 : i32
    %cond3A_71 = arith.cmpi ne, %convert_element_type3A_69, %cond3A_70 : i32
    scf.if %cond3A_71 {
      %dma_wait3A_168 = arith.constant 0 : i32
      %dma_wait3A_169 = arith.constant 0 : i32
      %dma_wait3A_170 = tpu.memref_slice %arg13[%dma_wait3A_168, %dma_wait3A_169] : memref<24x64xf32, #tpu.memory_space<vmem>> -> memref<24x64xf32, #tpu.memory_space<vmem>>
      %dma_wait3A_171 = arith.constant 9984 : i32
      %dma_wait3A_172 = arith.constant 0 : i32
      %dma_wait3A_173 = tpu.memref_slice %arg14[%dma_wait3A_171, %dma_wait3A_172] : memref<10008x64xf32, #tpu.memory_space<vmem_shared>> -> memref<24x64xf32, #tpu.memory_space<vmem_shared>>
      %dma_wait3A_174 = arith.constant 9984 : i32
      %dma_wait3A_175 = arith.constant 0 : i32
      %dma_wait3A_176 = tpu.memref_slice %arg14[%dma_wait3A_174, %dma_wait3A_175] : memref<10008x64xf32, #tpu.memory_space<vmem_shared>> -> memref<24x64xf32, #tpu.memory_space<vmem_shared>>
      %dma_wait3A_177 = arith.constant 0 : i32
      %dma_wait3A_178 = arith.constant 0 : i32
      %dma_wait3A_179 = tpu.memref_slice %arg13[%dma_wait3A_177, %dma_wait3A_178] : memref<24x64xf32, #tpu.memory_space<vmem>> -> memref<24x64xf32, #tpu.memory_space<vmem>>
      tpu.wait_dma2 semaphore(%arg19 : memref<!tpu.dma_semaphore, #tpu.memory_space<semaphore_mem>>) src(%dma_wait3A_179 : memref<24x64xf32, #tpu.memory_space<vmem>>) dst(%dma_wait3A_176 : memref<24x64xf32, #tpu.memory_space<vmem_shared>>)
    } else {
    }
    %scan3A_72 = arith.constant 0 : i32
    %scan3A_73 = arith.constant 26 : i32
    %scan3A_74 = arith.addi %scan3A_72, %scan3A_73 : i32
    %scan3A_75 = arith.constant 1 : i32
    scf.for %scan3A_168 = %scan3A_72 to %scan3A_74 step %scan3A_75  : i32 {
      %mul3A_169 = arith.constant 1 : i32
      %mul3A_170 = arith.muli %scan3A_168, %mul3A_169 : i32
      %add3A = arith.constant 0 : i32
      %add3A_171 = arith.addi %add3A, %mul3A_170 : i32
      %mul3A_172 = arith.constant 24 : i32
      %mul3A_173 = arith.muli %add3A_171, %mul3A_172 : i32
      %add3A_174 = arith.addi %mul3A_0, %mul3A_173 : i32
      %dma_wait3A_175 = arith.constant 0 : i32
      %dma_wait3A_176 = tpu.memref_slice %arg25[%add3A_174, %dma_wait3A_175] : memref<10008x16xf32, #tpu.memory_space<vmem_shared>> -> memref<24x16xf32, #tpu.memory_space<vmem_shared>>
      %dma_wait3A_177 = arith.constant 0 : i32
      %dma_wait3A_178 = tpu.memref_slice %arg25[%add3A_174, %dma_wait3A_177] : memref<10008x16xf32, #tpu.memory_space<vmem_shared>> -> memref<24x16xf32, #tpu.memory_space<vmem_shared>>
      tpu.wait_dma2 semaphore(%arg20 : memref<!tpu.dma_semaphore, #tpu.memory_space<semaphore_mem>>) src(%arg24 : memref<24x16xf32, #tpu.memory_space<vmem>>) dst(%dma_wait3A_178 : memref<24x16xf32, #tpu.memory_space<vmem_shared>>)
    }
    %scan3A_76 = arith.constant 26 : i32
    %eq3A_77 = arith.constant 0 : i32
    %eq3A_78 = arith.cmpi eq, %arg1, %eq3A_77 : i32
    %convert_element_type3A_79 = arith.extui %eq3A_78 : i1 to i32
    %cond3A_80 = arith.constant 0 : i32
    %cond3A_81 = arith.cmpi ne, %convert_element_type3A_79, %cond3A_80 : i32
    scf.if %cond3A_81 {
      %dma_wait3A_168 = arith.constant 0 : i32
      %dma_wait3A_169 = arith.constant 0 : i32
      %dma_wait3A_170 = tpu.memref_slice %arg24[%dma_wait3A_168, %dma_wait3A_169] : memref<24x16xf32, #tpu.memory_space<vmem>> -> memref<24x16xf32, #tpu.memory_space<vmem>>
      %dma_wait3A_171 = arith.constant 9984 : i32
      %dma_wait3A_172 = arith.constant 0 : i32
      %dma_wait3A_173 = tpu.memref_slice %arg25[%dma_wait3A_171, %dma_wait3A_172] : memref<10008x16xf32, #tpu.memory_space<vmem_shared>> -> memref<24x16xf32, #tpu.memory_space<vmem_shared>>
      %dma_wait3A_174 = arith.constant 9984 : i32
      %dma_wait3A_175 = arith.constant 0 : i32
      %dma_wait3A_176 = tpu.memref_slice %arg25[%dma_wait3A_174, %dma_wait3A_175] : memref<10008x16xf32, #tpu.memory_space<vmem_shared>> -> memref<24x16xf32, #tpu.memory_space<vmem_shared>>
      %dma_wait3A_177 = arith.constant 0 : i32
      %dma_wait3A_178 = arith.constant 0 : i32
      %dma_wait3A_179 = tpu.memref_slice %arg24[%dma_wait3A_177, %dma_wait3A_178] : memref<24x16xf32, #tpu.memory_space<vmem>> -> memref<24x16xf32, #tpu.memory_space<vmem>>
      tpu.wait_dma2 semaphore(%arg20 : memref<!tpu.dma_semaphore, #tpu.memory_space<semaphore_mem>>) src(%dma_wait3A_179 : memref<24x16xf32, #tpu.memory_space<vmem>>) dst(%dma_wait3A_176 : memref<24x16xf32, #tpu.memory_space<vmem_shared>>)
    } else {
    }
    %barrier3A = arith.constant 0 : index
    tpu.barrier barrier_id(%barrier3A)
    %dma_start3A_82 = arith.constant 0 : i32
    %dma_start3A_83 = arith.constant 0 : i32
    %dma_start3A_84 = tpu.memref_slice %arg7[%dma_start3A_82, %dma_start3A_83] : memref<250x80xi32, #tpu.memory_space<vmem>> -> memref<1x80xi32, #tpu.memory_space<vmem>>
    %dma_start3A_85 = tpu.memref_squeeze %dma_start3A_84 : memref<1x80xi32, #tpu.memory_space<vmem>> -> memref<80xi32, #tpu.memory_space<vmem>>
    %dma_start3A_86 = arith.constant 0 : i32
    %dma_start3A_87 = arith.constant 0 : i32
    %dma_start3A_88 = tpu.memref_slice %arg2[%arg0, %dma_start3A_86, %dma_start3A_87] : memref<2x10000x64xf32, #tpu.memory_space<hbm>> -> memref<1x10000x64xf32, #tpu.memory_space<hbm>>
    %dma_start3A_89 = tpu.memref_squeeze %dma_start3A_88 : memref<1x10000x64xf32, #tpu.memory_space<hbm>> -> memref<10000x64xf32, #tpu.memory_space<hbm>>
    %dma_start3A_90 = arith.constant 0 : i32
    %dma_start3A_91 = arith.constant 0 : i32
    %dma_start3A_92 = tpu.memref_slice %dma_start3A_89[%dma_start3A_90, %dma_start3A_91] : memref<10000x64xf32, #tpu.memory_space<hbm>> -> memref<10000x64xf32, #tpu.memory_space<hbm>>
    tpu.enqueue_indirect_dma source(%dma_start3A_92 : memref<10000x64xf32, #tpu.memory_space<hbm>>) target(%arg9 : memref<80x64xf32, #tpu.memory_space<vmem>>) offsets(%dma_start3A_85 : memref<80xi32, #tpu.memory_space<vmem>>) semaphore(%arg15 : memref<!tpu.dma_semaphore, #tpu.memory_space<semaphore_mem>>)
    %dma_start3A_93 = arith.constant 1 : i32
    %dma_start3A_94 = arith.constant 0 : i32
    %dma_start3A_95 = tpu.memref_slice %arg7[%dma_start3A_93, %dma_start3A_94] : memref<250x80xi32, #tpu.memory_space<vmem>> -> memref<1x80xi32, #tpu.memory_space<vmem>>
    %dma_start3A_96 = tpu.memref_squeeze %dma_start3A_95 : memref<1x80xi32, #tpu.memory_space<vmem>> -> memref<80xi32, #tpu.memory_space<vmem>>
    %dma_start3A_97 = arith.constant 0 : i32
    %dma_start3A_98 = arith.constant 0 : i32
    %dma_start3A_99 = tpu.memref_slice %arg2[%arg0, %dma_start3A_97, %dma_start3A_98] : memref<2x10000x64xf32, #tpu.memory_space<hbm>> -> memref<1x10000x64xf32, #tpu.memory_space<hbm>>
    %dma_start3A_100 = tpu.memref_squeeze %dma_start3A_99 : memref<1x10000x64xf32, #tpu.memory_space<hbm>> -> memref<10000x64xf32, #tpu.memory_space<hbm>>
    %dma_start3A_101 = arith.constant 0 : i32
    %dma_start3A_102 = arith.constant 0 : i32
    %dma_start3A_103 = tpu.memref_slice %dma_start3A_100[%dma_start3A_101, %dma_start3A_102] : memref<10000x64xf32, #tpu.memory_space<hbm>> -> memref<10000x64xf32, #tpu.memory_space<hbm>>
    tpu.enqueue_indirect_dma source(%dma_start3A_103 : memref<10000x64xf32, #tpu.memory_space<hbm>>) target(%arg10 : memref<80x64xf32, #tpu.memory_space<vmem>>) offsets(%dma_start3A_96 : memref<80xi32, #tpu.memory_space<vmem>>) semaphore(%arg16 : memref<!tpu.dma_semaphore, #tpu.memory_space<semaphore_mem>>)
    %scan3A_104 = arith.constant 0 : i32
    %scan3A_105 = arith.constant 63 : i32
    %scan3A_106 = arith.addi %scan3A_104, %scan3A_105 : i32
    %scan3A_107 = arith.constant 1 : i32
    scf.for %scan3A_168 = %scan3A_104 to %scan3A_106 step %scan3A_107  : i32 {
      %mul3A_169 = arith.constant 4 : i32
      %mul3A_170 = arith.muli %scan3A_168, %mul3A_169 : i32
      %add3A = arith.constant 0 : i32
      %add3A_171 = arith.addi %add3A, %mul3A_170 : i32
      %add3A_172 = arith.constant 0 : i32
      %add3A_173 = arith.addi %add3A_171, %add3A_172 : i32
      %lt3A = arith.constant 250 : i32
      %lt3A_174 = arith.cmpi slt, %add3A_173, %lt3A : i32
      %convert_element_type3A_175 = arith.extui %lt3A_174 : i1 to i32
      %cond3A_176 = arith.constant 0 : i32
      %cond3A_177 = arith.cmpi ne, %convert_element_type3A_175, %cond3A_176 : i32
      scf.if %cond3A_177 {
        %dma_wait3A_199 = arith.constant 0 : i32
        %dma_wait3A_200 = tpu.memref_slice %arg7[%add3A_173, %dma_wait3A_199] : memref<250x80xi32, #tpu.memory_space<vmem>> -> memref<1x80xi32, #tpu.memory_space<vmem>>
        %dma_wait3A_201 = tpu.memref_squeeze %dma_wait3A_200 : memref<1x80xi32, #tpu.memory_space<vmem>> -> memref<80xi32, #tpu.memory_space<vmem>>
        %dma_wait3A_202 = arith.constant 0 : i32
        %dma_wait3A_203 = arith.constant 0 : i32
        %dma_wait3A_204 = tpu.memref_slice %arg2[%arg0, %dma_wait3A_202, %dma_wait3A_203] : memref<2x10000x64xf32, #tpu.memory_space<hbm>> -> memref<1x10000x64xf32, #tpu.memory_space<hbm>>
        %dma_wait3A_205 = tpu.memref_squeeze %dma_wait3A_204 : memref<1x10000x64xf32, #tpu.memory_space<hbm>> -> memref<10000x64xf32, #tpu.memory_space<hbm>>
        %dma_wait3A_206 = arith.constant 0 : i32
        %dma_wait3A_207 = arith.constant 0 : i32
        %dma_wait3A_208 = tpu.memref_slice %dma_wait3A_205[%dma_wait3A_206, %dma_wait3A_207] : memref<10000x64xf32, #tpu.memory_space<hbm>> -> memref<10000x64xf32, #tpu.memory_space<hbm>>
        tpu.wait_indirect_dma semaphore(%arg15 : memref<!tpu.dma_semaphore, #tpu.memory_space<semaphore_mem>>) src(%dma_wait3A_208 : memref<10000x64xf32, #tpu.memory_space<hbm>>) dst(%arg9 : memref<80x64xf32, #tpu.memory_space<vmem>>)
        %dma_start3A_209 = arith.constant 0 : i32
        %dma_start3A_210 = tpu.memref_slice %arg8[%add3A_173, %dma_start3A_209] : memref<250x80xi32, #tpu.memory_space<vmem>> -> memref<1x80xi32, #tpu.memory_space<vmem>>
        %dma_start3A_211 = tpu.memref_squeeze %dma_start3A_210 : memref<1x80xi32, #tpu.memory_space<vmem>> -> memref<80xi32, #tpu.memory_space<vmem>>
        %dma_start3A_212 = arith.constant 0 : i32
        %dma_start3A_213 = arith.constant 0 : i32
        %dma_start3A_214 = tpu.memref_slice %arg14[%dma_start3A_212, %dma_start3A_213] : memref<10008x64xf32, #tpu.memory_space<vmem_shared>> -> memref<10008x64xf32, #tpu.memory_space<vmem_shared>>
        tpu.enqueue_indirect_dma source(%arg9 : memref<80x64xf32, #tpu.memory_space<vmem>>) target(%dma_start3A_214 : memref<10008x64xf32, #tpu.memory_space<vmem_shared>>) offsets(%dma_start3A_211 : memref<80xi32, #tpu.memory_space<vmem>>) semaphore(%arg19 : memref<!tpu.dma_semaphore, #tpu.memory_space<semaphore_mem>>) {add = true}
        %jit3A = arith.constant 2 : i32
        %eq3A_215 = arith.constant 0 : i32
        %eq3A_216 = arith.cmpi eq, %jit3A, %eq3A_215 : i32
        %jit3A_217 = arith.constant 1 : i32
        %select_n3A = arith.select %eq3A_216, %jit3A_217, %jit3A : i32
        %rem3A = arith.remsi %add3A_173, %select_n3A : i32
        %ne3A = arith.constant 0 : i32
        %ne3A_218 = arith.cmpi ne, %rem3A, %ne3A : i32
        %lt3A_219 = arith.constant 0 : i32
        %lt3A_220 = arith.cmpi slt, %rem3A, %lt3A_219 : i32
        %lt3A_221 = arith.constant 0 : i32
        %lt3A_222 = arith.cmpi slt, %select_n3A, %lt3A_221 : i32
        %ne3A_223 = arith.xori %lt3A_220, %lt3A_222 : i1
        %and3A = arith.andi %ne3A_223, %ne3A_218 : i1
        %add3A_224 = arith.addi %rem3A, %select_n3A : i32
        %select_n3A_225 = arith.select %and3A, %add3A_224, %rem3A : i32
        %eq3A_226 = arith.cmpi eq, %select_n3A_225, %arg0 : i32
        %convert_element_type3A_227 = arith.extui %eq3A_226 : i1 to i32
        %cond3A_228 = arith.constant 0 : i32
        %cond3A_229 = arith.cmpi ne, %convert_element_type3A_227, %cond3A_228 : i32
        scf.if %cond3A_229 {
          %dma_start3A_237 = arith.constant 0 : i32
          %dma_start3A_238 = tpu.memref_slice %arg8[%add3A_173, %dma_start3A_237] : memref<250x80xi32, #tpu.memory_space<vmem>> -> memref<1x80xi32, #tpu.memory_space<vmem>>
          %dma_start3A_239 = tpu.memref_squeeze %dma_start3A_238 : memref<1x80xi32, #tpu.memory_space<vmem>> -> memref<80xi32, #tpu.memory_space<vmem>>
          %dma_start3A_240 = arith.constant 0 : i32
          %dma_start3A_241 = arith.constant 0 : i32
          %dma_start3A_242 = tpu.memref_slice %arg25[%dma_start3A_240, %dma_start3A_241] : memref<10008x16xf32, #tpu.memory_space<vmem_shared>> -> memref<10008x16xf32, #tpu.memory_space<vmem_shared>>
          tpu.enqueue_indirect_dma source(%arg23 : memref<80x16xf32, #tpu.memory_space<vmem>>) target(%dma_start3A_242 : memref<10008x16xf32, #tpu.memory_space<vmem_shared>>) offsets(%dma_start3A_239 : memref<80xi32, #tpu.memory_space<vmem>>) semaphore(%arg19 : memref<!tpu.dma_semaphore, #tpu.memory_space<semaphore_mem>>) {add = true}
        } else {
        }
        %add3A_230 = arith.constant 2 : i32
        %add3A_231 = arith.addi %add3A_173, %add3A_230 : i32
        %lt3A_232 = arith.constant 250 : i32
        %lt3A_233 = arith.cmpi slt, %add3A_231, %lt3A_232 : i32
        %convert_element_type3A_234 = arith.extui %lt3A_233 : i1 to i32
        %cond3A_235 = arith.constant 0 : i32
        %cond3A_236 = arith.cmpi ne, %convert_element_type3A_234, %cond3A_235 : i32
        scf.if %cond3A_236 {
          %sub3A = arith.constant 2 : i32
          %sub3A_237 = arith.subi %add3A_173, %sub3A : i32
          %ge3A = arith.constant 0 : i32
          %ge3A_238 = arith.cmpi sge, %sub3A_237, %ge3A : i32
          %convert_element_type3A_239 = arith.extui %ge3A_238 : i1 to i32
          %cond3A_240 = arith.constant 0 : i32
          %cond3A_241 = arith.cmpi ne, %convert_element_type3A_239, %cond3A_240 : i32
          scf.if %cond3A_241 {
            %sub3A_254 = arith.constant 2 : i32
            %sub3A_255 = arith.subi %add3A_173, %sub3A_254 : i32
            %dma_wait3A_256 = arith.constant 0 : i32
            %dma_wait3A_257 = tpu.memref_slice %arg8[%sub3A_255, %dma_wait3A_256] : memref<250x80xi32, #tpu.memory_space<vmem>> -> memref<1x80xi32, #tpu.memory_space<vmem>>
            %dma_wait3A_258 = tpu.memref_squeeze %dma_wait3A_257 : memref<1x80xi32, #tpu.memory_space<vmem>> -> memref<80xi32, #tpu.memory_space<vmem>>
            %dma_wait3A_259 = arith.constant 0 : i32
            %dma_wait3A_260 = arith.constant 0 : i32
            %dma_wait3A_261 = tpu.memref_slice %arg14[%dma_wait3A_259, %dma_wait3A_260] : memref<10008x64xf32, #tpu.memory_space<vmem_shared>> -> memref<10008x64xf32, #tpu.memory_space<vmem_shared>>
            tpu.wait_indirect_dma semaphore(%arg21 : memref<!tpu.dma_semaphore, #tpu.memory_space<semaphore_mem>>) src(%arg11 : memref<80x64xf32, #tpu.memory_space<vmem>>) dst(%dma_wait3A_261 : memref<10008x64xf32, #tpu.memory_space<vmem_shared>>)
            %sub3A_262 = arith.constant 2 : i32
            %sub3A_263 = arith.subi %add3A_173, %sub3A_262 : i32
            %jit3A_264 = arith.constant 2 : i32
            %eq3A_265 = arith.constant 0 : i32
            %eq3A_266 = arith.cmpi eq, %jit3A_264, %eq3A_265 : i32
            %jit3A_267 = arith.constant 1 : i32
            %select_n3A_268 = arith.select %eq3A_266, %jit3A_267, %jit3A_264 : i32
            %rem3A_269 = arith.remsi %sub3A_263, %select_n3A_268 : i32
            %ne3A_270 = arith.constant 0 : i32
            %ne3A_271 = arith.cmpi ne, %rem3A_269, %ne3A_270 : i32
            %lt3A_272 = arith.constant 0 : i32
            %lt3A_273 = arith.cmpi slt, %rem3A_269, %lt3A_272 : i32
            %lt3A_274 = arith.constant 0 : i32
            %lt3A_275 = arith.cmpi slt, %select_n3A_268, %lt3A_274 : i32
            %ne3A_276 = arith.xori %lt3A_273, %lt3A_275 : i1
            %and3A_277 = arith.andi %ne3A_276, %ne3A_271 : i1
            %add3A_278 = arith.addi %rem3A_269, %select_n3A_268 : i32
            %select_n3A_279 = arith.select %and3A_277, %add3A_278, %rem3A_269 : i32
            %eq3A_280 = arith.cmpi eq, %select_n3A_279, %arg0 : i32
            %convert_element_type3A_281 = arith.extui %eq3A_280 : i1 to i32
            %cond3A_282 = arith.constant 0 : i32
            %cond3A_283 = arith.cmpi ne, %convert_element_type3A_281, %cond3A_282 : i32
            scf.if %cond3A_283 {
              %sub3A_284 = arith.constant 2 : i32
              %sub3A_285 = arith.subi %add3A_173, %sub3A_284 : i32
              %dma_wait3A_286 = arith.constant 0 : i32
              %dma_wait3A_287 = tpu.memref_slice %arg8[%sub3A_285, %dma_wait3A_286] : memref<250x80xi32, #tpu.memory_space<vmem>> -> memref<1x80xi32, #tpu.memory_space<vmem>>
              %dma_wait3A_288 = tpu.memref_squeeze %dma_wait3A_287 : memref<1x80xi32, #tpu.memory_space<vmem>> -> memref<80xi32, #tpu.memory_space<vmem>>
              %dma_wait3A_289 = arith.constant 0 : i32
              %dma_wait3A_290 = arith.constant 0 : i32
              %dma_wait3A_291 = tpu.memref_slice %arg25[%dma_wait3A_289, %dma_wait3A_290] : memref<10008x16xf32, #tpu.memory_space<vmem_shared>> -> memref<10008x16xf32, #tpu.memory_space<vmem_shared>>
              tpu.wait_indirect_dma semaphore(%arg21 : memref<!tpu.dma_semaphore, #tpu.memory_space<semaphore_mem>>) src(%arg23 : memref<80x16xf32, #tpu.memory_space<vmem>>) dst(%dma_wait3A_291 : memref<10008x16xf32, #tpu.memory_space<vmem_shared>>)
            } else {
            }
          } else {
          }
          %add3A_242 = arith.constant 2 : i32
          %add3A_243 = arith.addi %add3A_173, %add3A_242 : i32
          %dma_start3A_244 = arith.constant 0 : i32
          %dma_start3A_245 = tpu.memref_slice %arg7[%add3A_243, %dma_start3A_244] : memref<250x80xi32, #tpu.memory_space<vmem>> -> memref<1x80xi32, #tpu.memory_space<vmem>>
          %dma_start3A_246 = tpu.memref_squeeze %dma_start3A_245 : memref<1x80xi32, #tpu.memory_space<vmem>> -> memref<80xi32, #tpu.memory_space<vmem>>
          %dma_start3A_247 = arith.constant 0 : i32
          %dma_start3A_248 = arith.constant 0 : i32
          %dma_start3A_249 = tpu.memref_slice %arg2[%arg0, %dma_start3A_247, %dma_start3A_248] : memref<2x10000x64xf32, #tpu.memory_space<hbm>> -> memref<1x10000x64xf32, #tpu.memory_space<hbm>>
          %dma_start3A_250 = tpu.memref_squeeze %dma_start3A_249 : memref<1x10000x64xf32, #tpu.memory_space<hbm>> -> memref<10000x64xf32, #tpu.memory_space<hbm>>
          %dma_start3A_251 = arith.constant 0 : i32
          %dma_start3A_252 = arith.constant 0 : i32
          %dma_start3A_253 = tpu.memref_slice %dma_start3A_250[%dma_start3A_251, %dma_start3A_252] : memref<10000x64xf32, #tpu.memory_space<hbm>> -> memref<10000x64xf32, #tpu.memory_space<hbm>>
          tpu.enqueue_indirect_dma source(%dma_start3A_253 : memref<10000x64xf32, #tpu.memory_space<hbm>>) target(%arg11 : memref<80x64xf32, #tpu.memory_space<vmem>>) offsets(%dma_start3A_246 : memref<80xi32, #tpu.memory_space<vmem>>) semaphore(%arg17 : memref<!tpu.dma_semaphore, #tpu.memory_space<semaphore_mem>>)
        } else {
        }
      } else {
      }
      %add3A_178 = arith.constant 1 : i32
      %add3A_179 = arith.addi %add3A_171, %add3A_178 : i32
      %lt3A_180 = arith.constant 250 : i32
      %lt3A_181 = arith.cmpi slt, %add3A_179, %lt3A_180 : i32
      %convert_element_type3A_182 = arith.extui %lt3A_181 : i1 to i32
      %cond3A_183 = arith.constant 0 : i32
      %cond3A_184 = arith.cmpi ne, %convert_element_type3A_182, %cond3A_183 : i32
      scf.if %cond3A_184 {
        %dma_wait3A_199 = arith.constant 0 : i32
        %dma_wait3A_200 = tpu.memref_slice %arg7[%add3A_179, %dma_wait3A_199] : memref<250x80xi32, #tpu.memory_space<vmem>> -> memref<1x80xi32, #tpu.memory_space<vmem>>
        %dma_wait3A_201 = tpu.memref_squeeze %dma_wait3A_200 : memref<1x80xi32, #tpu.memory_space<vmem>> -> memref<80xi32, #tpu.memory_space<vmem>>
        %dma_wait3A_202 = arith.constant 0 : i32
        %dma_wait3A_203 = arith.constant 0 : i32
        %dma_wait3A_204 = tpu.memref_slice %arg2[%arg0, %dma_wait3A_202, %dma_wait3A_203] : memref<2x10000x64xf32, #tpu.memory_space<hbm>> -> memref<1x10000x64xf32, #tpu.memory_space<hbm>>
        %dma_wait3A_205 = tpu.memref_squeeze %dma_wait3A_204 : memref<1x10000x64xf32, #tpu.memory_space<hbm>> -> memref<10000x64xf32, #tpu.memory_space<hbm>>
        %dma_wait3A_206 = arith.constant 0 : i32
        %dma_wait3A_207 = arith.constant 0 : i32
        %dma_wait3A_208 = tpu.memref_slice %dma_wait3A_205[%dma_wait3A_206, %dma_wait3A_207] : memref<10000x64xf32, #tpu.memory_space<hbm>> -> memref<10000x64xf32, #tpu.memory_space<hbm>>
        tpu.wait_indirect_dma semaphore(%arg16 : memref<!tpu.dma_semaphore, #tpu.memory_space<semaphore_mem>>) src(%dma_wait3A_208 : memref<10000x64xf32, #tpu.memory_space<hbm>>) dst(%arg10 : memref<80x64xf32, #tpu.memory_space<vmem>>)
        %dma_start3A_209 = arith.constant 0 : i32
        %dma_start3A_210 = tpu.memref_slice %arg8[%add3A_179, %dma_start3A_209] : memref<250x80xi32, #tpu.memory_space<vmem>> -> memref<1x80xi32, #tpu.memory_space<vmem>>
        %dma_start3A_211 = tpu.memref_squeeze %dma_start3A_210 : memref<1x80xi32, #tpu.memory_space<vmem>> -> memref<80xi32, #tpu.memory_space<vmem>>
        %dma_start3A_212 = arith.constant 0 : i32
        %dma_start3A_213 = arith.constant 0 : i32
        %dma_start3A_214 = tpu.memref_slice %arg14[%dma_start3A_212, %dma_start3A_213] : memref<10008x64xf32, #tpu.memory_space<vmem_shared>> -> memref<10008x64xf32, #tpu.memory_space<vmem_shared>>
        tpu.enqueue_indirect_dma source(%arg10 : memref<80x64xf32, #tpu.memory_space<vmem>>) target(%dma_start3A_214 : memref<10008x64xf32, #tpu.memory_space<vmem_shared>>) offsets(%dma_start3A_211 : memref<80xi32, #tpu.memory_space<vmem>>) semaphore(%arg20 : memref<!tpu.dma_semaphore, #tpu.memory_space<semaphore_mem>>) {add = true}
        %jit3A = arith.constant 2 : i32
        %eq3A_215 = arith.constant 0 : i32
        %eq3A_216 = arith.cmpi eq, %jit3A, %eq3A_215 : i32
        %jit3A_217 = arith.constant 1 : i32
        %select_n3A = arith.select %eq3A_216, %jit3A_217, %jit3A : i32
        %rem3A = arith.remsi %add3A_179, %select_n3A : i32
        %ne3A = arith.constant 0 : i32
        %ne3A_218 = arith.cmpi ne, %rem3A, %ne3A : i32
        %lt3A_219 = arith.constant 0 : i32
        %lt3A_220 = arith.cmpi slt, %rem3A, %lt3A_219 : i32
        %lt3A_221 = arith.constant 0 : i32
        %lt3A_222 = arith.cmpi slt, %select_n3A, %lt3A_221 : i32
        %ne3A_223 = arith.xori %lt3A_220, %lt3A_222 : i1
        %and3A = arith.andi %ne3A_223, %ne3A_218 : i1
        %add3A_224 = arith.addi %rem3A, %select_n3A : i32
        %select_n3A_225 = arith.select %and3A, %add3A_224, %rem3A : i32
        %eq3A_226 = arith.cmpi eq, %select_n3A_225, %arg0 : i32
        %convert_element_type3A_227 = arith.extui %eq3A_226 : i1 to i32
        %cond3A_228 = arith.constant 0 : i32
        %cond3A_229 = arith.cmpi ne, %convert_element_type3A_227, %cond3A_228 : i32
        scf.if %cond3A_229 {
          %dma_start3A_237 = arith.constant 0 : i32
          %dma_start3A_238 = tpu.memref_slice %arg8[%add3A_179, %dma_start3A_237] : memref<250x80xi32, #tpu.memory_space<vmem>> -> memref<1x80xi32, #tpu.memory_space<vmem>>
          %dma_start3A_239 = tpu.memref_squeeze %dma_start3A_238 : memref<1x80xi32, #tpu.memory_space<vmem>> -> memref<80xi32, #tpu.memory_space<vmem>>
          %dma_start3A_240 = arith.constant 0 : i32
          %dma_start3A_241 = arith.constant 0 : i32
          %dma_start3A_242 = tpu.memref_slice %arg25[%dma_start3A_240, %dma_start3A_241] : memref<10008x16xf32, #tpu.memory_space<vmem_shared>> -> memref<10008x16xf32, #tpu.memory_space<vmem_shared>>
          tpu.enqueue_indirect_dma source(%arg23 : memref<80x16xf32, #tpu.memory_space<vmem>>) target(%dma_start3A_242 : memref<10008x16xf32, #tpu.memory_space<vmem_shared>>) offsets(%dma_start3A_239 : memref<80xi32, #tpu.memory_space<vmem>>) semaphore(%arg20 : memref<!tpu.dma_semaphore, #tpu.memory_space<semaphore_mem>>) {add = true}
        } else {
        }
        %add3A_230 = arith.constant 2 : i32
        %add3A_231 = arith.addi %add3A_179, %add3A_230 : i32
        %lt3A_232 = arith.constant 250 : i32
        %lt3A_233 = arith.cmpi slt, %add3A_231, %lt3A_232 : i32
        %convert_element_type3A_234 = arith.extui %lt3A_233 : i1 to i32
        %cond3A_235 = arith.constant 0 : i32
        %cond3A_236 = arith.cmpi ne, %convert_element_type3A_234, %cond3A_235 : i32
        scf.if %cond3A_236 {
          %sub3A = arith.constant 2 : i32
          %sub3A_237 = arith.subi %add3A_179, %sub3A : i32
          %ge3A = arith.constant 0 : i32
          %ge3A_238 = arith.cmpi sge, %sub3A_237, %ge3A : i32
          %convert_element_type3A_239 = arith.extui %ge3A_238 : i1 to i32
          %cond3A_240 = arith.constant 0 : i32
          %cond3A_241 = arith.cmpi ne, %convert_element_type3A_239, %cond3A_240 : i32
          scf.if %cond3A_241 {
            %sub3A_254 = arith.constant 2 : i32
            %sub3A_255 = arith.subi %add3A_179, %sub3A_254 : i32
            %dma_wait3A_256 = arith.constant 0 : i32
            %dma_wait3A_257 = tpu.memref_slice %arg8[%sub3A_255, %dma_wait3A_256] : memref<250x80xi32, #tpu.memory_space<vmem>> -> memref<1x80xi32, #tpu.memory_space<vmem>>
            %dma_wait3A_258 = tpu.memref_squeeze %dma_wait3A_257 : memref<1x80xi32, #tpu.memory_space<vmem>> -> memref<80xi32, #tpu.memory_space<vmem>>
            %dma_wait3A_259 = arith.constant 0 : i32
            %dma_wait3A_260 = arith.constant 0 : i32
            %dma_wait3A_261 = tpu.memref_slice %arg14[%dma_wait3A_259, %dma_wait3A_260] : memref<10008x64xf32, #tpu.memory_space<vmem_shared>> -> memref<10008x64xf32, #tpu.memory_space<vmem_shared>>
            tpu.wait_indirect_dma semaphore(%arg22 : memref<!tpu.dma_semaphore, #tpu.memory_space<semaphore_mem>>) src(%arg12 : memref<80x64xf32, #tpu.memory_space<vmem>>) dst(%dma_wait3A_261 : memref<10008x64xf32, #tpu.memory_space<vmem_shared>>)
            %sub3A_262 = arith.constant 2 : i32
            %sub3A_263 = arith.subi %add3A_179, %sub3A_262 : i32
            %jit3A_264 = arith.constant 2 : i32
            %eq3A_265 = arith.constant 0 : i32
            %eq3A_266 = arith.cmpi eq, %jit3A_264, %eq3A_265 : i32
            %jit3A_267 = arith.constant 1 : i32
            %select_n3A_268 = arith.select %eq3A_266, %jit3A_267, %jit3A_264 : i32
            %rem3A_269 = arith.remsi %sub3A_263, %select_n3A_268 : i32
            %ne3A_270 = arith.constant 0 : i32
            %ne3A_271 = arith.cmpi ne, %rem3A_269, %ne3A_270 : i32
            %lt3A_272 = arith.constant 0 : i32
            %lt3A_273 = arith.cmpi slt, %rem3A_269, %lt3A_272 : i32
            %lt3A_274 = arith.constant 0 : i32
            %lt3A_275 = arith.cmpi slt, %select_n3A_268, %lt3A_274 : i32
            %ne3A_276 = arith.xori %lt3A_273, %lt3A_275 : i1
            %and3A_277 = arith.andi %ne3A_276, %ne3A_271 : i1
            %add3A_278 = arith.addi %rem3A_269, %select_n3A_268 : i32
            %select_n3A_279 = arith.select %and3A_277, %add3A_278, %rem3A_269 : i32
            %eq3A_280 = arith.cmpi eq, %select_n3A_279, %arg0 : i32
            %convert_element_type3A_281 = arith.extui %eq3A_280 : i1 to i32
            %cond3A_282 = arith.constant 0 : i32
            %cond3A_283 = arith.cmpi ne, %convert_element_type3A_281, %cond3A_282 : i32
            scf.if %cond3A_283 {
              %sub3A_284 = arith.constant 2 : i32
              %sub3A_285 = arith.subi %add3A_179, %sub3A_284 : i32
              %dma_wait3A_286 = arith.constant 0 : i32
              %dma_wait3A_287 = tpu.memref_slice %arg8[%sub3A_285, %dma_wait3A_286] : memref<250x80xi32, #tpu.memory_space<vmem>> -> memref<1x80xi32, #tpu.memory_space<vmem>>
              %dma_wait3A_288 = tpu.memref_squeeze %dma_wait3A_287 : memref<1x80xi32, #tpu.memory_space<vmem>> -> memref<80xi32, #tpu.memory_space<vmem>>
              %dma_wait3A_289 = arith.constant 0 : i32
              %dma_wait3A_290 = arith.constant 0 : i32
              %dma_wait3A_291 = tpu.memref_slice %arg25[%dma_wait3A_289, %dma_wait3A_290] : memref<10008x16xf32, #tpu.memory_space<vmem_shared>> -> memref<10008x16xf32, #tpu.memory_space<vmem_shared>>
              tpu.wait_indirect_dma semaphore(%arg22 : memref<!tpu.dma_semaphore, #tpu.memory_space<semaphore_mem>>) src(%arg23 : memref<80x16xf32, #tpu.memory_space<vmem>>) dst(%dma_wait3A_291 : memref<10008x16xf32, #tpu.memory_space<vmem_shared>>)
            } else {
            }
          } else {
          }
          %add3A_242 = arith.constant 2 : i32
          %add3A_243 = arith.addi %add3A_179, %add3A_242 : i32
          %dma_start3A_244 = arith.constant 0 : i32
          %dma_start3A_245 = tpu.memref_slice %arg7[%add3A_243, %dma_start3A_244] : memref<250x80xi32, #tpu.memory_space<vmem>> -> memref<1x80xi32, #tpu.memory_space<vmem>>
          %dma_start3A_246 = tpu.memref_squeeze %dma_start3A_245 : memref<1x80xi32, #tpu.memory_space<vmem>> -> memref<80xi32, #tpu.memory_space<vmem>>
          %dma_start3A_247 = arith.constant 0 : i32
          %dma_start3A_248 = arith.constant 0 : i32
          %dma_start3A_249 = tpu.memref_slice %arg2[%arg0, %dma_start3A_247, %dma_start3A_248] : memref<2x10000x64xf32, #tpu.memory_space<hbm>> -> memref<1x10000x64xf32, #tpu.memory_space<hbm>>
          %dma_start3A_250 = tpu.memref_squeeze %dma_start3A_249 : memref<1x10000x64xf32, #tpu.memory_space<hbm>> -> memref<10000x64xf32, #tpu.memory_space<hbm>>
          %dma_start3A_251 = arith.constant 0 : i32
          %dma_start3A_252 = arith.constant 0 : i32
          %dma_start3A_253 = tpu.memref_slice %dma_start3A_250[%dma_start3A_251, %dma_start3A_252] : memref<10000x64xf32, #tpu.memory_space<hbm>> -> memref<10000x64xf32, #tpu.memory_space<hbm>>
          tpu.enqueue_indirect_dma source(%dma_start3A_253 : memref<10000x64xf32, #tpu.memory_space<hbm>>) target(%arg12 : memref<80x64xf32, #tpu.memory_space<vmem>>) offsets(%dma_start3A_246 : memref<80xi32, #tpu.memory_space<vmem>>) semaphore(%arg18 : memref<!tpu.dma_semaphore, #tpu.memory_space<semaphore_mem>>)
        } else {
        }
      } else {
      }
      %add3A_185 = arith.constant 2 : i32
      %add3A_186 = arith.addi %add3A_171, %add3A_185 : i32
      %lt3A_187 = arith.constant 250 : i32
      %lt3A_188 = arith.cmpi slt, %add3A_186, %lt3A_187 : i32
      %convert_element_type3A_189 = arith.extui %lt3A_188 : i1 to i32
      %cond3A_190 = arith.constant 0 : i32
      %cond3A_191 = arith.cmpi ne, %convert_element_type3A_189, %cond3A_190 : i32
      scf.if %cond3A_191 {
        %dma_wait3A_199 = arith.constant 0 : i32
        %dma_wait3A_200 = tpu.memref_slice %arg7[%add3A_186, %dma_wait3A_199] : memref<250x80xi32, #tpu.memory_space<vmem>> -> memref<1x80xi32, #tpu.memory_space<vmem>>
        %dma_wait3A_201 = tpu.memref_squeeze %dma_wait3A_200 : memref<1x80xi32, #tpu.memory_space<vmem>> -> memref<80xi32, #tpu.memory_space<vmem>>
        %dma_wait3A_202 = arith.constant 0 : i32
        %dma_wait3A_203 = arith.constant 0 : i32
        %dma_wait3A_204 = tpu.memref_slice %arg2[%arg0, %dma_wait3A_202, %dma_wait3A_203] : memref<2x10000x64xf32, #tpu.memory_space<hbm>> -> memref<1x10000x64xf32, #tpu.memory_space<hbm>>
        %dma_wait3A_205 = tpu.memref_squeeze %dma_wait3A_204 : memref<1x10000x64xf32, #tpu.memory_space<hbm>> -> memref<10000x64xf32, #tpu.memory_space<hbm>>
        %dma_wait3A_206 = arith.constant 0 : i32
        %dma_wait3A_207 = arith.constant 0 : i32
        %dma_wait3A_208 = tpu.memref_slice %dma_wait3A_205[%dma_wait3A_206, %dma_wait3A_207] : memref<10000x64xf32, #tpu.memory_space<hbm>> -> memref<10000x64xf32, #tpu.memory_space<hbm>>
        tpu.wait_indirect_dma semaphore(%arg17 : memref<!tpu.dma_semaphore, #tpu.memory_space<semaphore_mem>>) src(%dma_wait3A_208 : memref<10000x64xf32, #tpu.memory_space<hbm>>) dst(%arg11 : memref<80x64xf32, #tpu.memory_space<vmem>>)
        %dma_start3A_209 = arith.constant 0 : i32
        %dma_start3A_210 = tpu.memref_slice %arg8[%add3A_186, %dma_start3A_209] : memref<250x80xi32, #tpu.memory_space<vmem>> -> memref<1x80xi32, #tpu.memory_space<vmem>>
        %dma_start3A_211 = tpu.memref_squeeze %dma_start3A_210 : memref<1x80xi32, #tpu.memory_space<vmem>> -> memref<80xi32, #tpu.memory_space<vmem>>
        %dma_start3A_212 = arith.constant 0 : i32
        %dma_start3A_213 = arith.constant 0 : i32
        %dma_start3A_214 = tpu.memref_slice %arg14[%dma_start3A_212, %dma_start3A_213] : memref<10008x64xf32, #tpu.memory_space<vmem_shared>> -> memref<10008x64xf32, #tpu.memory_space<vmem_shared>>
        tpu.enqueue_indirect_dma source(%arg11 : memref<80x64xf32, #tpu.memory_space<vmem>>) target(%dma_start3A_214 : memref<10008x64xf32, #tpu.memory_space<vmem_shared>>) offsets(%dma_start3A_211 : memref<80xi32, #tpu.memory_space<vmem>>) semaphore(%arg21 : memref<!tpu.dma_semaphore, #tpu.memory_space<semaphore_mem>>) {add = true}
        %jit3A = arith.constant 2 : i32
        %eq3A_215 = arith.constant 0 : i32
        %eq3A_216 = arith.cmpi eq, %jit3A, %eq3A_215 : i32
        %jit3A_217 = arith.constant 1 : i32
        %select_n3A = arith.select %eq3A_216, %jit3A_217, %jit3A : i32
        %rem3A = arith.remsi %add3A_186, %select_n3A : i32
        %ne3A = arith.constant 0 : i32
        %ne3A_218 = arith.cmpi ne, %rem3A, %ne3A : i32
        %lt3A_219 = arith.constant 0 : i32
        %lt3A_220 = arith.cmpi slt, %rem3A, %lt3A_219 : i32
        %lt3A_221 = arith.constant 0 : i32
        %lt3A_222 = arith.cmpi slt, %select_n3A, %lt3A_221 : i32
        %ne3A_223 = arith.xori %lt3A_220, %lt3A_222 : i1
        %and3A = arith.andi %ne3A_223, %ne3A_218 : i1
        %add3A_224 = arith.addi %rem3A, %select_n3A : i32
        %select_n3A_225 = arith.select %and3A, %add3A_224, %rem3A : i32
        %eq3A_226 = arith.cmpi eq, %select_n3A_225, %arg0 : i32
        %convert_element_type3A_227 = arith.extui %eq3A_226 : i1 to i32
        %cond3A_228 = arith.constant 0 : i32
        %cond3A_229 = arith.cmpi ne, %convert_element_type3A_227, %cond3A_228 : i32
        scf.if %cond3A_229 {
          %dma_start3A_237 = arith.constant 0 : i32
          %dma_start3A_238 = tpu.memref_slice %arg8[%add3A_186, %dma_start3A_237] : memref<250x80xi32, #tpu.memory_space<vmem>> -> memref<1x80xi32, #tpu.memory_space<vmem>>
          %dma_start3A_239 = tpu.memref_squeeze %dma_start3A_238 : memref<1x80xi32, #tpu.memory_space<vmem>> -> memref<80xi32, #tpu.memory_space<vmem>>
          %dma_start3A_240 = arith.constant 0 : i32
          %dma_start3A_241 = arith.constant 0 : i32
          %dma_start3A_242 = tpu.memref_slice %arg25[%dma_start3A_240, %dma_start3A_241] : memref<10008x16xf32, #tpu.memory_space<vmem_shared>> -> memref<10008x16xf32, #tpu.memory_space<vmem_shared>>
          tpu.enqueue_indirect_dma source(%arg23 : memref<80x16xf32, #tpu.memory_space<vmem>>) target(%dma_start3A_242 : memref<10008x16xf32, #tpu.memory_space<vmem_shared>>) offsets(%dma_start3A_239 : memref<80xi32, #tpu.memory_space<vmem>>) semaphore(%arg21 : memref<!tpu.dma_semaphore, #tpu.memory_space<semaphore_mem>>) {add = true}
        } else {
        }
        %add3A_230 = arith.constant 2 : i32
        %add3A_231 = arith.addi %add3A_186, %add3A_230 : i32
        %lt3A_232 = arith.constant 250 : i32
        %lt3A_233 = arith.cmpi slt, %add3A_231, %lt3A_232 : i32
        %convert_element_type3A_234 = arith.extui %lt3A_233 : i1 to i32
        %cond3A_235 = arith.constant 0 : i32
        %cond3A_236 = arith.cmpi ne, %convert_element_type3A_234, %cond3A_235 : i32
        scf.if %cond3A_236 {
          %sub3A = arith.constant 2 : i32
          %sub3A_237 = arith.subi %add3A_186, %sub3A : i32
          %ge3A = arith.constant 0 : i32
          %ge3A_238 = arith.cmpi sge, %sub3A_237, %ge3A : i32
          %convert_element_type3A_239 = arith.extui %ge3A_238 : i1 to i32
          %cond3A_240 = arith.constant 0 : i32
          %cond3A_241 = arith.cmpi ne, %convert_element_type3A_239, %cond3A_240 : i32
          scf.if %cond3A_241 {
            %sub3A_254 = arith.constant 2 : i32
            %sub3A_255 = arith.subi %add3A_186, %sub3A_254 : i32
            %dma_wait3A_256 = arith.constant 0 : i32
            %dma_wait3A_257 = tpu.memref_slice %arg8[%sub3A_255, %dma_wait3A_256] : memref<250x80xi32, #tpu.memory_space<vmem>> -> memref<1x80xi32, #tpu.memory_space<vmem>>
            %dma_wait3A_258 = tpu.memref_squeeze %dma_wait3A_257 : memref<1x80xi32, #tpu.memory_space<vmem>> -> memref<80xi32, #tpu.memory_space<vmem>>
            %dma_wait3A_259 = arith.constant 0 : i32
            %dma_wait3A_260 = arith.constant 0 : i32
            %dma_wait3A_261 = tpu.memref_slice %arg14[%dma_wait3A_259, %dma_wait3A_260] : memref<10008x64xf32, #tpu.memory_space<vmem_shared>> -> memref<10008x64xf32, #tpu.memory_space<vmem_shared>>
            tpu.wait_indirect_dma semaphore(%arg19 : memref<!tpu.dma_semaphore, #tpu.memory_space<semaphore_mem>>) src(%arg9 : memref<80x64xf32, #tpu.memory_space<vmem>>) dst(%dma_wait3A_261 : memref<10008x64xf32, #tpu.memory_space<vmem_shared>>)
            %sub3A_262 = arith.constant 2 : i32
            %sub3A_263 = arith.subi %add3A_186, %sub3A_262 : i32
            %jit3A_264 = arith.constant 2 : i32
            %eq3A_265 = arith.constant 0 : i32
            %eq3A_266 = arith.cmpi eq, %jit3A_264, %eq3A_265 : i32
            %jit3A_267 = arith.constant 1 : i32
            %select_n3A_268 = arith.select %eq3A_266, %jit3A_267, %jit3A_264 : i32
            %rem3A_269 = arith.remsi %sub3A_263, %select_n3A_268 : i32
            %ne3A_270 = arith.constant 0 : i32
            %ne3A_271 = arith.cmpi ne, %rem3A_269, %ne3A_270 : i32
            %lt3A_272 = arith.constant 0 : i32
            %lt3A_273 = arith.cmpi slt, %rem3A_269, %lt3A_272 : i32
            %lt3A_274 = arith.constant 0 : i32
            %lt3A_275 = arith.cmpi slt, %select_n3A_268, %lt3A_274 : i32
            %ne3A_276 = arith.xori %lt3A_273, %lt3A_275 : i1
            %and3A_277 = arith.andi %ne3A_276, %ne3A_271 : i1
            %add3A_278 = arith.addi %rem3A_269, %select_n3A_268 : i32
            %select_n3A_279 = arith.select %and3A_277, %add3A_278, %rem3A_269 : i32
            %eq3A_280 = arith.cmpi eq, %select_n3A_279, %arg0 : i32
            %convert_element_type3A_281 = arith.extui %eq3A_280 : i1 to i32
            %cond3A_282 = arith.constant 0 : i32
            %cond3A_283 = arith.cmpi ne, %convert_element_type3A_281, %cond3A_282 : i32
            scf.if %cond3A_283 {
              %sub3A_284 = arith.constant 2 : i32
              %sub3A_285 = arith.subi %add3A_186, %sub3A_284 : i32
              %dma_wait3A_286 = arith.constant 0 : i32
              %dma_wait3A_287 = tpu.memref_slice %arg8[%sub3A_285, %dma_wait3A_286] : memref<250x80xi32, #tpu.memory_space<vmem>> -> memref<1x80xi32, #tpu.memory_space<vmem>>
              %dma_wait3A_288 = tpu.memref_squeeze %dma_wait3A_287 : memref<1x80xi32, #tpu.memory_space<vmem>> -> memref<80xi32, #tpu.memory_space<vmem>>
              %dma_wait3A_289 = arith.constant 0 : i32
              %dma_wait3A_290 = arith.constant 0 : i32
              %dma_wait3A_291 = tpu.memref_slice %arg25[%dma_wait3A_289, %dma_wait3A_290] : memref<10008x16xf32, #tpu.memory_space<vmem_shared>> -> memref<10008x16xf32, #tpu.memory_space<vmem_shared>>
              tpu.wait_indirect_dma semaphore(%arg19 : memref<!tpu.dma_semaphore, #tpu.memory_space<semaphore_mem>>) src(%arg23 : memref<80x16xf32, #tpu.memory_space<vmem>>) dst(%dma_wait3A_291 : memref<10008x16xf32, #tpu.memory_space<vmem_shared>>)
            } else {
            }
          } else {
          }
          %add3A_242 = arith.constant 2 : i32
          %add3A_243 = arith.addi %add3A_186, %add3A_242 : i32
          %dma_start3A_244 = arith.constant 0 : i32
          %dma_start3A_245 = tpu.memref_slice %arg7[%add3A_243, %dma_start3A_244] : memref<250x80xi32, #tpu.memory_space<vmem>> -> memref<1x80xi32, #tpu.memory_space<vmem>>
          %dma_start3A_246 = tpu.memref_squeeze %dma_start3A_245 : memref<1x80xi32, #tpu.memory_space<vmem>> -> memref<80xi32, #tpu.memory_space<vmem>>
          %dma_start3A_247 = arith.constant 0 : i32
          %dma_start3A_248 = arith.constant 0 : i32
          %dma_start3A_249 = tpu.memref_slice %arg2[%arg0, %dma_start3A_247, %dma_start3A_248] : memref<2x10000x64xf32, #tpu.memory_space<hbm>> -> memref<1x10000x64xf32, #tpu.memory_space<hbm>>
          %dma_start3A_250 = tpu.memref_squeeze %dma_start3A_249 : memref<1x10000x64xf32, #tpu.memory_space<hbm>> -> memref<10000x64xf32, #tpu.memory_space<hbm>>
          %dma_start3A_251 = arith.constant 0 : i32
          %dma_start3A_252 = arith.constant 0 : i32
          %dma_start3A_253 = tpu.memref_slice %dma_start3A_250[%dma_start3A_251, %dma_start3A_252] : memref<10000x64xf32, #tpu.memory_space<hbm>> -> memref<10000x64xf32, #tpu.memory_space<hbm>>
          tpu.enqueue_indirect_dma source(%dma_start3A_253 : memref<10000x64xf32, #tpu.memory_space<hbm>>) target(%arg9 : memref<80x64xf32, #tpu.memory_space<vmem>>) offsets(%dma_start3A_246 : memref<80xi32, #tpu.memory_space<vmem>>) semaphore(%arg15 : memref<!tpu.dma_semaphore, #tpu.memory_space<semaphore_mem>>)
        } else {
        }
      } else {
      }
      %add3A_192 = arith.constant 3 : i32
      %add3A_193 = arith.addi %add3A_171, %add3A_192 : i32
      %lt3A_194 = arith.constant 250 : i32
      %lt3A_195 = arith.cmpi slt, %add3A_193, %lt3A_194 : i32
      %convert_element_type3A_196 = arith.extui %lt3A_195 : i1 to i32
      %cond3A_197 = arith.constant 0 : i32
      %cond3A_198 = arith.cmpi ne, %convert_element_type3A_196, %cond3A_197 : i32
      scf.if %cond3A_198 {
        %dma_wait3A_199 = arith.constant 0 : i32
        %dma_wait3A_200 = tpu.memref_slice %arg7[%add3A_193, %dma_wait3A_199] : memref<250x80xi32, #tpu.memory_space<vmem>> -> memref<1x80xi32, #tpu.memory_space<vmem>>
        %dma_wait3A_201 = tpu.memref_squeeze %dma_wait3A_200 : memref<1x80xi32, #tpu.memory_space<vmem>> -> memref<80xi32, #tpu.memory_space<vmem>>
        %dma_wait3A_202 = arith.constant 0 : i32
        %dma_wait3A_203 = arith.constant 0 : i32
        %dma_wait3A_204 = tpu.memref_slice %arg2[%arg0, %dma_wait3A_202, %dma_wait3A_203] : memref<2x10000x64xf32, #tpu.memory_space<hbm>> -> memref<1x10000x64xf32, #tpu.memory_space<hbm>>
        %dma_wait3A_205 = tpu.memref_squeeze %dma_wait3A_204 : memref<1x10000x64xf32, #tpu.memory_space<hbm>> -> memref<10000x64xf32, #tpu.memory_space<hbm>>
        %dma_wait3A_206 = arith.constant 0 : i32
        %dma_wait3A_207 = arith.constant 0 : i32
        %dma_wait3A_208 = tpu.memref_slice %dma_wait3A_205[%dma_wait3A_206, %dma_wait3A_207] : memref<10000x64xf32, #tpu.memory_space<hbm>> -> memref<10000x64xf32, #tpu.memory_space<hbm>>
        tpu.wait_indirect_dma semaphore(%arg18 : memref<!tpu.dma_semaphore, #tpu.memory_space<semaphore_mem>>) src(%dma_wait3A_208 : memref<10000x64xf32, #tpu.memory_space<hbm>>) dst(%arg12 : memref<80x64xf32, #tpu.memory_space<vmem>>)
        %dma_start3A_209 = arith.constant 0 : i32
        %dma_start3A_210 = tpu.memref_slice %arg8[%add3A_193, %dma_start3A_209] : memref<250x80xi32, #tpu.memory_space<vmem>> -> memref<1x80xi32, #tpu.memory_space<vmem>>
        %dma_start3A_211 = tpu.memref_squeeze %dma_start3A_210 : memref<1x80xi32, #tpu.memory_space<vmem>> -> memref<80xi32, #tpu.memory_space<vmem>>
        %dma_start3A_212 = arith.constant 0 : i32
        %dma_start3A_213 = arith.constant 0 : i32
        %dma_start3A_214 = tpu.memref_slice %arg14[%dma_start3A_212, %dma_start3A_213] : memref<10008x64xf32, #tpu.memory_space<vmem_shared>> -> memref<10008x64xf32, #tpu.memory_space<vmem_shared>>
        tpu.enqueue_indirect_dma source(%arg12 : memref<80x64xf32, #tpu.memory_space<vmem>>) target(%dma_start3A_214 : memref<10008x64xf32, #tpu.memory_space<vmem_shared>>) offsets(%dma_start3A_211 : memref<80xi32, #tpu.memory_space<vmem>>) semaphore(%arg22 : memref<!tpu.dma_semaphore, #tpu.memory_space<semaphore_mem>>) {add = true}
        %jit3A = arith.constant 2 : i32
        %eq3A_215 = arith.constant 0 : i32
        %eq3A_216 = arith.cmpi eq, %jit3A, %eq3A_215 : i32
        %jit3A_217 = arith.constant 1 : i32
        %select_n3A = arith.select %eq3A_216, %jit3A_217, %jit3A : i32
        %rem3A = arith.remsi %add3A_193, %select_n3A : i32
        %ne3A = arith.constant 0 : i32
        %ne3A_218 = arith.cmpi ne, %rem3A, %ne3A : i32
        %lt3A_219 = arith.constant 0 : i32
        %lt3A_220 = arith.cmpi slt, %rem3A, %lt3A_219 : i32
        %lt3A_221 = arith.constant 0 : i32
        %lt3A_222 = arith.cmpi slt, %select_n3A, %lt3A_221 : i32
        %ne3A_223 = arith.xori %lt3A_220, %lt3A_222 : i1
        %and3A = arith.andi %ne3A_223, %ne3A_218 : i1
        %add3A_224 = arith.addi %rem3A, %select_n3A : i32
        %select_n3A_225 = arith.select %and3A, %add3A_224, %rem3A : i32
        %eq3A_226 = arith.cmpi eq, %select_n3A_225, %arg0 : i32
        %convert_element_type3A_227 = arith.extui %eq3A_226 : i1 to i32
        %cond3A_228 = arith.constant 0 : i32
        %cond3A_229 = arith.cmpi ne, %convert_element_type3A_227, %cond3A_228 : i32
        scf.if %cond3A_229 {
          %dma_start3A_237 = arith.constant 0 : i32
          %dma_start3A_238 = tpu.memref_slice %arg8[%add3A_193, %dma_start3A_237] : memref<250x80xi32, #tpu.memory_space<vmem>> -> memref<1x80xi32, #tpu.memory_space<vmem>>
          %dma_start3A_239 = tpu.memref_squeeze %dma_start3A_238 : memref<1x80xi32, #tpu.memory_space<vmem>> -> memref<80xi32, #tpu.memory_space<vmem>>
          %dma_start3A_240 = arith.constant 0 : i32
          %dma_start3A_241 = arith.constant 0 : i32
          %dma_start3A_242 = tpu.memref_slice %arg25[%dma_start3A_240, %dma_start3A_241] : memref<10008x16xf32, #tpu.memory_space<vmem_shared>> -> memref<10008x16xf32, #tpu.memory_space<vmem_shared>>
          tpu.enqueue_indirect_dma source(%arg23 : memref<80x16xf32, #tpu.memory_space<vmem>>) target(%dma_start3A_242 : memref<10008x16xf32, #tpu.memory_space<vmem_shared>>) offsets(%dma_start3A_239 : memref<80xi32, #tpu.memory_space<vmem>>) semaphore(%arg22 : memref<!tpu.dma_semaphore, #tpu.memory_space<semaphore_mem>>) {add = true}
        } else {
        }
        %add3A_230 = arith.constant 2 : i32
        %add3A_231 = arith.addi %add3A_193, %add3A_230 : i32
        %lt3A_232 = arith.constant 250 : i32
        %lt3A_233 = arith.cmpi slt, %add3A_231, %lt3A_232 : i32
        %convert_element_type3A_234 = arith.extui %lt3A_233 : i1 to i32
        %cond3A_235 = arith.constant 0 : i32
        %cond3A_236 = arith.cmpi ne, %convert_element_type3A_234, %cond3A_235 : i32
        scf.if %cond3A_236 {
          %sub3A = arith.constant 2 : i32
          %sub3A_237 = arith.subi %add3A_193, %sub3A : i32
          %ge3A = arith.constant 0 : i32
          %ge3A_238 = arith.cmpi sge, %sub3A_237, %ge3A : i32
          %convert_element_type3A_239 = arith.extui %ge3A_238 : i1 to i32
          %cond3A_240 = arith.constant 0 : i32
          %cond3A_241 = arith.cmpi ne, %convert_element_type3A_239, %cond3A_240 : i32
          scf.if %cond3A_241 {
            %sub3A_254 = arith.constant 2 : i32
            %sub3A_255 = arith.subi %add3A_193, %sub3A_254 : i32
            %dma_wait3A_256 = arith.constant 0 : i32
            %dma_wait3A_257 = tpu.memref_slice %arg8[%sub3A_255, %dma_wait3A_256] : memref<250x80xi32, #tpu.memory_space<vmem>> -> memref<1x80xi32, #tpu.memory_space<vmem>>
            %dma_wait3A_258 = tpu.memref_squeeze %dma_wait3A_257 : memref<1x80xi32, #tpu.memory_space<vmem>> -> memref<80xi32, #tpu.memory_space<vmem>>
            %dma_wait3A_259 = arith.constant 0 : i32
            %dma_wait3A_260 = arith.constant 0 : i32
            %dma_wait3A_261 = tpu.memref_slice %arg14[%dma_wait3A_259, %dma_wait3A_260] : memref<10008x64xf32, #tpu.memory_space<vmem_shared>> -> memref<10008x64xf32, #tpu.memory_space<vmem_shared>>
            tpu.wait_indirect_dma semaphore(%arg20 : memref<!tpu.dma_semaphore, #tpu.memory_space<semaphore_mem>>) src(%arg10 : memref<80x64xf32, #tpu.memory_space<vmem>>) dst(%dma_wait3A_261 : memref<10008x64xf32, #tpu.memory_space<vmem_shared>>)
            %sub3A_262 = arith.constant 2 : i32
            %sub3A_263 = arith.subi %add3A_193, %sub3A_262 : i32
            %jit3A_264 = arith.constant 2 : i32
            %eq3A_265 = arith.constant 0 : i32
            %eq3A_266 = arith.cmpi eq, %jit3A_264, %eq3A_265 : i32
            %jit3A_267 = arith.constant 1 : i32
            %select_n3A_268 = arith.select %eq3A_266, %jit3A_267, %jit3A_264 : i32
            %rem3A_269 = arith.remsi %sub3A_263, %select_n3A_268 : i32
            %ne3A_270 = arith.constant 0 : i32
            %ne3A_271 = arith.cmpi ne, %rem3A_269, %ne3A_270 : i32
            %lt3A_272 = arith.constant 0 : i32
            %lt3A_273 = arith.cmpi slt, %rem3A_269, %lt3A_272 : i32
            %lt3A_274 = arith.constant 0 : i32
            %lt3A_275 = arith.cmpi slt, %select_n3A_268, %lt3A_274 : i32
            %ne3A_276 = arith.xori %lt3A_273, %lt3A_275 : i1
            %and3A_277 = arith.andi %ne3A_276, %ne3A_271 : i1
            %add3A_278 = arith.addi %rem3A_269, %select_n3A_268 : i32
            %select_n3A_279 = arith.select %and3A_277, %add3A_278, %rem3A_269 : i32
            %eq3A_280 = arith.cmpi eq, %select_n3A_279, %arg0 : i32
            %convert_element_type3A_281 = arith.extui %eq3A_280 : i1 to i32
            %cond3A_282 = arith.constant 0 : i32
            %cond3A_283 = arith.cmpi ne, %convert_element_type3A_281, %cond3A_282 : i32
            scf.if %cond3A_283 {
              %sub3A_284 = arith.constant 2 : i32
              %sub3A_285 = arith.subi %add3A_193, %sub3A_284 : i32
              %dma_wait3A_286 = arith.constant 0 : i32
              %dma_wait3A_287 = tpu.memref_slice %arg8[%sub3A_285, %dma_wait3A_286] : memref<250x80xi32, #tpu.memory_space<vmem>> -> memref<1x80xi32, #tpu.memory_space<vmem>>
              %dma_wait3A_288 = tpu.memref_squeeze %dma_wait3A_287 : memref<1x80xi32, #tpu.memory_space<vmem>> -> memref<80xi32, #tpu.memory_space<vmem>>
              %dma_wait3A_289 = arith.constant 0 : i32
              %dma_wait3A_290 = arith.constant 0 : i32
              %dma_wait3A_291 = tpu.memref_slice %arg25[%dma_wait3A_289, %dma_wait3A_290] : memref<10008x16xf32, #tpu.memory_space<vmem_shared>> -> memref<10008x16xf32, #tpu.memory_space<vmem_shared>>
              tpu.wait_indirect_dma semaphore(%arg20 : memref<!tpu.dma_semaphore, #tpu.memory_space<semaphore_mem>>) src(%arg23 : memref<80x16xf32, #tpu.memory_space<vmem>>) dst(%dma_wait3A_291 : memref<10008x16xf32, #tpu.memory_space<vmem_shared>>)
            } else {
            }
          } else {
          }
          %add3A_242 = arith.constant 2 : i32
          %add3A_243 = arith.addi %add3A_193, %add3A_242 : i32
          %dma_start3A_244 = arith.constant 0 : i32
          %dma_start3A_245 = tpu.memref_slice %arg7[%add3A_243, %dma_start3A_244] : memref<250x80xi32, #tpu.memory_space<vmem>> -> memref<1x80xi32, #tpu.memory_space<vmem>>
          %dma_start3A_246 = tpu.memref_squeeze %dma_start3A_245 : memref<1x80xi32, #tpu.memory_space<vmem>> -> memref<80xi32, #tpu.memory_space<vmem>>
          %dma_start3A_247 = arith.constant 0 : i32
          %dma_start3A_248 = arith.constant 0 : i32
          %dma_start3A_249 = tpu.memref_slice %arg2[%arg0, %dma_start3A_247, %dma_start3A_248] : memref<2x10000x64xf32, #tpu.memory_space<hbm>> -> memref<1x10000x64xf32, #tpu.memory_space<hbm>>
          %dma_start3A_250 = tpu.memref_squeeze %dma_start3A_249 : memref<1x10000x64xf32, #tpu.memory_space<hbm>> -> memref<10000x64xf32, #tpu.memory_space<hbm>>
          %dma_start3A_251 = arith.constant 0 : i32
          %dma_start3A_252 = arith.constant 0 : i32
          %dma_start3A_253 = tpu.memref_slice %dma_start3A_250[%dma_start3A_251, %dma_start3A_252] : memref<10000x64xf32, #tpu.memory_space<hbm>> -> memref<10000x64xf32, #tpu.memory_space<hbm>>
          tpu.enqueue_indirect_dma source(%dma_start3A_253 : memref<10000x64xf32, #tpu.memory_space<hbm>>) target(%arg10 : memref<80x64xf32, #tpu.memory_space<vmem>>) offsets(%dma_start3A_246 : memref<80xi32, #tpu.memory_space<vmem>>) semaphore(%arg16 : memref<!tpu.dma_semaphore, #tpu.memory_space<semaphore_mem>>)
        } else {
        }
      } else {
      }
    }
    %scan3A_108 = arith.constant 63 : i32
    %dma_wait3A_109 = arith.constant 246 : i32
    %dma_wait3A_110 = arith.constant 0 : i32
    %dma_wait3A_111 = tpu.memref_slice %arg8[%dma_wait3A_109, %dma_wait3A_110] : memref<250x80xi32, #tpu.memory_space<vmem>> -> memref<1x80xi32, #tpu.memory_space<vmem>>
    %dma_wait3A_112 = tpu.memref_squeeze %dma_wait3A_111 : memref<1x80xi32, #tpu.memory_space<vmem>> -> memref<80xi32, #tpu.memory_space<vmem>>
    %dma_wait3A_113 = arith.constant 0 : i32
    %dma_wait3A_114 = arith.constant 0 : i32
    %dma_wait3A_115 = tpu.memref_slice %arg14[%dma_wait3A_113, %dma_wait3A_114] : memref<10008x64xf32, #tpu.memory_space<vmem_shared>> -> memref<10008x64xf32, #tpu.memory_space<vmem_shared>>
    tpu.wait_indirect_dma semaphore(%arg21 : memref<!tpu.dma_semaphore, #tpu.memory_space<semaphore_mem>>) src(%arg11 : memref<80x64xf32, #tpu.memory_space<vmem>>) dst(%dma_wait3A_115 : memref<10008x64xf32, #tpu.memory_space<vmem_shared>>)
    %eq3A_116 = arith.constant 0 : i32
    %eq3A_117 = arith.cmpi eq, %arg0, %eq3A_116 : i32
    %convert_element_type3A_118 = arith.extui %eq3A_117 : i1 to i32
    %cond3A_119 = arith.constant 0 : i32
    %cond3A_120 = arith.cmpi ne, %convert_element_type3A_118, %cond3A_119 : i32
    scf.if %cond3A_120 {
      %dma_wait3A_168 = arith.constant 246 : i32
      %dma_wait3A_169 = arith.constant 0 : i32
      %dma_wait3A_170 = tpu.memref_slice %arg8[%dma_wait3A_168, %dma_wait3A_169] : memref<250x80xi32, #tpu.memory_space<vmem>> -> memref<1x80xi32, #tpu.memory_space<vmem>>
      %dma_wait3A_171 = tpu.memref_squeeze %dma_wait3A_170 : memref<1x80xi32, #tpu.memory_space<vmem>> -> memref<80xi32, #tpu.memory_space<vmem>>
      %dma_wait3A_172 = arith.constant 0 : i32
      %dma_wait3A_173 = arith.constant 0 : i32
      %dma_wait3A_174 = tpu.memref_slice %arg25[%dma_wait3A_172, %dma_wait3A_173] : memref<10008x16xf32, #tpu.memory_space<vmem_shared>> -> memref<10008x16xf32, #tpu.memory_space<vmem_shared>>
      tpu.wait_indirect_dma semaphore(%arg21 : memref<!tpu.dma_semaphore, #tpu.memory_space<semaphore_mem>>) src(%arg23 : memref<80x16xf32, #tpu.memory_space<vmem>>) dst(%dma_wait3A_174 : memref<10008x16xf32, #tpu.memory_space<vmem_shared>>)
    } else {
    }
    %dma_wait3A_121 = arith.constant 247 : i32
    %dma_wait3A_122 = arith.constant 0 : i32
    %dma_wait3A_123 = tpu.memref_slice %arg8[%dma_wait3A_121, %dma_wait3A_122] : memref<250x80xi32, #tpu.memory_space<vmem>> -> memref<1x80xi32, #tpu.memory_space<vmem>>
    %dma_wait3A_124 = tpu.memref_squeeze %dma_wait3A_123 : memref<1x80xi32, #tpu.memory_space<vmem>> -> memref<80xi32, #tpu.memory_space<vmem>>
    %dma_wait3A_125 = arith.constant 0 : i32
    %dma_wait3A_126 = arith.constant 0 : i32
    %dma_wait3A_127 = tpu.memref_slice %arg14[%dma_wait3A_125, %dma_wait3A_126] : memref<10008x64xf32, #tpu.memory_space<vmem_shared>> -> memref<10008x64xf32, #tpu.memory_space<vmem_shared>>
    tpu.wait_indirect_dma semaphore(%arg22 : memref<!tpu.dma_semaphore, #tpu.memory_space<semaphore_mem>>) src(%arg12 : memref<80x64xf32, #tpu.memory_space<vmem>>) dst(%dma_wait3A_127 : memref<10008x64xf32, #tpu.memory_space<vmem_shared>>)
    %eq3A_128 = arith.constant 1 : i32
    %eq3A_129 = arith.cmpi eq, %arg0, %eq3A_128 : i32
    %convert_element_type3A_130 = arith.extui %eq3A_129 : i1 to i32
    %cond3A_131 = arith.constant 0 : i32
    %cond3A_132 = arith.cmpi ne, %convert_element_type3A_130, %cond3A_131 : i32
    scf.if %cond3A_132 {
      %dma_wait3A_168 = arith.constant 247 : i32
      %dma_wait3A_169 = arith.constant 0 : i32
      %dma_wait3A_170 = tpu.memref_slice %arg8[%dma_wait3A_168, %dma_wait3A_169] : memref<250x80xi32, #tpu.memory_space<vmem>> -> memref<1x80xi32, #tpu.memory_space<vmem>>
      %dma_wait3A_171 = tpu.memref_squeeze %dma_wait3A_170 : memref<1x80xi32, #tpu.memory_space<vmem>> -> memref<80xi32, #tpu.memory_space<vmem>>
      %dma_wait3A_172 = arith.constant 0 : i32
      %dma_wait3A_173 = arith.constant 0 : i32
      %dma_wait3A_174 = tpu.memref_slice %arg25[%dma_wait3A_172, %dma_wait3A_173] : memref<10008x16xf32, #tpu.memory_space<vmem_shared>> -> memref<10008x16xf32, #tpu.memory_space<vmem_shared>>
      tpu.wait_indirect_dma semaphore(%arg22 : memref<!tpu.dma_semaphore, #tpu.memory_space<semaphore_mem>>) src(%arg23 : memref<80x16xf32, #tpu.memory_space<vmem>>) dst(%dma_wait3A_174 : memref<10008x16xf32, #tpu.memory_space<vmem_shared>>)
    } else {
    }
    %dma_wait3A_133 = arith.constant 248 : i32
    %dma_wait3A_134 = arith.constant 0 : i32
    %dma_wait3A_135 = tpu.memref_slice %arg8[%dma_wait3A_133, %dma_wait3A_134] : memref<250x80xi32, #tpu.memory_space<vmem>> -> memref<1x80xi32, #tpu.memory_space<vmem>>
    %dma_wait3A_136 = tpu.memref_squeeze %dma_wait3A_135 : memref<1x80xi32, #tpu.memory_space<vmem>> -> memref<80xi32, #tpu.memory_space<vmem>>
    %dma_wait3A_137 = arith.constant 0 : i32
    %dma_wait3A_138 = arith.constant 0 : i32
    %dma_wait3A_139 = tpu.memref_slice %arg14[%dma_wait3A_137, %dma_wait3A_138] : memref<10008x64xf32, #tpu.memory_space<vmem_shared>> -> memref<10008x64xf32, #tpu.memory_space<vmem_shared>>
    tpu.wait_indirect_dma semaphore(%arg19 : memref<!tpu.dma_semaphore, #tpu.memory_space<semaphore_mem>>) src(%arg9 : memref<80x64xf32, #tpu.memory_space<vmem>>) dst(%dma_wait3A_139 : memref<10008x64xf32, #tpu.memory_space<vmem_shared>>)
    %eq3A_140 = arith.constant 0 : i32
    %eq3A_141 = arith.cmpi eq, %arg0, %eq3A_140 : i32
    %convert_element_type3A_142 = arith.extui %eq3A_141 : i1 to i32
    %cond3A_143 = arith.constant 0 : i32
    %cond3A_144 = arith.cmpi ne, %convert_element_type3A_142, %cond3A_143 : i32
    scf.if %cond3A_144 {
      %dma_wait3A_168 = arith.constant 248 : i32
      %dma_wait3A_169 = arith.constant 0 : i32
      %dma_wait3A_170 = tpu.memref_slice %arg8[%dma_wait3A_168, %dma_wait3A_169] : memref<250x80xi32, #tpu.memory_space<vmem>> -> memref<1x80xi32, #tpu.memory_space<vmem>>
      %dma_wait3A_171 = tpu.memref_squeeze %dma_wait3A_170 : memref<1x80xi32, #tpu.memory_space<vmem>> -> memref<80xi32, #tpu.memory_space<vmem>>
      %dma_wait3A_172 = arith.constant 0 : i32
      %dma_wait3A_173 = arith.constant 0 : i32
      %dma_wait3A_174 = tpu.memref_slice %arg25[%dma_wait3A_172, %dma_wait3A_173] : memref<10008x16xf32, #tpu.memory_space<vmem_shared>> -> memref<10008x16xf32, #tpu.memory_space<vmem_shared>>
      tpu.wait_indirect_dma semaphore(%arg19 : memref<!tpu.dma_semaphore, #tpu.memory_space<semaphore_mem>>) src(%arg23 : memref<80x16xf32, #tpu.memory_space<vmem>>) dst(%dma_wait3A_174 : memref<10008x16xf32, #tpu.memory_space<vmem_shared>>)
    } else {
    }
    %dma_wait3A_145 = arith.constant 249 : i32
    %dma_wait3A_146 = arith.constant 0 : i32
    %dma_wait3A_147 = tpu.memref_slice %arg8[%dma_wait3A_145, %dma_wait3A_146] : memref<250x80xi32, #tpu.memory_space<vmem>> -> memref<1x80xi32, #tpu.memory_space<vmem>>
    %dma_wait3A_148 = tpu.memref_squeeze %dma_wait3A_147 : memref<1x80xi32, #tpu.memory_space<vmem>> -> memref<80xi32, #tpu.memory_space<vmem>>
    %dma_wait3A_149 = arith.constant 0 : i32
    %dma_wait3A_150 = arith.constant 0 : i32
    %dma_wait3A_151 = tpu.memref_slice %arg14[%dma_wait3A_149, %dma_wait3A_150] : memref<10008x64xf32, #tpu.memory_space<vmem_shared>> -> memref<10008x64xf32, #tpu.memory_space<vmem_shared>>
    tpu.wait_indirect_dma semaphore(%arg20 : memref<!tpu.dma_semaphore, #tpu.memory_space<semaphore_mem>>) src(%arg10 : memref<80x64xf32, #tpu.memory_space<vmem>>) dst(%dma_wait3A_151 : memref<10008x64xf32, #tpu.memory_space<vmem_shared>>)
    %eq3A_152 = arith.constant 1 : i32
    %eq3A_153 = arith.cmpi eq, %arg0, %eq3A_152 : i32
    %convert_element_type3A_154 = arith.extui %eq3A_153 : i1 to i32
    %cond3A_155 = arith.constant 0 : i32
    %cond3A_156 = arith.cmpi ne, %convert_element_type3A_154, %cond3A_155 : i32
    scf.if %cond3A_156 {
      %dma_wait3A_168 = arith.constant 249 : i32
      %dma_wait3A_169 = arith.constant 0 : i32
      %dma_wait3A_170 = tpu.memref_slice %arg8[%dma_wait3A_168, %dma_wait3A_169] : memref<250x80xi32, #tpu.memory_space<vmem>> -> memref<1x80xi32, #tpu.memory_space<vmem>>
      %dma_wait3A_171 = tpu.memref_squeeze %dma_wait3A_170 : memref<1x80xi32, #tpu.memory_space<vmem>> -> memref<80xi32, #tpu.memory_space<vmem>>
      %dma_wait3A_172 = arith.constant 0 : i32
      %dma_wait3A_173 = arith.constant 0 : i32
      %dma_wait3A_174 = tpu.memref_slice %arg25[%dma_wait3A_172, %dma_wait3A_173] : memref<10008x16xf32, #tpu.memory_space<vmem_shared>> -> memref<10008x16xf32, #tpu.memory_space<vmem_shared>>
      tpu.wait_indirect_dma semaphore(%arg20 : memref<!tpu.dma_semaphore, #tpu.memory_space<semaphore_mem>>) src(%arg23 : memref<80x16xf32, #tpu.memory_space<vmem>>) dst(%dma_wait3A_174 : memref<10008x16xf32, #tpu.memory_space<vmem_shared>>)
    } else {
    }
    %barrier3A_157 = arith.constant 0 : index
    tpu.barrier barrier_id(%barrier3A_157)
    "tpu.region"() ({
      %run_scoped3A = tpu.sem_alloc : memref<!tpu.dma_semaphore, #tpu.memory_space<semaphore_mem>>
      %dma_start3A_168 = arith.constant 0 : i32
      %dma_start3A_169 = arith.constant 0 : i32
      %dma_start3A_170 = tpu.memref_slice %arg5[%arg0, %dma_start3A_168, %dma_start3A_169] : memref<2x10000x64xf32, #tpu.memory_space<hbm>> -> memref<1x10000x64xf32, #tpu.memory_space<hbm>>
      %dma_start3A_171 = tpu.memref_squeeze %dma_start3A_170 : memref<1x10000x64xf32, #tpu.memory_space<hbm>> -> memref<10000x64xf32, #tpu.memory_space<hbm>>
      %dma_start3A_172 = arith.constant 0 : i32
      %dma_start3A_173 = tpu.memref_slice %dma_start3A_171[%mul3A_0, %dma_start3A_172] : memref<10000x64xf32, #tpu.memory_space<hbm>> -> memref<624x64xf32, #tpu.memory_space<hbm>>
      %dma_start3A_174 = arith.constant 0 : i32
      %dma_start3A_175 = tpu.memref_slice %arg14[%mul3A_0, %dma_start3A_174] : memref<10008x64xf32, #tpu.memory_space<vmem_shared>> -> memref<624x64xf32, #tpu.memory_space<vmem_shared>>
      tpu.enqueue_dma source(%dma_start3A_175 : memref<624x64xf32, #tpu.memory_space<vmem_shared>>) target(%dma_start3A_173 : memref<624x64xf32, #tpu.memory_space<hbm>>) target_semaphore(%run_scoped3A : memref<!tpu.dma_semaphore, #tpu.memory_space<semaphore_mem>>)
      %dma_wait3A_176 = arith.constant 0 : i32
      %dma_wait3A_177 = arith.constant 0 : i32
      %dma_wait3A_178 = tpu.memref_slice %arg5[%arg0, %dma_wait3A_176, %dma_wait3A_177] : memref<2x10000x64xf32, #tpu.memory_space<hbm>> -> memref<1x10000x64xf32, #tpu.memory_space<hbm>>
      %dma_wait3A_179 = tpu.memref_squeeze %dma_wait3A_178 : memref<1x10000x64xf32, #tpu.memory_space<hbm>> -> memref<10000x64xf32, #tpu.memory_space<hbm>>
      %dma_wait3A_180 = arith.constant 0 : i32
      %dma_wait3A_181 = tpu.memref_slice %dma_wait3A_179[%mul3A_0, %dma_wait3A_180] : memref<10000x64xf32, #tpu.memory_space<hbm>> -> memref<624x64xf32, #tpu.memory_space<hbm>>
      %dma_wait3A_182 = arith.constant 0 : i32
      %dma_wait3A_183 = tpu.memref_slice %arg14[%mul3A_0, %dma_wait3A_182] : memref<10008x64xf32, #tpu.memory_space<vmem_shared>> -> memref<624x64xf32, #tpu.memory_space<vmem_shared>>
      tpu.wait_dma2 semaphore(%run_scoped3A : memref<!tpu.dma_semaphore, #tpu.memory_space<semaphore_mem>>) src(%dma_wait3A_183 : memref<624x64xf32, #tpu.memory_space<vmem_shared>>) dst(%dma_wait3A_181 : memref<624x64xf32, #tpu.memory_space<hbm>>)
      tpu.yield
    }) : () -> ()
    %eq3A_158 = arith.constant 0 : i32
    %eq3A_159 = arith.cmpi eq, %arg1, %eq3A_158 : i32
    %convert_element_type3A_160 = arith.extui %eq3A_159 : i1 to i32
    %cond3A_161 = arith.constant 0 : i32
    %cond3A_162 = arith.cmpi ne, %convert_element_type3A_160, %cond3A_161 : i32
    scf.if %cond3A_162 {
      "tpu.region"() ({
        %run_scoped3A = tpu.sem_alloc : memref<!tpu.dma_semaphore, #tpu.memory_space<semaphore_mem>>
        %dma_start3A_168 = arith.constant 0 : i32
        %dma_start3A_169 = arith.constant 0 : i32
        %dma_start3A_170 = tpu.memref_slice %arg5[%arg0, %dma_start3A_168, %dma_start3A_169] : memref<2x10000x64xf32, #tpu.memory_space<hbm>> -> memref<1x10000x64xf32, #tpu.memory_space<hbm>>
        %dma_start3A_171 = tpu.memref_squeeze %dma_start3A_170 : memref<1x10000x64xf32, #tpu.memory_space<hbm>> -> memref<10000x64xf32, #tpu.memory_space<hbm>>
        %dma_start3A_172 = arith.constant 9984 : i32
        %dma_start3A_173 = arith.constant 0 : i32
        %dma_start3A_174 = tpu.memref_slice %dma_start3A_171[%dma_start3A_172, %dma_start3A_173] : memref<10000x64xf32, #tpu.memory_space<hbm>> -> memref<16x64xf32, #tpu.memory_space<hbm>>
        %dma_start3A_175 = arith.constant 9984 : i32
        %dma_start3A_176 = arith.constant 0 : i32
        %dma_start3A_177 = tpu.memref_slice %arg14[%dma_start3A_175, %dma_start3A_176] : memref<10008x64xf32, #tpu.memory_space<vmem_shared>> -> memref<16x64xf32, #tpu.memory_space<vmem_shared>>
        tpu.enqueue_dma source(%dma_start3A_177 : memref<16x64xf32, #tpu.memory_space<vmem_shared>>) target(%dma_start3A_174 : memref<16x64xf32, #tpu.memory_space<hbm>>) target_semaphore(%run_scoped3A : memref<!tpu.dma_semaphore, #tpu.memory_space<semaphore_mem>>)
        %dma_wait3A_178 = arith.constant 0 : i32
        %dma_wait3A_179 = arith.constant 0 : i32
        %dma_wait3A_180 = tpu.memref_slice %arg5[%arg0, %dma_wait3A_178, %dma_wait3A_179] : memref<2x10000x64xf32, #tpu.memory_space<hbm>> -> memref<1x10000x64xf32, #tpu.memory_space<hbm>>
        %dma_wait3A_181 = tpu.memref_squeeze %dma_wait3A_180 : memref<1x10000x64xf32, #tpu.memory_space<hbm>> -> memref<10000x64xf32, #tpu.memory_space<hbm>>
        %dma_wait3A_182 = arith.constant 9984 : i32
        %dma_wait3A_183 = arith.constant 0 : i32
        %dma_wait3A_184 = tpu.memref_slice %dma_wait3A_181[%dma_wait3A_182, %dma_wait3A_183] : memref<10000x64xf32, #tpu.memory_space<hbm>> -> memref<16x64xf32, #tpu.memory_space<hbm>>
        %dma_wait3A_185 = arith.constant 9984 : i32
        %dma_wait3A_186 = arith.constant 0 : i32
        %dma_wait3A_187 = tpu.memref_slice %arg14[%dma_wait3A_185, %dma_wait3A_186] : memref<10008x64xf32, #tpu.memory_space<vmem_shared>> -> memref<16x64xf32, #tpu.memory_space<vmem_shared>>
        tpu.wait_dma2 semaphore(%run_scoped3A : memref<!tpu.dma_semaphore, #tpu.memory_space<semaphore_mem>>) src(%dma_wait3A_187 : memref<16x64xf32, #tpu.memory_space<vmem_shared>>) dst(%dma_wait3A_184 : memref<16x64xf32, #tpu.memory_space<hbm>>)
        tpu.yield
      }) : () -> ()
    } else {
    }
    "tpu.region"() ({
      %run_scoped3A = tpu.sem_alloc : memref<!tpu.dma_semaphore, #tpu.memory_space<semaphore_mem>>
      %dma_start3A_168 = arith.constant 0 : i32
      %dma_start3A_169 = arith.constant 0 : i32
      %dma_start3A_170 = tpu.memref_slice %arg6[%arg0, %dma_start3A_168, %dma_start3A_169] : memref<2x10000x16xf32, #tpu.memory_space<hbm>> -> memref<1x10000x16xf32, #tpu.memory_space<hbm>>
      %dma_start3A_171 = tpu.memref_squeeze %dma_start3A_170 : memref<1x10000x16xf32, #tpu.memory_space<hbm>> -> memref<10000x16xf32, #tpu.memory_space<hbm>>
      %dma_start3A_172 = arith.constant 0 : i32
      %dma_start3A_173 = tpu.memref_slice %dma_start3A_171[%mul3A_0, %dma_start3A_172] : memref<10000x16xf32, #tpu.memory_space<hbm>> -> memref<624x16xf32, #tpu.memory_space<hbm>>
      %dma_start3A_174 = arith.constant 0 : i32
      %dma_start3A_175 = tpu.memref_slice %arg25[%mul3A_0, %dma_start3A_174] : memref<10008x16xf32, #tpu.memory_space<vmem_shared>> -> memref<624x16xf32, #tpu.memory_space<vmem_shared>>
      tpu.enqueue_dma source(%dma_start3A_175 : memref<624x16xf32, #tpu.memory_space<vmem_shared>>) target(%dma_start3A_173 : memref<624x16xf32, #tpu.memory_space<hbm>>) target_semaphore(%run_scoped3A : memref<!tpu.dma_semaphore, #tpu.memory_space<semaphore_mem>>)
      %dma_wait3A_176 = arith.constant 0 : i32
      %dma_wait3A_177 = arith.constant 0 : i32
      %dma_wait3A_178 = tpu.memref_slice %arg6[%arg0, %dma_wait3A_176, %dma_wait3A_177] : memref<2x10000x16xf32, #tpu.memory_space<hbm>> -> memref<1x10000x16xf32, #tpu.memory_space<hbm>>
      %dma_wait3A_179 = tpu.memref_squeeze %dma_wait3A_178 : memref<1x10000x16xf32, #tpu.memory_space<hbm>> -> memref<10000x16xf32, #tpu.memory_space<hbm>>
      %dma_wait3A_180 = arith.constant 0 : i32
      %dma_wait3A_181 = tpu.memref_slice %dma_wait3A_179[%mul3A_0, %dma_wait3A_180] : memref<10000x16xf32, #tpu.memory_space<hbm>> -> memref<624x16xf32, #tpu.memory_space<hbm>>
      %dma_wait3A_182 = arith.constant 0 : i32
      %dma_wait3A_183 = tpu.memref_slice %arg25[%mul3A_0, %dma_wait3A_182] : memref<10008x16xf32, #tpu.memory_space<vmem_shared>> -> memref<624x16xf32, #tpu.memory_space<vmem_shared>>
      tpu.wait_dma2 semaphore(%run_scoped3A : memref<!tpu.dma_semaphore, #tpu.memory_space<semaphore_mem>>) src(%dma_wait3A_183 : memref<624x16xf32, #tpu.memory_space<vmem_shared>>) dst(%dma_wait3A_181 : memref<624x16xf32, #tpu.memory_space<hbm>>)
      tpu.yield
    }) : () -> ()
    %eq3A_163 = arith.constant 0 : i32
    %eq3A_164 = arith.cmpi eq, %arg1, %eq3A_163 : i32
    %convert_element_type3A_165 = arith.extui %eq3A_164 : i1 to i32
    %cond3A_166 = arith.constant 0 : i32
    %cond3A_167 = arith.cmpi ne, %convert_element_type3A_165, %cond3A_166 : i32
    scf.if %cond3A_167 {
      "tpu.region"() ({
        %run_scoped3A = tpu.sem_alloc : memref<!tpu.dma_semaphore, #tpu.memory_space<semaphore_mem>>
        %dma_start3A_168 = arith.constant 0 : i32
        %dma_start3A_169 = arith.constant 0 : i32
        %dma_start3A_170 = tpu.memref_slice %arg6[%arg0, %dma_start3A_168, %dma_start3A_169] : memref<2x10000x16xf32, #tpu.memory_space<hbm>> -> memref<1x10000x16xf32, #tpu.memory_space<hbm>>
        %dma_start3A_171 = tpu.memref_squeeze %dma_start3A_170 : memref<1x10000x16xf32, #tpu.memory_space<hbm>> -> memref<10000x16xf32, #tpu.memory_space<hbm>>
        %dma_start3A_172 = arith.constant 9984 : i32
        %dma_start3A_173 = arith.constant 0 : i32
        %dma_start3A_174 = tpu.memref_slice %dma_start3A_171[%dma_start3A_172, %dma_start3A_173] : memref<10000x16xf32, #tpu.memory_space<hbm>> -> memref<16x16xf32, #tpu.memory_space<hbm>>
        %dma_start3A_175 = arith.constant 9984 : i32
        %dma_start3A_176 = arith.constant 0 : i32
        %dma_start3A_177 = tpu.memref_slice %arg25[%dma_start3A_175, %dma_start3A_176] : memref<10008x16xf32, #tpu.memory_space<vmem_shared>> -> memref<16x16xf32, #tpu.memory_space<vmem_shared>>
        tpu.enqueue_dma source(%dma_start3A_177 : memref<16x16xf32, #tpu.memory_space<vmem_shared>>) target(%dma_start3A_174 : memref<16x16xf32, #tpu.memory_space<hbm>>) target_semaphore(%run_scoped3A : memref<!tpu.dma_semaphore, #tpu.memory_space<semaphore_mem>>)
        %dma_wait3A_178 = arith.constant 0 : i32
        %dma_wait3A_179 = arith.constant 0 : i32
        %dma_wait3A_180 = tpu.memref_slice %arg6[%arg0, %dma_wait3A_178, %dma_wait3A_179] : memref<2x10000x16xf32, #tpu.memory_space<hbm>> -> memref<1x10000x16xf32, #tpu.memory_space<hbm>>
        %dma_wait3A_181 = tpu.memref_squeeze %dma_wait3A_180 : memref<1x10000x16xf32, #tpu.memory_space<hbm>> -> memref<10000x16xf32, #tpu.memory_space<hbm>>
        %dma_wait3A_182 = arith.constant 9984 : i32
        %dma_wait3A_183 = arith.constant 0 : i32
        %dma_wait3A_184 = tpu.memref_slice %dma_wait3A_181[%dma_wait3A_182, %dma_wait3A_183] : memref<10000x16xf32, #tpu.memory_space<hbm>> -> memref<16x16xf32, #tpu.memory_space<hbm>>
        %dma_wait3A_185 = arith.constant 9984 : i32
        %dma_wait3A_186 = arith.constant 0 : i32
        %dma_wait3A_187 = tpu.memref_slice %arg25[%dma_wait3A_185, %dma_wait3A_186] : memref<10008x16xf32, #tpu.memory_space<vmem_shared>> -> memref<16x16xf32, #tpu.memory_space<vmem_shared>>
        tpu.wait_dma2 semaphore(%run_scoped3A : memref<!tpu.dma_semaphore, #tpu.memory_space<semaphore_mem>>) src(%dma_wait3A_187 : memref<16x16xf32, #tpu.memory_space<vmem_shared>>) dst(%dma_wait3A_184 : memref<16x16xf32, #tpu.memory_space<hbm>>)
        tpu.yield
      }) : () -> ()
    } else {
    }
    return
  }
}

#map = affine_map<(d0, d1) -> (0, 0, 0)>
module attributes {stable_mosaic.version = 14 : i64} {
  func.func @body(%arg0: i32, %arg1: i32, %arg2: memref<2x10000x64xf32, #tpu.memory_space<hbm>>, %arg3: memref<16x250x80xi32, #tpu.memory_space<hbm>>, %arg4: memref<16x250x80xi32, #tpu.memory_space<hbm>>, %arg5: memref<2x10000x64xf32, #tpu.memory_space<hbm>>, %arg6: memref<250x80xi32, #tpu.memory_space<vmem>>, %arg7: memref<250x80xi32, #tpu.memory_space<vmem>>, %arg8: memref<80x64xf32, #tpu.memory_space<vmem>>, %arg9: memref<80x64xf32, #tpu.memory_space<vmem>>, %arg10: memref<80x64xf32, #tpu.memory_space<vmem>>, %arg11: memref<80x64xf32, #tpu.memory_space<vmem>>, %arg12: memref<80x64xf32, #tpu.memory_space<vmem>>, %arg13: memref<80x64xf32, #tpu.memory_space<vmem>>, %arg14: memref<24x64xf32, #tpu.memory_space<vmem>>, %arg15: memref<10008x64xf32, #tpu.memory_space<vmem_shared>>, %arg16: memref<!tpu.dma_semaphore, #tpu.memory_space<semaphore_mem>>, %arg17: memref<!tpu.dma_semaphore, #tpu.memory_space<semaphore_mem>>, %arg18: memref<!tpu.dma_semaphore, #tpu.memory_space<semaphore_mem>>, %arg19: memref<!tpu.dma_semaphore, #tpu.memory_space<semaphore_mem>>, %arg20: memref<!tpu.dma_semaphore, #tpu.memory_space<semaphore_mem>>, %arg21: memref<!tpu.dma_semaphore, #tpu.memory_space<semaphore_mem>>, %arg22: memref<!tpu.dma_semaphore, #tpu.memory_space<semaphore_mem>>, %arg23: memref<!tpu.dma_semaphore, #tpu.memory_space<semaphore_mem>>, %arg24: memref<!tpu.dma_semaphore, #tpu.memory_space<semaphore_mem>>, %arg25: memref<!tpu.dma_semaphore, #tpu.memory_space<semaphore_mem>>, %arg26: memref<!tpu.dma_semaphore, #tpu.memory_space<semaphore_mem>>, %arg27: memref<!tpu.dma_semaphore, #tpu.memory_space<semaphore_mem>>) attributes {dimension_semantics = [#tpu.dimension_semantics<core_parallel>, #tpu.dimension_semantics<subcore_parallel>], iteration_bounds = array<i64: 2, 16>, scalar_prefetch = 0 : i64, scratch_operands = 22 : i64, tpu.core_type = #tpu.core_type<sc_vector_subcore>, window_params = [{transform_indices = #map}, {transform_indices = #map}, {transform_indices = #map}, {transform_indices = #map}]} {
    %mul3A = arith.constant 624 : i32
    %mul3A_0 = arith.muli %arg1, %mul3A : i32
    %dma_start3A = arith.constant 0 : i32
    %dma_start3A_1 = arith.constant 0 : i32
    %dma_start3A_2 = tpu.memref_slice %arg3[%arg1, %dma_start3A, %dma_start3A_1] : memref<16x250x80xi32, #tpu.memory_space<hbm>> -> memref<1x250x80xi32, #tpu.memory_space<hbm>>
    %dma_start3A_3 = tpu.memref_squeeze %dma_start3A_2 : memref<1x250x80xi32, #tpu.memory_space<hbm>> -> memref<250x80xi32, #tpu.memory_space<hbm>>
    %dma_start3A_4 = arith.constant 0 : i32
    %dma_start3A_5 = arith.constant 0 : i32
    %dma_start3A_6 = tpu.memref_slice %arg3[%arg1, %dma_start3A_4, %dma_start3A_5] : memref<16x250x80xi32, #tpu.memory_space<hbm>> -> memref<1x250x80xi32, #tpu.memory_space<hbm>>
    %dma_start3A_7 = tpu.memref_squeeze %dma_start3A_6 : memref<1x250x80xi32, #tpu.memory_space<hbm>> -> memref<250x80xi32, #tpu.memory_space<hbm>>
    tpu.enqueue_dma source(%dma_start3A_7 : memref<250x80xi32, #tpu.memory_space<hbm>>) target(%arg6 : memref<250x80xi32, #tpu.memory_space<vmem>>) target_semaphore(%arg16 : memref<!tpu.dma_semaphore, #tpu.memory_space<semaphore_mem>>)
    %dma_start3A_8 = arith.constant 0 : i32
    %dma_start3A_9 = arith.constant 0 : i32
    %dma_start3A_10 = tpu.memref_slice %arg4[%arg1, %dma_start3A_8, %dma_start3A_9] : memref<16x250x80xi32, #tpu.memory_space<hbm>> -> memref<1x250x80xi32, #tpu.memory_space<hbm>>
    %dma_start3A_11 = tpu.memref_squeeze %dma_start3A_10 : memref<1x250x80xi32, #tpu.memory_space<hbm>> -> memref<250x80xi32, #tpu.memory_space<hbm>>
    %dma_start3A_12 = arith.constant 0 : i32
    %dma_start3A_13 = arith.constant 0 : i32
    %dma_start3A_14 = tpu.memref_slice %arg4[%arg1, %dma_start3A_12, %dma_start3A_13] : memref<16x250x80xi32, #tpu.memory_space<hbm>> -> memref<1x250x80xi32, #tpu.memory_space<hbm>>
    %dma_start3A_15 = tpu.memref_squeeze %dma_start3A_14 : memref<1x250x80xi32, #tpu.memory_space<hbm>> -> memref<250x80xi32, #tpu.memory_space<hbm>>
    tpu.enqueue_dma source(%dma_start3A_15 : memref<250x80xi32, #tpu.memory_space<hbm>>) target(%arg7 : memref<250x80xi32, #tpu.memory_space<vmem>>) target_semaphore(%arg17 : memref<!tpu.dma_semaphore, #tpu.memory_space<semaphore_mem>>)
    %scan3A = arith.constant 0 : i32
    %scan3A_16 = arith.constant 24 : i32
    %scan3A_17 = arith.addi %scan3A, %scan3A_16 : i32
    %scan3A_18 = arith.constant 1 : i32
    scf.for %scan3A_138 = %scan3A to %scan3A_17 step %scan3A_18  : i32 {
      %mul3A_139 = arith.constant 1 : i32
      %mul3A_140 = arith.muli %scan3A_138, %mul3A_139 : i32
      %add3A = arith.constant 0 : i32
      %add3A_141 = arith.addi %add3A, %mul3A_140 : i32
      %scan3A_142 = arith.constant 0 : i32
      %scan3A_143 = arith.constant 4 : i32
      %scan3A_144 = arith.addi %scan3A_142, %scan3A_143 : i32
      %scan3A_145 = arith.constant 1 : i32
      scf.for %scan3A_147 = %scan3A_142 to %scan3A_144 step %scan3A_145  : i32 {
        %mul3A_148 = arith.constant 16 : i32
        %mul3A_149 = arith.muli %scan3A_147, %mul3A_148 : i32
        %add3A_150 = arith.constant 0 : i32
        %add3A_151 = arith.addi %add3A_150, %mul3A_149 : i32
        %broadcast_in_dim3A = arith.constant 0.000000e+00 : f32
        %broadcast_in_dim3A_152 = vector.broadcast %broadcast_in_dim3A : f32 to vector<1x16xf32>
        %swap3A = arith.index_cast %add3A_141 : i32 to index
        %swap3A_153 = arith.index_cast %add3A_151 : i32 to index
        %swap3A_154 = tpu.vector_load %arg14[%swap3A, %swap3A_153] {strides = array<i32>} : memref<24x64xf32, #tpu.memory_space<vmem>>, vector<1x16xf32>,
        %swap3A_155 = vector.shape_cast %swap3A_154 : vector<1x16xf32> to vector<1x16xf32>
        %swap3A_156 = vector.shape_cast %broadcast_in_dim3A_152 : vector<1x16xf32> to vector<1x16xf32>
        tpu.vector_store %arg14[%swap3A, %swap3A_153], %swap3A_156 {strides = array<i32>} : memref<24x64xf32, #tpu.memory_space<vmem>>, vector<1x16xf32>,
      }
      %scan3A_146 = arith.constant 4 : i32
    }
    %scan3A_19 = arith.constant 24 : i32
    %scan3A_20 = arith.constant 0 : i32
    %scan3A_21 = arith.constant 26 : i32
    %scan3A_22 = arith.addi %scan3A_20, %scan3A_21 : i32
    %scan3A_23 = arith.constant 1 : i32
    scf.for %scan3A_138 = %scan3A_20 to %scan3A_22 step %scan3A_23  : i32 {
      %mul3A_139 = arith.constant 1 : i32
      %mul3A_140 = arith.muli %scan3A_138, %mul3A_139 : i32
      %add3A = arith.constant 0 : i32
      %add3A_141 = arith.addi %add3A, %mul3A_140 : i32
      %mul3A_142 = arith.constant 24 : i32
      %mul3A_143 = arith.muli %add3A_141, %mul3A_142 : i32
      %add3A_144 = arith.addi %mul3A_0, %mul3A_143 : i32
      %dma_start3A_145 = arith.constant 0 : i32
      %dma_start3A_146 = tpu.memref_slice %arg15[%add3A_144, %dma_start3A_145] : memref<10008x64xf32, #tpu.memory_space<vmem_shared>> -> memref<24x64xf32, #tpu.memory_space<vmem_shared>>
      %dma_start3A_147 = arith.constant 0 : i32
      %dma_start3A_148 = tpu.memref_slice %arg15[%add3A_144, %dma_start3A_147] : memref<10008x64xf32, #tpu.memory_space<vmem_shared>> -> memref<24x64xf32, #tpu.memory_space<vmem_shared>>
      tpu.enqueue_dma source(%arg14 : memref<24x64xf32, #tpu.memory_space<vmem>>) target(%dma_start3A_148 : memref<24x64xf32, #tpu.memory_space<vmem_shared>>) target_semaphore(%arg22 : memref<!tpu.dma_semaphore, #tpu.memory_space<semaphore_mem>>)
    }
    %scan3A_24 = arith.constant 26 : i32
    %eq3A = arith.constant 0 : i32
    %eq3A_25 = arith.cmpi eq, %arg1, %eq3A : i32
    %convert_element_type3A = arith.extui %eq3A_25 : i1 to i32
    %cond3A = arith.constant 0 : i32
    %cond3A_26 = arith.cmpi ne, %convert_element_type3A, %cond3A : i32
    scf.if %cond3A_26 {
      %dma_start3A_138 = arith.constant 0 : i32
      %dma_start3A_139 = arith.constant 0 : i32
      %dma_start3A_140 = tpu.memref_slice %arg14[%dma_start3A_138, %dma_start3A_139] : memref<24x64xf32, #tpu.memory_space<vmem>> -> memref<24x64xf32, #tpu.memory_space<vmem>>
      %dma_start3A_141 = arith.constant 9984 : i32
      %dma_start3A_142 = arith.constant 0 : i32
      %dma_start3A_143 = tpu.memref_slice %arg15[%dma_start3A_141, %dma_start3A_142] : memref<10008x64xf32, #tpu.memory_space<vmem_shared>> -> memref<24x64xf32, #tpu.memory_space<vmem_shared>>
      %dma_start3A_144 = arith.constant 9984 : i32
      %dma_start3A_145 = arith.constant 0 : i32
      %dma_start3A_146 = tpu.memref_slice %arg15[%dma_start3A_144, %dma_start3A_145] : memref<10008x64xf32, #tpu.memory_space<vmem_shared>> -> memref<24x64xf32, #tpu.memory_space<vmem_shared>>
      %dma_start3A_147 = arith.constant 0 : i32
      %dma_start3A_148 = arith.constant 0 : i32
      %dma_start3A_149 = tpu.memref_slice %arg14[%dma_start3A_147, %dma_start3A_148] : memref<24x64xf32, #tpu.memory_space<vmem>> -> memref<24x64xf32, #tpu.memory_space<vmem>>
      tpu.enqueue_dma source(%dma_start3A_149 : memref<24x64xf32, #tpu.memory_space<vmem>>) target(%dma_start3A_146 : memref<24x64xf32, #tpu.memory_space<vmem_shared>>) target_semaphore(%arg22 : memref<!tpu.dma_semaphore, #tpu.memory_space<semaphore_mem>>)
    } else {
    }
    %dma_wait3A = arith.constant 0 : i32
    %dma_wait3A_27 = arith.constant 0 : i32
    %dma_wait3A_28 = tpu.memref_slice %arg3[%arg1, %dma_wait3A, %dma_wait3A_27] : memref<16x250x80xi32, #tpu.memory_space<hbm>> -> memref<1x250x80xi32, #tpu.memory_space<hbm>>
    %dma_wait3A_29 = tpu.memref_squeeze %dma_wait3A_28 : memref<1x250x80xi32, #tpu.memory_space<hbm>> -> memref<250x80xi32, #tpu.memory_space<hbm>>
    %dma_wait3A_30 = arith.constant 0 : i32
    %dma_wait3A_31 = arith.constant 0 : i32
    %dma_wait3A_32 = tpu.memref_slice %arg3[%arg1, %dma_wait3A_30, %dma_wait3A_31] : memref<16x250x80xi32, #tpu.memory_space<hbm>> -> memref<1x250x80xi32, #tpu.memory_space<hbm>>
    %dma_wait3A_33 = tpu.memref_squeeze %dma_wait3A_32 : memref<1x250x80xi32, #tpu.memory_space<hbm>> -> memref<250x80xi32, #tpu.memory_space<hbm>>
    tpu.wait_dma2 semaphore(%arg16 : memref<!tpu.dma_semaphore, #tpu.memory_space<semaphore_mem>>) src(%dma_wait3A_33 : memref<250x80xi32, #tpu.memory_space<hbm>>) dst(%arg6 : memref<250x80xi32, #tpu.memory_space<vmem>>)
    %dma_wait3A_34 = arith.constant 0 : i32
    %dma_wait3A_35 = arith.constant 0 : i32
    %dma_wait3A_36 = tpu.memref_slice %arg4[%arg1, %dma_wait3A_34, %dma_wait3A_35] : memref<16x250x80xi32, #tpu.memory_space<hbm>> -> memref<1x250x80xi32, #tpu.memory_space<hbm>>
    %dma_wait3A_37 = tpu.memref_squeeze %dma_wait3A_36 : memref<1x250x80xi32, #tpu.memory_space<hbm>> -> memref<250x80xi32, #tpu.memory_space<hbm>>
    %dma_wait3A_38 = arith.constant 0 : i32
    %dma_wait3A_39 = arith.constant 0 : i32
    %dma_wait3A_40 = tpu.memref_slice %arg4[%arg1, %dma_wait3A_38, %dma_wait3A_39] : memref<16x250x80xi32, #tpu.memory_space<hbm>> -> memref<1x250x80xi32, #tpu.memory_space<hbm>>
    %dma_wait3A_41 = tpu.memref_squeeze %dma_wait3A_40 : memref<1x250x80xi32, #tpu.memory_space<hbm>> -> memref<250x80xi32, #tpu.memory_space<hbm>>
    tpu.wait_dma2 semaphore(%arg17 : memref<!tpu.dma_semaphore, #tpu.memory_space<semaphore_mem>>) src(%dma_wait3A_41 : memref<250x80xi32, #tpu.memory_space<hbm>>) dst(%arg7 : memref<250x80xi32, #tpu.memory_space<vmem>>)
    %scan3A_42 = arith.constant 0 : i32
    %scan3A_43 = arith.constant 26 : i32
    %scan3A_44 = arith.addi %scan3A_42, %scan3A_43 : i32
    %scan3A_45 = arith.constant 1 : i32
    scf.for %scan3A_138 = %scan3A_42 to %scan3A_44 step %scan3A_45  : i32 {
      %mul3A_139 = arith.constant 1 : i32
      %mul3A_140 = arith.muli %scan3A_138, %mul3A_139 : i32
      %add3A = arith.constant 0 : i32
      %add3A_141 = arith.addi %add3A, %mul3A_140 : i32
      %mul3A_142 = arith.constant 24 : i32
      %mul3A_143 = arith.muli %add3A_141, %mul3A_142 : i32
      %add3A_144 = arith.addi %mul3A_0, %mul3A_143 : i32
      %dma_wait3A_145 = arith.constant 0 : i32
      %dma_wait3A_146 = tpu.memref_slice %arg15[%add3A_144, %dma_wait3A_145] : memref<10008x64xf32, #tpu.memory_space<vmem_shared>> -> memref<24x64xf32, #tpu.memory_space<vmem_shared>>
      %dma_wait3A_147 = arith.constant 0 : i32
      %dma_wait3A_148 = tpu.memref_slice %arg15[%add3A_144, %dma_wait3A_147] : memref<10008x64xf32, #tpu.memory_space<vmem_shared>> -> memref<24x64xf32, #tpu.memory_space<vmem_shared>>
      tpu.wait_dma2 semaphore(%arg22 : memref<!tpu.dma_semaphore, #tpu.memory_space<semaphore_mem>>) src(%arg14 : memref<24x64xf32, #tpu.memory_space<vmem>>) dst(%dma_wait3A_148 : memref<24x64xf32, #tpu.memory_space<vmem_shared>>)
    }
    %scan3A_46 = arith.constant 26 : i32
    %eq3A_47 = arith.constant 0 : i32
    %eq3A_48 = arith.cmpi eq, %arg1, %eq3A_47 : i32
    %convert_element_type3A_49 = arith.extui %eq3A_48 : i1 to i32
    %cond3A_50 = arith.constant 0 : i32
    %cond3A_51 = arith.cmpi ne, %convert_element_type3A_49, %cond3A_50 : i32
    scf.if %cond3A_51 {
      %dma_wait3A_138 = arith.constant 0 : i32
      %dma_wait3A_139 = arith.constant 0 : i32
      %dma_wait3A_140 = tpu.memref_slice %arg14[%dma_wait3A_138, %dma_wait3A_139] : memref<24x64xf32, #tpu.memory_space<vmem>> -> memref<24x64xf32, #tpu.memory_space<vmem>>
      %dma_wait3A_141 = arith.constant 9984 : i32
      %dma_wait3A_142 = arith.constant 0 : i32
      %dma_wait3A_143 = tpu.memref_slice %arg15[%dma_wait3A_141, %dma_wait3A_142] : memref<10008x64xf32, #tpu.memory_space<vmem_shared>> -> memref<24x64xf32, #tpu.memory_space<vmem_shared>>
      %dma_wait3A_144 = arith.constant 9984 : i32
      %dma_wait3A_145 = arith.constant 0 : i32
      %dma_wait3A_146 = tpu.memref_slice %arg15[%dma_wait3A_144, %dma_wait3A_145] : memref<10008x64xf32, #tpu.memory_space<vmem_shared>> -> memref<24x64xf32, #tpu.memory_space<vmem_shared>>
      %dma_wait3A_147 = arith.constant 0 : i32
      %dma_wait3A_148 = arith.constant 0 : i32
      %dma_wait3A_149 = tpu.memref_slice %arg14[%dma_wait3A_147, %dma_wait3A_148] : memref<24x64xf32, #tpu.memory_space<vmem>> -> memref<24x64xf32, #tpu.memory_space<vmem>>
      tpu.wait_dma2 semaphore(%arg22 : memref<!tpu.dma_semaphore, #tpu.memory_space<semaphore_mem>>) src(%dma_wait3A_149 : memref<24x64xf32, #tpu.memory_space<vmem>>) dst(%dma_wait3A_146 : memref<24x64xf32, #tpu.memory_space<vmem_shared>>)
    } else {
    }
    %barrier3A = arith.constant 0 : index
    tpu.barrier barrier_id(%barrier3A)
    %dma_start3A_52 = arith.constant 0 : i32
    %dma_start3A_53 = arith.constant 0 : i32
    %dma_start3A_54 = tpu.memref_slice %arg6[%dma_start3A_52, %dma_start3A_53] : memref<250x80xi32, #tpu.memory_space<vmem>> -> memref<1x80xi32, #tpu.memory_space<vmem>>
    %dma_start3A_55 = tpu.memref_squeeze %dma_start3A_54 : memref<1x80xi32, #tpu.memory_space<vmem>> -> memref<80xi32, #tpu.memory_space<vmem>>
    %dma_start3A_56 = arith.constant 0 : i32
    %dma_start3A_57 = arith.constant 0 : i32
    %dma_start3A_58 = tpu.memref_slice %arg2[%arg0, %dma_start3A_56, %dma_start3A_57] : memref<2x10000x64xf32, #tpu.memory_space<hbm>> -> memref<1x10000x64xf32, #tpu.memory_space<hbm>>
    %dma_start3A_59 = tpu.memref_squeeze %dma_start3A_58 : memref<1x10000x64xf32, #tpu.memory_space<hbm>> -> memref<10000x64xf32, #tpu.memory_space<hbm>>
    %dma_start3A_60 = arith.constant 0 : i32
    %dma_start3A_61 = arith.constant 0 : i32
    %dma_start3A_62 = tpu.memref_slice %dma_start3A_59[%dma_start3A_60, %dma_start3A_61] : memref<10000x64xf32, #tpu.memory_space<hbm>> -> memref<10000x64xf32, #tpu.memory_space<hbm>>
    tpu.enqueue_indirect_dma source(%dma_start3A_62 : memref<10000x64xf32, #tpu.memory_space<hbm>>) target(%arg8 : memref<80x64xf32, #tpu.memory_space<vmem>>) offsets(%dma_start3A_55 : memref<80xi32, #tpu.memory_space<vmem>>) semaphore(%arg16 : memref<!tpu.dma_semaphore, #tpu.memory_space<semaphore_mem>>)
    %dma_start3A_63 = arith.constant 1 : i32
    %dma_start3A_64 = arith.constant 0 : i32
    %dma_start3A_65 = tpu.memref_slice %arg6[%dma_start3A_63, %dma_start3A_64] : memref<250x80xi32, #tpu.memory_space<vmem>> -> memref<1x80xi32, #tpu.memory_space<vmem>>
    %dma_start3A_66 = tpu.memref_squeeze %dma_start3A_65 : memref<1x80xi32, #tpu.memory_space<vmem>> -> memref<80xi32, #tpu.memory_space<vmem>>
    %dma_start3A_67 = arith.constant 0 : i32
    %dma_start3A_68 = arith.constant 0 : i32
    %dma_start3A_69 = tpu.memref_slice %arg2[%arg0, %dma_start3A_67, %dma_start3A_68] : memref<2x10000x64xf32, #tpu.memory_space<hbm>> -> memref<1x10000x64xf32, #tpu.memory_space<hbm>>
    %dma_start3A_70 = tpu.memref_squeeze %dma_start3A_69 : memref<1x10000x64xf32, #tpu.memory_space<hbm>> -> memref<10000x64xf32, #tpu.memory_space<hbm>>
    %dma_start3A_71 = arith.constant 0 : i32
    %dma_start3A_72 = arith.constant 0 : i32
    %dma_start3A_73 = tpu.memref_slice %dma_start3A_70[%dma_start3A_71, %dma_start3A_72] : memref<10000x64xf32, #tpu.memory_space<hbm>> -> memref<10000x64xf32, #tpu.memory_space<hbm>>
    tpu.enqueue_indirect_dma source(%dma_start3A_73 : memref<10000x64xf32, #tpu.memory_space<hbm>>) target(%arg9 : memref<80x64xf32, #tpu.memory_space<vmem>>) offsets(%dma_start3A_66 : memref<80xi32, #tpu.memory_space<vmem>>) semaphore(%arg17 : memref<!tpu.dma_semaphore, #tpu.memory_space<semaphore_mem>>)
    %dma_start3A_74 = arith.constant 2 : i32
    %dma_start3A_75 = arith.constant 0 : i32
    %dma_start3A_76 = tpu.memref_slice %arg6[%dma_start3A_74, %dma_start3A_75] : memref<250x80xi32, #tpu.memory_space<vmem>> -> memref<1x80xi32, #tpu.memory_space<vmem>>
    %dma_start3A_77 = tpu.memref_squeeze %dma_start3A_76 : memref<1x80xi32, #tpu.memory_space<vmem>> -> memref<80xi32, #tpu.memory_space<vmem>>
    %dma_start3A_78 = arith.constant 0 : i32
    %dma_start3A_79 = arith.constant 0 : i32
    %dma_start3A_80 = tpu.memref_slice %arg2[%arg0, %dma_start3A_78, %dma_start3A_79] : memref<2x10000x64xf32, #tpu.memory_space<hbm>> -> memref<1x10000x64xf32, #tpu.memory_space<hbm>>
    %dma_start3A_81 = tpu.memref_squeeze %dma_start3A_80 : memref<1x10000x64xf32, #tpu.memory_space<hbm>> -> memref<10000x64xf32, #tpu.memory_space<hbm>>
    %dma_start3A_82 = arith.constant 0 : i32
    %dma_start3A_83 = arith.constant 0 : i32
    %dma_start3A_84 = tpu.memref_slice %dma_start3A_81[%dma_start3A_82, %dma_start3A_83] : memref<10000x64xf32, #tpu.memory_space<hbm>> -> memref<10000x64xf32, #tpu.memory_space<hbm>>
    tpu.enqueue_indirect_dma source(%dma_start3A_84 : memref<10000x64xf32, #tpu.memory_space<hbm>>) target(%arg10 : memref<80x64xf32, #tpu.memory_space<vmem>>) offsets(%dma_start3A_77 : memref<80xi32, #tpu.memory_space<vmem>>) semaphore(%arg18 : memref<!tpu.dma_semaphore, #tpu.memory_space<semaphore_mem>>)
    %scan3A_85 = arith.constant 0 : i32
    %scan3A_86 = arith.constant 42 : i32
    %scan3A_87 = arith.addi %scan3A_85, %scan3A_86 : i32
    %scan3A_88 = arith.constant 1 : i32
    scf.for %scan3A_138 = %scan3A_85 to %scan3A_87 step %scan3A_88  : i32 {
      %mul3A_139 = arith.constant 6 : i32
      %mul3A_140 = arith.muli %scan3A_138, %mul3A_139 : i32
      %add3A = arith.constant 0 : i32
      %add3A_141 = arith.addi %add3A, %mul3A_140 : i32
      %add3A_142 = arith.constant 0 : i32
      %add3A_143 = arith.addi %add3A_141, %add3A_142 : i32
      %lt3A = arith.constant 250 : i32
      %lt3A_144 = arith.cmpi slt, %add3A_143, %lt3A : i32
      %convert_element_type3A_145 = arith.extui %lt3A_144 : i1 to i32
      %cond3A_146 = arith.constant 0 : i32
      %cond3A_147 = arith.cmpi ne, %convert_element_type3A_145, %cond3A_146 : i32
      scf.if %cond3A_147 {
        %dma_wait3A_183 = arith.constant 0 : i32
        %dma_wait3A_184 = tpu.memref_slice %arg6[%add3A_143, %dma_wait3A_183] : memref<250x80xi32, #tpu.memory_space<vmem>> -> memref<1x80xi32, #tpu.memory_space<vmem>>
        %dma_wait3A_185 = tpu.memref_squeeze %dma_wait3A_184 : memref<1x80xi32, #tpu.memory_space<vmem>> -> memref<80xi32, #tpu.memory_space<vmem>>
        %dma_wait3A_186 = arith.constant 0 : i32
        %dma_wait3A_187 = arith.constant 0 : i32
        %dma_wait3A_188 = tpu.memref_slice %arg2[%arg0, %dma_wait3A_186, %dma_wait3A_187] : memref<2x10000x64xf32, #tpu.memory_space<hbm>> -> memref<1x10000x64xf32, #tpu.memory_space<hbm>>
        %dma_wait3A_189 = tpu.memref_squeeze %dma_wait3A_188 : memref<1x10000x64xf32, #tpu.memory_space<hbm>> -> memref<10000x64xf32, #tpu.memory_space<hbm>>
        %dma_wait3A_190 = arith.constant 0 : i32
        %dma_wait3A_191 = arith.constant 0 : i32
        %dma_wait3A_192 = tpu.memref_slice %dma_wait3A_189[%dma_wait3A_190, %dma_wait3A_191] : memref<10000x64xf32, #tpu.memory_space<hbm>> -> memref<10000x64xf32, #tpu.memory_space<hbm>>
        tpu.wait_indirect_dma semaphore(%arg16 : memref<!tpu.dma_semaphore, #tpu.memory_space<semaphore_mem>>) src(%dma_wait3A_192 : memref<10000x64xf32, #tpu.memory_space<hbm>>) dst(%arg8 : memref<80x64xf32, #tpu.memory_space<vmem>>)
        %dma_start3A_193 = arith.constant 0 : i32
        %dma_start3A_194 = tpu.memref_slice %arg7[%add3A_143, %dma_start3A_193] : memref<250x80xi32, #tpu.memory_space<vmem>> -> memref<1x80xi32, #tpu.memory_space<vmem>>
        %dma_start3A_195 = tpu.memref_squeeze %dma_start3A_194 : memref<1x80xi32, #tpu.memory_space<vmem>> -> memref<80xi32, #tpu.memory_space<vmem>>
        %dma_start3A_196 = arith.constant 0 : i32
        %dma_start3A_197 = arith.constant 0 : i32
        %dma_start3A_198 = tpu.memref_slice %arg15[%dma_start3A_196, %dma_start3A_197] : memref<10008x64xf32, #tpu.memory_space<vmem_shared>> -> memref<10008x64xf32, #tpu.memory_space<vmem_shared>>
        tpu.enqueue_indirect_dma source(%arg8 : memref<80x64xf32, #tpu.memory_space<vmem>>) target(%dma_start3A_198 : memref<10008x64xf32, #tpu.memory_space<vmem_shared>>) offsets(%dma_start3A_195 : memref<80xi32, #tpu.memory_space<vmem>>) semaphore(%arg22 : memref<!tpu.dma_semaphore, #tpu.memory_space<semaphore_mem>>) {add = true}
        %add3A_199 = arith.constant 3 : i32
        %add3A_200 = arith.addi %add3A_143, %add3A_199 : i32
        %lt3A_201 = arith.constant 250 : i32
        %lt3A_202 = arith.cmpi slt, %add3A_200, %lt3A_201 : i32
        %convert_element_type3A_203 = arith.extui %lt3A_202 : i1 to i32
        %cond3A_204 = arith.constant 0 : i32
        %cond3A_205 = arith.cmpi ne, %convert_element_type3A_203, %cond3A_204 : i32
        scf.if %cond3A_205 {
          %sub3A = arith.constant 3 : i32
          %sub3A_206 = arith.subi %add3A_143, %sub3A : i32
          %ge3A = arith.constant 0 : i32
          %ge3A_207 = arith.cmpi sge, %sub3A_206, %ge3A : i32
          %convert_element_type3A_208 = arith.extui %ge3A_207 : i1 to i32
          %cond3A_209 = arith.constant 0 : i32
          %cond3A_210 = arith.cmpi ne, %convert_element_type3A_208, %cond3A_209 : i32
          scf.if %cond3A_210 {
            %sub3A_223 = arith.constant 3 : i32
            %sub3A_224 = arith.subi %add3A_143, %sub3A_223 : i32
            %dma_wait3A_225 = arith.constant 0 : i32
            %dma_wait3A_226 = tpu.memref_slice %arg7[%sub3A_224, %dma_wait3A_225] : memref<250x80xi32, #tpu.memory_space<vmem>> -> memref<1x80xi32, #tpu.memory_space<vmem>>
            %dma_wait3A_227 = tpu.memref_squeeze %dma_wait3A_226 : memref<1x80xi32, #tpu.memory_space<vmem>> -> memref<80xi32, #tpu.memory_space<vmem>>
            %dma_wait3A_228 = arith.constant 0 : i32
            %dma_wait3A_229 = arith.constant 0 : i32
            %dma_wait3A_230 = tpu.memref_slice %arg15[%dma_wait3A_228, %dma_wait3A_229] : memref<10008x64xf32, #tpu.memory_space<vmem_shared>> -> memref<10008x64xf32, #tpu.memory_space<vmem_shared>>
            tpu.wait_indirect_dma semaphore(%arg25 : memref<!tpu.dma_semaphore, #tpu.memory_space<semaphore_mem>>) src(%arg11 : memref<80x64xf32, #tpu.memory_space<vmem>>) dst(%dma_wait3A_230 : memref<10008x64xf32, #tpu.memory_space<vmem_shared>>)
          } else {
          }
          %add3A_211 = arith.constant 3 : i32
          %add3A_212 = arith.addi %add3A_143, %add3A_211 : i32
          %dma_start3A_213 = arith.constant 0 : i32
          %dma_start3A_214 = tpu.memref_slice %arg6[%add3A_212, %dma_start3A_213] : memref<250x80xi32, #tpu.memory_space<vmem>> -> memref<1x80xi32, #tpu.memory_space<vmem>>
          %dma_start3A_215 = tpu.memref_squeeze %dma_start3A_214 : memref<1x80xi32, #tpu.memory_space<vmem>> -> memref<80xi32, #tpu.memory_space<vmem>>
          %dma_start3A_216 = arith.constant 0 : i32
          %dma_start3A_217 = arith.constant 0 : i32
          %dma_start3A_218 = tpu.memref_slice %arg2[%arg0, %dma_start3A_216, %dma_start3A_217] : memref<2x10000x64xf32, #tpu.memory_space<hbm>> -> memref<1x10000x64xf32, #tpu.memory_space<hbm>>
          %dma_start3A_219 = tpu.memref_squeeze %dma_start3A_218 : memref<1x10000x64xf32, #tpu.memory_space<hbm>> -> memref<10000x64xf32, #tpu.memory_space<hbm>>
          %dma_start3A_220 = arith.constant 0 : i32
          %dma_start3A_221 = arith.constant 0 : i32
          %dma_start3A_222 = tpu.memref_slice %dma_start3A_219[%dma_start3A_220, %dma_start3A_221] : memref<10000x64xf32, #tpu.memory_space<hbm>> -> memref<10000x64xf32, #tpu.memory_space<hbm>>
          tpu.enqueue_indirect_dma source(%dma_start3A_222 : memref<10000x64xf32, #tpu.memory_space<hbm>>) target(%arg11 : memref<80x64xf32, #tpu.memory_space<vmem>>) offsets(%dma_start3A_215 : memref<80xi32, #tpu.memory_space<vmem>>) semaphore(%arg19 : memref<!tpu.dma_semaphore, #tpu.memory_space<semaphore_mem>>)
        } else {
        }
      } else {
      }
      %add3A_148 = arith.constant 1 : i32
      %add3A_149 = arith.addi %add3A_141, %add3A_148 : i32
      %lt3A_150 = arith.constant 250 : i32
      %lt3A_151 = arith.cmpi slt, %add3A_149, %lt3A_150 : i32
      %convert_element_type3A_152 = arith.extui %lt3A_151 : i1 to i32
      %cond3A_153 = arith.constant 0 : i32
      %cond3A_154 = arith.cmpi ne, %convert_element_type3A_152, %cond3A_153 : i32
      scf.if %cond3A_154 {
        %dma_wait3A_183 = arith.constant 0 : i32
        %dma_wait3A_184 = tpu.memref_slice %arg6[%add3A_149, %dma_wait3A_183] : memref<250x80xi32, #tpu.memory_space<vmem>> -> memref<1x80xi32, #tpu.memory_space<vmem>>
        %dma_wait3A_185 = tpu.memref_squeeze %dma_wait3A_184 : memref<1x80xi32, #tpu.memory_space<vmem>> -> memref<80xi32, #tpu.memory_space<vmem>>
        %dma_wait3A_186 = arith.constant 0 : i32
        %dma_wait3A_187 = arith.constant 0 : i32
        %dma_wait3A_188 = tpu.memref_slice %arg2[%arg0, %dma_wait3A_186, %dma_wait3A_187] : memref<2x10000x64xf32, #tpu.memory_space<hbm>> -> memref<1x10000x64xf32, #tpu.memory_space<hbm>>
        %dma_wait3A_189 = tpu.memref_squeeze %dma_wait3A_188 : memref<1x10000x64xf32, #tpu.memory_space<hbm>> -> memref<10000x64xf32, #tpu.memory_space<hbm>>
        %dma_wait3A_190 = arith.constant 0 : i32
        %dma_wait3A_191 = arith.constant 0 : i32
        %dma_wait3A_192 = tpu.memref_slice %dma_wait3A_189[%dma_wait3A_190, %dma_wait3A_191] : memref<10000x64xf32, #tpu.memory_space<hbm>> -> memref<10000x64xf32, #tpu.memory_space<hbm>>
        tpu.wait_indirect_dma semaphore(%arg17 : memref<!tpu.dma_semaphore, #tpu.memory_space<semaphore_mem>>) src(%dma_wait3A_192 : memref<10000x64xf32, #tpu.memory_space<hbm>>) dst(%arg9 : memref<80x64xf32, #tpu.memory_space<vmem>>)
        %dma_start3A_193 = arith.constant 0 : i32
        %dma_start3A_194 = tpu.memref_slice %arg7[%add3A_149, %dma_start3A_193] : memref<250x80xi32, #tpu.memory_space<vmem>> -> memref<1x80xi32, #tpu.memory_space<vmem>>
        %dma_start3A_195 = tpu.memref_squeeze %dma_start3A_194 : memref<1x80xi32, #tpu.memory_space<vmem>> -> memref<80xi32, #tpu.memory_space<vmem>>
        %dma_start3A_196 = arith.constant 0 : i32
        %dma_start3A_197 = arith.constant 0 : i32
        %dma_start3A_198 = tpu.memref_slice %arg15[%dma_start3A_196, %dma_start3A_197] : memref<10008x64xf32, #tpu.memory_space<vmem_shared>> -> memref<10008x64xf32, #tpu.memory_space<vmem_shared>>
        tpu.enqueue_indirect_dma source(%arg9 : memref<80x64xf32, #tpu.memory_space<vmem>>) target(%dma_start3A_198 : memref<10008x64xf32, #tpu.memory_space<vmem_shared>>) offsets(%dma_start3A_195 : memref<80xi32, #tpu.memory_space<vmem>>) semaphore(%arg23 : memref<!tpu.dma_semaphore, #tpu.memory_space<semaphore_mem>>) {add = true}
        %add3A_199 = arith.constant 3 : i32
        %add3A_200 = arith.addi %add3A_149, %add3A_199 : i32
        %lt3A_201 = arith.constant 250 : i32
        %lt3A_202 = arith.cmpi slt, %add3A_200, %lt3A_201 : i32
        %convert_element_type3A_203 = arith.extui %lt3A_202 : i1 to i32
        %cond3A_204 = arith.constant 0 : i32
        %cond3A_205 = arith.cmpi ne, %convert_element_type3A_203, %cond3A_204 : i32
        scf.if %cond3A_205 {
          %sub3A = arith.constant 3 : i32
          %sub3A_206 = arith.subi %add3A_149, %sub3A : i32
          %ge3A = arith.constant 0 : i32
          %ge3A_207 = arith.cmpi sge, %sub3A_206, %ge3A : i32
          %convert_element_type3A_208 = arith.extui %ge3A_207 : i1 to i32
          %cond3A_209 = arith.constant 0 : i32
          %cond3A_210 = arith.cmpi ne, %convert_element_type3A_208, %cond3A_209 : i32
          scf.if %cond3A_210 {
            %sub3A_223 = arith.constant 3 : i32
            %sub3A_224 = arith.subi %add3A_149, %sub3A_223 : i32
            %dma_wait3A_225 = arith.constant 0 : i32
            %dma_wait3A_226 = tpu.memref_slice %arg7[%sub3A_224, %dma_wait3A_225] : memref<250x80xi32, #tpu.memory_space<vmem>> -> memref<1x80xi32, #tpu.memory_space<vmem>>
            %dma_wait3A_227 = tpu.memref_squeeze %dma_wait3A_226 : memref<1x80xi32, #tpu.memory_space<vmem>> -> memref<80xi32, #tpu.memory_space<vmem>>
            %dma_wait3A_228 = arith.constant 0 : i32
            %dma_wait3A_229 = arith.constant 0 : i32
            %dma_wait3A_230 = tpu.memref_slice %arg15[%dma_wait3A_228, %dma_wait3A_229] : memref<10008x64xf32, #tpu.memory_space<vmem_shared>> -> memref<10008x64xf32, #tpu.memory_space<vmem_shared>>
            tpu.wait_indirect_dma semaphore(%arg26 : memref<!tpu.dma_semaphore, #tpu.memory_space<semaphore_mem>>) src(%arg12 : memref<80x64xf32, #tpu.memory_space<vmem>>) dst(%dma_wait3A_230 : memref<10008x64xf32, #tpu.memory_space<vmem_shared>>)
          } else {
          }
          %add3A_211 = arith.constant 3 : i32
          %add3A_212 = arith.addi %add3A_149, %add3A_211 : i32
          %dma_start3A_213 = arith.constant 0 : i32
          %dma_start3A_214 = tpu.memref_slice %arg6[%add3A_212, %dma_start3A_213] : memref<250x80xi32, #tpu.memory_space<vmem>> -> memref<1x80xi32, #tpu.memory_space<vmem>>
          %dma_start3A_215 = tpu.memref_squeeze %dma_start3A_214 : memref<1x80xi32, #tpu.memory_space<vmem>> -> memref<80xi32, #tpu.memory_space<vmem>>
          %dma_start3A_216 = arith.constant 0 : i32
          %dma_start3A_217 = arith.constant 0 : i32
          %dma_start3A_218 = tpu.memref_slice %arg2[%arg0, %dma_start3A_216, %dma_start3A_217] : memref<2x10000x64xf32, #tpu.memory_space<hbm>> -> memref<1x10000x64xf32, #tpu.memory_space<hbm>>
          %dma_start3A_219 = tpu.memref_squeeze %dma_start3A_218 : memref<1x10000x64xf32, #tpu.memory_space<hbm>> -> memref<10000x64xf32, #tpu.memory_space<hbm>>
          %dma_start3A_220 = arith.constant 0 : i32
          %dma_start3A_221 = arith.constant 0 : i32
          %dma_start3A_222 = tpu.memref_slice %dma_start3A_219[%dma_start3A_220, %dma_start3A_221] : memref<10000x64xf32, #tpu.memory_space<hbm>> -> memref<10000x64xf32, #tpu.memory_space<hbm>>
          tpu.enqueue_indirect_dma source(%dma_start3A_222 : memref<10000x64xf32, #tpu.memory_space<hbm>>) target(%arg12 : memref<80x64xf32, #tpu.memory_space<vmem>>) offsets(%dma_start3A_215 : memref<80xi32, #tpu.memory_space<vmem>>) semaphore(%arg20 : memref<!tpu.dma_semaphore, #tpu.memory_space<semaphore_mem>>)
        } else {
        }
      } else {
      }
      %add3A_155 = arith.constant 2 : i32
      %add3A_156 = arith.addi %add3A_141, %add3A_155 : i32
      %lt3A_157 = arith.constant 250 : i32
      %lt3A_158 = arith.cmpi slt, %add3A_156, %lt3A_157 : i32
      %convert_element_type3A_159 = arith.extui %lt3A_158 : i1 to i32
      %cond3A_160 = arith.constant 0 : i32
      %cond3A_161 = arith.cmpi ne, %convert_element_type3A_159, %cond3A_160 : i32
      scf.if %cond3A_161 {
        %dma_wait3A_183 = arith.constant 0 : i32
        %dma_wait3A_184 = tpu.memref_slice %arg6[%add3A_156, %dma_wait3A_183] : memref<250x80xi32, #tpu.memory_space<vmem>> -> memref<1x80xi32, #tpu.memory_space<vmem>>
        %dma_wait3A_185 = tpu.memref_squeeze %dma_wait3A_184 : memref<1x80xi32, #tpu.memory_space<vmem>> -> memref<80xi32, #tpu.memory_space<vmem>>
        %dma_wait3A_186 = arith.constant 0 : i32
        %dma_wait3A_187 = arith.constant 0 : i32
        %dma_wait3A_188 = tpu.memref_slice %arg2[%arg0, %dma_wait3A_186, %dma_wait3A_187] : memref<2x10000x64xf32, #tpu.memory_space<hbm>> -> memref<1x10000x64xf32, #tpu.memory_space<hbm>>
        %dma_wait3A_189 = tpu.memref_squeeze %dma_wait3A_188 : memref<1x10000x64xf32, #tpu.memory_space<hbm>> -> memref<10000x64xf32, #tpu.memory_space<hbm>>
        %dma_wait3A_190 = arith.constant 0 : i32
        %dma_wait3A_191 = arith.constant 0 : i32
        %dma_wait3A_192 = tpu.memref_slice %dma_wait3A_189[%dma_wait3A_190, %dma_wait3A_191] : memref<10000x64xf32, #tpu.memory_space<hbm>> -> memref<10000x64xf32, #tpu.memory_space<hbm>>
        tpu.wait_indirect_dma semaphore(%arg18 : memref<!tpu.dma_semaphore, #tpu.memory_space<semaphore_mem>>) src(%dma_wait3A_192 : memref<10000x64xf32, #tpu.memory_space<hbm>>) dst(%arg10 : memref<80x64xf32, #tpu.memory_space<vmem>>)
        %dma_start3A_193 = arith.constant 0 : i32
        %dma_start3A_194 = tpu.memref_slice %arg7[%add3A_156, %dma_start3A_193] : memref<250x80xi32, #tpu.memory_space<vmem>> -> memref<1x80xi32, #tpu.memory_space<vmem>>
        %dma_start3A_195 = tpu.memref_squeeze %dma_start3A_194 : memref<1x80xi32, #tpu.memory_space<vmem>> -> memref<80xi32, #tpu.memory_space<vmem>>
        %dma_start3A_196 = arith.constant 0 : i32
        %dma_start3A_197 = arith.constant 0 : i32
        %dma_start3A_198 = tpu.memref_slice %arg15[%dma_start3A_196, %dma_start3A_197] : memref<10008x64xf32, #tpu.memory_space<vmem_shared>> -> memref<10008x64xf32, #tpu.memory_space<vmem_shared>>
        tpu.enqueue_indirect_dma source(%arg10 : memref<80x64xf32, #tpu.memory_space<vmem>>) target(%dma_start3A_198 : memref<10008x64xf32, #tpu.memory_space<vmem_shared>>) offsets(%dma_start3A_195 : memref<80xi32, #tpu.memory_space<vmem>>) semaphore(%arg24 : memref<!tpu.dma_semaphore, #tpu.memory_space<semaphore_mem>>) {add = true}
        %add3A_199 = arith.constant 3 : i32
        %add3A_200 = arith.addi %add3A_156, %add3A_199 : i32
        %lt3A_201 = arith.constant 250 : i32
        %lt3A_202 = arith.cmpi slt, %add3A_200, %lt3A_201 : i32
        %convert_element_type3A_203 = arith.extui %lt3A_202 : i1 to i32
        %cond3A_204 = arith.constant 0 : i32
        %cond3A_205 = arith.cmpi ne, %convert_element_type3A_203, %cond3A_204 : i32
        scf.if %cond3A_205 {
          %sub3A = arith.constant 3 : i32
          %sub3A_206 = arith.subi %add3A_156, %sub3A : i32
          %ge3A = arith.constant 0 : i32
          %ge3A_207 = arith.cmpi sge, %sub3A_206, %ge3A : i32
          %convert_element_type3A_208 = arith.extui %ge3A_207 : i1 to i32
          %cond3A_209 = arith.constant 0 : i32
          %cond3A_210 = arith.cmpi ne, %convert_element_type3A_208, %cond3A_209 : i32
          scf.if %cond3A_210 {
            %sub3A_223 = arith.constant 3 : i32
            %sub3A_224 = arith.subi %add3A_156, %sub3A_223 : i32
            %dma_wait3A_225 = arith.constant 0 : i32
            %dma_wait3A_226 = tpu.memref_slice %arg7[%sub3A_224, %dma_wait3A_225] : memref<250x80xi32, #tpu.memory_space<vmem>> -> memref<1x80xi32, #tpu.memory_space<vmem>>
            %dma_wait3A_227 = tpu.memref_squeeze %dma_wait3A_226 : memref<1x80xi32, #tpu.memory_space<vmem>> -> memref<80xi32, #tpu.memory_space<vmem>>
            %dma_wait3A_228 = arith.constant 0 : i32
            %dma_wait3A_229 = arith.constant 0 : i32
            %dma_wait3A_230 = tpu.memref_slice %arg15[%dma_wait3A_228, %dma_wait3A_229] : memref<10008x64xf32, #tpu.memory_space<vmem_shared>> -> memref<10008x64xf32, #tpu.memory_space<vmem_shared>>
            tpu.wait_indirect_dma semaphore(%arg27 : memref<!tpu.dma_semaphore, #tpu.memory_space<semaphore_mem>>) src(%arg13 : memref<80x64xf32, #tpu.memory_space<vmem>>) dst(%dma_wait3A_230 : memref<10008x64xf32, #tpu.memory_space<vmem_shared>>)
          } else {
          }
          %add3A_211 = arith.constant 3 : i32
          %add3A_212 = arith.addi %add3A_156, %add3A_211 : i32
          %dma_start3A_213 = arith.constant 0 : i32
          %dma_start3A_214 = tpu.memref_slice %arg6[%add3A_212, %dma_start3A_213] : memref<250x80xi32, #tpu.memory_space<vmem>> -> memref<1x80xi32, #tpu.memory_space<vmem>>
          %dma_start3A_215 = tpu.memref_squeeze %dma_start3A_214 : memref<1x80xi32, #tpu.memory_space<vmem>> -> memref<80xi32, #tpu.memory_space<vmem>>
          %dma_start3A_216 = arith.constant 0 : i32
          %dma_start3A_217 = arith.constant 0 : i32
          %dma_start3A_218 = tpu.memref_slice %arg2[%arg0, %dma_start3A_216, %dma_start3A_217] : memref<2x10000x64xf32, #tpu.memory_space<hbm>> -> memref<1x10000x64xf32, #tpu.memory_space<hbm>>
          %dma_start3A_219 = tpu.memref_squeeze %dma_start3A_218 : memref<1x10000x64xf32, #tpu.memory_space<hbm>> -> memref<10000x64xf32, #tpu.memory_space<hbm>>
          %dma_start3A_220 = arith.constant 0 : i32
          %dma_start3A_221 = arith.constant 0 : i32
          %dma_start3A_222 = tpu.memref_slice %dma_start3A_219[%dma_start3A_220, %dma_start3A_221] : memref<10000x64xf32, #tpu.memory_space<hbm>> -> memref<10000x64xf32, #tpu.memory_space<hbm>>
          tpu.enqueue_indirect_dma source(%dma_start3A_222 : memref<10000x64xf32, #tpu.memory_space<hbm>>) target(%arg13 : memref<80x64xf32, #tpu.memory_space<vmem>>) offsets(%dma_start3A_215 : memref<80xi32, #tpu.memory_space<vmem>>) semaphore(%arg21 : memref<!tpu.dma_semaphore, #tpu.memory_space<semaphore_mem>>)
        } else {
        }
      } else {
      }
      %add3A_162 = arith.constant 3 : i32
      %add3A_163 = arith.addi %add3A_141, %add3A_162 : i32
      %lt3A_164 = arith.constant 250 : i32
      %lt3A_165 = arith.cmpi slt, %add3A_163, %lt3A_164 : i32
      %convert_element_type3A_166 = arith.extui %lt3A_165 : i1 to i32
      %cond3A_167 = arith.constant 0 : i32
      %cond3A_168 = arith.cmpi ne, %convert_element_type3A_166, %cond3A_167 : i32
      scf.if %cond3A_168 {
        %dma_wait3A_183 = arith.constant 0 : i32
        %dma_wait3A_184 = tpu.memref_slice %arg6[%add3A_163, %dma_wait3A_183] : memref<250x80xi32, #tpu.memory_space<vmem>> -> memref<1x80xi32, #tpu.memory_space<vmem>>
        %dma_wait3A_185 = tpu.memref_squeeze %dma_wait3A_184 : memref<1x80xi32, #tpu.memory_space<vmem>> -> memref<80xi32, #tpu.memory_space<vmem>>
        %dma_wait3A_186 = arith.constant 0 : i32
        %dma_wait3A_187 = arith.constant 0 : i32
        %dma_wait3A_188 = tpu.memref_slice %arg2[%arg0, %dma_wait3A_186, %dma_wait3A_187] : memref<2x10000x64xf32, #tpu.memory_space<hbm>> -> memref<1x10000x64xf32, #tpu.memory_space<hbm>>
        %dma_wait3A_189 = tpu.memref_squeeze %dma_wait3A_188 : memref<1x10000x64xf32, #tpu.memory_space<hbm>> -> memref<10000x64xf32, #tpu.memory_space<hbm>>
        %dma_wait3A_190 = arith.constant 0 : i32
        %dma_wait3A_191 = arith.constant 0 : i32
        %dma_wait3A_192 = tpu.memref_slice %dma_wait3A_189[%dma_wait3A_190, %dma_wait3A_191] : memref<10000x64xf32, #tpu.memory_space<hbm>> -> memref<10000x64xf32, #tpu.memory_space<hbm>>
        tpu.wait_indirect_dma semaphore(%arg19 : memref<!tpu.dma_semaphore, #tpu.memory_space<semaphore_mem>>) src(%dma_wait3A_192 : memref<10000x64xf32, #tpu.memory_space<hbm>>) dst(%arg11 : memref<80x64xf32, #tpu.memory_space<vmem>>)
        %dma_start3A_193 = arith.constant 0 : i32
        %dma_start3A_194 = tpu.memref_slice %arg7[%add3A_163, %dma_start3A_193] : memref<250x80xi32, #tpu.memory_space<vmem>> -> memref<1x80xi32, #tpu.memory_space<vmem>>
        %dma_start3A_195 = tpu.memref_squeeze %dma_start3A_194 : memref<1x80xi32, #tpu.memory_space<vmem>> -> memref<80xi32, #tpu.memory_space<vmem>>
        %dma_start3A_196 = arith.constant 0 : i32
        %dma_start3A_197 = arith.constant 0 : i32
        %dma_start3A_198 = tpu.memref_slice %arg15[%dma_start3A_196, %dma_start3A_197] : memref<10008x64xf32, #tpu.memory_space<vmem_shared>> -> memref<10008x64xf32, #tpu.memory_space<vmem_shared>>
        tpu.enqueue_indirect_dma source(%arg11 : memref<80x64xf32, #tpu.memory_space<vmem>>) target(%dma_start3A_198 : memref<10008x64xf32, #tpu.memory_space<vmem_shared>>) offsets(%dma_start3A_195 : memref<80xi32, #tpu.memory_space<vmem>>) semaphore(%arg25 : memref<!tpu.dma_semaphore, #tpu.memory_space<semaphore_mem>>) {add = true}
        %add3A_199 = arith.constant 3 : i32
        %add3A_200 = arith.addi %add3A_163, %add3A_199 : i32
        %lt3A_201 = arith.constant 250 : i32
        %lt3A_202 = arith.cmpi slt, %add3A_200, %lt3A_201 : i32
        %convert_element_type3A_203 = arith.extui %lt3A_202 : i1 to i32
        %cond3A_204 = arith.constant 0 : i32
        %cond3A_205 = arith.cmpi ne, %convert_element_type3A_203, %cond3A_204 : i32
        scf.if %cond3A_205 {
          %sub3A = arith.constant 3 : i32
          %sub3A_206 = arith.subi %add3A_163, %sub3A : i32
          %ge3A = arith.constant 0 : i32
          %ge3A_207 = arith.cmpi sge, %sub3A_206, %ge3A : i32
          %convert_element_type3A_208 = arith.extui %ge3A_207 : i1 to i32
          %cond3A_209 = arith.constant 0 : i32
          %cond3A_210 = arith.cmpi ne, %convert_element_type3A_208, %cond3A_209 : i32
          scf.if %cond3A_210 {
            %sub3A_223 = arith.constant 3 : i32
            %sub3A_224 = arith.subi %add3A_163, %sub3A_223 : i32
            %dma_wait3A_225 = arith.constant 0 : i32
            %dma_wait3A_226 = tpu.memref_slice %arg7[%sub3A_224, %dma_wait3A_225] : memref<250x80xi32, #tpu.memory_space<vmem>> -> memref<1x80xi32, #tpu.memory_space<vmem>>
            %dma_wait3A_227 = tpu.memref_squeeze %dma_wait3A_226 : memref<1x80xi32, #tpu.memory_space<vmem>> -> memref<80xi32, #tpu.memory_space<vmem>>
            %dma_wait3A_228 = arith.constant 0 : i32
            %dma_wait3A_229 = arith.constant 0 : i32
            %dma_wait3A_230 = tpu.memref_slice %arg15[%dma_wait3A_228, %dma_wait3A_229] : memref<10008x64xf32, #tpu.memory_space<vmem_shared>> -> memref<10008x64xf32, #tpu.memory_space<vmem_shared>>
            tpu.wait_indirect_dma semaphore(%arg22 : memref<!tpu.dma_semaphore, #tpu.memory_space<semaphore_mem>>) src(%arg8 : memref<80x64xf32, #tpu.memory_space<vmem>>) dst(%dma_wait3A_230 : memref<10008x64xf32, #tpu.memory_space<vmem_shared>>)
          } else {
          }
          %add3A_211 = arith.constant 3 : i32
          %add3A_212 = arith.addi %add3A_163, %add3A_211 : i32
          %dma_start3A_213 = arith.constant 0 : i32
          %dma_start3A_214 = tpu.memref_slice %arg6[%add3A_212, %dma_start3A_213] : memref<250x80xi32, #tpu.memory_space<vmem>> -> memref<1x80xi32, #tpu.memory_space<vmem>>
          %dma_start3A_215 = tpu.memref_squeeze %dma_start3A_214 : memref<1x80xi32, #tpu.memory_space<vmem>> -> memref<80xi32, #tpu.memory_space<vmem>>
          %dma_start3A_216 = arith.constant 0 : i32
          %dma_start3A_217 = arith.constant 0 : i32
          %dma_start3A_218 = tpu.memref_slice %arg2[%arg0, %dma_start3A_216, %dma_start3A_217] : memref<2x10000x64xf32, #tpu.memory_space<hbm>> -> memref<1x10000x64xf32, #tpu.memory_space<hbm>>
          %dma_start3A_219 = tpu.memref_squeeze %dma_start3A_218 : memref<1x10000x64xf32, #tpu.memory_space<hbm>> -> memref<10000x64xf32, #tpu.memory_space<hbm>>
          %dma_start3A_220 = arith.constant 0 : i32
          %dma_start3A_221 = arith.constant 0 : i32
          %dma_start3A_222 = tpu.memref_slice %dma_start3A_219[%dma_start3A_220, %dma_start3A_221] : memref<10000x64xf32, #tpu.memory_space<hbm>> -> memref<10000x64xf32, #tpu.memory_space<hbm>>
          tpu.enqueue_indirect_dma source(%dma_start3A_222 : memref<10000x64xf32, #tpu.memory_space<hbm>>) target(%arg8 : memref<80x64xf32, #tpu.memory_space<vmem>>) offsets(%dma_start3A_215 : memref<80xi32, #tpu.memory_space<vmem>>) semaphore(%arg16 : memref<!tpu.dma_semaphore, #tpu.memory_space<semaphore_mem>>)
        } else {
        }
      } else {
      }
      %add3A_169 = arith.constant 4 : i32
      %add3A_170 = arith.addi %add3A_141, %add3A_169 : i32
      %lt3A_171 = arith.constant 250 : i32
      %lt3A_172 = arith.cmpi slt, %add3A_170, %lt3A_171 : i32
      %convert_element_type3A_173 = arith.extui %lt3A_172 : i1 to i32
      %cond3A_174 = arith.constant 0 : i32
      %cond3A_175 = arith.cmpi ne, %convert_element_type3A_173, %cond3A_174 : i32
      scf.if %cond3A_175 {
        %dma_wait3A_183 = arith.constant 0 : i32
        %dma_wait3A_184 = tpu.memref_slice %arg6[%add3A_170, %dma_wait3A_183] : memref<250x80xi32, #tpu.memory_space<vmem>> -> memref<1x80xi32, #tpu.memory_space<vmem>>
        %dma_wait3A_185 = tpu.memref_squeeze %dma_wait3A_184 : memref<1x80xi32, #tpu.memory_space<vmem>> -> memref<80xi32, #tpu.memory_space<vmem>>
        %dma_wait3A_186 = arith.constant 0 : i32
        %dma_wait3A_187 = arith.constant 0 : i32
        %dma_wait3A_188 = tpu.memref_slice %arg2[%arg0, %dma_wait3A_186, %dma_wait3A_187] : memref<2x10000x64xf32, #tpu.memory_space<hbm>> -> memref<1x10000x64xf32, #tpu.memory_space<hbm>>
        %dma_wait3A_189 = tpu.memref_squeeze %dma_wait3A_188 : memref<1x10000x64xf32, #tpu.memory_space<hbm>> -> memref<10000x64xf32, #tpu.memory_space<hbm>>
        %dma_wait3A_190 = arith.constant 0 : i32
        %dma_wait3A_191 = arith.constant 0 : i32
        %dma_wait3A_192 = tpu.memref_slice %dma_wait3A_189[%dma_wait3A_190, %dma_wait3A_191] : memref<10000x64xf32, #tpu.memory_space<hbm>> -> memref<10000x64xf32, #tpu.memory_space<hbm>>
        tpu.wait_indirect_dma semaphore(%arg20 : memref<!tpu.dma_semaphore, #tpu.memory_space<semaphore_mem>>) src(%dma_wait3A_192 : memref<10000x64xf32, #tpu.memory_space<hbm>>) dst(%arg12 : memref<80x64xf32, #tpu.memory_space<vmem>>)
        %dma_start3A_193 = arith.constant 0 : i32
        %dma_start3A_194 = tpu.memref_slice %arg7[%add3A_170, %dma_start3A_193] : memref<250x80xi32, #tpu.memory_space<vmem>> -> memref<1x80xi32, #tpu.memory_space<vmem>>
        %dma_start3A_195 = tpu.memref_squeeze %dma_start3A_194 : memref<1x80xi32, #tpu.memory_space<vmem>> -> memref<80xi32, #tpu.memory_space<vmem>>
        %dma_start3A_196 = arith.constant 0 : i32
        %dma_start3A_197 = arith.constant 0 : i32
        %dma_start3A_198 = tpu.memref_slice %arg15[%dma_start3A_196, %dma_start3A_197] : memref<10008x64xf32, #tpu.memory_space<vmem_shared>> -> memref<10008x64xf32, #tpu.memory_space<vmem_shared>>
        tpu.enqueue_indirect_dma source(%arg12 : memref<80x64xf32, #tpu.memory_space<vmem>>) target(%dma_start3A_198 : memref<10008x64xf32, #tpu.memory_space<vmem_shared>>) offsets(%dma_start3A_195 : memref<80xi32, #tpu.memory_space<vmem>>) semaphore(%arg26 : memref<!tpu.dma_semaphore, #tpu.memory_space<semaphore_mem>>) {add = true}
        %add3A_199 = arith.constant 3 : i32
        %add3A_200 = arith.addi %add3A_170, %add3A_199 : i32
        %lt3A_201 = arith.constant 250 : i32
        %lt3A_202 = arith.cmpi slt, %add3A_200, %lt3A_201 : i32
        %convert_element_type3A_203 = arith.extui %lt3A_202 : i1 to i32
        %cond3A_204 = arith.constant 0 : i32
        %cond3A_205 = arith.cmpi ne, %convert_element_type3A_203, %cond3A_204 : i32
        scf.if %cond3A_205 {
          %sub3A = arith.constant 3 : i32
          %sub3A_206 = arith.subi %add3A_170, %sub3A : i32
          %ge3A = arith.constant 0 : i32
          %ge3A_207 = arith.cmpi sge, %sub3A_206, %ge3A : i32
          %convert_element_type3A_208 = arith.extui %ge3A_207 : i1 to i32
          %cond3A_209 = arith.constant 0 : i32
          %cond3A_210 = arith.cmpi ne, %convert_element_type3A_208, %cond3A_209 : i32
          scf.if %cond3A_210 {
            %sub3A_223 = arith.constant 3 : i32
            %sub3A_224 = arith.subi %add3A_170, %sub3A_223 : i32
            %dma_wait3A_225 = arith.constant 0 : i32
            %dma_wait3A_226 = tpu.memref_slice %arg7[%sub3A_224, %dma_wait3A_225] : memref<250x80xi32, #tpu.memory_space<vmem>> -> memref<1x80xi32, #tpu.memory_space<vmem>>
            %dma_wait3A_227 = tpu.memref_squeeze %dma_wait3A_226 : memref<1x80xi32, #tpu.memory_space<vmem>> -> memref<80xi32, #tpu.memory_space<vmem>>
            %dma_wait3A_228 = arith.constant 0 : i32
            %dma_wait3A_229 = arith.constant 0 : i32
            %dma_wait3A_230 = tpu.memref_slice %arg15[%dma_wait3A_228, %dma_wait3A_229] : memref<10008x64xf32, #tpu.memory_space<vmem_shared>> -> memref<10008x64xf32, #tpu.memory_space<vmem_shared>>
            tpu.wait_indirect_dma semaphore(%arg23 : memref<!tpu.dma_semaphore, #tpu.memory_space<semaphore_mem>>) src(%arg9 : memref<80x64xf32, #tpu.memory_space<vmem>>) dst(%dma_wait3A_230 : memref<10008x64xf32, #tpu.memory_space<vmem_shared>>)
          } else {
          }
          %add3A_211 = arith.constant 3 : i32
          %add3A_212 = arith.addi %add3A_170, %add3A_211 : i32
          %dma_start3A_213 = arith.constant 0 : i32
          %dma_start3A_214 = tpu.memref_slice %arg6[%add3A_212, %dma_start3A_213] : memref<250x80xi32, #tpu.memory_space<vmem>> -> memref<1x80xi32, #tpu.memory_space<vmem>>
          %dma_start3A_215 = tpu.memref_squeeze %dma_start3A_214 : memref<1x80xi32, #tpu.memory_space<vmem>> -> memref<80xi32, #tpu.memory_space<vmem>>
          %dma_start3A_216 = arith.constant 0 : i32
          %dma_start3A_217 = arith.constant 0 : i32
          %dma_start3A_218 = tpu.memref_slice %arg2[%arg0, %dma_start3A_216, %dma_start3A_217] : memref<2x10000x64xf32, #tpu.memory_space<hbm>> -> memref<1x10000x64xf32, #tpu.memory_space<hbm>>
          %dma_start3A_219 = tpu.memref_squeeze %dma_start3A_218 : memref<1x10000x64xf32, #tpu.memory_space<hbm>> -> memref<10000x64xf32, #tpu.memory_space<hbm>>
          %dma_start3A_220 = arith.constant 0 : i32
          %dma_start3A_221 = arith.constant 0 : i32
          %dma_start3A_222 = tpu.memref_slice %dma_start3A_219[%dma_start3A_220, %dma_start3A_221] : memref<10000x64xf32, #tpu.memory_space<hbm>> -> memref<10000x64xf32, #tpu.memory_space<hbm>>
          tpu.enqueue_indirect_dma source(%dma_start3A_222 : memref<10000x64xf32, #tpu.memory_space<hbm>>) target(%arg9 : memref<80x64xf32, #tpu.memory_space<vmem>>) offsets(%dma_start3A_215 : memref<80xi32, #tpu.memory_space<vmem>>) semaphore(%arg17 : memref<!tpu.dma_semaphore, #tpu.memory_space<semaphore_mem>>)
        } else {
        }
      } else {
      }
      %add3A_176 = arith.constant 5 : i32
      %add3A_177 = arith.addi %add3A_141, %add3A_176 : i32
      %lt3A_178 = arith.constant 250 : i32
      %lt3A_179 = arith.cmpi slt, %add3A_177, %lt3A_178 : i32
      %convert_element_type3A_180 = arith.extui %lt3A_179 : i1 to i32
      %cond3A_181 = arith.constant 0 : i32
      %cond3A_182 = arith.cmpi ne, %convert_element_type3A_180, %cond3A_181 : i32
      scf.if %cond3A_182 {
        %dma_wait3A_183 = arith.constant 0 : i32
        %dma_wait3A_184 = tpu.memref_slice %arg6[%add3A_177, %dma_wait3A_183] : memref<250x80xi32, #tpu.memory_space<vmem>> -> memref<1x80xi32, #tpu.memory_space<vmem>>
        %dma_wait3A_185 = tpu.memref_squeeze %dma_wait3A_184 : memref<1x80xi32, #tpu.memory_space<vmem>> -> memref<80xi32, #tpu.memory_space<vmem>>
        %dma_wait3A_186 = arith.constant 0 : i32
        %dma_wait3A_187 = arith.constant 0 : i32
        %dma_wait3A_188 = tpu.memref_slice %arg2[%arg0, %dma_wait3A_186, %dma_wait3A_187] : memref<2x10000x64xf32, #tpu.memory_space<hbm>> -> memref<1x10000x64xf32, #tpu.memory_space<hbm>>
        %dma_wait3A_189 = tpu.memref_squeeze %dma_wait3A_188 : memref<1x10000x64xf32, #tpu.memory_space<hbm>> -> memref<10000x64xf32, #tpu.memory_space<hbm>>
        %dma_wait3A_190 = arith.constant 0 : i32
        %dma_wait3A_191 = arith.constant 0 : i32
        %dma_wait3A_192 = tpu.memref_slice %dma_wait3A_189[%dma_wait3A_190, %dma_wait3A_191] : memref<10000x64xf32, #tpu.memory_space<hbm>> -> memref<10000x64xf32, #tpu.memory_space<hbm>>
        tpu.wait_indirect_dma semaphore(%arg21 : memref<!tpu.dma_semaphore, #tpu.memory_space<semaphore_mem>>) src(%dma_wait3A_192 : memref<10000x64xf32, #tpu.memory_space<hbm>>) dst(%arg13 : memref<80x64xf32, #tpu.memory_space<vmem>>)
        %dma_start3A_193 = arith.constant 0 : i32
        %dma_start3A_194 = tpu.memref_slice %arg7[%add3A_177, %dma_start3A_193] : memref<250x80xi32, #tpu.memory_space<vmem>> -> memref<1x80xi32, #tpu.memory_space<vmem>>
        %dma_start3A_195 = tpu.memref_squeeze %dma_start3A_194 : memref<1x80xi32, #tpu.memory_space<vmem>> -> memref<80xi32, #tpu.memory_space<vmem>>
        %dma_start3A_196 = arith.constant 0 : i32
        %dma_start3A_197 = arith.constant 0 : i32
        %dma_start3A_198 = tpu.memref_slice %arg15[%dma_start3A_196, %dma_start3A_197] : memref<10008x64xf32, #tpu.memory_space<vmem_shared>> -> memref<10008x64xf32, #tpu.memory_space<vmem_shared>>
        tpu.enqueue_indirect_dma source(%arg13 : memref<80x64xf32, #tpu.memory_space<vmem>>) target(%dma_start3A_198 : memref<10008x64xf32, #tpu.memory_space<vmem_shared>>) offsets(%dma_start3A_195 : memref<80xi32, #tpu.memory_space<vmem>>) semaphore(%arg27 : memref<!tpu.dma_semaphore, #tpu.memory_space<semaphore_mem>>) {add = true}
        %add3A_199 = arith.constant 3 : i32
        %add3A_200 = arith.addi %add3A_177, %add3A_199 : i32
        %lt3A_201 = arith.constant 250 : i32
        %lt3A_202 = arith.cmpi slt, %add3A_200, %lt3A_201 : i32
        %convert_element_type3A_203 = arith.extui %lt3A_202 : i1 to i32
        %cond3A_204 = arith.constant 0 : i32
        %cond3A_205 = arith.cmpi ne, %convert_element_type3A_203, %cond3A_204 : i32
        scf.if %cond3A_205 {
          %sub3A = arith.constant 3 : i32
          %sub3A_206 = arith.subi %add3A_177, %sub3A : i32
          %ge3A = arith.constant 0 : i32
          %ge3A_207 = arith.cmpi sge, %sub3A_206, %ge3A : i32
          %convert_element_type3A_208 = arith.extui %ge3A_207 : i1 to i32
          %cond3A_209 = arith.constant 0 : i32
          %cond3A_210 = arith.cmpi ne, %convert_element_type3A_208, %cond3A_209 : i32
          scf.if %cond3A_210 {
            %sub3A_223 = arith.constant 3 : i32
            %sub3A_224 = arith.subi %add3A_177, %sub3A_223 : i32
            %dma_wait3A_225 = arith.constant 0 : i32
            %dma_wait3A_226 = tpu.memref_slice %arg7[%sub3A_224, %dma_wait3A_225] : memref<250x80xi32, #tpu.memory_space<vmem>> -> memref<1x80xi32, #tpu.memory_space<vmem>>
            %dma_wait3A_227 = tpu.memref_squeeze %dma_wait3A_226 : memref<1x80xi32, #tpu.memory_space<vmem>> -> memref<80xi32, #tpu.memory_space<vmem>>
            %dma_wait3A_228 = arith.constant 0 : i32
            %dma_wait3A_229 = arith.constant 0 : i32
            %dma_wait3A_230 = tpu.memref_slice %arg15[%dma_wait3A_228, %dma_wait3A_229] : memref<10008x64xf32, #tpu.memory_space<vmem_shared>> -> memref<10008x64xf32, #tpu.memory_space<vmem_shared>>
            tpu.wait_indirect_dma semaphore(%arg24 : memref<!tpu.dma_semaphore, #tpu.memory_space<semaphore_mem>>) src(%arg10 : memref<80x64xf32, #tpu.memory_space<vmem>>) dst(%dma_wait3A_230 : memref<10008x64xf32, #tpu.memory_space<vmem_shared>>)
          } else {
          }
          %add3A_211 = arith.constant 3 : i32
          %add3A_212 = arith.addi %add3A_177, %add3A_211 : i32
          %dma_start3A_213 = arith.constant 0 : i32
          %dma_start3A_214 = tpu.memref_slice %arg6[%add3A_212, %dma_start3A_213] : memref<250x80xi32, #tpu.memory_space<vmem>> -> memref<1x80xi32, #tpu.memory_space<vmem>>
          %dma_start3A_215 = tpu.memref_squeeze %dma_start3A_214 : memref<1x80xi32, #tpu.memory_space<vmem>> -> memref<80xi32, #tpu.memory_space<vmem>>
          %dma_start3A_216 = arith.constant 0 : i32
          %dma_start3A_217 = arith.constant 0 : i32
          %dma_start3A_218 = tpu.memref_slice %arg2[%arg0, %dma_start3A_216, %dma_start3A_217] : memref<2x10000x64xf32, #tpu.memory_space<hbm>> -> memref<1x10000x64xf32, #tpu.memory_space<hbm>>
          %dma_start3A_219 = tpu.memref_squeeze %dma_start3A_218 : memref<1x10000x64xf32, #tpu.memory_space<hbm>> -> memref<10000x64xf32, #tpu.memory_space<hbm>>
          %dma_start3A_220 = arith.constant 0 : i32
          %dma_start3A_221 = arith.constant 0 : i32
          %dma_start3A_222 = tpu.memref_slice %dma_start3A_219[%dma_start3A_220, %dma_start3A_221] : memref<10000x64xf32, #tpu.memory_space<hbm>> -> memref<10000x64xf32, #tpu.memory_space<hbm>>
          tpu.enqueue_indirect_dma source(%dma_start3A_222 : memref<10000x64xf32, #tpu.memory_space<hbm>>) target(%arg10 : memref<80x64xf32, #tpu.memory_space<vmem>>) offsets(%dma_start3A_215 : memref<80xi32, #tpu.memory_space<vmem>>) semaphore(%arg18 : memref<!tpu.dma_semaphore, #tpu.memory_space<semaphore_mem>>)
        } else {
        }
      } else {
      }
    }
    %scan3A_89 = arith.constant 42 : i32
    %dma_wait3A_90 = arith.constant 244 : i32
    %dma_wait3A_91 = arith.constant 0 : i32
    %dma_wait3A_92 = tpu.memref_slice %arg7[%dma_wait3A_90, %dma_wait3A_91] : memref<250x80xi32, #tpu.memory_space<vmem>> -> memref<1x80xi32, #tpu.memory_space<vmem>>
    %dma_wait3A_93 = tpu.memref_squeeze %dma_wait3A_92 : memref<1x80xi32, #tpu.memory_space<vmem>> -> memref<80xi32, #tpu.memory_space<vmem>>
    %dma_wait3A_94 = arith.constant 0 : i32
    %dma_wait3A_95 = arith.constant 0 : i32
    %dma_wait3A_96 = tpu.memref_slice %arg15[%dma_wait3A_94, %dma_wait3A_95] : memref<10008x64xf32, #tpu.memory_space<vmem_shared>> -> memref<10008x64xf32, #tpu.memory_space<vmem_shared>>
    tpu.wait_indirect_dma semaphore(%arg26 : memref<!tpu.dma_semaphore, #tpu.memory_space<semaphore_mem>>) src(%arg12 : memref<80x64xf32, #tpu.memory_space<vmem>>) dst(%dma_wait3A_96 : memref<10008x64xf32, #tpu.memory_space<vmem_shared>>)
    %dma_wait3A_97 = arith.constant 245 : i32
    %dma_wait3A_98 = arith.constant 0 : i32
    %dma_wait3A_99 = tpu.memref_slice %arg7[%dma_wait3A_97, %dma_wait3A_98] : memref<250x80xi32, #tpu.memory_space<vmem>> -> memref<1x80xi32, #tpu.memory_space<vmem>>
    %dma_wait3A_100 = tpu.memref_squeeze %dma_wait3A_99 : memref<1x80xi32, #tpu.memory_space<vmem>> -> memref<80xi32, #tpu.memory_space<vmem>>
    %dma_wait3A_101 = arith.constant 0 : i32
    %dma_wait3A_102 = arith.constant 0 : i32
    %dma_wait3A_103 = tpu.memref_slice %arg15[%dma_wait3A_101, %dma_wait3A_102] : memref<10008x64xf32, #tpu.memory_space<vmem_shared>> -> memref<10008x64xf32, #tpu.memory_space<vmem_shared>>
    tpu.wait_indirect_dma semaphore(%arg27 : memref<!tpu.dma_semaphore, #tpu.memory_space<semaphore_mem>>) src(%arg13 : memref<80x64xf32, #tpu.memory_space<vmem>>) dst(%dma_wait3A_103 : memref<10008x64xf32, #tpu.memory_space<vmem_shared>>)
    %dma_wait3A_104 = arith.constant 246 : i32
    %dma_wait3A_105 = arith.constant 0 : i32
    %dma_wait3A_106 = tpu.memref_slice %arg7[%dma_wait3A_104, %dma_wait3A_105] : memref<250x80xi32, #tpu.memory_space<vmem>> -> memref<1x80xi32, #tpu.memory_space<vmem>>
    %dma_wait3A_107 = tpu.memref_squeeze %dma_wait3A_106 : memref<1x80xi32, #tpu.memory_space<vmem>> -> memref<80xi32, #tpu.memory_space<vmem>>
    %dma_wait3A_108 = arith.constant 0 : i32
    %dma_wait3A_109 = arith.constant 0 : i32
    %dma_wait3A_110 = tpu.memref_slice %arg15[%dma_wait3A_108, %dma_wait3A_109] : memref<10008x64xf32, #tpu.memory_space<vmem_shared>> -> memref<10008x64xf32, #tpu.memory_space<vmem_shared>>
    tpu.wait_indirect_dma semaphore(%arg22 : memref<!tpu.dma_semaphore, #tpu.memory_space<semaphore_mem>>) src(%arg8 : memref<80x64xf32, #tpu.memory_space<vmem>>) dst(%dma_wait3A_110 : memref<10008x64xf32, #tpu.memory_space<vmem_shared>>)
    %dma_wait3A_111 = arith.constant 247 : i32
    %dma_wait3A_112 = arith.constant 0 : i32
    %dma_wait3A_113 = tpu.memref_slice %arg7[%dma_wait3A_111, %dma_wait3A_112] : memref<250x80xi32, #tpu.memory_space<vmem>> -> memref<1x80xi32, #tpu.memory_space<vmem>>
    %dma_wait3A_114 = tpu.memref_squeeze %dma_wait3A_113 : memref<1x80xi32, #tpu.memory_space<vmem>> -> memref<80xi32, #tpu.memory_space<vmem>>
    %dma_wait3A_115 = arith.constant 0 : i32
    %dma_wait3A_116 = arith.constant 0 : i32
    %dma_wait3A_117 = tpu.memref_slice %arg15[%dma_wait3A_115, %dma_wait3A_116] : memref<10008x64xf32, #tpu.memory_space<vmem_shared>> -> memref<10008x64xf32, #tpu.memory_space<vmem_shared>>
    tpu.wait_indirect_dma semaphore(%arg23 : memref<!tpu.dma_semaphore, #tpu.memory_space<semaphore_mem>>) src(%arg9 : memref<80x64xf32, #tpu.memory_space<vmem>>) dst(%dma_wait3A_117 : memref<10008x64xf32, #tpu.memory_space<vmem_shared>>)
    %dma_wait3A_118 = arith.constant 248 : i32
    %dma_wait3A_119 = arith.constant 0 : i32
    %dma_wait3A_120 = tpu.memref_slice %arg7[%dma_wait3A_118, %dma_wait3A_119] : memref<250x80xi32, #tpu.memory_space<vmem>> -> memref<1x80xi32, #tpu.memory_space<vmem>>
    %dma_wait3A_121 = tpu.memref_squeeze %dma_wait3A_120 : memref<1x80xi32, #tpu.memory_space<vmem>> -> memref<80xi32, #tpu.memory_space<vmem>>
    %dma_wait3A_122 = arith.constant 0 : i32
    %dma_wait3A_123 = arith.constant 0 : i32
    %dma_wait3A_124 = tpu.memref_slice %arg15[%dma_wait3A_122, %dma_wait3A_123] : memref<10008x64xf32, #tpu.memory_space<vmem_shared>> -> memref<10008x64xf32, #tpu.memory_space<vmem_shared>>
    tpu.wait_indirect_dma semaphore(%arg24 : memref<!tpu.dma_semaphore, #tpu.memory_space<semaphore_mem>>) src(%arg10 : memref<80x64xf32, #tpu.memory_space<vmem>>) dst(%dma_wait3A_124 : memref<10008x64xf32, #tpu.memory_space<vmem_shared>>)
    %dma_wait3A_125 = arith.constant 249 : i32
    %dma_wait3A_126 = arith.constant 0 : i32
    %dma_wait3A_127 = tpu.memref_slice %arg7[%dma_wait3A_125, %dma_wait3A_126] : memref<250x80xi32, #tpu.memory_space<vmem>> -> memref<1x80xi32, #tpu.memory_space<vmem>>
    %dma_wait3A_128 = tpu.memref_squeeze %dma_wait3A_127 : memref<1x80xi32, #tpu.memory_space<vmem>> -> memref<80xi32, #tpu.memory_space<vmem>>
    %dma_wait3A_129 = arith.constant 0 : i32
    %dma_wait3A_130 = arith.constant 0 : i32
    %dma_wait3A_131 = tpu.memref_slice %arg15[%dma_wait3A_129, %dma_wait3A_130] : memref<10008x64xf32, #tpu.memory_space<vmem_shared>> -> memref<10008x64xf32, #tpu.memory_space<vmem_shared>>
    tpu.wait_indirect_dma semaphore(%arg25 : memref<!tpu.dma_semaphore, #tpu.memory_space<semaphore_mem>>) src(%arg11 : memref<80x64xf32, #tpu.memory_space<vmem>>) dst(%dma_wait3A_131 : memref<10008x64xf32, #tpu.memory_space<vmem_shared>>)
    %barrier3A_132 = arith.constant 0 : index
    tpu.barrier barrier_id(%barrier3A_132)
    "tpu.region"() ({
      %run_scoped3A = tpu.sem_alloc : memref<!tpu.dma_semaphore, #tpu.memory_space<semaphore_mem>>
      %dma_start3A_138 = arith.constant 0 : i32
      %dma_start3A_139 = arith.constant 0 : i32
      %dma_start3A_140 = tpu.memref_slice %arg5[%arg0, %dma_start3A_138, %dma_start3A_139] : memref<2x10000x64xf32, #tpu.memory_space<hbm>> -> memref<1x10000x64xf32, #tpu.memory_space<hbm>>
      %dma_start3A_141 = tpu.memref_squeeze %dma_start3A_140 : memref<1x10000x64xf32, #tpu.memory_space<hbm>> -> memref<10000x64xf32, #tpu.memory_space<hbm>>
      %dma_start3A_142 = arith.constant 0 : i32
      %dma_start3A_143 = tpu.memref_slice %dma_start3A_141[%mul3A_0, %dma_start3A_142] : memref<10000x64xf32, #tpu.memory_space<hbm>> -> memref<624x64xf32, #tpu.memory_space<hbm>>
      %dma_start3A_144 = arith.constant 0 : i32
      %dma_start3A_145 = tpu.memref_slice %arg15[%mul3A_0, %dma_start3A_144] : memref<10008x64xf32, #tpu.memory_space<vmem_shared>> -> memref<624x64xf32, #tpu.memory_space<vmem_shared>>
      tpu.enqueue_dma source(%dma_start3A_145 : memref<624x64xf32, #tpu.memory_space<vmem_shared>>) target(%dma_start3A_143 : memref<624x64xf32, #tpu.memory_space<hbm>>) target_semaphore(%run_scoped3A : memref<!tpu.dma_semaphore, #tpu.memory_space<semaphore_mem>>)
      %dma_wait3A_146 = arith.constant 0 : i32
      %dma_wait3A_147 = arith.constant 0 : i32
      %dma_wait3A_148 = tpu.memref_slice %arg5[%arg0, %dma_wait3A_146, %dma_wait3A_147] : memref<2x10000x64xf32, #tpu.memory_space<hbm>> -> memref<1x10000x64xf32, #tpu.memory_space<hbm>>
      %dma_wait3A_149 = tpu.memref_squeeze %dma_wait3A_148 : memref<1x10000x64xf32, #tpu.memory_space<hbm>> -> memref<10000x64xf32, #tpu.memory_space<hbm>>
      %dma_wait3A_150 = arith.constant 0 : i32
      %dma_wait3A_151 = tpu.memref_slice %dma_wait3A_149[%mul3A_0, %dma_wait3A_150] : memref<10000x64xf32, #tpu.memory_space<hbm>> -> memref<624x64xf32, #tpu.memory_space<hbm>>
      %dma_wait3A_152 = arith.constant 0 : i32
      %dma_wait3A_153 = tpu.memref_slice %arg15[%mul3A_0, %dma_wait3A_152] : memref<10008x64xf32, #tpu.memory_space<vmem_shared>> -> memref<624x64xf32, #tpu.memory_space<vmem_shared>>
      tpu.wait_dma2 semaphore(%run_scoped3A : memref<!tpu.dma_semaphore, #tpu.memory_space<semaphore_mem>>) src(%dma_wait3A_153 : memref<624x64xf32, #tpu.memory_space<vmem_shared>>) dst(%dma_wait3A_151 : memref<624x64xf32, #tpu.memory_space<hbm>>)
      tpu.yield
    }) : () -> ()
    %eq3A_133 = arith.constant 0 : i32
    %eq3A_134 = arith.cmpi eq, %arg1, %eq3A_133 : i32
    %convert_element_type3A_135 = arith.extui %eq3A_134 : i1 to i32
    %cond3A_136 = arith.constant 0 : i32
    %cond3A_137 = arith.cmpi ne, %convert_element_type3A_135, %cond3A_136 : i32
    scf.if %cond3A_137 {
      "tpu.region"() ({
        %run_scoped3A = tpu.sem_alloc : memref<!tpu.dma_semaphore, #tpu.memory_space<semaphore_mem>>
        %dma_start3A_138 = arith.constant 0 : i32
        %dma_start3A_139 = arith.constant 0 : i32
        %dma_start3A_140 = tpu.memref_slice %arg5[%arg0, %dma_start3A_138, %dma_start3A_139] : memref<2x10000x64xf32, #tpu.memory_space<hbm>> -> memref<1x10000x64xf32, #tpu.memory_space<hbm>>
        %dma_start3A_141 = tpu.memref_squeeze %dma_start3A_140 : memref<1x10000x64xf32, #tpu.memory_space<hbm>> -> memref<10000x64xf32, #tpu.memory_space<hbm>>
        %dma_start3A_142 = arith.constant 9984 : i32
        %dma_start3A_143 = arith.constant 0 : i32
        %dma_start3A_144 = tpu.memref_slice %dma_start3A_141[%dma_start3A_142, %dma_start3A_143] : memref<10000x64xf32, #tpu.memory_space<hbm>> -> memref<16x64xf32, #tpu.memory_space<hbm>>
        %dma_start3A_145 = arith.constant 9984 : i32
        %dma_start3A_146 = arith.constant 0 : i32
        %dma_start3A_147 = tpu.memref_slice %arg15[%dma_start3A_145, %dma_start3A_146] : memref<10008x64xf32, #tpu.memory_space<vmem_shared>> -> memref<16x64xf32, #tpu.memory_space<vmem_shared>>
        tpu.enqueue_dma source(%dma_start3A_147 : memref<16x64xf32, #tpu.memory_space<vmem_shared>>) target(%dma_start3A_144 : memref<16x64xf32, #tpu.memory_space<hbm>>) target_semaphore(%run_scoped3A : memref<!tpu.dma_semaphore, #tpu.memory_space<semaphore_mem>>)
        %dma_wait3A_148 = arith.constant 0 : i32
        %dma_wait3A_149 = arith.constant 0 : i32
        %dma_wait3A_150 = tpu.memref_slice %arg5[%arg0, %dma_wait3A_148, %dma_wait3A_149] : memref<2x10000x64xf32, #tpu.memory_space<hbm>> -> memref<1x10000x64xf32, #tpu.memory_space<hbm>>
        %dma_wait3A_151 = tpu.memref_squeeze %dma_wait3A_150 : memref<1x10000x64xf32, #tpu.memory_space<hbm>> -> memref<10000x64xf32, #tpu.memory_space<hbm>>
        %dma_wait3A_152 = arith.constant 9984 : i32
        %dma_wait3A_153 = arith.constant 0 : i32
        %dma_wait3A_154 = tpu.memref_slice %dma_wait3A_151[%dma_wait3A_152, %dma_wait3A_153] : memref<10000x64xf32, #tpu.memory_space<hbm>> -> memref<16x64xf32, #tpu.memory_space<hbm>>
        %dma_wait3A_155 = arith.constant 9984 : i32
        %dma_wait3A_156 = arith.constant 0 : i32
        %dma_wait3A_157 = tpu.memref_slice %arg15[%dma_wait3A_155, %dma_wait3A_156] : memref<10008x64xf32, #tpu.memory_space<vmem_shared>> -> memref<16x64xf32, #tpu.memory_space<vmem_shared>>
        tpu.wait_dma2 semaphore(%run_scoped3A : memref<!tpu.dma_semaphore, #tpu.memory_space<semaphore_mem>>) src(%dma_wait3A_157 : memref<16x64xf32, #tpu.memory_space<vmem_shared>>) dst(%dma_wait3A_154 : memref<16x64xf32, #tpu.memory_space<hbm>>)
        tpu.yield
      }) : () -> ()
    } else {
    }
    return
  }
}

#map = affine_map<(d0, d1) -> (0, 0, 0)>
module attributes {stable_mosaic.version = 14 : i64} {
  func.func @body(%arg0: i32, %arg1: i32, %arg2: memref<2x10000x32xf32, #tpu.memory_space<hbm>>, %arg3: memref<16x250x80xi32, #tpu.memory_space<hbm>>, %arg4: memref<16x250x80xi32, #tpu.memory_space<hbm>>, %arg5: memref<2x10000x32xf32, #tpu.memory_space<hbm>>, %arg6: memref<250x80xi32, #tpu.memory_space<vmem>>, %arg7: memref<250x80xi32, #tpu.memory_space<vmem>>, %arg8: memref<80x32xf32, #tpu.memory_space<vmem>>, %arg9: memref<80x32xf32, #tpu.memory_space<vmem>>, %arg10: memref<80x32xf32, #tpu.memory_space<vmem>>, %arg11: memref<80x32xf32, #tpu.memory_space<vmem>>, %arg12: memref<80x32xf32, #tpu.memory_space<vmem>>, %arg13: memref<80x32xf32, #tpu.memory_space<vmem>>, %arg14: memref<80x32xf32, #tpu.memory_space<vmem>>, %arg15: memref<80x32xf32, #tpu.memory_space<vmem>>, %arg16: memref<24x32xf32, #tpu.memory_space<vmem>>, %arg17: memref<10008x32xf32, #tpu.memory_space<vmem_shared>>, %arg18: memref<!tpu.dma_semaphore, #tpu.memory_space<semaphore_mem>>, %arg19: memref<!tpu.dma_semaphore, #tpu.memory_space<semaphore_mem>>, %arg20: memref<!tpu.dma_semaphore, #tpu.memory_space<semaphore_mem>>, %arg21: memref<!tpu.dma_semaphore, #tpu.memory_space<semaphore_mem>>, %arg22: memref<!tpu.dma_semaphore, #tpu.memory_space<semaphore_mem>>, %arg23: memref<!tpu.dma_semaphore, #tpu.memory_space<semaphore_mem>>, %arg24: memref<!tpu.dma_semaphore, #tpu.memory_space<semaphore_mem>>, %arg25: memref<!tpu.dma_semaphore, #tpu.memory_space<semaphore_mem>>, %arg26: memref<!tpu.dma_semaphore, #tpu.memory_space<semaphore_mem>>, %arg27: memref<!tpu.dma_semaphore, #tpu.memory_space<semaphore_mem>>, %arg28: memref<!tpu.dma_semaphore, #tpu.memory_space<semaphore_mem>>, %arg29: memref<!tpu.dma_semaphore, #tpu.memory_space<semaphore_mem>>, %arg30: memref<!tpu.dma_semaphore, #tpu.memory_space<semaphore_mem>>, %arg31: memref<!tpu.dma_semaphore, #tpu.memory_space<semaphore_mem>>, %arg32: memref<!tpu.dma_semaphore, #tpu.memory_space<semaphore_mem>>, %arg33: memref<!tpu.dma_semaphore, #tpu.memory_space<semaphore_mem>>) attributes {dimension_semantics = [#tpu.dimension_semantics<core_parallel>, #tpu.dimension_semantics<subcore_parallel>], iteration_bounds = array<i64: 2, 16>, scalar_prefetch = 0 : i64, scratch_operands = 28 : i64, tpu.core_type = #tpu.core_type<sc_vector_subcore>, window_params = [{transform_indices = #map}, {transform_indices = #map}, {transform_indices = #map}, {transform_indices = #map}]} {
    %mul3A = arith.constant 624 : i32
    %mul3A_0 = arith.muli %arg1, %mul3A : i32
    %dma_start3A = arith.constant 0 : i32
    %dma_start3A_1 = arith.constant 0 : i32
    %dma_start3A_2 = tpu.memref_slice %arg3[%arg1, %dma_start3A, %dma_start3A_1] : memref<16x250x80xi32, #tpu.memory_space<hbm>> -> memref<1x250x80xi32, #tpu.memory_space<hbm>>
    %dma_start3A_3 = tpu.memref_squeeze %dma_start3A_2 : memref<1x250x80xi32, #tpu.memory_space<hbm>> -> memref<250x80xi32, #tpu.memory_space<hbm>>
    %dma_start3A_4 = arith.constant 0 : i32
    %dma_start3A_5 = arith.constant 0 : i32
    %dma_start3A_6 = tpu.memref_slice %arg3[%arg1, %dma_start3A_4, %dma_start3A_5] : memref<16x250x80xi32, #tpu.memory_space<hbm>> -> memref<1x250x80xi32, #tpu.memory_space<hbm>>
    %dma_start3A_7 = tpu.memref_squeeze %dma_start3A_6 : memref<1x250x80xi32, #tpu.memory_space<hbm>> -> memref<250x80xi32, #tpu.memory_space<hbm>>
    tpu.enqueue_dma source(%dma_start3A_7 : memref<250x80xi32, #tpu.memory_space<hbm>>) target(%arg6 : memref<250x80xi32, #tpu.memory_space<vmem>>) target_semaphore(%arg18 : memref<!tpu.dma_semaphore, #tpu.memory_space<semaphore_mem>>)
    %dma_start3A_8 = arith.constant 0 : i32
    %dma_start3A_9 = arith.constant 0 : i32
    %dma_start3A_10 = tpu.memref_slice %arg4[%arg1, %dma_start3A_8, %dma_start3A_9] : memref<16x250x80xi32, #tpu.memory_space<hbm>> -> memref<1x250x80xi32, #tpu.memory_space<hbm>>
    %dma_start3A_11 = tpu.memref_squeeze %dma_start3A_10 : memref<1x250x80xi32, #tpu.memory_space<hbm>> -> memref<250x80xi32, #tpu.memory_space<hbm>>
    %dma_start3A_12 = arith.constant 0 : i32
    %dma_start3A_13 = arith.constant 0 : i32
    %dma_start3A_14 = tpu.memref_slice %arg4[%arg1, %dma_start3A_12, %dma_start3A_13] : memref<16x250x80xi32, #tpu.memory_space<hbm>> -> memref<1x250x80xi32, #tpu.memory_space<hbm>>
    %dma_start3A_15 = tpu.memref_squeeze %dma_start3A_14 : memref<1x250x80xi32, #tpu.memory_space<hbm>> -> memref<250x80xi32, #tpu.memory_space<hbm>>
    tpu.enqueue_dma source(%dma_start3A_15 : memref<250x80xi32, #tpu.memory_space<hbm>>) target(%arg7 : memref<250x80xi32, #tpu.memory_space<vmem>>) target_semaphore(%arg19 : memref<!tpu.dma_semaphore, #tpu.memory_space<semaphore_mem>>)
    %scan3A = arith.constant 0 : i32
    %scan3A_16 = arith.constant 24 : i32
    %scan3A_17 = arith.addi %scan3A, %scan3A_16 : i32
    %scan3A_18 = arith.constant 1 : i32
    scf.for %scan3A_163 = %scan3A to %scan3A_17 step %scan3A_18  : i32 {
      %mul3A_164 = arith.constant 1 : i32
      %mul3A_165 = arith.muli %scan3A_163, %mul3A_164 : i32
      %add3A = arith.constant 0 : i32
      %add3A_166 = arith.addi %add3A, %mul3A_165 : i32
      %scan3A_167 = arith.constant 0 : i32
      %scan3A_168 = arith.constant 2 : i32
      %scan3A_169 = arith.addi %scan3A_167, %scan3A_168 : i32
      %scan3A_170 = arith.constant 1 : i32
      scf.for %scan3A_172 = %scan3A_167 to %scan3A_169 step %scan3A_170  : i32 {
        %mul3A_173 = arith.constant 16 : i32
        %mul3A_174 = arith.muli %scan3A_172, %mul3A_173 : i32
        %add3A_175 = arith.constant 0 : i32
        %add3A_176 = arith.addi %add3A_175, %mul3A_174 : i32
        %broadcast_in_dim3A = arith.constant 0.000000e+00 : f32
        %broadcast_in_dim3A_177 = vector.broadcast %broadcast_in_dim3A : f32 to vector<1x16xf32>
        %swap3A = arith.index_cast %add3A_166 : i32 to index
        %swap3A_178 = arith.index_cast %add3A_176 : i32 to index
        %swap3A_179 = tpu.vector_load %arg16[%swap3A, %swap3A_178] {strides = array<i32>} : memref<24x32xf32, #tpu.memory_space<vmem>>, vector<1x16xf32>,
        %swap3A_180 = vector.shape_cast %swap3A_179 : vector<1x16xf32> to vector<1x16xf32>
        %swap3A_181 = vector.shape_cast %broadcast_in_dim3A_177 : vector<1x16xf32> to vector<1x16xf32>
        tpu.vector_store %arg16[%swap3A, %swap3A_178], %swap3A_181 {strides = array<i32>} : memref<24x32xf32, #tpu.memory_space<vmem>>, vector<1x16xf32>,
      }
      %scan3A_171 = arith.constant 2 : i32
    }
    %scan3A_19 = arith.constant 24 : i32
    %scan3A_20 = arith.constant 0 : i32
    %scan3A_21 = arith.constant 26 : i32
    %scan3A_22 = arith.addi %scan3A_20, %scan3A_21 : i32
    %scan3A_23 = arith.constant 1 : i32
    scf.for %scan3A_163 = %scan3A_20 to %scan3A_22 step %scan3A_23  : i32 {
      %mul3A_164 = arith.constant 1 : i32
      %mul3A_165 = arith.muli %scan3A_163, %mul3A_164 : i32
      %add3A = arith.constant 0 : i32
      %add3A_166 = arith.addi %add3A, %mul3A_165 : i32
      %mul3A_167 = arith.constant 24 : i32
      %mul3A_168 = arith.muli %add3A_166, %mul3A_167 : i32
      %add3A_169 = arith.addi %mul3A_0, %mul3A_168 : i32
      %dma_start3A_170 = arith.constant 0 : i32
      %dma_start3A_171 = tpu.memref_slice %arg17[%add3A_169, %dma_start3A_170] : memref<10008x32xf32, #tpu.memory_space<vmem_shared>> -> memref<24x32xf32, #tpu.memory_space<vmem_shared>>
      %dma_start3A_172 = arith.constant 0 : i32
      %dma_start3A_173 = tpu.memref_slice %arg17[%add3A_169, %dma_start3A_172] : memref<10008x32xf32, #tpu.memory_space<vmem_shared>> -> memref<24x32xf32, #tpu.memory_space<vmem_shared>>
      tpu.enqueue_dma source(%arg16 : memref<24x32xf32, #tpu.memory_space<vmem>>) target(%dma_start3A_173 : memref<24x32xf32, #tpu.memory_space<vmem_shared>>) target_semaphore(%arg26 : memref<!tpu.dma_semaphore, #tpu.memory_space<semaphore_mem>>)
    }
    %scan3A_24 = arith.constant 26 : i32
    %eq3A = arith.constant 0 : i32
    %eq3A_25 = arith.cmpi eq, %arg1, %eq3A : i32
    %convert_element_type3A = arith.extui %eq3A_25 : i1 to i32
    %cond3A = arith.constant 0 : i32
    %cond3A_26 = arith.cmpi ne, %convert_element_type3A, %cond3A : i32
    scf.if %cond3A_26 {
      %dma_start3A_163 = arith.constant 0 : i32
      %dma_start3A_164 = arith.constant 0 : i32
      %dma_start3A_165 = tpu.memref_slice %arg16[%dma_start3A_163, %dma_start3A_164] : memref<24x32xf32, #tpu.memory_space<vmem>> -> memref<24x32xf32, #tpu.memory_space<vmem>>
      %dma_start3A_166 = arith.constant 9984 : i32
      %dma_start3A_167 = arith.constant 0 : i32
      %dma_start3A_168 = tpu.memref_slice %arg17[%dma_start3A_166, %dma_start3A_167] : memref<10008x32xf32, #tpu.memory_space<vmem_shared>> -> memref<24x32xf32, #tpu.memory_space<vmem_shared>>
      %dma_start3A_169 = arith.constant 9984 : i32
      %dma_start3A_170 = arith.constant 0 : i32
      %dma_start3A_171 = tpu.memref_slice %arg17[%dma_start3A_169, %dma_start3A_170] : memref<10008x32xf32, #tpu.memory_space<vmem_shared>> -> memref<24x32xf32, #tpu.memory_space<vmem_shared>>
      %dma_start3A_172 = arith.constant 0 : i32
      %dma_start3A_173 = arith.constant 0 : i32
      %dma_start3A_174 = tpu.memref_slice %arg16[%dma_start3A_172, %dma_start3A_173] : memref<24x32xf32, #tpu.memory_space<vmem>> -> memref<24x32xf32, #tpu.memory_space<vmem>>
      tpu.enqueue_dma source(%dma_start3A_174 : memref<24x32xf32, #tpu.memory_space<vmem>>) target(%dma_start3A_171 : memref<24x32xf32, #tpu.memory_space<vmem_shared>>) target_semaphore(%arg26 : memref<!tpu.dma_semaphore, #tpu.memory_space<semaphore_mem>>)
    } else {
    }
    %dma_wait3A = arith.constant 0 : i32
    %dma_wait3A_27 = arith.constant 0 : i32
    %dma_wait3A_28 = tpu.memref_slice %arg3[%arg1, %dma_wait3A, %dma_wait3A_27] : memref<16x250x80xi32, #tpu.memory_space<hbm>> -> memref<1x250x80xi32, #tpu.memory_space<hbm>>
    %dma_wait3A_29 = tpu.memref_squeeze %dma_wait3A_28 : memref<1x250x80xi32, #tpu.memory_space<hbm>> -> memref<250x80xi32, #tpu.memory_space<hbm>>
    %dma_wait3A_30 = arith.constant 0 : i32
    %dma_wait3A_31 = arith.constant 0 : i32
    %dma_wait3A_32 = tpu.memref_slice %arg3[%arg1, %dma_wait3A_30, %dma_wait3A_31] : memref<16x250x80xi32, #tpu.memory_space<hbm>> -> memref<1x250x80xi32, #tpu.memory_space<hbm>>
    %dma_wait3A_33 = tpu.memref_squeeze %dma_wait3A_32 : memref<1x250x80xi32, #tpu.memory_space<hbm>> -> memref<250x80xi32, #tpu.memory_space<hbm>>
    tpu.wait_dma2 semaphore(%arg18 : memref<!tpu.dma_semaphore, #tpu.memory_space<semaphore_mem>>) src(%dma_wait3A_33 : memref<250x80xi32, #tpu.memory_space<hbm>>) dst(%arg6 : memref<250x80xi32, #tpu.memory_space<vmem>>)
    %dma_wait3A_34 = arith.constant 0 : i32
    %dma_wait3A_35 = arith.constant 0 : i32
    %dma_wait3A_36 = tpu.memref_slice %arg4[%arg1, %dma_wait3A_34, %dma_wait3A_35] : memref<16x250x80xi32, #tpu.memory_space<hbm>> -> memref<1x250x80xi32, #tpu.memory_space<hbm>>
    %dma_wait3A_37 = tpu.memref_squeeze %dma_wait3A_36 : memref<1x250x80xi32, #tpu.memory_space<hbm>> -> memref<250x80xi32, #tpu.memory_space<hbm>>
    %dma_wait3A_38 = arith.constant 0 : i32
    %dma_wait3A_39 = arith.constant 0 : i32
    %dma_wait3A_40 = tpu.memref_slice %arg4[%arg1, %dma_wait3A_38, %dma_wait3A_39] : memref<16x250x80xi32, #tpu.memory_space<hbm>> -> memref<1x250x80xi32, #tpu.memory_space<hbm>>
    %dma_wait3A_41 = tpu.memref_squeeze %dma_wait3A_40 : memref<1x250x80xi32, #tpu.memory_space<hbm>> -> memref<250x80xi32, #tpu.memory_space<hbm>>
    tpu.wait_dma2 semaphore(%arg19 : memref<!tpu.dma_semaphore, #tpu.memory_space<semaphore_mem>>) src(%dma_wait3A_41 : memref<250x80xi32, #tpu.memory_space<hbm>>) dst(%arg7 : memref<250x80xi32, #tpu.memory_space<vmem>>)
    %scan3A_42 = arith.constant 0 : i32
    %scan3A_43 = arith.constant 26 : i32
    %scan3A_44 = arith.addi %scan3A_42, %scan3A_43 : i32
    %scan3A_45 = arith.constant 1 : i32
    scf.for %scan3A_163 = %scan3A_42 to %scan3A_44 step %scan3A_45  : i32 {
      %mul3A_164 = arith.constant 1 : i32
      %mul3A_165 = arith.muli %scan3A_163, %mul3A_164 : i32
      %add3A = arith.constant 0 : i32
      %add3A_166 = arith.addi %add3A, %mul3A_165 : i32
      %mul3A_167 = arith.constant 24 : i32
      %mul3A_168 = arith.muli %add3A_166, %mul3A_167 : i32
      %add3A_169 = arith.addi %mul3A_0, %mul3A_168 : i32
      %dma_wait3A_170 = arith.constant 0 : i32
      %dma_wait3A_171 = tpu.memref_slice %arg17[%add3A_169, %dma_wait3A_170] : memref<10008x32xf32, #tpu.memory_space<vmem_shared>> -> memref<24x32xf32, #tpu.memory_space<vmem_shared>>
      %dma_wait3A_172 = arith.constant 0 : i32
      %dma_wait3A_173 = tpu.memref_slice %arg17[%add3A_169, %dma_wait3A_172] : memref<10008x32xf32, #tpu.memory_space<vmem_shared>> -> memref<24x32xf32, #tpu.memory_space<vmem_shared>>
      tpu.wait_dma2 semaphore(%arg26 : memref<!tpu.dma_semaphore, #tpu.memory_space<semaphore_mem>>) src(%arg16 : memref<24x32xf32, #tpu.memory_space<vmem>>) dst(%dma_wait3A_173 : memref<24x32xf32, #tpu.memory_space<vmem_shared>>)
    }
    %scan3A_46 = arith.constant 26 : i32
    %eq3A_47 = arith.constant 0 : i32
    %eq3A_48 = arith.cmpi eq, %arg1, %eq3A_47 : i32
    %convert_element_type3A_49 = arith.extui %eq3A_48 : i1 to i32
    %cond3A_50 = arith.constant 0 : i32
    %cond3A_51 = arith.cmpi ne, %convert_element_type3A_49, %cond3A_50 : i32
    scf.if %cond3A_51 {
      %dma_wait3A_163 = arith.constant 0 : i32
      %dma_wait3A_164 = arith.constant 0 : i32
      %dma_wait3A_165 = tpu.memref_slice %arg16[%dma_wait3A_163, %dma_wait3A_164] : memref<24x32xf32, #tpu.memory_space<vmem>> -> memref<24x32xf32, #tpu.memory_space<vmem>>
      %dma_wait3A_166 = arith.constant 9984 : i32
      %dma_wait3A_167 = arith.constant 0 : i32
      %dma_wait3A_168 = tpu.memref_slice %arg17[%dma_wait3A_166, %dma_wait3A_167] : memref<10008x32xf32, #tpu.memory_space<vmem_shared>> -> memref<24x32xf32, #tpu.memory_space<vmem_shared>>
      %dma_wait3A_169 = arith.constant 9984 : i32
      %dma_wait3A_170 = arith.constant 0 : i32
      %dma_wait3A_171 = tpu.memref_slice %arg17[%dma_wait3A_169, %dma_wait3A_170] : memref<10008x32xf32, #tpu.memory_space<vmem_shared>> -> memref<24x32xf32, #tpu.memory_space<vmem_shared>>
      %dma_wait3A_172 = arith.constant 0 : i32
      %dma_wait3A_173 = arith.constant 0 : i32
      %dma_wait3A_174 = tpu.memref_slice %arg16[%dma_wait3A_172, %dma_wait3A_173] : memref<24x32xf32, #tpu.memory_space<vmem>> -> memref<24x32xf32, #tpu.memory_space<vmem>>
      tpu.wait_dma2 semaphore(%arg26 : memref<!tpu.dma_semaphore, #tpu.memory_space<semaphore_mem>>) src(%dma_wait3A_174 : memref<24x32xf32, #tpu.memory_space<vmem>>) dst(%dma_wait3A_171 : memref<24x32xf32, #tpu.memory_space<vmem_shared>>)
    } else {
    }
    %barrier3A = arith.constant 0 : index
    tpu.barrier barrier_id(%barrier3A)
    %dma_start3A_52 = arith.constant 0 : i32
    %dma_start3A_53 = arith.constant 0 : i32
    %dma_start3A_54 = tpu.memref_slice %arg6[%dma_start3A_52, %dma_start3A_53] : memref<250x80xi32, #tpu.memory_space<vmem>> -> memref<1x80xi32, #tpu.memory_space<vmem>>
    %dma_start3A_55 = tpu.memref_squeeze %dma_start3A_54 : memref<1x80xi32, #tpu.memory_space<vmem>> -> memref<80xi32, #tpu.memory_space<vmem>>
    %dma_start3A_56 = arith.constant 0 : i32
    %dma_start3A_57 = arith.constant 0 : i32
    %dma_start3A_58 = tpu.memref_slice %arg2[%arg0, %dma_start3A_56, %dma_start3A_57] : memref<2x10000x32xf32, #tpu.memory_space<hbm>> -> memref<1x10000x32xf32, #tpu.memory_space<hbm>>
    %dma_start3A_59 = tpu.memref_squeeze %dma_start3A_58 : memref<1x10000x32xf32, #tpu.memory_space<hbm>> -> memref<10000x32xf32, #tpu.memory_space<hbm>>
    %dma_start3A_60 = arith.constant 0 : i32
    %dma_start3A_61 = arith.constant 0 : i32
    %dma_start3A_62 = tpu.memref_slice %dma_start3A_59[%dma_start3A_60, %dma_start3A_61] : memref<10000x32xf32, #tpu.memory_space<hbm>> -> memref<10000x32xf32, #tpu.memory_space<hbm>>
    tpu.enqueue_indirect_dma source(%dma_start3A_62 : memref<10000x32xf32, #tpu.memory_space<hbm>>) target(%arg8 : memref<80x32xf32, #tpu.memory_space<vmem>>) offsets(%dma_start3A_55 : memref<80xi32, #tpu.memory_space<vmem>>) semaphore(%arg18 : memref<!tpu.dma_semaphore, #tpu.memory_space<semaphore_mem>>)
    %dma_start3A_63 = arith.constant 1 : i32
    %dma_start3A_64 = arith.constant 0 : i32
    %dma_start3A_65 = tpu.memref_slice %arg6[%dma_start3A_63, %dma_start3A_64] : memref<250x80xi32, #tpu.memory_space<vmem>> -> memref<1x80xi32, #tpu.memory_space<vmem>>
    %dma_start3A_66 = tpu.memref_squeeze %dma_start3A_65 : memref<1x80xi32, #tpu.memory_space<vmem>> -> memref<80xi32, #tpu.memory_space<vmem>>
    %dma_start3A_67 = arith.constant 0 : i32
    %dma_start3A_68 = arith.constant 0 : i32
    %dma_start3A_69 = tpu.memref_slice %arg2[%arg0, %dma_start3A_67, %dma_start3A_68] : memref<2x10000x32xf32, #tpu.memory_space<hbm>> -> memref<1x10000x32xf32, #tpu.memory_space<hbm>>
    %dma_start3A_70 = tpu.memref_squeeze %dma_start3A_69 : memref<1x10000x32xf32, #tpu.memory_space<hbm>> -> memref<10000x32xf32, #tpu.memory_space<hbm>>
    %dma_start3A_71 = arith.constant 0 : i32
    %dma_start3A_72 = arith.constant 0 : i32
    %dma_start3A_73 = tpu.memref_slice %dma_start3A_70[%dma_start3A_71, %dma_start3A_72] : memref<10000x32xf32, #tpu.memory_space<hbm>> -> memref<10000x32xf32, #tpu.memory_space<hbm>>
    tpu.enqueue_indirect_dma source(%dma_start3A_73 : memref<10000x32xf32, #tpu.memory_space<hbm>>) target(%arg9 : memref<80x32xf32, #tpu.memory_space<vmem>>) offsets(%dma_start3A_66 : memref<80xi32, #tpu.memory_space<vmem>>) semaphore(%arg19 : memref<!tpu.dma_semaphore, #tpu.memory_space<semaphore_mem>>)
    %dma_start3A_74 = arith.constant 2 : i32
    %dma_start3A_75 = arith.constant 0 : i32
    %dma_start3A_76 = tpu.memref_slice %arg6[%dma_start3A_74, %dma_start3A_75] : memref<250x80xi32, #tpu.memory_space<vmem>> -> memref<1x80xi32, #tpu.memory_space<vmem>>
    %dma_start3A_77 = tpu.memref_squeeze %dma_start3A_76 : memref<1x80xi32, #tpu.memory_space<vmem>> -> memref<80xi32, #tpu.memory_space<vmem>>
    %dma_start3A_78 = arith.constant 0 : i32
    %dma_start3A_79 = arith.constant 0 : i32
    %dma_start3A_80 = tpu.memref_slice %arg2[%arg0, %dma_start3A_78, %dma_start3A_79] : memref<2x10000x32xf32, #tpu.memory_space<hbm>> -> memref<1x10000x32xf32, #tpu.memory_space<hbm>>
    %dma_start3A_81 = tpu.memref_squeeze %dma_start3A_80 : memref<1x10000x32xf32, #tpu.memory_space<hbm>> -> memref<10000x32xf32, #tpu.memory_space<hbm>>
    %dma_start3A_82 = arith.constant 0 : i32
    %dma_start3A_83 = arith.constant 0 : i32
    %dma_start3A_84 = tpu.memref_slice %dma_start3A_81[%dma_start3A_82, %dma_start3A_83] : memref<10000x32xf32, #tpu.memory_space<hbm>> -> memref<10000x32xf32, #tpu.memory_space<hbm>>
    tpu.enqueue_indirect_dma source(%dma_start3A_84 : memref<10000x32xf32, #tpu.memory_space<hbm>>) target(%arg10 : memref<80x32xf32, #tpu.memory_space<vmem>>) offsets(%dma_start3A_77 : memref<80xi32, #tpu.memory_space<vmem>>) semaphore(%arg20 : memref<!tpu.dma_semaphore, #tpu.memory_space<semaphore_mem>>)
    %dma_start3A_85 = arith.constant 3 : i32
    %dma_start3A_86 = arith.constant 0 : i32
    %dma_start3A_87 = tpu.memref_slice %arg6[%dma_start3A_85, %dma_start3A_86] : memref<250x80xi32, #tpu.memory_space<vmem>> -> memref<1x80xi32, #tpu.memory_space<vmem>>
    %dma_start3A_88 = tpu.memref_squeeze %dma_start3A_87 : memref<1x80xi32, #tpu.memory_space<vmem>> -> memref<80xi32, #tpu.memory_space<vmem>>
    %dma_start3A_89 = arith.constant 0 : i32
    %dma_start3A_90 = arith.constant 0 : i32
    %dma_start3A_91 = tpu.memref_slice %arg2[%arg0, %dma_start3A_89, %dma_start3A_90] : memref<2x10000x32xf32, #tpu.memory_space<hbm>> -> memref<1x10000x32xf32, #tpu.memory_space<hbm>>
    %dma_start3A_92 = tpu.memref_squeeze %dma_start3A_91 : memref<1x10000x32xf32, #tpu.memory_space<hbm>> -> memref<10000x32xf32, #tpu.memory_space<hbm>>
    %dma_start3A_93 = arith.constant 0 : i32
    %dma_start3A_94 = arith.constant 0 : i32
    %dma_start3A_95 = tpu.memref_slice %dma_start3A_92[%dma_start3A_93, %dma_start3A_94] : memref<10000x32xf32, #tpu.memory_space<hbm>> -> memref<10000x32xf32, #tpu.memory_space<hbm>>
    tpu.enqueue_indirect_dma source(%dma_start3A_95 : memref<10000x32xf32, #tpu.memory_space<hbm>>) target(%arg11 : memref<80x32xf32, #tpu.memory_space<vmem>>) offsets(%dma_start3A_88 : memref<80xi32, #tpu.memory_space<vmem>>) semaphore(%arg21 : memref<!tpu.dma_semaphore, #tpu.memory_space<semaphore_mem>>)
    %scan3A_96 = arith.constant 0 : i32
    %scan3A_97 = arith.constant 32 : i32
    %scan3A_98 = arith.addi %scan3A_96, %scan3A_97 : i32
    %scan3A_99 = arith.constant 1 : i32
    scf.for %scan3A_163 = %scan3A_96 to %scan3A_98 step %scan3A_99  : i32 {
      %mul3A_164 = arith.constant 8 : i32
      %mul3A_165 = arith.muli %scan3A_163, %mul3A_164 : i32
      %add3A = arith.constant 0 : i32
      %add3A_166 = arith.addi %add3A, %mul3A_165 : i32
      %add3A_167 = arith.constant 0 : i32
      %add3A_168 = arith.addi %add3A_166, %add3A_167 : i32
      %lt3A = arith.constant 250 : i32
      %lt3A_169 = arith.cmpi slt, %add3A_168, %lt3A : i32
      %convert_element_type3A_170 = arith.extui %lt3A_169 : i1 to i32
      %cond3A_171 = arith.constant 0 : i32
      %cond3A_172 = arith.cmpi ne, %convert_element_type3A_170, %cond3A_171 : i32
      scf.if %cond3A_172 {
        %dma_wait3A_222 = arith.constant 0 : i32
        %dma_wait3A_223 = tpu.memref_slice %arg6[%add3A_168, %dma_wait3A_222] : memref<250x80xi32, #tpu.memory_space<vmem>> -> memref<1x80xi32, #tpu.memory_space<vmem>>
        %dma_wait3A_224 = tpu.memref_squeeze %dma_wait3A_223 : memref<1x80xi32, #tpu.memory_space<vmem>> -> memref<80xi32, #tpu.memory_space<vmem>>
        %dma_wait3A_225 = arith.constant 0 : i32
        %dma_wait3A_226 = arith.constant 0 : i32
        %dma_wait3A_227 = tpu.memref_slice %arg2[%arg0, %dma_wait3A_225, %dma_wait3A_226] : memref<2x10000x32xf32, #tpu.memory_space<hbm>> -> memref<1x10000x32xf32, #tpu.memory_space<hbm>>
        %dma_wait3A_228 = tpu.memref_squeeze %dma_wait3A_227 : memref<1x10000x32xf32, #tpu.memory_space<hbm>> -> memref<10000x32xf32, #tpu.memory_space<hbm>>
        %dma_wait3A_229 = arith.constant 0 : i32
        %dma_wait3A_230 = arith.constant 0 : i32
        %dma_wait3A_231 = tpu.memref_slice %dma_wait3A_228[%dma_wait3A_229, %dma_wait3A_230] : memref<10000x32xf32, #tpu.memory_space<hbm>> -> memref<10000x32xf32, #tpu.memory_space<hbm>>
        tpu.wait_indirect_dma semaphore(%arg18 : memref<!tpu.dma_semaphore, #tpu.memory_space<semaphore_mem>>) src(%dma_wait3A_231 : memref<10000x32xf32, #tpu.memory_space<hbm>>) dst(%arg8 : memref<80x32xf32, #tpu.memory_space<vmem>>)
        %dma_start3A_232 = arith.constant 0 : i32
        %dma_start3A_233 = tpu.memref_slice %arg7[%add3A_168, %dma_start3A_232] : memref<250x80xi32, #tpu.memory_space<vmem>> -> memref<1x80xi32, #tpu.memory_space<vmem>>
        %dma_start3A_234 = tpu.memref_squeeze %dma_start3A_233 : memref<1x80xi32, #tpu.memory_space<vmem>> -> memref<80xi32, #tpu.memory_space<vmem>>
        %dma_start3A_235 = arith.constant 0 : i32
        %dma_start3A_236 = arith.constant 0 : i32
        %dma_start3A_237 = tpu.memref_slice %arg17[%dma_start3A_235, %dma_start3A_236] : memref<10008x32xf32, #tpu.memory_space<vmem_shared>> -> memref<10008x32xf32, #tpu.memory_space<vmem_shared>>
        tpu.enqueue_indirect_dma source(%arg8 : memref<80x32xf32, #tpu.memory_space<vmem>>) target(%dma_start3A_237 : memref<10008x32xf32, #tpu.memory_space<vmem_shared>>) offsets(%dma_start3A_234 : memref<80xi32, #tpu.memory_space<vmem>>) semaphore(%arg26 : memref<!tpu.dma_semaphore, #tpu.memory_space<semaphore_mem>>) {add = true}
        %add3A_238 = arith.constant 4 : i32
        %add3A_239 = arith.addi %add3A_168, %add3A_238 : i32
        %lt3A_240 = arith.constant 250 : i32
        %lt3A_241 = arith.cmpi slt, %add3A_239, %lt3A_240 : i32
        %convert_element_type3A_242 = arith.extui %lt3A_241 : i1 to i32
        %cond3A_243 = arith.constant 0 : i32
        %cond3A_244 = arith.cmpi ne, %convert_element_type3A_242, %cond3A_243 : i32
        scf.if %cond3A_244 {
          %sub3A = arith.constant 4 : i32
          %sub3A_245 = arith.subi %add3A_168, %sub3A : i32
          %ge3A = arith.constant 0 : i32
          %ge3A_246 = arith.cmpi sge, %sub3A_245, %ge3A : i32
          %convert_element_type3A_247 = arith.extui %ge3A_246 : i1 to i32
          %cond3A_248 = arith.constant 0 : i32
          %cond3A_249 = arith.cmpi ne, %convert_element_type3A_247, %cond3A_248 : i32
          scf.if %cond3A_249 {
            %sub3A_262 = arith.constant 4 : i32
            %sub3A_263 = arith.subi %add3A_168, %sub3A_262 : i32
            %dma_wait3A_264 = arith.constant 0 : i32
            %dma_wait3A_265 = tpu.memref_slice %arg7[%sub3A_263, %dma_wait3A_264] : memref<250x80xi32, #tpu.memory_space<vmem>> -> memref<1x80xi32, #tpu.memory_space<vmem>>
            %dma_wait3A_266 = tpu.memref_squeeze %dma_wait3A_265 : memref<1x80xi32, #tpu.memory_space<vmem>> -> memref<80xi32, #tpu.memory_space<vmem>>
            %dma_wait3A_267 = arith.constant 0 : i32
            %dma_wait3A_268 = arith.constant 0 : i32
            %dma_wait3A_269 = tpu.memref_slice %arg17[%dma_wait3A_267, %dma_wait3A_268] : memref<10008x32xf32, #tpu.memory_space<vmem_shared>> -> memref<10008x32xf32, #tpu.memory_space<vmem_shared>>
            tpu.wait_indirect_dma semaphore(%arg30 : memref<!tpu.dma_semaphore, #tpu.memory_space<semaphore_mem>>) src(%arg12 : memref<80x32xf32, #tpu.memory_space<vmem>>) dst(%dma_wait3A_269 : memref<10008x32xf32, #tpu.memory_space<vmem_shared>>)
          } else {
          }
          %add3A_250 = arith.constant 4 : i32
          %add3A_251 = arith.addi %add3A_168, %add3A_250 : i32
          %dma_start3A_252 = arith.constant 0 : i32
          %dma_start3A_253 = tpu.memref_slice %arg6[%add3A_251, %dma_start3A_252] : memref<250x80xi32, #tpu.memory_space<vmem>> -> memref<1x80xi32, #tpu.memory_space<vmem>>
          %dma_start3A_254 = tpu.memref_squeeze %dma_start3A_253 : memref<1x80xi32, #tpu.memory_space<vmem>> -> memref<80xi32, #tpu.memory_space<vmem>>
          %dma_start3A_255 = arith.constant 0 : i32
          %dma_start3A_256 = arith.constant 0 : i32
          %dma_start3A_257 = tpu.memref_slice %arg2[%arg0, %dma_start3A_255, %dma_start3A_256] : memref<2x10000x32xf32, #tpu.memory_space<hbm>> -> memref<1x10000x32xf32, #tpu.memory_space<hbm>>
          %dma_start3A_258 = tpu.memref_squeeze %dma_start3A_257 : memref<1x10000x32xf32, #tpu.memory_space<hbm>> -> memref<10000x32xf32, #tpu.memory_space<hbm>>
          %dma_start3A_259 = arith.constant 0 : i32
          %dma_start3A_260 = arith.constant 0 : i32
          %dma_start3A_261 = tpu.memref_slice %dma_start3A_258[%dma_start3A_259, %dma_start3A_260] : memref<10000x32xf32, #tpu.memory_space<hbm>> -> memref<10000x32xf32, #tpu.memory_space<hbm>>
          tpu.enqueue_indirect_dma source(%dma_start3A_261 : memref<10000x32xf32, #tpu.memory_space<hbm>>) target(%arg12 : memref<80x32xf32, #tpu.memory_space<vmem>>) offsets(%dma_start3A_254 : memref<80xi32, #tpu.memory_space<vmem>>) semaphore(%arg22 : memref<!tpu.dma_semaphore, #tpu.memory_space<semaphore_mem>>)
        } else {
        }
      } else {
      }
      %add3A_173 = arith.constant 1 : i32
      %add3A_174 = arith.addi %add3A_166, %add3A_173 : i32
      %lt3A_175 = arith.constant 250 : i32
      %lt3A_176 = arith.cmpi slt, %add3A_174, %lt3A_175 : i32
      %convert_element_type3A_177 = arith.extui %lt3A_176 : i1 to i32
      %cond3A_178 = arith.constant 0 : i32
      %cond3A_179 = arith.cmpi ne, %convert_element_type3A_177, %cond3A_178 : i32
      scf.if %cond3A_179 {
        %dma_wait3A_222 = arith.constant 0 : i32
        %dma_wait3A_223 = tpu.memref_slice %arg6[%add3A_174, %dma_wait3A_222] : memref<250x80xi32, #tpu.memory_space<vmem>> -> memref<1x80xi32, #tpu.memory_space<vmem>>
        %dma_wait3A_224 = tpu.memref_squeeze %dma_wait3A_223 : memref<1x80xi32, #tpu.memory_space<vmem>> -> memref<80xi32, #tpu.memory_space<vmem>>
        %dma_wait3A_225 = arith.constant 0 : i32
        %dma_wait3A_226 = arith.constant 0 : i32
        %dma_wait3A_227 = tpu.memref_slice %arg2[%arg0, %dma_wait3A_225, %dma_wait3A_226] : memref<2x10000x32xf32, #tpu.memory_space<hbm>> -> memref<1x10000x32xf32, #tpu.memory_space<hbm>>
        %dma_wait3A_228 = tpu.memref_squeeze %dma_wait3A_227 : memref<1x10000x32xf32, #tpu.memory_space<hbm>> -> memref<10000x32xf32, #tpu.memory_space<hbm>>
        %dma_wait3A_229 = arith.constant 0 : i32
        %dma_wait3A_230 = arith.constant 0 : i32
        %dma_wait3A_231 = tpu.memref_slice %dma_wait3A_228[%dma_wait3A_229, %dma_wait3A_230] : memref<10000x32xf32, #tpu.memory_space<hbm>> -> memref<10000x32xf32, #tpu.memory_space<hbm>>
        tpu.wait_indirect_dma semaphore(%arg19 : memref<!tpu.dma_semaphore, #tpu.memory_space<semaphore_mem>>) src(%dma_wait3A_231 : memref<10000x32xf32, #tpu.memory_space<hbm>>) dst(%arg9 : memref<80x32xf32, #tpu.memory_space<vmem>>)
        %dma_start3A_232 = arith.constant 0 : i32
        %dma_start3A_233 = tpu.memref_slice %arg7[%add3A_174, %dma_start3A_232] : memref<250x80xi32, #tpu.memory_space<vmem>> -> memref<1x80xi32, #tpu.memory_space<vmem>>
        %dma_start3A_234 = tpu.memref_squeeze %dma_start3A_233 : memref<1x80xi32, #tpu.memory_space<vmem>> -> memref<80xi32, #tpu.memory_space<vmem>>
        %dma_start3A_235 = arith.constant 0 : i32
        %dma_start3A_236 = arith.constant 0 : i32
        %dma_start3A_237 = tpu.memref_slice %arg17[%dma_start3A_235, %dma_start3A_236] : memref<10008x32xf32, #tpu.memory_space<vmem_shared>> -> memref<10008x32xf32, #tpu.memory_space<vmem_shared>>
        tpu.enqueue_indirect_dma source(%arg9 : memref<80x32xf32, #tpu.memory_space<vmem>>) target(%dma_start3A_237 : memref<10008x32xf32, #tpu.memory_space<vmem_shared>>) offsets(%dma_start3A_234 : memref<80xi32, #tpu.memory_space<vmem>>) semaphore(%arg27 : memref<!tpu.dma_semaphore, #tpu.memory_space<semaphore_mem>>) {add = true}
        %add3A_238 = arith.constant 4 : i32
        %add3A_239 = arith.addi %add3A_174, %add3A_238 : i32
        %lt3A_240 = arith.constant 250 : i32
        %lt3A_241 = arith.cmpi slt, %add3A_239, %lt3A_240 : i32
        %convert_element_type3A_242 = arith.extui %lt3A_241 : i1 to i32
        %cond3A_243 = arith.constant 0 : i32
        %cond3A_244 = arith.cmpi ne, %convert_element_type3A_242, %cond3A_243 : i32
        scf.if %cond3A_244 {
          %sub3A = arith.constant 4 : i32
          %sub3A_245 = arith.subi %add3A_174, %sub3A : i32
          %ge3A = arith.constant 0 : i32
          %ge3A_246 = arith.cmpi sge, %sub3A_245, %ge3A : i32
          %convert_element_type3A_247 = arith.extui %ge3A_246 : i1 to i32
          %cond3A_248 = arith.constant 0 : i32
          %cond3A_249 = arith.cmpi ne, %convert_element_type3A_247, %cond3A_248 : i32
          scf.if %cond3A_249 {
            %sub3A_262 = arith.constant 4 : i32
            %sub3A_263 = arith.subi %add3A_174, %sub3A_262 : i32
            %dma_wait3A_264 = arith.constant 0 : i32
            %dma_wait3A_265 = tpu.memref_slice %arg7[%sub3A_263, %dma_wait3A_264] : memref<250x80xi32, #tpu.memory_space<vmem>> -> memref<1x80xi32, #tpu.memory_space<vmem>>
            %dma_wait3A_266 = tpu.memref_squeeze %dma_wait3A_265 : memref<1x80xi32, #tpu.memory_space<vmem>> -> memref<80xi32, #tpu.memory_space<vmem>>
            %dma_wait3A_267 = arith.constant 0 : i32
            %dma_wait3A_268 = arith.constant 0 : i32
            %dma_wait3A_269 = tpu.memref_slice %arg17[%dma_wait3A_267, %dma_wait3A_268] : memref<10008x32xf32, #tpu.memory_space<vmem_shared>> -> memref<10008x32xf32, #tpu.memory_space<vmem_shared>>
            tpu.wait_indirect_dma semaphore(%arg31 : memref<!tpu.dma_semaphore, #tpu.memory_space<semaphore_mem>>) src(%arg13 : memref<80x32xf32, #tpu.memory_space<vmem>>) dst(%dma_wait3A_269 : memref<10008x32xf32, #tpu.memory_space<vmem_shared>>)
          } else {
          }
          %add3A_250 = arith.constant 4 : i32
          %add3A_251 = arith.addi %add3A_174, %add3A_250 : i32
          %dma_start3A_252 = arith.constant 0 : i32
          %dma_start3A_253 = tpu.memref_slice %arg6[%add3A_251, %dma_start3A_252] : memref<250x80xi32, #tpu.memory_space<vmem>> -> memref<1x80xi32, #tpu.memory_space<vmem>>
          %dma_start3A_254 = tpu.memref_squeeze %dma_start3A_253 : memref<1x80xi32, #tpu.memory_space<vmem>> -> memref<80xi32, #tpu.memory_space<vmem>>
          %dma_start3A_255 = arith.constant 0 : i32
          %dma_start3A_256 = arith.constant 0 : i32
          %dma_start3A_257 = tpu.memref_slice %arg2[%arg0, %dma_start3A_255, %dma_start3A_256] : memref<2x10000x32xf32, #tpu.memory_space<hbm>> -> memref<1x10000x32xf32, #tpu.memory_space<hbm>>
          %dma_start3A_258 = tpu.memref_squeeze %dma_start3A_257 : memref<1x10000x32xf32, #tpu.memory_space<hbm>> -> memref<10000x32xf32, #tpu.memory_space<hbm>>
          %dma_start3A_259 = arith.constant 0 : i32
          %dma_start3A_260 = arith.constant 0 : i32
          %dma_start3A_261 = tpu.memref_slice %dma_start3A_258[%dma_start3A_259, %dma_start3A_260] : memref<10000x32xf32, #tpu.memory_space<hbm>> -> memref<10000x32xf32, #tpu.memory_space<hbm>>
          tpu.enqueue_indirect_dma source(%dma_start3A_261 : memref<10000x32xf32, #tpu.memory_space<hbm>>) target(%arg13 : memref<80x32xf32, #tpu.memory_space<vmem>>) offsets(%dma_start3A_254 : memref<80xi32, #tpu.memory_space<vmem>>) semaphore(%arg23 : memref<!tpu.dma_semaphore, #tpu.memory_space<semaphore_mem>>)
        } else {
        }
      } else {
      }
      %add3A_180 = arith.constant 2 : i32
      %add3A_181 = arith.addi %add3A_166, %add3A_180 : i32
      %lt3A_182 = arith.constant 250 : i32
      %lt3A_183 = arith.cmpi slt, %add3A_181, %lt3A_182 : i32
      %convert_element_type3A_184 = arith.extui %lt3A_183 : i1 to i32
      %cond3A_185 = arith.constant 0 : i32
      %cond3A_186 = arith.cmpi ne, %convert_element_type3A_184, %cond3A_185 : i32
      scf.if %cond3A_186 {
        %dma_wait3A_222 = arith.constant 0 : i32
        %dma_wait3A_223 = tpu.memref_slice %arg6[%add3A_181, %dma_wait3A_222] : memref<250x80xi32, #tpu.memory_space<vmem>> -> memref<1x80xi32, #tpu.memory_space<vmem>>
        %dma_wait3A_224 = tpu.memref_squeeze %dma_wait3A_223 : memref<1x80xi32, #tpu.memory_space<vmem>> -> memref<80xi32, #tpu.memory_space<vmem>>
        %dma_wait3A_225 = arith.constant 0 : i32
        %dma_wait3A_226 = arith.constant 0 : i32
        %dma_wait3A_227 = tpu.memref_slice %arg2[%arg0, %dma_wait3A_225, %dma_wait3A_226] : memref<2x10000x32xf32, #tpu.memory_space<hbm>> -> memref<1x10000x32xf32, #tpu.memory_space<hbm>>
        %dma_wait3A_228 = tpu.memref_squeeze %dma_wait3A_227 : memref<1x10000x32xf32, #tpu.memory_space<hbm>> -> memref<10000x32xf32, #tpu.memory_space<hbm>>
        %dma_wait3A_229 = arith.constant 0 : i32
        %dma_wait3A_230 = arith.constant 0 : i32
        %dma_wait3A_231 = tpu.memref_slice %dma_wait3A_228[%dma_wait3A_229, %dma_wait3A_230] : memref<10000x32xf32, #tpu.memory_space<hbm>> -> memref<10000x32xf32, #tpu.memory_space<hbm>>
        tpu.wait_indirect_dma semaphore(%arg20 : memref<!tpu.dma_semaphore, #tpu.memory_space<semaphore_mem>>) src(%dma_wait3A_231 : memref<10000x32xf32, #tpu.memory_space<hbm>>) dst(%arg10 : memref<80x32xf32, #tpu.memory_space<vmem>>)
        %dma_start3A_232 = arith.constant 0 : i32
        %dma_start3A_233 = tpu.memref_slice %arg7[%add3A_181, %dma_start3A_232] : memref<250x80xi32, #tpu.memory_space<vmem>> -> memref<1x80xi32, #tpu.memory_space<vmem>>
        %dma_start3A_234 = tpu.memref_squeeze %dma_start3A_233 : memref<1x80xi32, #tpu.memory_space<vmem>> -> memref<80xi32, #tpu.memory_space<vmem>>
        %dma_start3A_235 = arith.constant 0 : i32
        %dma_start3A_236 = arith.constant 0 : i32
        %dma_start3A_237 = tpu.memref_slice %arg17[%dma_start3A_235, %dma_start3A_236] : memref<10008x32xf32, #tpu.memory_space<vmem_shared>> -> memref<10008x32xf32, #tpu.memory_space<vmem_shared>>
        tpu.enqueue_indirect_dma source(%arg10 : memref<80x32xf32, #tpu.memory_space<vmem>>) target(%dma_start3A_237 : memref<10008x32xf32, #tpu.memory_space<vmem_shared>>) offsets(%dma_start3A_234 : memref<80xi32, #tpu.memory_space<vmem>>) semaphore(%arg28 : memref<!tpu.dma_semaphore, #tpu.memory_space<semaphore_mem>>) {add = true}
        %add3A_238 = arith.constant 4 : i32
        %add3A_239 = arith.addi %add3A_181, %add3A_238 : i32
        %lt3A_240 = arith.constant 250 : i32
        %lt3A_241 = arith.cmpi slt, %add3A_239, %lt3A_240 : i32
        %convert_element_type3A_242 = arith.extui %lt3A_241 : i1 to i32
        %cond3A_243 = arith.constant 0 : i32
        %cond3A_244 = arith.cmpi ne, %convert_element_type3A_242, %cond3A_243 : i32
        scf.if %cond3A_244 {
          %sub3A = arith.constant 4 : i32
          %sub3A_245 = arith.subi %add3A_181, %sub3A : i32
          %ge3A = arith.constant 0 : i32
          %ge3A_246 = arith.cmpi sge, %sub3A_245, %ge3A : i32
          %convert_element_type3A_247 = arith.extui %ge3A_246 : i1 to i32
          %cond3A_248 = arith.constant 0 : i32
          %cond3A_249 = arith.cmpi ne, %convert_element_type3A_247, %cond3A_248 : i32
          scf.if %cond3A_249 {
            %sub3A_262 = arith.constant 4 : i32
            %sub3A_263 = arith.subi %add3A_181, %sub3A_262 : i32
            %dma_wait3A_264 = arith.constant 0 : i32
            %dma_wait3A_265 = tpu.memref_slice %arg7[%sub3A_263, %dma_wait3A_264] : memref<250x80xi32, #tpu.memory_space<vmem>> -> memref<1x80xi32, #tpu.memory_space<vmem>>
            %dma_wait3A_266 = tpu.memref_squeeze %dma_wait3A_265 : memref<1x80xi32, #tpu.memory_space<vmem>> -> memref<80xi32, #tpu.memory_space<vmem>>
            %dma_wait3A_267 = arith.constant 0 : i32
            %dma_wait3A_268 = arith.constant 0 : i32
            %dma_wait3A_269 = tpu.memref_slice %arg17[%dma_wait3A_267, %dma_wait3A_268] : memref<10008x32xf32, #tpu.memory_space<vmem_shared>> -> memref<10008x32xf32, #tpu.memory_space<vmem_shared>>
            tpu.wait_indirect_dma semaphore(%arg32 : memref<!tpu.dma_semaphore, #tpu.memory_space<semaphore_mem>>) src(%arg14 : memref<80x32xf32, #tpu.memory_space<vmem>>) dst(%dma_wait3A_269 : memref<10008x32xf32, #tpu.memory_space<vmem_shared>>)
          } else {
          }
          %add3A_250 = arith.constant 4 : i32
          %add3A_251 = arith.addi %add3A_181, %add3A_250 : i32
          %dma_start3A_252 = arith.constant 0 : i32
          %dma_start3A_253 = tpu.memref_slice %arg6[%add3A_251, %dma_start3A_252] : memref<250x80xi32, #tpu.memory_space<vmem>> -> memref<1x80xi32, #tpu.memory_space<vmem>>
          %dma_start3A_254 = tpu.memref_squeeze %dma_start3A_253 : memref<1x80xi32, #tpu.memory_space<vmem>> -> memref<80xi32, #tpu.memory_space<vmem>>
          %dma_start3A_255 = arith.constant 0 : i32
          %dma_start3A_256 = arith.constant 0 : i32
          %dma_start3A_257 = tpu.memref_slice %arg2[%arg0, %dma_start3A_255, %dma_start3A_256] : memref<2x10000x32xf32, #tpu.memory_space<hbm>> -> memref<1x10000x32xf32, #tpu.memory_space<hbm>>
          %dma_start3A_258 = tpu.memref_squeeze %dma_start3A_257 : memref<1x10000x32xf32, #tpu.memory_space<hbm>> -> memref<10000x32xf32, #tpu.memory_space<hbm>>
          %dma_start3A_259 = arith.constant 0 : i32
          %dma_start3A_260 = arith.constant 0 : i32
          %dma_start3A_261 = tpu.memref_slice %dma_start3A_258[%dma_start3A_259, %dma_start3A_260] : memref<10000x32xf32, #tpu.memory_space<hbm>> -> memref<10000x32xf32, #tpu.memory_space<hbm>>
          tpu.enqueue_indirect_dma source(%dma_start3A_261 : memref<10000x32xf32, #tpu.memory_space<hbm>>) target(%arg14 : memref<80x32xf32, #tpu.memory_space<vmem>>) offsets(%dma_start3A_254 : memref<80xi32, #tpu.memory_space<vmem>>) semaphore(%arg24 : memref<!tpu.dma_semaphore, #tpu.memory_space<semaphore_mem>>)
        } else {
        }
      } else {
      }
      %add3A_187 = arith.constant 3 : i32
      %add3A_188 = arith.addi %add3A_166, %add3A_187 : i32
      %lt3A_189 = arith.constant 250 : i32
      %lt3A_190 = arith.cmpi slt, %add3A_188, %lt3A_189 : i32
      %convert_element_type3A_191 = arith.extui %lt3A_190 : i1 to i32
      %cond3A_192 = arith.constant 0 : i32
      %cond3A_193 = arith.cmpi ne, %convert_element_type3A_191, %cond3A_192 : i32
      scf.if %cond3A_193 {
        %dma_wait3A_222 = arith.constant 0 : i32
        %dma_wait3A_223 = tpu.memref_slice %arg6[%add3A_188, %dma_wait3A_222] : memref<250x80xi32, #tpu.memory_space<vmem>> -> memref<1x80xi32, #tpu.memory_space<vmem>>
        %dma_wait3A_224 = tpu.memref_squeeze %dma_wait3A_223 : memref<1x80xi32, #tpu.memory_space<vmem>> -> memref<80xi32, #tpu.memory_space<vmem>>
        %dma_wait3A_225 = arith.constant 0 : i32
        %dma_wait3A_226 = arith.constant 0 : i32
        %dma_wait3A_227 = tpu.memref_slice %arg2[%arg0, %dma_wait3A_225, %dma_wait3A_226] : memref<2x10000x32xf32, #tpu.memory_space<hbm>> -> memref<1x10000x32xf32, #tpu.memory_space<hbm>>
        %dma_wait3A_228 = tpu.memref_squeeze %dma_wait3A_227 : memref<1x10000x32xf32, #tpu.memory_space<hbm>> -> memref<10000x32xf32, #tpu.memory_space<hbm>>
        %dma_wait3A_229 = arith.constant 0 : i32
        %dma_wait3A_230 = arith.constant 0 : i32
        %dma_wait3A_231 = tpu.memref_slice %dma_wait3A_228[%dma_wait3A_229, %dma_wait3A_230] : memref<10000x32xf32, #tpu.memory_space<hbm>> -> memref<10000x32xf32, #tpu.memory_space<hbm>>
        tpu.wait_indirect_dma semaphore(%arg21 : memref<!tpu.dma_semaphore, #tpu.memory_space<semaphore_mem>>) src(%dma_wait3A_231 : memref<10000x32xf32, #tpu.memory_space<hbm>>) dst(%arg11 : memref<80x32xf32, #tpu.memory_space<vmem>>)
        %dma_start3A_232 = arith.constant 0 : i32
        %dma_start3A_233 = tpu.memref_slice %arg7[%add3A_188, %dma_start3A_232] : memref<250x80xi32, #tpu.memory_space<vmem>> -> memref<1x80xi32, #tpu.memory_space<vmem>>
        %dma_start3A_234 = tpu.memref_squeeze %dma_start3A_233 : memref<1x80xi32, #tpu.memory_space<vmem>> -> memref<80xi32, #tpu.memory_space<vmem>>
        %dma_start3A_235 = arith.constant 0 : i32
        %dma_start3A_236 = arith.constant 0 : i32
        %dma_start3A_237 = tpu.memref_slice %arg17[%dma_start3A_235, %dma_start3A_236] : memref<10008x32xf32, #tpu.memory_space<vmem_shared>> -> memref<10008x32xf32, #tpu.memory_space<vmem_shared>>
        tpu.enqueue_indirect_dma source(%arg11 : memref<80x32xf32, #tpu.memory_space<vmem>>) target(%dma_start3A_237 : memref<10008x32xf32, #tpu.memory_space<vmem_shared>>) offsets(%dma_start3A_234 : memref<80xi32, #tpu.memory_space<vmem>>) semaphore(%arg29 : memref<!tpu.dma_semaphore, #tpu.memory_space<semaphore_mem>>) {add = true}
        %add3A_238 = arith.constant 4 : i32
        %add3A_239 = arith.addi %add3A_188, %add3A_238 : i32
        %lt3A_240 = arith.constant 250 : i32
        %lt3A_241 = arith.cmpi slt, %add3A_239, %lt3A_240 : i32
        %convert_element_type3A_242 = arith.extui %lt3A_241 : i1 to i32
        %cond3A_243 = arith.constant 0 : i32
        %cond3A_244 = arith.cmpi ne, %convert_element_type3A_242, %cond3A_243 : i32
        scf.if %cond3A_244 {
          %sub3A = arith.constant 4 : i32
          %sub3A_245 = arith.subi %add3A_188, %sub3A : i32
          %ge3A = arith.constant 0 : i32
          %ge3A_246 = arith.cmpi sge, %sub3A_245, %ge3A : i32
          %convert_element_type3A_247 = arith.extui %ge3A_246 : i1 to i32
          %cond3A_248 = arith.constant 0 : i32
          %cond3A_249 = arith.cmpi ne, %convert_element_type3A_247, %cond3A_248 : i32
          scf.if %cond3A_249 {
            %sub3A_262 = arith.constant 4 : i32
            %sub3A_263 = arith.subi %add3A_188, %sub3A_262 : i32
            %dma_wait3A_264 = arith.constant 0 : i32
            %dma_wait3A_265 = tpu.memref_slice %arg7[%sub3A_263, %dma_wait3A_264] : memref<250x80xi32, #tpu.memory_space<vmem>> -> memref<1x80xi32, #tpu.memory_space<vmem>>
            %dma_wait3A_266 = tpu.memref_squeeze %dma_wait3A_265 : memref<1x80xi32, #tpu.memory_space<vmem>> -> memref<80xi32, #tpu.memory_space<vmem>>
            %dma_wait3A_267 = arith.constant 0 : i32
            %dma_wait3A_268 = arith.constant 0 : i32
            %dma_wait3A_269 = tpu.memref_slice %arg17[%dma_wait3A_267, %dma_wait3A_268] : memref<10008x32xf32, #tpu.memory_space<vmem_shared>> -> memref<10008x32xf32, #tpu.memory_space<vmem_shared>>
            tpu.wait_indirect_dma semaphore(%arg33 : memref<!tpu.dma_semaphore, #tpu.memory_space<semaphore_mem>>) src(%arg15 : memref<80x32xf32, #tpu.memory_space<vmem>>) dst(%dma_wait3A_269 : memref<10008x32xf32, #tpu.memory_space<vmem_shared>>)
          } else {
          }
          %add3A_250 = arith.constant 4 : i32
          %add3A_251 = arith.addi %add3A_188, %add3A_250 : i32
          %dma_start3A_252 = arith.constant 0 : i32
          %dma_start3A_253 = tpu.memref_slice %arg6[%add3A_251, %dma_start3A_252] : memref<250x80xi32, #tpu.memory_space<vmem>> -> memref<1x80xi32, #tpu.memory_space<vmem>>
          %dma_start3A_254 = tpu.memref_squeeze %dma_start3A_253 : memref<1x80xi32, #tpu.memory_space<vmem>> -> memref<80xi32, #tpu.memory_space<vmem>>
          %dma_start3A_255 = arith.constant 0 : i32
          %dma_start3A_256 = arith.constant 0 : i32
          %dma_start3A_257 = tpu.memref_slice %arg2[%arg0, %dma_start3A_255, %dma_start3A_256] : memref<2x10000x32xf32, #tpu.memory_space<hbm>> -> memref<1x10000x32xf32, #tpu.memory_space<hbm>>
          %dma_start3A_258 = tpu.memref_squeeze %dma_start3A_257 : memref<1x10000x32xf32, #tpu.memory_space<hbm>> -> memref<10000x32xf32, #tpu.memory_space<hbm>>
          %dma_start3A_259 = arith.constant 0 : i32
          %dma_start3A_260 = arith.constant 0 : i32
          %dma_start3A_261 = tpu.memref_slice %dma_start3A_258[%dma_start3A_259, %dma_start3A_260] : memref<10000x32xf32, #tpu.memory_space<hbm>> -> memref<10000x32xf32, #tpu.memory_space<hbm>>
          tpu.enqueue_indirect_dma source(%dma_start3A_261 : memref<10000x32xf32, #tpu.memory_space<hbm>>) target(%arg15 : memref<80x32xf32, #tpu.memory_space<vmem>>) offsets(%dma_start3A_254 : memref<80xi32, #tpu.memory_space<vmem>>) semaphore(%arg25 : memref<!tpu.dma_semaphore, #tpu.memory_space<semaphore_mem>>)
        } else {
        }
      } else {
      }
      %add3A_194 = arith.constant 4 : i32
      %add3A_195 = arith.addi %add3A_166, %add3A_194 : i32
      %lt3A_196 = arith.constant 250 : i32
      %lt3A_197 = arith.cmpi slt, %add3A_195, %lt3A_196 : i32
      %convert_element_type3A_198 = arith.extui %lt3A_197 : i1 to i32
      %cond3A_199 = arith.constant 0 : i32
      %cond3A_200 = arith.cmpi ne, %convert_element_type3A_198, %cond3A_199 : i32
      scf.if %cond3A_200 {
        %dma_wait3A_222 = arith.constant 0 : i32
        %dma_wait3A_223 = tpu.memref_slice %arg6[%add3A_195, %dma_wait3A_222] : memref<250x80xi32, #tpu.memory_space<vmem>> -> memref<1x80xi32, #tpu.memory_space<vmem>>
        %dma_wait3A_224 = tpu.memref_squeeze %dma_wait3A_223 : memref<1x80xi32, #tpu.memory_space<vmem>> -> memref<80xi32, #tpu.memory_space<vmem>>
        %dma_wait3A_225 = arith.constant 0 : i32
        %dma_wait3A_226 = arith.constant 0 : i32
        %dma_wait3A_227 = tpu.memref_slice %arg2[%arg0, %dma_wait3A_225, %dma_wait3A_226] : memref<2x10000x32xf32, #tpu.memory_space<hbm>> -> memref<1x10000x32xf32, #tpu.memory_space<hbm>>
        %dma_wait3A_228 = tpu.memref_squeeze %dma_wait3A_227 : memref<1x10000x32xf32, #tpu.memory_space<hbm>> -> memref<10000x32xf32, #tpu.memory_space<hbm>>
        %dma_wait3A_229 = arith.constant 0 : i32
        %dma_wait3A_230 = arith.constant 0 : i32
        %dma_wait3A_231 = tpu.memref_slice %dma_wait3A_228[%dma_wait3A_229, %dma_wait3A_230] : memref<10000x32xf32, #tpu.memory_space<hbm>> -> memref<10000x32xf32, #tpu.memory_space<hbm>>
        tpu.wait_indirect_dma semaphore(%arg22 : memref<!tpu.dma_semaphore, #tpu.memory_space<semaphore_mem>>) src(%dma_wait3A_231 : memref<10000x32xf32, #tpu.memory_space<hbm>>) dst(%arg12 : memref<80x32xf32, #tpu.memory_space<vmem>>)
        %dma_start3A_232 = arith.constant 0 : i32
        %dma_start3A_233 = tpu.memref_slice %arg7[%add3A_195, %dma_start3A_232] : memref<250x80xi32, #tpu.memory_space<vmem>> -> memref<1x80xi32, #tpu.memory_space<vmem>>
        %dma_start3A_234 = tpu.memref_squeeze %dma_start3A_233 : memref<1x80xi32, #tpu.memory_space<vmem>> -> memref<80xi32, #tpu.memory_space<vmem>>
        %dma_start3A_235 = arith.constant 0 : i32
        %dma_start3A_236 = arith.constant 0 : i32
        %dma_start3A_237 = tpu.memref_slice %arg17[%dma_start3A_235, %dma_start3A_236] : memref<10008x32xf32, #tpu.memory_space<vmem_shared>> -> memref<10008x32xf32, #tpu.memory_space<vmem_shared>>
        tpu.enqueue_indirect_dma source(%arg12 : memref<80x32xf32, #tpu.memory_space<vmem>>) target(%dma_start3A_237 : memref<10008x32xf32, #tpu.memory_space<vmem_shared>>) offsets(%dma_start3A_234 : memref<80xi32, #tpu.memory_space<vmem>>) semaphore(%arg30 : memref<!tpu.dma_semaphore, #tpu.memory_space<semaphore_mem>>) {add = true}
        %add3A_238 = arith.constant 4 : i32
        %add3A_239 = arith.addi %add3A_195, %add3A_238 : i32
        %lt3A_240 = arith.constant 250 : i32
        %lt3A_241 = arith.cmpi slt, %add3A_239, %lt3A_240 : i32
        %convert_element_type3A_242 = arith.extui %lt3A_241 : i1 to i32
        %cond3A_243 = arith.constant 0 : i32
        %cond3A_244 = arith.cmpi ne, %convert_element_type3A_242, %cond3A_243 : i32
        scf.if %cond3A_244 {
          %sub3A = arith.constant 4 : i32
          %sub3A_245 = arith.subi %add3A_195, %sub3A : i32
          %ge3A = arith.constant 0 : i32
          %ge3A_246 = arith.cmpi sge, %sub3A_245, %ge3A : i32
          %convert_element_type3A_247 = arith.extui %ge3A_246 : i1 to i32
          %cond3A_248 = arith.constant 0 : i32
          %cond3A_249 = arith.cmpi ne, %convert_element_type3A_247, %cond3A_248 : i32
          scf.if %cond3A_249 {
            %sub3A_262 = arith.constant 4 : i32
            %sub3A_263 = arith.subi %add3A_195, %sub3A_262 : i32
            %dma_wait3A_264 = arith.constant 0 : i32
            %dma_wait3A_265 = tpu.memref_slice %arg7[%sub3A_263, %dma_wait3A_264] : memref<250x80xi32, #tpu.memory_space<vmem>> -> memref<1x80xi32, #tpu.memory_space<vmem>>
            %dma_wait3A_266 = tpu.memref_squeeze %dma_wait3A_265 : memref<1x80xi32, #tpu.memory_space<vmem>> -> memref<80xi32, #tpu.memory_space<vmem>>
            %dma_wait3A_267 = arith.constant 0 : i32
            %dma_wait3A_268 = arith.constant 0 : i32
            %dma_wait3A_269 = tpu.memref_slice %arg17[%dma_wait3A_267, %dma_wait3A_268] : memref<10008x32xf32, #tpu.memory_space<vmem_shared>> -> memref<10008x32xf32, #tpu.memory_space<vmem_shared>>
            tpu.wait_indirect_dma semaphore(%arg26 : memref<!tpu.dma_semaphore, #tpu.memory_space<semaphore_mem>>) src(%arg8 : memref<80x32xf32, #tpu.memory_space<vmem>>) dst(%dma_wait3A_269 : memref<10008x32xf32, #tpu.memory_space<vmem_shared>>)
          } else {
          }
          %add3A_250 = arith.constant 4 : i32
          %add3A_251 = arith.addi %add3A_195, %add3A_250 : i32
          %dma_start3A_252 = arith.constant 0 : i32
          %dma_start3A_253 = tpu.memref_slice %arg6[%add3A_251, %dma_start3A_252] : memref<250x80xi32, #tpu.memory_space<vmem>> -> memref<1x80xi32, #tpu.memory_space<vmem>>
          %dma_start3A_254 = tpu.memref_squeeze %dma_start3A_253 : memref<1x80xi32, #tpu.memory_space<vmem>> -> memref<80xi32, #tpu.memory_space<vmem>>
          %dma_start3A_255 = arith.constant 0 : i32
          %dma_start3A_256 = arith.constant 0 : i32
          %dma_start3A_257 = tpu.memref_slice %arg2[%arg0, %dma_start3A_255, %dma_start3A_256] : memref<2x10000x32xf32, #tpu.memory_space<hbm>> -> memref<1x10000x32xf32, #tpu.memory_space<hbm>>
          %dma_start3A_258 = tpu.memref_squeeze %dma_start3A_257 : memref<1x10000x32xf32, #tpu.memory_space<hbm>> -> memref<10000x32xf32, #tpu.memory_space<hbm>>
          %dma_start3A_259 = arith.constant 0 : i32
          %dma_start3A_260 = arith.constant 0 : i32
          %dma_start3A_261 = tpu.memref_slice %dma_start3A_258[%dma_start3A_259, %dma_start3A_260] : memref<10000x32xf32, #tpu.memory_space<hbm>> -> memref<10000x32xf32, #tpu.memory_space<hbm>>
          tpu.enqueue_indirect_dma source(%dma_start3A_261 : memref<10000x32xf32, #tpu.memory_space<hbm>>) target(%arg8 : memref<80x32xf32, #tpu.memory_space<vmem>>) offsets(%dma_start3A_254 : memref<80xi32, #tpu.memory_space<vmem>>) semaphore(%arg18 : memref<!tpu.dma_semaphore, #tpu.memory_space<semaphore_mem>>)
        } else {
        }
      } else {
      }
      %add3A_201 = arith.constant 5 : i32
      %add3A_202 = arith.addi %add3A_166, %add3A_201 : i32
      %lt3A_203 = arith.constant 250 : i32
      %lt3A_204 = arith.cmpi slt, %add3A_202, %lt3A_203 : i32
      %convert_element_type3A_205 = arith.extui %lt3A_204 : i1 to i32
      %cond3A_206 = arith.constant 0 : i32
      %cond3A_207 = arith.cmpi ne, %convert_element_type3A_205, %cond3A_206 : i32
      scf.if %cond3A_207 {
        %dma_wait3A_222 = arith.constant 0 : i32
        %dma_wait3A_223 = tpu.memref_slice %arg6[%add3A_202, %dma_wait3A_222] : memref<250x80xi32, #tpu.memory_space<vmem>> -> memref<1x80xi32, #tpu.memory_space<vmem>>
        %dma_wait3A_224 = tpu.memref_squeeze %dma_wait3A_223 : memref<1x80xi32, #tpu.memory_space<vmem>> -> memref<80xi32, #tpu.memory_space<vmem>>
        %dma_wait3A_225 = arith.constant 0 : i32
        %dma_wait3A_226 = arith.constant 0 : i32
        %dma_wait3A_227 = tpu.memref_slice %arg2[%arg0, %dma_wait3A_225, %dma_wait3A_226] : memref<2x10000x32xf32, #tpu.memory_space<hbm>> -> memref<1x10000x32xf32, #tpu.memory_space<hbm>>
        %dma_wait3A_228 = tpu.memref_squeeze %dma_wait3A_227 : memref<1x10000x32xf32, #tpu.memory_space<hbm>> -> memref<10000x32xf32, #tpu.memory_space<hbm>>
        %dma_wait3A_229 = arith.constant 0 : i32
        %dma_wait3A_230 = arith.constant 0 : i32
        %dma_wait3A_231 = tpu.memref_slice %dma_wait3A_228[%dma_wait3A_229, %dma_wait3A_230] : memref<10000x32xf32, #tpu.memory_space<hbm>> -> memref<10000x32xf32, #tpu.memory_space<hbm>>
        tpu.wait_indirect_dma semaphore(%arg23 : memref<!tpu.dma_semaphore, #tpu.memory_space<semaphore_mem>>) src(%dma_wait3A_231 : memref<10000x32xf32, #tpu.memory_space<hbm>>) dst(%arg13 : memref<80x32xf32, #tpu.memory_space<vmem>>)
        %dma_start3A_232 = arith.constant 0 : i32
        %dma_start3A_233 = tpu.memref_slice %arg7[%add3A_202, %dma_start3A_232] : memref<250x80xi32, #tpu.memory_space<vmem>> -> memref<1x80xi32, #tpu.memory_space<vmem>>
        %dma_start3A_234 = tpu.memref_squeeze %dma_start3A_233 : memref<1x80xi32, #tpu.memory_space<vmem>> -> memref<80xi32, #tpu.memory_space<vmem>>
        %dma_start3A_235 = arith.constant 0 : i32
        %dma_start3A_236 = arith.constant 0 : i32
        %dma_start3A_237 = tpu.memref_slice %arg17[%dma_start3A_235, %dma_start3A_236] : memref<10008x32xf32, #tpu.memory_space<vmem_shared>> -> memref<10008x32xf32, #tpu.memory_space<vmem_shared>>
        tpu.enqueue_indirect_dma source(%arg13 : memref<80x32xf32, #tpu.memory_space<vmem>>) target(%dma_start3A_237 : memref<10008x32xf32, #tpu.memory_space<vmem_shared>>) offsets(%dma_start3A_234 : memref<80xi32, #tpu.memory_space<vmem>>) semaphore(%arg31 : memref<!tpu.dma_semaphore, #tpu.memory_space<semaphore_mem>>) {add = true}
        %add3A_238 = arith.constant 4 : i32
        %add3A_239 = arith.addi %add3A_202, %add3A_238 : i32
        %lt3A_240 = arith.constant 250 : i32
        %lt3A_241 = arith.cmpi slt, %add3A_239, %lt3A_240 : i32
        %convert_element_type3A_242 = arith.extui %lt3A_241 : i1 to i32
        %cond3A_243 = arith.constant 0 : i32
        %cond3A_244 = arith.cmpi ne, %convert_element_type3A_242, %cond3A_243 : i32
        scf.if %cond3A_244 {
          %sub3A = arith.constant 4 : i32
          %sub3A_245 = arith.subi %add3A_202, %sub3A : i32
          %ge3A = arith.constant 0 : i32
          %ge3A_246 = arith.cmpi sge, %sub3A_245, %ge3A : i32
          %convert_element_type3A_247 = arith.extui %ge3A_246 : i1 to i32
          %cond3A_248 = arith.constant 0 : i32
          %cond3A_249 = arith.cmpi ne, %convert_element_type3A_247, %cond3A_248 : i32
          scf.if %cond3A_249 {
            %sub3A_262 = arith.constant 4 : i32
            %sub3A_263 = arith.subi %add3A_202, %sub3A_262 : i32
            %dma_wait3A_264 = arith.constant 0 : i32
            %dma_wait3A_265 = tpu.memref_slice %arg7[%sub3A_263, %dma_wait3A_264] : memref<250x80xi32, #tpu.memory_space<vmem>> -> memref<1x80xi32, #tpu.memory_space<vmem>>
            %dma_wait3A_266 = tpu.memref_squeeze %dma_wait3A_265 : memref<1x80xi32, #tpu.memory_space<vmem>> -> memref<80xi32, #tpu.memory_space<vmem>>
            %dma_wait3A_267 = arith.constant 0 : i32
            %dma_wait3A_268 = arith.constant 0 : i32
            %dma_wait3A_269 = tpu.memref_slice %arg17[%dma_wait3A_267, %dma_wait3A_268] : memref<10008x32xf32, #tpu.memory_space<vmem_shared>> -> memref<10008x32xf32, #tpu.memory_space<vmem_shared>>
            tpu.wait_indirect_dma semaphore(%arg27 : memref<!tpu.dma_semaphore, #tpu.memory_space<semaphore_mem>>) src(%arg9 : memref<80x32xf32, #tpu.memory_space<vmem>>) dst(%dma_wait3A_269 : memref<10008x32xf32, #tpu.memory_space<vmem_shared>>)
          } else {
          }
          %add3A_250 = arith.constant 4 : i32
          %add3A_251 = arith.addi %add3A_202, %add3A_250 : i32
          %dma_start3A_252 = arith.constant 0 : i32
          %dma_start3A_253 = tpu.memref_slice %arg6[%add3A_251, %dma_start3A_252] : memref<250x80xi32, #tpu.memory_space<vmem>> -> memref<1x80xi32, #tpu.memory_space<vmem>>
          %dma_start3A_254 = tpu.memref_squeeze %dma_start3A_253 : memref<1x80xi32, #tpu.memory_space<vmem>> -> memref<80xi32, #tpu.memory_space<vmem>>
          %dma_start3A_255 = arith.constant 0 : i32
          %dma_start3A_256 = arith.constant 0 : i32
          %dma_start3A_257 = tpu.memref_slice %arg2[%arg0, %dma_start3A_255, %dma_start3A_256] : memref<2x10000x32xf32, #tpu.memory_space<hbm>> -> memref<1x10000x32xf32, #tpu.memory_space<hbm>>
          %dma_start3A_258 = tpu.memref_squeeze %dma_start3A_257 : memref<1x10000x32xf32, #tpu.memory_space<hbm>> -> memref<10000x32xf32, #tpu.memory_space<hbm>>
          %dma_start3A_259 = arith.constant 0 : i32
          %dma_start3A_260 = arith.constant 0 : i32
          %dma_start3A_261 = tpu.memref_slice %dma_start3A_258[%dma_start3A_259, %dma_start3A_260] : memref<10000x32xf32, #tpu.memory_space<hbm>> -> memref<10000x32xf32, #tpu.memory_space<hbm>>
          tpu.enqueue_indirect_dma source(%dma_start3A_261 : memref<10000x32xf32, #tpu.memory_space<hbm>>) target(%arg9 : memref<80x32xf32, #tpu.memory_space<vmem>>) offsets(%dma_start3A_254 : memref<80xi32, #tpu.memory_space<vmem>>) semaphore(%arg19 : memref<!tpu.dma_semaphore, #tpu.memory_space<semaphore_mem>>)
        } else {
        }
      } else {
      }
      %add3A_208 = arith.constant 6 : i32
      %add3A_209 = arith.addi %add3A_166, %add3A_208 : i32
      %lt3A_210 = arith.constant 250 : i32
      %lt3A_211 = arith.cmpi slt, %add3A_209, %lt3A_210 : i32
      %convert_element_type3A_212 = arith.extui %lt3A_211 : i1 to i32
      %cond3A_213 = arith.constant 0 : i32
      %cond3A_214 = arith.cmpi ne, %convert_element_type3A_212, %cond3A_213 : i32
      scf.if %cond3A_214 {
        %dma_wait3A_222 = arith.constant 0 : i32
        %dma_wait3A_223 = tpu.memref_slice %arg6[%add3A_209, %dma_wait3A_222] : memref<250x80xi32, #tpu.memory_space<vmem>> -> memref<1x80xi32, #tpu.memory_space<vmem>>
        %dma_wait3A_224 = tpu.memref_squeeze %dma_wait3A_223 : memref<1x80xi32, #tpu.memory_space<vmem>> -> memref<80xi32, #tpu.memory_space<vmem>>
        %dma_wait3A_225 = arith.constant 0 : i32
        %dma_wait3A_226 = arith.constant 0 : i32
        %dma_wait3A_227 = tpu.memref_slice %arg2[%arg0, %dma_wait3A_225, %dma_wait3A_226] : memref<2x10000x32xf32, #tpu.memory_space<hbm>> -> memref<1x10000x32xf32, #tpu.memory_space<hbm>>
        %dma_wait3A_228 = tpu.memref_squeeze %dma_wait3A_227 : memref<1x10000x32xf32, #tpu.memory_space<hbm>> -> memref<10000x32xf32, #tpu.memory_space<hbm>>
        %dma_wait3A_229 = arith.constant 0 : i32
        %dma_wait3A_230 = arith.constant 0 : i32
        %dma_wait3A_231 = tpu.memref_slice %dma_wait3A_228[%dma_wait3A_229, %dma_wait3A_230] : memref<10000x32xf32, #tpu.memory_space<hbm>> -> memref<10000x32xf32, #tpu.memory_space<hbm>>
        tpu.wait_indirect_dma semaphore(%arg24 : memref<!tpu.dma_semaphore, #tpu.memory_space<semaphore_mem>>) src(%dma_wait3A_231 : memref<10000x32xf32, #tpu.memory_space<hbm>>) dst(%arg14 : memref<80x32xf32, #tpu.memory_space<vmem>>)
        %dma_start3A_232 = arith.constant 0 : i32
        %dma_start3A_233 = tpu.memref_slice %arg7[%add3A_209, %dma_start3A_232] : memref<250x80xi32, #tpu.memory_space<vmem>> -> memref<1x80xi32, #tpu.memory_space<vmem>>
        %dma_start3A_234 = tpu.memref_squeeze %dma_start3A_233 : memref<1x80xi32, #tpu.memory_space<vmem>> -> memref<80xi32, #tpu.memory_space<vmem>>
        %dma_start3A_235 = arith.constant 0 : i32
        %dma_start3A_236 = arith.constant 0 : i32
        %dma_start3A_237 = tpu.memref_slice %arg17[%dma_start3A_235, %dma_start3A_236] : memref<10008x32xf32, #tpu.memory_space<vmem_shared>> -> memref<10008x32xf32, #tpu.memory_space<vmem_shared>>
        tpu.enqueue_indirect_dma source(%arg14 : memref<80x32xf32, #tpu.memory_space<vmem>>) target(%dma_start3A_237 : memref<10008x32xf32, #tpu.memory_space<vmem_shared>>) offsets(%dma_start3A_234 : memref<80xi32, #tpu.memory_space<vmem>>) semaphore(%arg32 : memref<!tpu.dma_semaphore, #tpu.memory_space<semaphore_mem>>) {add = true}
        %add3A_238 = arith.constant 4 : i32
        %add3A_239 = arith.addi %add3A_209, %add3A_238 : i32
        %lt3A_240 = arith.constant 250 : i32
        %lt3A_241 = arith.cmpi slt, %add3A_239, %lt3A_240 : i32
        %convert_element_type3A_242 = arith.extui %lt3A_241 : i1 to i32
        %cond3A_243 = arith.constant 0 : i32
        %cond3A_244 = arith.cmpi ne, %convert_element_type3A_242, %cond3A_243 : i32
        scf.if %cond3A_244 {
          %sub3A = arith.constant 4 : i32
          %sub3A_245 = arith.subi %add3A_209, %sub3A : i32
          %ge3A = arith.constant 0 : i32
          %ge3A_246 = arith.cmpi sge, %sub3A_245, %ge3A : i32
          %convert_element_type3A_247 = arith.extui %ge3A_246 : i1 to i32
          %cond3A_248 = arith.constant 0 : i32
          %cond3A_249 = arith.cmpi ne, %convert_element_type3A_247, %cond3A_248 : i32
          scf.if %cond3A_249 {
            %sub3A_262 = arith.constant 4 : i32
            %sub3A_263 = arith.subi %add3A_209, %sub3A_262 : i32
            %dma_wait3A_264 = arith.constant 0 : i32
            %dma_wait3A_265 = tpu.memref_slice %arg7[%sub3A_263, %dma_wait3A_264] : memref<250x80xi32, #tpu.memory_space<vmem>> -> memref<1x80xi32, #tpu.memory_space<vmem>>
            %dma_wait3A_266 = tpu.memref_squeeze %dma_wait3A_265 : memref<1x80xi32, #tpu.memory_space<vmem>> -> memref<80xi32, #tpu.memory_space<vmem>>
            %dma_wait3A_267 = arith.constant 0 : i32
            %dma_wait3A_268 = arith.constant 0 : i32
            %dma_wait3A_269 = tpu.memref_slice %arg17[%dma_wait3A_267, %dma_wait3A_268] : memref<10008x32xf32, #tpu.memory_space<vmem_shared>> -> memref<10008x32xf32, #tpu.memory_space<vmem_shared>>
            tpu.wait_indirect_dma semaphore(%arg28 : memref<!tpu.dma_semaphore, #tpu.memory_space<semaphore_mem>>) src(%arg10 : memref<80x32xf32, #tpu.memory_space<vmem>>) dst(%dma_wait3A_269 : memref<10008x32xf32, #tpu.memory_space<vmem_shared>>)
          } else {
          }
          %add3A_250 = arith.constant 4 : i32
          %add3A_251 = arith.addi %add3A_209, %add3A_250 : i32
          %dma_start3A_252 = arith.constant 0 : i32
          %dma_start3A_253 = tpu.memref_slice %arg6[%add3A_251, %dma_start3A_252] : memref<250x80xi32, #tpu.memory_space<vmem>> -> memref<1x80xi32, #tpu.memory_space<vmem>>
          %dma_start3A_254 = tpu.memref_squeeze %dma_start3A_253 : memref<1x80xi32, #tpu.memory_space<vmem>> -> memref<80xi32, #tpu.memory_space<vmem>>
          %dma_start3A_255 = arith.constant 0 : i32
          %dma_start3A_256 = arith.constant 0 : i32
          %dma_start3A_257 = tpu.memref_slice %arg2[%arg0, %dma_start3A_255, %dma_start3A_256] : memref<2x10000x32xf32, #tpu.memory_space<hbm>> -> memref<1x10000x32xf32, #tpu.memory_space<hbm>>
          %dma_start3A_258 = tpu.memref_squeeze %dma_start3A_257 : memref<1x10000x32xf32, #tpu.memory_space<hbm>> -> memref<10000x32xf32, #tpu.memory_space<hbm>>
          %dma_start3A_259 = arith.constant 0 : i32
          %dma_start3A_260 = arith.constant 0 : i32
          %dma_start3A_261 = tpu.memref_slice %dma_start3A_258[%dma_start3A_259, %dma_start3A_260] : memref<10000x32xf32, #tpu.memory_space<hbm>> -> memref<10000x32xf32, #tpu.memory_space<hbm>>
          tpu.enqueue_indirect_dma source(%dma_start3A_261 : memref<10000x32xf32, #tpu.memory_space<hbm>>) target(%arg10 : memref<80x32xf32, #tpu.memory_space<vmem>>) offsets(%dma_start3A_254 : memref<80xi32, #tpu.memory_space<vmem>>) semaphore(%arg20 : memref<!tpu.dma_semaphore, #tpu.memory_space<semaphore_mem>>)
        } else {
        }
      } else {
      }
      %add3A_215 = arith.constant 7 : i32
      %add3A_216 = arith.addi %add3A_166, %add3A_215 : i32
      %lt3A_217 = arith.constant 250 : i32
      %lt3A_218 = arith.cmpi slt, %add3A_216, %lt3A_217 : i32
      %convert_element_type3A_219 = arith.extui %lt3A_218 : i1 to i32
      %cond3A_220 = arith.constant 0 : i32
      %cond3A_221 = arith.cmpi ne, %convert_element_type3A_219, %cond3A_220 : i32
      scf.if %cond3A_221 {
        %dma_wait3A_222 = arith.constant 0 : i32
        %dma_wait3A_223 = tpu.memref_slice %arg6[%add3A_216, %dma_wait3A_222] : memref<250x80xi32, #tpu.memory_space<vmem>> -> memref<1x80xi32, #tpu.memory_space<vmem>>
        %dma_wait3A_224 = tpu.memref_squeeze %dma_wait3A_223 : memref<1x80xi32, #tpu.memory_space<vmem>> -> memref<80xi32, #tpu.memory_space<vmem>>
        %dma_wait3A_225 = arith.constant 0 : i32
        %dma_wait3A_226 = arith.constant 0 : i32
        %dma_wait3A_227 = tpu.memref_slice %arg2[%arg0, %dma_wait3A_225, %dma_wait3A_226] : memref<2x10000x32xf32, #tpu.memory_space<hbm>> -> memref<1x10000x32xf32, #tpu.memory_space<hbm>>
        %dma_wait3A_228 = tpu.memref_squeeze %dma_wait3A_227 : memref<1x10000x32xf32, #tpu.memory_space<hbm>> -> memref<10000x32xf32, #tpu.memory_space<hbm>>
        %dma_wait3A_229 = arith.constant 0 : i32
        %dma_wait3A_230 = arith.constant 0 : i32
        %dma_wait3A_231 = tpu.memref_slice %dma_wait3A_228[%dma_wait3A_229, %dma_wait3A_230] : memref<10000x32xf32, #tpu.memory_space<hbm>> -> memref<10000x32xf32, #tpu.memory_space<hbm>>
        tpu.wait_indirect_dma semaphore(%arg25 : memref<!tpu.dma_semaphore, #tpu.memory_space<semaphore_mem>>) src(%dma_wait3A_231 : memref<10000x32xf32, #tpu.memory_space<hbm>>) dst(%arg15 : memref<80x32xf32, #tpu.memory_space<vmem>>)
        %dma_start3A_232 = arith.constant 0 : i32
        %dma_start3A_233 = tpu.memref_slice %arg7[%add3A_216, %dma_start3A_232] : memref<250x80xi32, #tpu.memory_space<vmem>> -> memref<1x80xi32, #tpu.memory_space<vmem>>
        %dma_start3A_234 = tpu.memref_squeeze %dma_start3A_233 : memref<1x80xi32, #tpu.memory_space<vmem>> -> memref<80xi32, #tpu.memory_space<vmem>>
        %dma_start3A_235 = arith.constant 0 : i32
        %dma_start3A_236 = arith.constant 0 : i32
        %dma_start3A_237 = tpu.memref_slice %arg17[%dma_start3A_235, %dma_start3A_236] : memref<10008x32xf32, #tpu.memory_space<vmem_shared>> -> memref<10008x32xf32, #tpu.memory_space<vmem_shared>>
        tpu.enqueue_indirect_dma source(%arg15 : memref<80x32xf32, #tpu.memory_space<vmem>>) target(%dma_start3A_237 : memref<10008x32xf32, #tpu.memory_space<vmem_shared>>) offsets(%dma_start3A_234 : memref<80xi32, #tpu.memory_space<vmem>>) semaphore(%arg33 : memref<!tpu.dma_semaphore, #tpu.memory_space<semaphore_mem>>) {add = true}
        %add3A_238 = arith.constant 4 : i32
        %add3A_239 = arith.addi %add3A_216, %add3A_238 : i32
        %lt3A_240 = arith.constant 250 : i32
        %lt3A_241 = arith.cmpi slt, %add3A_239, %lt3A_240 : i32
        %convert_element_type3A_242 = arith.extui %lt3A_241 : i1 to i32
        %cond3A_243 = arith.constant 0 : i32
        %cond3A_244 = arith.cmpi ne, %convert_element_type3A_242, %cond3A_243 : i32
        scf.if %cond3A_244 {
          %sub3A = arith.constant 4 : i32
          %sub3A_245 = arith.subi %add3A_216, %sub3A : i32
          %ge3A = arith.constant 0 : i32
          %ge3A_246 = arith.cmpi sge, %sub3A_245, %ge3A : i32
          %convert_element_type3A_247 = arith.extui %ge3A_246 : i1 to i32
          %cond3A_248 = arith.constant 0 : i32
          %cond3A_249 = arith.cmpi ne, %convert_element_type3A_247, %cond3A_248 : i32
          scf.if %cond3A_249 {
            %sub3A_262 = arith.constant 4 : i32
            %sub3A_263 = arith.subi %add3A_216, %sub3A_262 : i32
            %dma_wait3A_264 = arith.constant 0 : i32
            %dma_wait3A_265 = tpu.memref_slice %arg7[%sub3A_263, %dma_wait3A_264] : memref<250x80xi32, #tpu.memory_space<vmem>> -> memref<1x80xi32, #tpu.memory_space<vmem>>
            %dma_wait3A_266 = tpu.memref_squeeze %dma_wait3A_265 : memref<1x80xi32, #tpu.memory_space<vmem>> -> memref<80xi32, #tpu.memory_space<vmem>>
            %dma_wait3A_267 = arith.constant 0 : i32
            %dma_wait3A_268 = arith.constant 0 : i32
            %dma_wait3A_269 = tpu.memref_slice %arg17[%dma_wait3A_267, %dma_wait3A_268] : memref<10008x32xf32, #tpu.memory_space<vmem_shared>> -> memref<10008x32xf32, #tpu.memory_space<vmem_shared>>
            tpu.wait_indirect_dma semaphore(%arg29 : memref<!tpu.dma_semaphore, #tpu.memory_space<semaphore_mem>>) src(%arg11 : memref<80x32xf32, #tpu.memory_space<vmem>>) dst(%dma_wait3A_269 : memref<10008x32xf32, #tpu.memory_space<vmem_shared>>)
          } else {
          }
          %add3A_250 = arith.constant 4 : i32
          %add3A_251 = arith.addi %add3A_216, %add3A_250 : i32
          %dma_start3A_252 = arith.constant 0 : i32
          %dma_start3A_253 = tpu.memref_slice %arg6[%add3A_251, %dma_start3A_252] : memref<250x80xi32, #tpu.memory_space<vmem>> -> memref<1x80xi32, #tpu.memory_space<vmem>>
          %dma_start3A_254 = tpu.memref_squeeze %dma_start3A_253 : memref<1x80xi32, #tpu.memory_space<vmem>> -> memref<80xi32, #tpu.memory_space<vmem>>
          %dma_start3A_255 = arith.constant 0 : i32
          %dma_start3A_256 = arith.constant 0 : i32
          %dma_start3A_257 = tpu.memref_slice %arg2[%arg0, %dma_start3A_255, %dma_start3A_256] : memref<2x10000x32xf32, #tpu.memory_space<hbm>> -> memref<1x10000x32xf32, #tpu.memory_space<hbm>>
          %dma_start3A_258 = tpu.memref_squeeze %dma_start3A_257 : memref<1x10000x32xf32, #tpu.memory_space<hbm>> -> memref<10000x32xf32, #tpu.memory_space<hbm>>
          %dma_start3A_259 = arith.constant 0 : i32
          %dma_start3A_260 = arith.constant 0 : i32
          %dma_start3A_261 = tpu.memref_slice %dma_start3A_258[%dma_start3A_259, %dma_start3A_260] : memref<10000x32xf32, #tpu.memory_space<hbm>> -> memref<10000x32xf32, #tpu.memory_space<hbm>>
          tpu.enqueue_indirect_dma source(%dma_start3A_261 : memref<10000x32xf32, #tpu.memory_space<hbm>>) target(%arg11 : memref<80x32xf32, #tpu.memory_space<vmem>>) offsets(%dma_start3A_254 : memref<80xi32, #tpu.memory_space<vmem>>) semaphore(%arg21 : memref<!tpu.dma_semaphore, #tpu.memory_space<semaphore_mem>>)
        } else {
        }
      } else {
      }
    }
    %scan3A_100 = arith.constant 32 : i32
    %dma_wait3A_101 = arith.constant 242 : i32
    %dma_wait3A_102 = arith.constant 0 : i32
    %dma_wait3A_103 = tpu.memref_slice %arg7[%dma_wait3A_101, %dma_wait3A_102] : memref<250x80xi32, #tpu.memory_space<vmem>> -> memref<1x80xi32, #tpu.memory_space<vmem>>
    %dma_wait3A_104 = tpu.memref_squeeze %dma_wait3A_103 : memref<1x80xi32, #tpu.memory_space<vmem>> -> memref<80xi32, #tpu.memory_space<vmem>>
    %dma_wait3A_105 = arith.constant 0 : i32
    %dma_wait3A_106 = arith.constant 0 : i32
    %dma_wait3A_107 = tpu.memref_slice %arg17[%dma_wait3A_105, %dma_wait3A_106] : memref<10008x32xf32, #tpu.memory_space<vmem_shared>> -> memref<10008x32xf32, #tpu.memory_space<vmem_shared>>
    tpu.wait_indirect_dma semaphore(%arg28 : memref<!tpu.dma_semaphore, #tpu.memory_space<semaphore_mem>>) src(%arg10 : memref<80x32xf32, #tpu.memory_space<vmem>>) dst(%dma_wait3A_107 : memref<10008x32xf32, #tpu.memory_space<vmem_shared>>)
    %dma_wait3A_108 = arith.constant 243 : i32
    %dma_wait3A_109 = arith.constant 0 : i32
    %dma_wait3A_110 = tpu.memref_slice %arg7[%dma_wait3A_108, %dma_wait3A_109] : memref<250x80xi32, #tpu.memory_space<vmem>> -> memref<1x80xi32, #tpu.memory_space<vmem>>
    %dma_wait3A_111 = tpu.memref_squeeze %dma_wait3A_110 : memref<1x80xi32, #tpu.memory_space<vmem>> -> memref<80xi32, #tpu.memory_space<vmem>>
    %dma_wait3A_112 = arith.constant 0 : i32
    %dma_wait3A_113 = arith.constant 0 : i32
    %dma_wait3A_114 = tpu.memref_slice %arg17[%dma_wait3A_112, %dma_wait3A_113] : memref<10008x32xf32, #tpu.memory_space<vmem_shared>> -> memref<10008x32xf32, #tpu.memory_space<vmem_shared>>
    tpu.wait_indirect_dma semaphore(%arg29 : memref<!tpu.dma_semaphore, #tpu.memory_space<semaphore_mem>>) src(%arg11 : memref<80x32xf32, #tpu.memory_space<vmem>>) dst(%dma_wait3A_114 : memref<10008x32xf32, #tpu.memory_space<vmem_shared>>)
    %dma_wait3A_115 = arith.constant 244 : i32
    %dma_wait3A_116 = arith.constant 0 : i32
    %dma_wait3A_117 = tpu.memref_slice %arg7[%dma_wait3A_115, %dma_wait3A_116] : memref<250x80xi32, #tpu.memory_space<vmem>> -> memref<1x80xi32, #tpu.memory_space<vmem>>
    %dma_wait3A_118 = tpu.memref_squeeze %dma_wait3A_117 : memref<1x80xi32, #tpu.memory_space<vmem>> -> memref<80xi32, #tpu.memory_space<vmem>>
    %dma_wait3A_119 = arith.constant 0 : i32
    %dma_wait3A_120 = arith.constant 0 : i32
    %dma_wait3A_121 = tpu.memref_slice %arg17[%dma_wait3A_119, %dma_wait3A_120] : memref<10008x32xf32, #tpu.memory_space<vmem_shared>> -> memref<10008x32xf32, #tpu.memory_space<vmem_shared>>
    tpu.wait_indirect_dma semaphore(%arg30 : memref<!tpu.dma_semaphore, #tpu.memory_space<semaphore_mem>>) src(%arg12 : memref<80x32xf32, #tpu.memory_space<vmem>>) dst(%dma_wait3A_121 : memref<10008x32xf32, #tpu.memory_space<vmem_shared>>)
    %dma_wait3A_122 = arith.constant 245 : i32
    %dma_wait3A_123 = arith.constant 0 : i32
    %dma_wait3A_124 = tpu.memref_slice %arg7[%dma_wait3A_122, %dma_wait3A_123] : memref<250x80xi32, #tpu.memory_space<vmem>> -> memref<1x80xi32, #tpu.memory_space<vmem>>
    %dma_wait3A_125 = tpu.memref_squeeze %dma_wait3A_124 : memref<1x80xi32, #tpu.memory_space<vmem>> -> memref<80xi32, #tpu.memory_space<vmem>>
    %dma_wait3A_126 = arith.constant 0 : i32
    %dma_wait3A_127 = arith.constant 0 : i32
    %dma_wait3A_128 = tpu.memref_slice %arg17[%dma_wait3A_126, %dma_wait3A_127] : memref<10008x32xf32, #tpu.memory_space<vmem_shared>> -> memref<10008x32xf32, #tpu.memory_space<vmem_shared>>
    tpu.wait_indirect_dma semaphore(%arg31 : memref<!tpu.dma_semaphore, #tpu.memory_space<semaphore_mem>>) src(%arg13 : memref<80x32xf32, #tpu.memory_space<vmem>>) dst(%dma_wait3A_128 : memref<10008x32xf32, #tpu.memory_space<vmem_shared>>)
    %dma_wait3A_129 = arith.constant 246 : i32
    %dma_wait3A_130 = arith.constant 0 : i32
    %dma_wait3A_131 = tpu.memref_slice %arg7[%dma_wait3A_129, %dma_wait3A_130] : memref<250x80xi32, #tpu.memory_space<vmem>> -> memref<1x80xi32, #tpu.memory_space<vmem>>
    %dma_wait3A_132 = tpu.memref_squeeze %dma_wait3A_131 : memref<1x80xi32, #tpu.memory_space<vmem>> -> memref<80xi32, #tpu.memory_space<vmem>>
    %dma_wait3A_133 = arith.constant 0 : i32
    %dma_wait3A_134 = arith.constant 0 : i32
    %dma_wait3A_135 = tpu.memref_slice %arg17[%dma_wait3A_133, %dma_wait3A_134] : memref<10008x32xf32, #tpu.memory_space<vmem_shared>> -> memref<10008x32xf32, #tpu.memory_space<vmem_shared>>
    tpu.wait_indirect_dma semaphore(%arg32 : memref<!tpu.dma_semaphore, #tpu.memory_space<semaphore_mem>>) src(%arg14 : memref<80x32xf32, #tpu.memory_space<vmem>>) dst(%dma_wait3A_135 : memref<10008x32xf32, #tpu.memory_space<vmem_shared>>)
    %dma_wait3A_136 = arith.constant 247 : i32
    %dma_wait3A_137 = arith.constant 0 : i32
    %dma_wait3A_138 = tpu.memref_slice %arg7[%dma_wait3A_136, %dma_wait3A_137] : memref<250x80xi32, #tpu.memory_space<vmem>> -> memref<1x80xi32, #tpu.memory_space<vmem>>
    %dma_wait3A_139 = tpu.memref_squeeze %dma_wait3A_138 : memref<1x80xi32, #tpu.memory_space<vmem>> -> memref<80xi32, #tpu.memory_space<vmem>>
    %dma_wait3A_140 = arith.constant 0 : i32
    %dma_wait3A_141 = arith.constant 0 : i32
    %dma_wait3A_142 = tpu.memref_slice %arg17[%dma_wait3A_140, %dma_wait3A_141] : memref<10008x32xf32, #tpu.memory_space<vmem_shared>> -> memref<10008x32xf32, #tpu.memory_space<vmem_shared>>
    tpu.wait_indirect_dma semaphore(%arg33 : memref<!tpu.dma_semaphore, #tpu.memory_space<semaphore_mem>>) src(%arg15 : memref<80x32xf32, #tpu.memory_space<vmem>>) dst(%dma_wait3A_142 : memref<10008x32xf32, #tpu.memory_space<vmem_shared>>)
    %dma_wait3A_143 = arith.constant 248 : i32
    %dma_wait3A_144 = arith.constant 0 : i32
    %dma_wait3A_145 = tpu.memref_slice %arg7[%dma_wait3A_143, %dma_wait3A_144] : memref<250x80xi32, #tpu.memory_space<vmem>> -> memref<1x80xi32, #tpu.memory_space<vmem>>
    %dma_wait3A_146 = tpu.memref_squeeze %dma_wait3A_145 : memref<1x80xi32, #tpu.memory_space<vmem>> -> memref<80xi32, #tpu.memory_space<vmem>>
    %dma_wait3A_147 = arith.constant 0 : i32
    %dma_wait3A_148 = arith.constant 0 : i32
    %dma_wait3A_149 = tpu.memref_slice %arg17[%dma_wait3A_147, %dma_wait3A_148] : memref<10008x32xf32, #tpu.memory_space<vmem_shared>> -> memref<10008x32xf32, #tpu.memory_space<vmem_shared>>
    tpu.wait_indirect_dma semaphore(%arg26 : memref<!tpu.dma_semaphore, #tpu.memory_space<semaphore_mem>>) src(%arg8 : memref<80x32xf32, #tpu.memory_space<vmem>>) dst(%dma_wait3A_149 : memref<10008x32xf32, #tpu.memory_space<vmem_shared>>)
    %dma_wait3A_150 = arith.constant 249 : i32
    %dma_wait3A_151 = arith.constant 0 : i32
    %dma_wait3A_152 = tpu.memref_slice %arg7[%dma_wait3A_150, %dma_wait3A_151] : memref<250x80xi32, #tpu.memory_space<vmem>> -> memref<1x80xi32, #tpu.memory_space<vmem>>
    %dma_wait3A_153 = tpu.memref_squeeze %dma_wait3A_152 : memref<1x80xi32, #tpu.memory_space<vmem>> -> memref<80xi32, #tpu.memory_space<vmem>>
    %dma_wait3A_154 = arith.constant 0 : i32
    %dma_wait3A_155 = arith.constant 0 : i32
    %dma_wait3A_156 = tpu.memref_slice %arg17[%dma_wait3A_154, %dma_wait3A_155] : memref<10008x32xf32, #tpu.memory_space<vmem_shared>> -> memref<10008x32xf32, #tpu.memory_space<vmem_shared>>
    tpu.wait_indirect_dma semaphore(%arg27 : memref<!tpu.dma_semaphore, #tpu.memory_space<semaphore_mem>>) src(%arg9 : memref<80x32xf32, #tpu.memory_space<vmem>>) dst(%dma_wait3A_156 : memref<10008x32xf32, #tpu.memory_space<vmem_shared>>)
    %barrier3A_157 = arith.constant 0 : index
    tpu.barrier barrier_id(%barrier3A_157)
    "tpu.region"() ({
      %run_scoped3A = tpu.sem_alloc : memref<!tpu.dma_semaphore, #tpu.memory_space<semaphore_mem>>
      %dma_start3A_163 = arith.constant 0 : i32
      %dma_start3A_164 = arith.constant 0 : i32
      %dma_start3A_165 = tpu.memref_slice %arg5[%arg0, %dma_start3A_163, %dma_start3A_164] : memref<2x10000x32xf32, #tpu.memory_space<hbm>> -> memref<1x10000x32xf32, #tpu.memory_space<hbm>>
      %dma_start3A_166 = tpu.memref_squeeze %dma_start3A_165 : memref<1x10000x32xf32, #tpu.memory_space<hbm>> -> memref<10000x32xf32, #tpu.memory_space<hbm>>
      %dma_start3A_167 = arith.constant 0 : i32
      %dma_start3A_168 = tpu.memref_slice %dma_start3A_166[%mul3A_0, %dma_start3A_167] : memref<10000x32xf32, #tpu.memory_space<hbm>> -> memref<624x32xf32, #tpu.memory_space<hbm>>
      %dma_start3A_169 = arith.constant 0 : i32
      %dma_start3A_170 = tpu.memref_slice %arg17[%mul3A_0, %dma_start3A_169] : memref<10008x32xf32, #tpu.memory_space<vmem_shared>> -> memref<624x32xf32, #tpu.memory_space<vmem_shared>>
      tpu.enqueue_dma source(%dma_start3A_170 : memref<624x32xf32, #tpu.memory_space<vmem_shared>>) target(%dma_start3A_168 : memref<624x32xf32, #tpu.memory_space<hbm>>) target_semaphore(%run_scoped3A : memref<!tpu.dma_semaphore, #tpu.memory_space<semaphore_mem>>)
      %dma_wait3A_171 = arith.constant 0 : i32
      %dma_wait3A_172 = arith.constant 0 : i32
      %dma_wait3A_173 = tpu.memref_slice %arg5[%arg0, %dma_wait3A_171, %dma_wait3A_172] : memref<2x10000x32xf32, #tpu.memory_space<hbm>> -> memref<1x10000x32xf32, #tpu.memory_space<hbm>>
      %dma_wait3A_174 = tpu.memref_squeeze %dma_wait3A_173 : memref<1x10000x32xf32, #tpu.memory_space<hbm>> -> memref<10000x32xf32, #tpu.memory_space<hbm>>
      %dma_wait3A_175 = arith.constant 0 : i32
      %dma_wait3A_176 = tpu.memref_slice %dma_wait3A_174[%mul3A_0, %dma_wait3A_175] : memref<10000x32xf32, #tpu.memory_space<hbm>> -> memref<624x32xf32, #tpu.memory_space<hbm>>
      %dma_wait3A_177 = arith.constant 0 : i32
      %dma_wait3A_178 = tpu.memref_slice %arg17[%mul3A_0, %dma_wait3A_177] : memref<10008x32xf32, #tpu.memory_space<vmem_shared>> -> memref<624x32xf32, #tpu.memory_space<vmem_shared>>
      tpu.wait_dma2 semaphore(%run_scoped3A : memref<!tpu.dma_semaphore, #tpu.memory_space<semaphore_mem>>) src(%dma_wait3A_178 : memref<624x32xf32, #tpu.memory_space<vmem_shared>>) dst(%dma_wait3A_176 : memref<624x32xf32, #tpu.memory_space<hbm>>)
      tpu.yield
    }) : () -> ()
    %eq3A_158 = arith.constant 0 : i32
    %eq3A_159 = arith.cmpi eq, %arg1, %eq3A_158 : i32
    %convert_element_type3A_160 = arith.extui %eq3A_159 : i1 to i32
    %cond3A_161 = arith.constant 0 : i32
    %cond3A_162 = arith.cmpi ne, %convert_element_type3A_160, %cond3A_161 : i32
    scf.if %cond3A_162 {
      "tpu.region"() ({
        %run_scoped3A = tpu.sem_alloc : memref<!tpu.dma_semaphore, #tpu.memory_space<semaphore_mem>>
        %dma_start3A_163 = arith.constant 0 : i32
        %dma_start3A_164 = arith.constant 0 : i32
        %dma_start3A_165 = tpu.memref_slice %arg5[%arg0, %dma_start3A_163, %dma_start3A_164] : memref<2x10000x32xf32, #tpu.memory_space<hbm>> -> memref<1x10000x32xf32, #tpu.memory_space<hbm>>
        %dma_start3A_166 = tpu.memref_squeeze %dma_start3A_165 : memref<1x10000x32xf32, #tpu.memory_space<hbm>> -> memref<10000x32xf32, #tpu.memory_space<hbm>>
        %dma_start3A_167 = arith.constant 9984 : i32
        %dma_start3A_168 = arith.constant 0 : i32
        %dma_start3A_169 = tpu.memref_slice %dma_start3A_166[%dma_start3A_167, %dma_start3A_168] : memref<10000x32xf32, #tpu.memory_space<hbm>> -> memref<16x32xf32, #tpu.memory_space<hbm>>
        %dma_start3A_170 = arith.constant 9984 : i32
        %dma_start3A_171 = arith.constant 0 : i32
        %dma_start3A_172 = tpu.memref_slice %arg17[%dma_start3A_170, %dma_start3A_171] : memref<10008x32xf32, #tpu.memory_space<vmem_shared>> -> memref<16x32xf32, #tpu.memory_space<vmem_shared>>
        tpu.enqueue_dma source(%dma_start3A_172 : memref<16x32xf32, #tpu.memory_space<vmem_shared>>) target(%dma_start3A_169 : memref<16x32xf32, #tpu.memory_space<hbm>>) target_semaphore(%run_scoped3A : memref<!tpu.dma_semaphore, #tpu.memory_space<semaphore_mem>>)
        %dma_wait3A_173 = arith.constant 0 : i32
        %dma_wait3A_174 = arith.constant 0 : i32
        %dma_wait3A_175 = tpu.memref_slice %arg5[%arg0, %dma_wait3A_173, %dma_wait3A_174] : memref<2x10000x32xf32, #tpu.memory_space<hbm>> -> memref<1x10000x32xf32, #tpu.memory_space<hbm>>
        %dma_wait3A_176 = tpu.memref_squeeze %dma_wait3A_175 : memref<1x10000x32xf32, #tpu.memory_space<hbm>> -> memref<10000x32xf32, #tpu.memory_space<hbm>>
        %dma_wait3A_177 = arith.constant 9984 : i32
        %dma_wait3A_178 = arith.constant 0 : i32
        %dma_wait3A_179 = tpu.memref_slice %dma_wait3A_176[%dma_wait3A_177, %dma_wait3A_178] : memref<10000x32xf32, #tpu.memory_space<hbm>> -> memref<16x32xf32, #tpu.memory_space<hbm>>
        %dma_wait3A_180 = arith.constant 9984 : i32
        %dma_wait3A_181 = arith.constant 0 : i32
        %dma_wait3A_182 = tpu.memref_slice %arg17[%dma_wait3A_180, %dma_wait3A_181] : memref<10008x32xf32, #tpu.memory_space<vmem_shared>> -> memref<16x32xf32, #tpu.memory_space<vmem_shared>>
        tpu.wait_dma2 semaphore(%run_scoped3A : memref<!tpu.dma_semaphore, #tpu.memory_space<semaphore_mem>>) src(%dma_wait3A_182 : memref<16x32xf32, #tpu.memory_space<vmem_shared>>) dst(%dma_wait3A_179 : memref<16x32xf32, #tpu.memory_space<hbm>>)
        tpu.yield
      }) : () -> ()
    } else {
    }
    return
  }
}

module attributes {stable_mosaic.version = 14 : i64} {
  func.func @kern(%arg0: i32, %arg1: memref<2000x128xf32, #tpu.memory_space<vmem>>, %arg2: memref<128x128xf32, #tpu.memory_space<vmem>>, %arg3: memref<128x128xf32, #tpu.memory_space<vmem>>, %arg4: memref<2000x128xf32, #tpu.memory_space<vmem>>, %arg5: memref<2x2000x64xf32, #tpu.memory_space<vmem>>) attributes {dimension_semantics = [#tpu.dimension_semantics<arbitrary>], iteration_bounds = array<i64: 5>, scalar_prefetch = 0 : i64, scratch_operands = 0 : i64, tpu.core_type = #tpu.core_type<tc>, window_params = [{transform_indices = @transform_0, window_bounds = array<i64: 2000, 128>}, {pipeline_mode = #tpu.pipeline_mode<synchronous>, transform_indices = @transform_1, window_bounds = array<i64: 128, 128>}, {pipeline_mode = #tpu.pipeline_mode<synchronous>, transform_indices = @transform_2, window_bounds = array<i64: 128, 128>}, {transform_indices = @transform_3, window_bounds = array<i64: 2000, 128>}, {transform_indices = @transform_4, window_bounds = array<i64: 2, 2000, 64>}]} {
    %get3A = arith.constant 0 : index
    %get3A_0 = arith.constant 0 : index
    %get3A_1 = vector.load %arg1[%get3A, %get3A_0] : memref<2000x128xf32, #tpu.memory_space<vmem>>, vector<2000x128xf32>
    %get3A_2 = arith.constant 0 : index
    %get3A_3 = arith.constant 0 : index
    %get3A_4 = vector.load %arg2[%get3A_2, %get3A_3] : memref<128x128xf32, #tpu.memory_space<vmem>>, vector<128x128xf32>
    %dot_general3A = arith.constant dense<0.000000e+00> : vector<2000x128xf32>
    %dot_general3A_5 = tpu.matmul %get3A_1, %get3A_4, %dot_general3A {dimension_numbers = #tpu.dot_dimension_numbers<[1], [0], [0], [1], [0, 0, 1, 1], [], []>, transpose_lhs_hint = false} : vector<2000x128xf32>, vector<128x128xf32>, vector<2000x128xf32> -> vector<2000x128xf32>
    %swap3A = arith.constant 0 : index
    %swap3A_6 = arith.constant 0 : index
    %swap3A_7 = vector.load %arg4[%swap3A, %swap3A_6] : memref<2000x128xf32, #tpu.memory_space<vmem>>, vector<2000x128xf32>
    tpu.vector_store %arg4[%swap3A, %swap3A_6], %dot_general3A_5 {strides = array<i32>} : memref<2000x128xf32, #tpu.memory_space<vmem>>, vector<2000x128xf32>,
    %get3A_8 = arith.constant 0 : index
    %get3A_9 = arith.constant 0 : index
    %get3A_10 = vector.load %arg3[%get3A_8, %get3A_9] : memref<128x128xf32, #tpu.memory_space<vmem>>, vector<128x128xf32>
    %dot_general3A_11 = arith.constant dense<0.000000e+00> : vector<2000x128xf32>
    %dot_general3A_12 = tpu.matmul %get3A_1, %get3A_10, %dot_general3A_11 {dimension_numbers = #tpu.dot_dimension_numbers<[1], [0], [0], [1], [0, 0, 1, 1], [], []>, transpose_lhs_hint = false} : vector<2000x128xf32>, vector<128x128xf32>, vector<2000x128xf32> -> vector<2000x128xf32>
    %slice3A = vector.extract_strided_slice %dot_general3A_12 {offsets = [0, 0], sizes = [2000, 64], strides = [1, 1]} : vector<2000x128xf32> to vector<2000x64xf32>
    %swap3A_13 = arith.constant 0 : index
    %swap3A_14 = arith.constant 0 : index
    %swap3A_15 = arith.constant 0 : index
    %swap3A_16 = vector.load %arg5[%swap3A_13, %swap3A_14, %swap3A_15] : memref<2x2000x64xf32, #tpu.memory_space<vmem>>, vector<1x2000x64xf32>
    %swap3A_17 = vector.shape_cast %swap3A_16 : vector<1x2000x64xf32> to vector<2000x64xf32>
    %swap3A_18 = vector.shape_cast %slice3A : vector<2000x64xf32> to vector<1x2000x64xf32>
    tpu.vector_store %arg5[%swap3A_13, %swap3A_14, %swap3A_15], %swap3A_18 {strides = array<i32>} : memref<2x2000x64xf32, #tpu.memory_space<vmem>>, vector<1x2000x64xf32>,
    %slice3A_19 = vector.extract_strided_slice %dot_general3A_12 {offsets = [0, 64], sizes = [2000, 64], strides = [1, 1]} : vector<2000x128xf32> to vector<2000x64xf32>
    %swap3A_20 = arith.constant 1 : index
    %swap3A_21 = arith.constant 0 : index
    %swap3A_22 = arith.constant 0 : index
    %swap3A_23 = vector.load %arg5[%swap3A_20, %swap3A_21, %swap3A_22] : memref<2x2000x64xf32, #tpu.memory_space<vmem>>, vector<1x2000x64xf32>
    %swap3A_24 = vector.shape_cast %swap3A_23 : vector<1x2000x64xf32> to vector<2000x64xf32>
    %swap3A_25 = vector.shape_cast %slice3A_19 : vector<2000x64xf32> to vector<1x2000x64xf32>
    tpu.vector_store %arg5[%swap3A_20, %swap3A_21, %swap3A_22], %swap3A_25 {strides = array<i32>} : memref<2x2000x64xf32, #tpu.memory_space<vmem>>, vector<1x2000x64xf32>,
    return
  }
  func.func @transform_0(%arg0: i32) -> (i32, i32) {
    %c0_i32 = arith.constant 0 : i32
    %c0_i32_0 = arith.constant 0 : i32
    return %arg0, %c0_i32 : i32, i32
  }
  func.func @transform_1(%arg0: i32) -> (i32, i32) {
    %c0_i32 = arith.constant 0 : i32
    %c0_i32_0 = arith.constant 0 : i32
    %c0_i32_1 = arith.constant 0 : i32
    return %c0_i32, %c0_i32_0 : i32, i32
  }
  func.func @transform_2(%arg0: i32) -> (i32, i32) {
    %c0_i32 = arith.constant 0 : i32
    %c0_i32_0 = arith.constant 0 : i32
    %c0_i32_1 = arith.constant 0 : i32
    return %c0_i32, %c0_i32_0 : i32, i32
  }
  func.func @transform_3(%arg0: i32) -> (i32, i32) {
    %c0_i32 = arith.constant 0 : i32
    %c0_i32_0 = arith.constant 0 : i32
    return %arg0, %c0_i32 : i32, i32
  }
  func.func @transform_4(%arg0: i32) -> (i32, i32, i32) {
    %c0_i32 = arith.constant 0 : i32
    %c0_i32_0 = arith.constant 0 : i32
    %c0_i32_1 = arith.constant 0 : i32
    return %c0_i32, %arg0, %c0_i32_0 : i32, i32, i32
  }
}

module attributes {stable_mosaic.version = 14 : i64} {
  func.func @kern(%arg0: i32, %arg1: memref<2000x128xf32, #tpu.memory_space<vmem>>, %arg2: memref<2x2000x64xf32, #tpu.memory_space<vmem>>, %arg3: memref<2x2000x16xf32, #tpu.memory_space<vmem>>, %arg4: memref<1x128xf32, #tpu.memory_space<vmem>>, %arg5: memref<1x128xf32, #tpu.memory_space<vmem>>, %arg6: memref<1x128xf32, #tpu.memory_space<vmem>>, %arg7: memref<128x128xf32, #tpu.memory_space<vmem>>, %arg8: memref<128x128xf32, #tpu.memory_space<vmem>>, %arg9: memref<2000x128xf32, #tpu.memory_space<vmem>>, %arg10: memref<2x2000x64xf32, #tpu.memory_space<vmem>>) attributes {dimension_semantics = [#tpu.dimension_semantics<arbitrary>], iteration_bounds = array<i64: 5>, scalar_prefetch = 0 : i64, scratch_operands = 0 : i64, tpu.core_type = #tpu.core_type<tc>, window_params = [{transform_indices = @transform_0, window_bounds = array<i64: 2000, 128>}, {transform_indices = @transform_1, window_bounds = array<i64: 2, 2000, 64>}, {transform_indices = @transform_2, window_bounds = array<i64: 2, 2000, 16>}, {pipeline_mode = #tpu.pipeline_mode<synchronous>, transform_indices = @transform_3, window_bounds = array<i64: 1, 128>}, {pipeline_mode = #tpu.pipeline_mode<synchronous>, transform_indices = @transform_4, window_bounds = array<i64: 1, 128>}, {pipeline_mode = #tpu.pipeline_mode<synchronous>, transform_indices = @transform_5, window_bounds = array<i64: 1, 128>}, {pipeline_mode = #tpu.pipeline_mode<synchronous>, transform_indices = @transform_6, window_bounds = array<i64: 128, 128>}, {pipeline_mode = #tpu.pipeline_mode<synchronous>, transform_indices = @transform_7, window_bounds = array<i64: 128, 128>}, {transform_indices = @transform_8, window_bounds = array<i64: 2000, 128>}, {transform_indices = @transform_9, window_bounds = array<i64: 2, 2000, 64>}]} {
    %get3A = arith.constant 0 : index
    %get3A_0 = arith.constant 0 : index
    %get3A_1 = vector.load %arg1[%get3A, %get3A_0] : memref<2000x128xf32, #tpu.memory_space<vmem>>, vector<2000x128xf32>
    %get3A_2 = arith.constant 0 : index
    %get3A_3 = arith.constant 0 : index
    %get3A_4 = arith.constant 0 : index
    %get3A_5 = vector.load %arg3[%get3A_2, %get3A_3, %get3A_4] : memref<2x2000x16xf32, #tpu.memory_space<vmem>>, vector<1x2000x1xf32>
    %get3A_6 = vector.shape_cast %get3A_5 : vector<1x2000x1xf32> to vector<2000xf32>
    %get3A_7 = arith.constant 1 : index
    %get3A_8 = arith.constant 0 : index
    %get3A_9 = arith.constant 0 : index
    %get3A_10 = vector.load %arg3[%get3A_7, %get3A_8, %get3A_9] : memref<2x2000x16xf32, #tpu.memory_space<vmem>>, vector<1x2000x1xf32>
    %get3A_11 = vector.shape_cast %get3A_10 : vector<1x2000x1xf32> to vector<2000xf32>
    %add3A = arith.addf %get3A_6, %get3A_11 : vector<2000xf32>
    %max3A = arith.constant 1.000000e+00 : f32
    %max3A_12 = vector.broadcast %max3A : f32 to vector<2000xf32>
    %max3A_13 = arith.maximumf %add3A, %max3A_12 : vector<2000xf32>
    %div3A = arith.constant 1.000000e+00 : f32
    %div3A_14 = vector.broadcast %div3A : f32 to vector<2000xf32>
    %div3A_15 = arith.divf %div3A_14, %max3A_13 : vector<2000xf32>
    %get3A_16 = arith.constant 0 : index
    %get3A_17 = arith.constant 0 : index
    %get3A_18 = arith.constant 0 : index
    %get3A_19 = vector.load %arg2[%get3A_16, %get3A_17, %get3A_18] : memref<2x2000x64xf32, #tpu.memory_space<vmem>>, vector<1x2000x64xf32>
    %get3A_20 = vector.shape_cast %get3A_19 : vector<1x2000x64xf32> to vector<2000x64xf32>
    %get3A_21 = arith.constant 1 : index
    %get3A_22 = arith.constant 0 : index
    %get3A_23 = arith.constant 0 : index
    %get3A_24 = vector.load %arg2[%get3A_21, %get3A_22, %get3A_23] : memref<2x2000x64xf32, #tpu.memory_space<vmem>>, vector<1x2000x64xf32>
    %get3A_25 = vector.shape_cast %get3A_24 : vector<1x2000x64xf32> to vector<2000x64xf32>
    %concatenate3A = tpu.concatenate %get3A_20, %get3A_25 in 1 : vector<2000x64xf32>, vector<2000x64xf32> -> vector<2000x128xf32>
    %broadcast_in_dim3A = vector.shape_cast %div3A_15 : vector<2000xf32> to vector<2000x1xf32>
    %mul3A = vector.broadcast %broadcast_in_dim3A : vector<2000x1xf32> to vector<2000x128xf32>
    %mul3A_26 = arith.mulf %concatenate3A, %mul3A : vector<2000x128xf32>
    %add3A_27 = arith.addf %get3A_1, %mul3A_26 : vector<2000x128xf32>
    %get3A_28 = arith.constant 0 : index
    %get3A_29 = arith.constant 0 : index
    %get3A_30 = vector.load %arg4[%get3A_28, %get3A_29] : memref<1x128xf32, #tpu.memory_space<vmem>>, vector<1x128xf32>
    %add3A_31 = vector.broadcast %get3A_30 : vector<1x128xf32> to vector<2000x128xf32>
    %add3A_32 = arith.addf %add3A_27, %add3A_31 : vector<2000x128xf32>
    %reduce_sum3A = arith.constant dense<0.000000e+00> : vector<2000xf32>
    %reduce_sum3A_33 = vector.multi_reduction <add>, %add3A_32, %reduce_sum3A [1] : vector<2000x128xf32> to vector<2000xf32>
    %broadcast_in_dim3A_34 = vector.shape_cast %reduce_sum3A_33 : vector<2000xf32> to vector<2000x1xf32>
    %div3A_35 = arith.constant 1.280000e+02 : f32
    %div3A_36 = vector.broadcast %div3A_35 : f32 to vector<2000x1xf32>
    %div3A_37 = arith.divf %broadcast_in_dim3A_34, %div3A_36 : vector<2000x1xf32>
    %sub3A = vector.broadcast %div3A_37 : vector<2000x1xf32> to vector<2000x128xf32>
    %sub3A_38 = arith.subf %add3A_32, %sub3A : vector<2000x128xf32>
    %integer_pow3A = arith.mulf %sub3A_38, %sub3A_38 : vector<2000x128xf32>
    %reduce_sum3A_39 = arith.constant dense<0.000000e+00> : vector<2000xf32>
    %reduce_sum3A_40 = vector.multi_reduction <add>, %integer_pow3A, %reduce_sum3A_39 [1] : vector<2000x128xf32> to vector<2000xf32>
    %broadcast_in_dim3A_41 = vector.shape_cast %reduce_sum3A_40 : vector<2000xf32> to vector<2000x1xf32>
    %div3A_42 = arith.constant 1.280000e+02 : f32
    %div3A_43 = vector.broadcast %div3A_42 : f32 to vector<2000x1xf32>
    %div3A_44 = arith.divf %broadcast_in_dim3A_41, %div3A_43 : vector<2000x1xf32>
    %sub3A_45 = vector.broadcast %div3A_37 : vector<2000x1xf32> to vector<2000x128xf32>
    %sub3A_46 = arith.subf %add3A_32, %sub3A_45 : vector<2000x128xf32>
    %add3A_47 = arith.constant 9.99999974E-6 : f32
    %add3A_48 = vector.broadcast %add3A_47 : f32 to vector<2000x1xf32>
    %add3A_49 = arith.addf %div3A_44, %add3A_48 : vector<2000x1xf32>
    %rsqrt3A = math.rsqrt %add3A_49 : vector<2000x1xf32>
    %mul3A_50 = vector.broadcast %rsqrt3A : vector<2000x1xf32> to vector<2000x128xf32>
    %mul3A_51 = arith.mulf %sub3A_46, %mul3A_50 : vector<2000x128xf32>
    %get3A_52 = arith.constant 0 : index
    %get3A_53 = arith.constant 0 : index
    %get3A_54 = vector.load %arg5[%get3A_52, %get3A_53] : memref<1x128xf32, #tpu.memory_space<vmem>>, vector<1x128xf32>
    %mul3A_55 = vector.broadcast %get3A_54 : vector<1x128xf32> to vector<2000x128xf32>
    %mul3A_56 = arith.mulf %mul3A_51, %mul3A_55 : vector<2000x128xf32>
    %get3A_57 = arith.constant 0 : index
    %get3A_58 = arith.constant 0 : index
    %get3A_59 = vector.load %arg6[%get3A_57, %get3A_58] : memref<1x128xf32, #tpu.memory_space<vmem>>, vector<1x128xf32>
    %add3A_60 = vector.broadcast %get3A_59 : vector<1x128xf32> to vector<2000x128xf32>
    %add3A_61 = arith.addf %mul3A_56, %add3A_60 : vector<2000x128xf32>
    %max3A_62 = arith.constant 0.000000e+00 : f32
    %max3A_63 = vector.broadcast %max3A_62 : f32 to vector<2000x128xf32>
    %max3A_64 = arith.maximumf %add3A_61, %max3A_63 : vector<2000x128xf32>
    %get3A_65 = arith.constant 0 : index
    %get3A_66 = arith.constant 0 : index
    %get3A_67 = vector.load %arg7[%get3A_65, %get3A_66] : memref<128x128xf32, #tpu.memory_space<vmem>>, vector<128x128xf32>
    %dot_general3A = arith.constant dense<0.000000e+00> : vector<2000x128xf32>
    %dot_general3A_68 = tpu.matmul %max3A_64, %get3A_67, %dot_general3A {dimension_numbers = #tpu.dot_dimension_numbers<[1], [0], [0], [1], [0, 0, 1, 1], [], []>, transpose_lhs_hint = false} : vector<2000x128xf32>, vector<128x128xf32>, vector<2000x128xf32> -> vector<2000x128xf32>
    %swap3A = arith.constant 0 : index
    %swap3A_69 = arith.constant 0 : index
    %swap3A_70 = vector.load %arg9[%swap3A, %swap3A_69] : memref<2000x128xf32, #tpu.memory_space<vmem>>, vector<2000x128xf32>
    tpu.vector_store %arg9[%swap3A, %swap3A_69], %dot_general3A_68 {strides = array<i32>} : memref<2000x128xf32, #tpu.memory_space<vmem>>, vector<2000x128xf32>,
    %get3A_71 = arith.constant 0 : index
    %get3A_72 = arith.constant 0 : index
    %get3A_73 = vector.load %arg8[%get3A_71, %get3A_72] : memref<128x128xf32, #tpu.memory_space<vmem>>, vector<128x128xf32>
    %dot_general3A_74 = arith.constant dense<0.000000e+00> : vector<2000x128xf32>
    %dot_general3A_75 = tpu.matmul %max3A_64, %get3A_73, %dot_general3A_74 {dimension_numbers = #tpu.dot_dimension_numbers<[1], [0], [0], [1], [0, 0, 1, 1], [], []>, transpose_lhs_hint = false} : vector<2000x128xf32>, vector<128x128xf32>, vector<2000x128xf32> -> vector<2000x128xf32>
    %slice3A = vector.extract_strided_slice %dot_general3A_75 {offsets = [0, 0], sizes = [2000, 64], strides = [1, 1]} : vector<2000x128xf32> to vector<2000x64xf32>
    %swap3A_76 = arith.constant 0 : index
    %swap3A_77 = arith.constant 0 : index
    %swap3A_78 = arith.constant 0 : index
    %swap3A_79 = vector.load %arg10[%swap3A_76, %swap3A_77, %swap3A_78] : memref<2x2000x64xf32, #tpu.memory_space<vmem>>, vector<1x2000x64xf32>
    %swap3A_80 = vector.shape_cast %swap3A_79 : vector<1x2000x64xf32> to vector<2000x64xf32>
    %swap3A_81 = vector.shape_cast %slice3A : vector<2000x64xf32> to vector<1x2000x64xf32>
    tpu.vector_store %arg10[%swap3A_76, %swap3A_77, %swap3A_78], %swap3A_81 {strides = array<i32>} : memref<2x2000x64xf32, #tpu.memory_space<vmem>>, vector<1x2000x64xf32>,
    %slice3A_82 = vector.extract_strided_slice %dot_general3A_75 {offsets = [0, 64], sizes = [2000, 64], strides = [1, 1]} : vector<2000x128xf32> to vector<2000x64xf32>
    %swap3A_83 = arith.constant 1 : index
    %swap3A_84 = arith.constant 0 : index
    %swap3A_85 = arith.constant 0 : index
    %swap3A_86 = vector.load %arg10[%swap3A_83, %swap3A_84, %swap3A_85] : memref<2x2000x64xf32, #tpu.memory_space<vmem>>, vector<1x2000x64xf32>
    %swap3A_87 = vector.shape_cast %swap3A_86 : vector<1x2000x64xf32> to vector<2000x64xf32>
    %swap3A_88 = vector.shape_cast %slice3A_82 : vector<2000x64xf32> to vector<1x2000x64xf32>
    tpu.vector_store %arg10[%swap3A_83, %swap3A_84, %swap3A_85], %swap3A_88 {strides = array<i32>} : memref<2x2000x64xf32, #tpu.memory_space<vmem>>, vector<1x2000x64xf32>,
    return
  }
  func.func @transform_0(%arg0: i32) -> (i32, i32) {
    %c0_i32 = arith.constant 0 : i32
    %c0_i32_0 = arith.constant 0 : i32
    return %arg0, %c0_i32 : i32, i32
  }
  func.func @transform_1(%arg0: i32) -> (i32, i32, i32) {
    %c0_i32 = arith.constant 0 : i32
    %c0_i32_0 = arith.constant 0 : i32
    %c0_i32_1 = arith.constant 0 : i32
    return %c0_i32, %arg0, %c0_i32_0 : i32, i32, i32
  }
  func.func @transform_2(%arg0: i32) -> (i32, i32, i32) {
    %c0_i32 = arith.constant 0 : i32
    %c0_i32_0 = arith.constant 0 : i32
    %c0_i32_1 = arith.constant 0 : i32
    return %c0_i32, %arg0, %c0_i32_0 : i32, i32, i32
  }
  func.func @transform_3(%arg0: i32) -> (i32, i32) {
    %c0_i32 = arith.constant 0 : i32
    %c0_i32_0 = arith.constant 0 : i32
    %c0_i32_1 = arith.constant 0 : i32
    return %c0_i32, %c0_i32_0 : i32, i32
  }
  func.func @transform_4(%arg0: i32) -> (i32, i32) {
    %c0_i32 = arith.constant 0 : i32
    %c0_i32_0 = arith.constant 0 : i32
    %c0_i32_1 = arith.constant 0 : i32
    return %c0_i32, %c0_i32_0 : i32, i32
  }
  func.func @transform_5(%arg0: i32) -> (i32, i32) {
    %c0_i32 = arith.constant 0 : i32
    %c0_i32_0 = arith.constant 0 : i32
    %c0_i32_1 = arith.constant 0 : i32
    return %c0_i32, %c0_i32_0 : i32, i32
  }
  func.func @transform_6(%arg0: i32) -> (i32, i32) {
    %c0_i32 = arith.constant 0 : i32
    %c0_i32_0 = arith.constant 0 : i32
    %c0_i32_1 = arith.constant 0 : i32
    return %c0_i32, %c0_i32_0 : i32, i32
  }
  func.func @transform_7(%arg0: i32) -> (i32, i32) {
    %c0_i32 = arith.constant 0 : i32
    %c0_i32_0 = arith.constant 0 : i32
    %c0_i32_1 = arith.constant 0 : i32
    return %c0_i32, %c0_i32_0 : i32, i32
  }
  func.func @transform_8(%arg0: i32) -> (i32, i32) {
    %c0_i32 = arith.constant 0 : i32
    %c0_i32_0 = arith.constant 0 : i32
    return %arg0, %c0_i32 : i32, i32
  }
  func.func @transform_9(%arg0: i32) -> (i32, i32, i32) {
    %c0_i32 = arith.constant 0 : i32
    %c0_i32_0 = arith.constant 0 : i32
    %c0_i32_1 = arith.constant 0 : i32
    return %c0_i32, %arg0, %c0_i32_0 : i32, i32, i32
  }
}

module attributes {stable_mosaic.version = 14 : i64} {
  func.func @kern(%arg0: i32, %arg1: memref<2000x128xf32, #tpu.memory_space<vmem>>, %arg2: memref<2x2000x64xf32, #tpu.memory_space<vmem>>, %arg3: memref<2x2000x16xf32, #tpu.memory_space<vmem>>, %arg4: memref<1x128xf32, #tpu.memory_space<vmem>>, %arg5: memref<1x128xf32, #tpu.memory_space<vmem>>, %arg6: memref<1x128xf32, #tpu.memory_space<vmem>>, %arg7: memref<128x64xf32, #tpu.memory_space<vmem>>, %arg8: memref<128x64xf32, #tpu.memory_space<vmem>>, %arg9: memref<2000x64xf32, #tpu.memory_space<vmem>>, %arg10: memref<2x2000x32xf32, #tpu.memory_space<vmem>>) attributes {dimension_semantics = [#tpu.dimension_semantics<arbitrary>], iteration_bounds = array<i64: 5>, scalar_prefetch = 0 : i64, scratch_operands = 0 : i64, tpu.core_type = #tpu.core_type<tc>, window_params = [{transform_indices = @transform_0, window_bounds = array<i64: 2000, 128>}, {transform_indices = @transform_1, window_bounds = array<i64: 2, 2000, 64>}, {transform_indices = @transform_2, window_bounds = array<i64: 2, 2000, 16>}, {pipeline_mode = #tpu.pipeline_mode<synchronous>, transform_indices = @transform_3, window_bounds = array<i64: 1, 128>}, {pipeline_mode = #tpu.pipeline_mode<synchronous>, transform_indices = @transform_4, window_bounds = array<i64: 1, 128>}, {pipeline_mode = #tpu.pipeline_mode<synchronous>, transform_indices = @transform_5, window_bounds = array<i64: 1, 128>}, {pipeline_mode = #tpu.pipeline_mode<synchronous>, transform_indices = @transform_6, window_bounds = array<i64: 128, 64>}, {pipeline_mode = #tpu.pipeline_mode<synchronous>, transform_indices = @transform_7, window_bounds = array<i64: 128, 64>}, {transform_indices = @transform_8, window_bounds = array<i64: 2000, 64>}, {transform_indices = @transform_9, window_bounds = array<i64: 2, 2000, 32>}]} {
    %get3A = arith.constant 0 : index
    %get3A_0 = arith.constant 0 : index
    %get3A_1 = vector.load %arg1[%get3A, %get3A_0] : memref<2000x128xf32, #tpu.memory_space<vmem>>, vector<2000x128xf32>
    %get3A_2 = arith.constant 0 : index
    %get3A_3 = arith.constant 0 : index
    %get3A_4 = arith.constant 0 : index
    %get3A_5 = vector.load %arg3[%get3A_2, %get3A_3, %get3A_4] : memref<2x2000x16xf32, #tpu.memory_space<vmem>>, vector<1x2000x1xf32>
    %get3A_6 = vector.shape_cast %get3A_5 : vector<1x2000x1xf32> to vector<2000xf32>
    %get3A_7 = arith.constant 1 : index
    %get3A_8 = arith.constant 0 : index
    %get3A_9 = arith.constant 0 : index
    %get3A_10 = vector.load %arg3[%get3A_7, %get3A_8, %get3A_9] : memref<2x2000x16xf32, #tpu.memory_space<vmem>>, vector<1x2000x1xf32>
    %get3A_11 = vector.shape_cast %get3A_10 : vector<1x2000x1xf32> to vector<2000xf32>
    %add3A = arith.addf %get3A_6, %get3A_11 : vector<2000xf32>
    %max3A = arith.constant 1.000000e+00 : f32
    %max3A_12 = vector.broadcast %max3A : f32 to vector<2000xf32>
    %max3A_13 = arith.maximumf %add3A, %max3A_12 : vector<2000xf32>
    %div3A = arith.constant 1.000000e+00 : f32
    %div3A_14 = vector.broadcast %div3A : f32 to vector<2000xf32>
    %div3A_15 = arith.divf %div3A_14, %max3A_13 : vector<2000xf32>
    %get3A_16 = arith.constant 0 : index
    %get3A_17 = arith.constant 0 : index
    %get3A_18 = arith.constant 0 : index
    %get3A_19 = vector.load %arg2[%get3A_16, %get3A_17, %get3A_18] : memref<2x2000x64xf32, #tpu.memory_space<vmem>>, vector<1x2000x64xf32>
    %get3A_20 = vector.shape_cast %get3A_19 : vector<1x2000x64xf32> to vector<2000x64xf32>
    %get3A_21 = arith.constant 1 : index
    %get3A_22 = arith.constant 0 : index
    %get3A_23 = arith.constant 0 : index
    %get3A_24 = vector.load %arg2[%get3A_21, %get3A_22, %get3A_23] : memref<2x2000x64xf32, #tpu.memory_space<vmem>>, vector<1x2000x64xf32>
    %get3A_25 = vector.shape_cast %get3A_24 : vector<1x2000x64xf32> to vector<2000x64xf32>
    %concatenate3A = tpu.concatenate %get3A_20, %get3A_25 in 1 : vector<2000x64xf32>, vector<2000x64xf32> -> vector<2000x128xf32>
    %broadcast_in_dim3A = vector.shape_cast %div3A_15 : vector<2000xf32> to vector<2000x1xf32>
    %mul3A = vector.broadcast %broadcast_in_dim3A : vector<2000x1xf32> to vector<2000x128xf32>
    %mul3A_26 = arith.mulf %concatenate3A, %mul3A : vector<2000x128xf32>
    %add3A_27 = arith.addf %get3A_1, %mul3A_26 : vector<2000x128xf32>
    %get3A_28 = arith.constant 0 : index
    %get3A_29 = arith.constant 0 : index
    %get3A_30 = vector.load %arg4[%get3A_28, %get3A_29] : memref<1x128xf32, #tpu.memory_space<vmem>>, vector<1x128xf32>
    %add3A_31 = vector.broadcast %get3A_30 : vector<1x128xf32> to vector<2000x128xf32>
    %add3A_32 = arith.addf %add3A_27, %add3A_31 : vector<2000x128xf32>
    %reduce_sum3A = arith.constant dense<0.000000e+00> : vector<2000xf32>
    %reduce_sum3A_33 = vector.multi_reduction <add>, %add3A_32, %reduce_sum3A [1] : vector<2000x128xf32> to vector<2000xf32>
    %broadcast_in_dim3A_34 = vector.shape_cast %reduce_sum3A_33 : vector<2000xf32> to vector<2000x1xf32>
    %div3A_35 = arith.constant 1.280000e+02 : f32
    %div3A_36 = vector.broadcast %div3A_35 : f32 to vector<2000x1xf32>
    %div3A_37 = arith.divf %broadcast_in_dim3A_34, %div3A_36 : vector<2000x1xf32>
    %sub3A = vector.broadcast %div3A_37 : vector<2000x1xf32> to vector<2000x128xf32>
    %sub3A_38 = arith.subf %add3A_32, %sub3A : vector<2000x128xf32>
    %integer_pow3A = arith.mulf %sub3A_38, %sub3A_38 : vector<2000x128xf32>
    %reduce_sum3A_39 = arith.constant dense<0.000000e+00> : vector<2000xf32>
    %reduce_sum3A_40 = vector.multi_reduction <add>, %integer_pow3A, %reduce_sum3A_39 [1] : vector<2000x128xf32> to vector<2000xf32>
    %broadcast_in_dim3A_41 = vector.shape_cast %reduce_sum3A_40 : vector<2000xf32> to vector<2000x1xf32>
    %div3A_42 = arith.constant 1.280000e+02 : f32
    %div3A_43 = vector.broadcast %div3A_42 : f32 to vector<2000x1xf32>
    %div3A_44 = arith.divf %broadcast_in_dim3A_41, %div3A_43 : vector<2000x1xf32>
    %sub3A_45 = vector.broadcast %div3A_37 : vector<2000x1xf32> to vector<2000x128xf32>
    %sub3A_46 = arith.subf %add3A_32, %sub3A_45 : vector<2000x128xf32>
    %add3A_47 = arith.constant 9.99999974E-6 : f32
    %add3A_48 = vector.broadcast %add3A_47 : f32 to vector<2000x1xf32>
    %add3A_49 = arith.addf %div3A_44, %add3A_48 : vector<2000x1xf32>
    %rsqrt3A = math.rsqrt %add3A_49 : vector<2000x1xf32>
    %mul3A_50 = vector.broadcast %rsqrt3A : vector<2000x1xf32> to vector<2000x128xf32>
    %mul3A_51 = arith.mulf %sub3A_46, %mul3A_50 : vector<2000x128xf32>
    %get3A_52 = arith.constant 0 : index
    %get3A_53 = arith.constant 0 : index
    %get3A_54 = vector.load %arg5[%get3A_52, %get3A_53] : memref<1x128xf32, #tpu.memory_space<vmem>>, vector<1x128xf32>
    %mul3A_55 = vector.broadcast %get3A_54 : vector<1x128xf32> to vector<2000x128xf32>
    %mul3A_56 = arith.mulf %mul3A_51, %mul3A_55 : vector<2000x128xf32>
    %get3A_57 = arith.constant 0 : index
    %get3A_58 = arith.constant 0 : index
    %get3A_59 = vector.load %arg6[%get3A_57, %get3A_58] : memref<1x128xf32, #tpu.memory_space<vmem>>, vector<1x128xf32>
    %add3A_60 = vector.broadcast %get3A_59 : vector<1x128xf32> to vector<2000x128xf32>
    %add3A_61 = arith.addf %mul3A_56, %add3A_60 : vector<2000x128xf32>
    %max3A_62 = arith.constant 0.000000e+00 : f32
    %max3A_63 = vector.broadcast %max3A_62 : f32 to vector<2000x128xf32>
    %max3A_64 = arith.maximumf %add3A_61, %max3A_63 : vector<2000x128xf32>
    %get3A_65 = arith.constant 0 : index
    %get3A_66 = arith.constant 0 : index
    %get3A_67 = vector.load %arg7[%get3A_65, %get3A_66] : memref<128x64xf32, #tpu.memory_space<vmem>>, vector<128x64xf32>
    %dot_general3A = arith.constant dense<0.000000e+00> : vector<2000x64xf32>
    %dot_general3A_68 = tpu.matmul %max3A_64, %get3A_67, %dot_general3A {dimension_numbers = #tpu.dot_dimension_numbers<[1], [0], [0], [1], [0, 0, 1, 1], [], []>, transpose_lhs_hint = false} : vector<2000x128xf32>, vector<128x64xf32>, vector<2000x64xf32> -> vector<2000x64xf32>
    %swap3A = arith.constant 0 : index
    %swap3A_69 = arith.constant 0 : index
    %swap3A_70 = vector.load %arg9[%swap3A, %swap3A_69] : memref<2000x64xf32, #tpu.memory_space<vmem>>, vector<2000x64xf32>
    tpu.vector_store %arg9[%swap3A, %swap3A_69], %dot_general3A_68 {strides = array<i32>} : memref<2000x64xf32, #tpu.memory_space<vmem>>, vector<2000x64xf32>,
    %get3A_71 = arith.constant 0 : index
    %get3A_72 = arith.constant 0 : index
    %get3A_73 = vector.load %arg8[%get3A_71, %get3A_72] : memref<128x64xf32, #tpu.memory_space<vmem>>, vector<128x64xf32>
    %dot_general3A_74 = arith.constant dense<0.000000e+00> : vector<2000x64xf32>
    %dot_general3A_75 = tpu.matmul %max3A_64, %get3A_73, %dot_general3A_74 {dimension_numbers = #tpu.dot_dimension_numbers<[1], [0], [0], [1], [0, 0, 1, 1], [], []>, transpose_lhs_hint = false} : vector<2000x128xf32>, vector<128x64xf32>, vector<2000x64xf32> -> vector<2000x64xf32>
    %slice3A = vector.extract_strided_slice %dot_general3A_75 {offsets = [0, 0], sizes = [2000, 32], strides = [1, 1]} : vector<2000x64xf32> to vector<2000x32xf32>
    %swap3A_76 = arith.constant 0 : index
    %swap3A_77 = arith.constant 0 : index
    %swap3A_78 = arith.constant 0 : index
    %swap3A_79 = vector.load %arg10[%swap3A_76, %swap3A_77, %swap3A_78] : memref<2x2000x32xf32, #tpu.memory_space<vmem>>, vector<1x2000x32xf32>
    %swap3A_80 = vector.shape_cast %swap3A_79 : vector<1x2000x32xf32> to vector<2000x32xf32>
    %swap3A_81 = vector.shape_cast %slice3A : vector<2000x32xf32> to vector<1x2000x32xf32>
    tpu.vector_store %arg10[%swap3A_76, %swap3A_77, %swap3A_78], %swap3A_81 {strides = array<i32>} : memref<2x2000x32xf32, #tpu.memory_space<vmem>>, vector<1x2000x32xf32>,
    %slice3A_82 = vector.extract_strided_slice %dot_general3A_75 {offsets = [0, 32], sizes = [2000, 32], strides = [1, 1]} : vector<2000x64xf32> to vector<2000x32xf32>
    %swap3A_83 = arith.constant 1 : index
    %swap3A_84 = arith.constant 0 : index
    %swap3A_85 = arith.constant 0 : index
    %swap3A_86 = vector.load %arg10[%swap3A_83, %swap3A_84, %swap3A_85] : memref<2x2000x32xf32, #tpu.memory_space<vmem>>, vector<1x2000x32xf32>
    %swap3A_87 = vector.shape_cast %swap3A_86 : vector<1x2000x32xf32> to vector<2000x32xf32>
    %swap3A_88 = vector.shape_cast %slice3A_82 : vector<2000x32xf32> to vector<1x2000x32xf32>
    tpu.vector_store %arg10[%swap3A_83, %swap3A_84, %swap3A_85], %swap3A_88 {strides = array<i32>} : memref<2x2000x32xf32, #tpu.memory_space<vmem>>, vector<1x2000x32xf32>,
    return
  }
  func.func @transform_0(%arg0: i32) -> (i32, i32) {
    %c0_i32 = arith.constant 0 : i32
    %c0_i32_0 = arith.constant 0 : i32
    return %arg0, %c0_i32 : i32, i32
  }
  func.func @transform_1(%arg0: i32) -> (i32, i32, i32) {
    %c0_i32 = arith.constant 0 : i32
    %c0_i32_0 = arith.constant 0 : i32
    %c0_i32_1 = arith.constant 0 : i32
    return %c0_i32, %arg0, %c0_i32_0 : i32, i32, i32
  }
  func.func @transform_2(%arg0: i32) -> (i32, i32, i32) {
    %c0_i32 = arith.constant 0 : i32
    %c0_i32_0 = arith.constant 0 : i32
    %c0_i32_1 = arith.constant 0 : i32
    return %c0_i32, %arg0, %c0_i32_0 : i32, i32, i32
  }
  func.func @transform_3(%arg0: i32) -> (i32, i32) {
    %c0_i32 = arith.constant 0 : i32
    %c0_i32_0 = arith.constant 0 : i32
    %c0_i32_1 = arith.constant 0 : i32
    return %c0_i32, %c0_i32_0 : i32, i32
  }
  func.func @transform_4(%arg0: i32) -> (i32, i32) {
    %c0_i32 = arith.constant 0 : i32
    %c0_i32_0 = arith.constant 0 : i32
    %c0_i32_1 = arith.constant 0 : i32
    return %c0_i32, %c0_i32_0 : i32, i32
  }
  func.func @transform_5(%arg0: i32) -> (i32, i32) {
    %c0_i32 = arith.constant 0 : i32
    %c0_i32_0 = arith.constant 0 : i32
    %c0_i32_1 = arith.constant 0 : i32
    return %c0_i32, %c0_i32_0 : i32, i32
  }
  func.func @transform_6(%arg0: i32) -> (i32, i32) {
    %c0_i32 = arith.constant 0 : i32
    %c0_i32_0 = arith.constant 0 : i32
    %c0_i32_1 = arith.constant 0 : i32
    return %c0_i32, %c0_i32_0 : i32, i32
  }
  func.func @transform_7(%arg0: i32) -> (i32, i32) {
    %c0_i32 = arith.constant 0 : i32
    %c0_i32_0 = arith.constant 0 : i32
    %c0_i32_1 = arith.constant 0 : i32
    return %c0_i32, %c0_i32_0 : i32, i32
  }
  func.func @transform_8(%arg0: i32) -> (i32, i32) {
    %c0_i32 = arith.constant 0 : i32
    %c0_i32_0 = arith.constant 0 : i32
    return %arg0, %c0_i32 : i32, i32
  }
  func.func @transform_9(%arg0: i32) -> (i32, i32, i32) {
    %c0_i32 = arith.constant 0 : i32
    %c0_i32_0 = arith.constant 0 : i32
    %c0_i32_1 = arith.constant 0 : i32
    return %c0_i32, %arg0, %c0_i32_0 : i32, i32, i32
  }
}

module attributes {stable_mosaic.version = 14 : i64} {
  func.func @kern(%arg0: i32, %arg1: memref<2000x64xf32, #tpu.memory_space<vmem>>, %arg2: memref<2x2000x32xf32, #tpu.memory_space<vmem>>, %arg3: memref<2x2000x16xf32, #tpu.memory_space<vmem>>, %arg4: memref<1x64xf32, #tpu.memory_space<vmem>>, %arg5: memref<2000x64xf32, #tpu.memory_space<vmem>>) attributes {dimension_semantics = [#tpu.dimension_semantics<arbitrary>], iteration_bounds = array<i64: 5>, scalar_prefetch = 0 : i64, scratch_operands = 0 : i64, tpu.core_type = #tpu.core_type<tc>, window_params = [{transform_indices = @transform_0, window_bounds = array<i64: 2000, 64>}, {transform_indices = @transform_1, window_bounds = array<i64: 2, 2000, 32>}, {transform_indices = @transform_2, window_bounds = array<i64: 2, 2000, 16>}, {pipeline_mode = #tpu.pipeline_mode<synchronous>, transform_indices = @transform_3, window_bounds = array<i64: 1, 64>}, {transform_indices = @transform_4, window_bounds = array<i64: 2000, 64>}]} {
    %get3A = arith.constant 0 : index
    %get3A_0 = arith.constant 0 : index
    %get3A_1 = vector.load %arg1[%get3A, %get3A_0] : memref<2000x64xf32, #tpu.memory_space<vmem>>, vector<2000x64xf32>
    %get3A_2 = arith.constant 0 : index
    %get3A_3 = arith.constant 0 : index
    %get3A_4 = arith.constant 0 : index
    %get3A_5 = vector.load %arg3[%get3A_2, %get3A_3, %get3A_4] : memref<2x2000x16xf32, #tpu.memory_space<vmem>>, vector<1x2000x1xf32>
    %get3A_6 = vector.shape_cast %get3A_5 : vector<1x2000x1xf32> to vector<2000xf32>
    %get3A_7 = arith.constant 1 : index
    %get3A_8 = arith.constant 0 : index
    %get3A_9 = arith.constant 0 : index
    %get3A_10 = vector.load %arg3[%get3A_7, %get3A_8, %get3A_9] : memref<2x2000x16xf32, #tpu.memory_space<vmem>>, vector<1x2000x1xf32>
    %get3A_11 = vector.shape_cast %get3A_10 : vector<1x2000x1xf32> to vector<2000xf32>
    %add3A = arith.addf %get3A_6, %get3A_11 : vector<2000xf32>
    %max3A = arith.constant 1.000000e+00 : f32
    %max3A_12 = vector.broadcast %max3A : f32 to vector<2000xf32>
    %max3A_13 = arith.maximumf %add3A, %max3A_12 : vector<2000xf32>
    %div3A = arith.constant 1.000000e+00 : f32
    %div3A_14 = vector.broadcast %div3A : f32 to vector<2000xf32>
    %div3A_15 = arith.divf %div3A_14, %max3A_13 : vector<2000xf32>
    %get3A_16 = arith.constant 0 : index
    %get3A_17 = arith.constant 0 : index
    %get3A_18 = arith.constant 0 : index
    %get3A_19 = vector.load %arg2[%get3A_16, %get3A_17, %get3A_18] : memref<2x2000x32xf32, #tpu.memory_space<vmem>>, vector<1x2000x32xf32>
    %get3A_20 = vector.shape_cast %get3A_19 : vector<1x2000x32xf32> to vector<2000x32xf32>
    %get3A_21 = arith.constant 1 : index
    %get3A_22 = arith.constant 0 : index
    %get3A_23 = arith.constant 0 : index
    %get3A_24 = vector.load %arg2[%get3A_21, %get3A_22, %get3A_23] : memref<2x2000x32xf32, #tpu.memory_space<vmem>>, vector<1x2000x32xf32>
    %get3A_25 = vector.shape_cast %get3A_24 : vector<1x2000x32xf32> to vector<2000x32xf32>
    %concatenate3A = tpu.concatenate %get3A_20, %get3A_25 in 1 : vector<2000x32xf32>, vector<2000x32xf32> -> vector<2000x64xf32>
    %broadcast_in_dim3A = vector.shape_cast %div3A_15 : vector<2000xf32> to vector<2000x1xf32>
    %mul3A = vector.broadcast %broadcast_in_dim3A : vector<2000x1xf32> to vector<2000x64xf32>
    %mul3A_26 = arith.mulf %concatenate3A, %mul3A : vector<2000x64xf32>
    %add3A_27 = arith.addf %get3A_1, %mul3A_26 : vector<2000x64xf32>
    %get3A_28 = arith.constant 0 : index
    %get3A_29 = arith.constant 0 : index
    %get3A_30 = vector.load %arg4[%get3A_28, %get3A_29] : memref<1x64xf32, #tpu.memory_space<vmem>>, vector<1x64xf32>
    %add3A_31 = vector.broadcast %get3A_30 : vector<1x64xf32> to vector<2000x64xf32>
    %add3A_32 = arith.addf %add3A_27, %add3A_31 : vector<2000x64xf32>
    %swap3A = arith.constant 0 : index
    %swap3A_33 = arith.constant 0 : index
    %swap3A_34 = vector.load %arg5[%swap3A, %swap3A_33] : memref<2000x64xf32, #tpu.memory_space<vmem>>, vector<2000x64xf32>
    tpu.vector_store %arg5[%swap3A, %swap3A_33], %add3A_32 {strides = array<i32>} : memref<2000x64xf32, #tpu.memory_space<vmem>>, vector<2000x64xf32>,
    return
  }
  func.func @transform_0(%arg0: i32) -> (i32, i32) {
    %c0_i32 = arith.constant 0 : i32
    %c0_i32_0 = arith.constant 0 : i32
    return %arg0, %c0_i32 : i32, i32
  }
  func.func @transform_1(%arg0: i32) -> (i32, i32, i32) {
    %c0_i32 = arith.constant 0 : i32
    %c0_i32_0 = arith.constant 0 : i32
    %c0_i32_1 = arith.constant 0 : i32
    return %c0_i32, %arg0, %c0_i32_0 : i32, i32, i32
  }
  func.func @transform_2(%arg0: i32) -> (i32, i32, i32) {
    %c0_i32 = arith.constant 0 : i32
    %c0_i32_0 = arith.constant 0 : i32
    %c0_i32_1 = arith.constant 0 : i32
    return %c0_i32, %arg0, %c0_i32_0 : i32, i32, i32
  }
  func.func @transform_3(%arg0: i32) -> (i32, i32) {
    %c0_i32 = arith.constant 0 : i32
    %c0_i32_0 = arith.constant 0 : i32
    %c0_i32_1 = arith.constant 0 : i32
    return %c0_i32, %c0_i32_0 : i32, i32
  }
  func.func @transform_4(%arg0: i32) -> (i32, i32) {
    %c0_i32 = arith.constant 0 : i32
    %c0_i32_0 = arith.constant 0 : i32
    return %arg0, %c0_i32 : i32, i32
  }
}

</mosaic_0001>

<sc_bundles>
// kernel: kernel.12.cloned.1.call-start
scs
__scs_entry_jumppad:
0x0: {  	(pc) =	sbr.rel $0x88, $3  }
0x1: {  	(tag) =	ssettag $0x0;
	lr =	simm.s32 $0x1  }
0x2: {  	[smem:$0x3F92] =	sst lr;
	_ =	strace $0xD0000000  }
0x3: {  	_ = 	snop  }
0x4: {  	_ = 	snop  }
0x5: {  	_ = 	snop  }
0x6: {  	_ = 	snop  }
0x7: {  	_ = 	snop  }
__scs_overlays_trampoline_lowered:
0x8: {  	[smem:$0x3FA1] =	sst s0  }
0x9: {  	[smem:$0x3FA2] =	sst s1  }
0xa: {  	[smem:$0x3FA3] =	sst s2  }
0xb: {  	[smem:$0x3FA4] =	sst s3  }
0xc: {  	[smem:$0x3FA5] =	sst s4  }
0xd: {  	[smem:$0x3FA6] =	sst s5  }
0xe: {  	[smem:$0x3FA7] =	sst s6  }
0xf: {  	[smem:$0x3FA8] =	sst s7  }
0x10: {  	[smem:$0x3FA9] =	sst s8  }
0x11: {  	[smem:$0x3FAA] =	sst s9;
	s0 =	simm.s32 @!p0 $0x0  }
0x12: {  	s1 =	sld [smem:$0x3F90];
	s0 =	simm.s32 @p0 $0x1  }
0x13: {  	[smem:$0x3FAB] =	sst s0;
	s0 =	simm.s32 @!p1 $0x0  }
0x14: {  	s2 =	sld [smem:$0x3F8F];
	s0 =	simm.s32 @p1 $0x1  }
0x15: {  	[smem:$0x3FAC] =	sst s0;
	s0 =	simm.s32 @!p2 $0x0  }
0x16: {  	s3 =	sld [smem:$0x3FDB];
	s0 =	simm.s32 @p2 $0x1  }
0x17: {  	s4 =	simm.s32 $0x1BF5;
	[smem:$0x3FAE] =	sst s0  }
0x18: {  	s0 =	sld [smem:$0x3F91];
	_ =	swait.ge [sflag:s4], $0x0  }
0x19: {  	s7 =	sld [smem:$0x3F92]  }
0x1a: {  	s8 =	sadd.s32 $0xFFFFE003, lr  }
0x1b: {  	s9 =	sadd.s32 $0xFFFFFEF7, lr;
	s5 =	simm.s32 $0xFFFFFFFF;
	p2 =	slt.u32 s8, $0xFFFFF086  }
0x1c: {  	p1 =	slt.u32 s9, $0xF7A;
	s5 =	simm.s32 @!p2 $0x0  }
0x1d: {  	s5 =	simm.s32 @p1 $0x1;
	p0 =	seq.s32 s7, s2  }
0x1e: {  	s7 =	smul.u32 @!p0 $0xF7A, s2;
	p2 =	seq.s32 @!p0 s5, $0x0  }
0x1f: {  	s9 =	smul.u32 $0xF7A, s1;
	s8 =	simm.s32 @!p0 $0x1BF5;
	p2 =	por !p2, p0  }
0x20: {  	[sflag:s8] =	ssyncset.s32 @!p0 $0xFFFFF086;
	s6 =	sadd.s32 @!p0 s3, s7;
	s7 =	simm.s32 @!p0 $0x108  }
0x21: {  	s3 =	sadd.s32 s3, s9;
	s6 =	sadd.s32 @!p0 $0x88, s6;
	s7 =	simm.s32 @p2 $0x1082  }
0x22: {  	[simem:s7], [sflag:s8] =	dma.local @!p0 [hbm:s6], $0xF7A  }
0x23: {  	s9 =	sor.u32 $0xD0000000, s2;
	s6 =	simm.s32 $0x108;
	_ =	swait.ge @!p0 [sflag:s8], $0x0  }
0x24: {  	s3 =	sadd.s32 $0x88, s3;
	s6 =	simm.s32 @!p1 $0x1082;
	[sflag:s4] =	ssyncset.s32 $0xFFFFF086  }
0x25: {  	[simem:s6], [sflag:s4] =	dma.local [hbm:s3], $0xF7A  }
0x26: {  	[smem:$0x3F92] =	sst s1;
	(tag) =	ssettag s2;
	_ =	strace s9  }
0x27: {  	s1 =	sld [smem:$0x3FA2]  }
0x28: {  	s2 =	sld [smem:$0x3FA3]  }
0x29: {  	s4 =	sld [smem:$0x3FA5]  }
0x2a: {  	p0 =	seq.s32 s5, $0x0;
	s5 =	sld [smem:$0x3FA6]  }
0x2b: {  	s6 =	sld [smem:$0x3FA7]  }
0x2c: {  	s7 =	sld [smem:$0x3FA8]  }
0x2d: {  	s3 =	simm.s32 $0x108;
	s8 =	sld [smem:$0x3FA9]  }
0x2e: {  	s3 =	simm.s32 @!p0 $0x1082;
	s9 =	sld [smem:$0x3FAA]  }
0x2f: {  	lr =	sadd.s32 s0, s3;
	s0 =	sld [smem:$0x3FA1]  }
0x30: {  	s3 =	sld [smem:$0x3FA4]  }
0x31: {  	[smem:$0x3FAD] =	sst s10  }
0x32: {  	s10 =	sld [smem:$0x3FAB];
	_ =	sdelay $0x3  }
0x33: {  	p0 =	seq.s32 s10, $0x1;
	s10 =	sld [smem:$0x3FAD];
	_ =	sdelay $0x3  }
0x34: {  	[smem:$0x3FAD] =	sst s10  }
0x35: {  	s10 =	sld [smem:$0x3FAC];
	_ =	sdelay $0x3  }
0x36: {  	p1 =	seq.s32 s10, $0x1;
	s10 =	sld [smem:$0x3FAD];
	_ =	sdelay $0x3  }
0x37: {  	[smem:$0x3FAD] =	sst s10  }
0x38: {  	s10 =	sld [smem:$0x3FAE]  }
0x39: {  	_ = 	snop;
	(pc) =	sbr.ind lr, $3  }
0x3a: {  	_ = 	snop  }
0x3b: {  	_ = 	snop  }
0x3c: {  	p2 =	seq.s32 s10, $0x1;
	s10 =	sld [smem:$0x3FAD]  }
0x3d: {  	_ =	shalt  }
0x3e: {  	_ =	shalt  }
0x3f: {  	_ =	shalt  }
0x40: {  	_ =	shalt  }
0x41: {  	_ =	shalt  }
0x42: {  	_ =	shalt  }
0x43: {  	_ =	shalt  }
0x44: {  	_ =	shalt  }
0x45: {  	_ =	shalt  }
0x46: {  	_ =	shalt  }
0x47: {  	_ =	shalt  }
0x48: {  	_ =	shalt  }
0x49: {  	_ =	shalt  }
0x4a: {  	_ =	shalt  }
0x4b: {  	_ =	shalt  }
0x4c: {  	_ =	shalt  }
0x4d: {  	_ =	shalt  }
0x4e: {  	_ =	shalt  }
0x4f: {  	_ =	shalt  }
0x50: {  	_ =	shalt  }
0x51: {  	_ =	shalt  }
0x52: {  	_ =	shalt  }
0x53: {  	_ =	shalt  }
0x54: {  	_ =	shalt  }
0x55: {  	_ =	shalt  }
0x56: {  	_ =	shalt  }
0x57: {  	_ =	shalt  }
0x58: {  	_ =	shalt  }
0x59: {  	_ =	shalt  }
0x5a: {  	_ =	shalt  }
0x5b: {  	_ =	shalt  }
0x5c: {  	_ =	shalt  }
0x5d: {  	_ =	shalt  }
0x5e: {  	_ =	shalt  }
0x5f: {  	_ =	shalt  }
0x60: {  	_ =	shalt  }
0x61: {  	_ =	shalt  }
0x62: {  	_ =	shalt  }
0x63: {  	_ =	shalt  }
0x64: {  	_ =	shalt  }
0x65: {  	_ =	shalt  }
0x66: {  	_ =	shalt  }
0x67: {  	_ =	shalt  }
0x68: {  	_ =	shalt  }
0x69: {  	_ =	shalt  }
0x6a: {  	_ =	shalt  }
0x6b: {  	_ =	shalt  }
0x6c: {  	_ =	shalt  }
0x6d: {  	_ =	shalt  }
0x6e: {  	_ =	shalt  }
0x6f: {  	_ =	shalt  }
0x70: {  	_ =	shalt  }
0x71: {  	_ =	shalt  }
0x72: {  	_ =	shalt  }
0x73: {  	_ =	shalt  }
0x74: {  	_ =	shalt  }
0x75: {  	_ =	shalt  }
0x76: {  	_ =	shalt  }
0x77: {  	_ =	shalt  }
0x78: {  	_ =	shalt  }
0x79: {  	_ =	shalt  }
0x7a: {  	_ =	shalt  }
0x7b: {  	_ =	shalt  }
0x7c: {  	_ =	shalt  }
0x7d: {  	_ =	shalt  }
0x7e: {  	_ =	shalt  }
0x7f: {  	_ =	shalt  }
0x80: {  	_ =	shalt  }
0x81: {  	_ =	shalt  }
0x82: {  	_ =	shalt  }
0x83: {  	_ =	shalt  }
0x84: {  	_ =	shalt  }
0x85: {  	_ =	shalt  }
0x86: {  	_ =	shalt  }
0x87: {  	_ =	shalt  }
.Lfunc_end0:
.L_simem_size_0:
called_computation.1_lowered:
.L_overlay_start_0:
0x88: {  	s2 =	sld [smem:$0x3FD9]  }
0x89: {  	s3 =	sld [smem:$0x3FFE];
	_ =	sdelay $0x1  }
0x8a: {  	s1 =	srdreg.scid  }
0x8b: {  	s0 =	sand.u32 $0x1, s1  }
0x8c: {  	s16 =	sshll.u32 s0, $0xA;
	s2 =	sadd.s32 s3, s2  }
0x8d: {  	s2 =	sadd.s32 s2, s16  }
0x8e: {  	[smem:$0x3FB9] =	sst s2  }
0x8f: {  	_ = 	snop  }
0x90: {  	(tm) =	ssettm $0x1  }
0x91: {  	s17 =	sld [smem:$0x3FFB];
	_ =	sdelay $0x3  }
0x92: {  	_ =	strace s17  }
0x93: {  	s2 =	sld [smem:$0x3FFC];
	_ =	sdelay $0x3  }
0x94: {  	_ =	strace s2  }
0x95: {  	s2 =	sld [smem:$0x3FFD];
	_ =	sdelay $0x3  }
0x96: {  	_ =	strace s2  }
0x97: {  	_ =	strace $0x8FFFFFFF  }
0x98: {  	s18 =	sld [smem:$0x3FDB];
	_ =	sdelay $0x1  }
0x99: {  	s19 =	simm.s32 $_scs_section_size  }
0x9a: {  	s4 =	simm.s32 $_size__tile_overlayer_lowered;
	s5 =	simm.s32 $_tile_overlayer_lowered  }
0x9b: {  	s22 =	simm.s32 $0x1BFF;
	s21 =	sshll.u32 s5, $0x1;
	s2 =	sadd.s32 s19, s18  }
0x9c: {  	s6 =	simm.s32 $0x0;
	s20 =	sshll.u32 s4, $0x1;
	s4 =	sadd.s32 s21, s2  }
0x9d: {  	[timem:s6], [sflag:s22] =	dma.local [hbm:s4], s20  }
0x9e: {  	_ =	swait.ge [sflag:s22], s20  }
0x9f: {  	s3 =	ssub.s32 $0x0, s20;
	[sflag:s22] =	ssyncset.done $0x0  }
0xa0: {  	[sflag:s22] =	ssyncadd.s32 s3;
	_ =	sdelay $0x1  }
0xa1: {  	s23 =	simm.s32 $0x1B8B  }
0xa2: {  	_ =	swait.ge [sflag:s23], $0x1  }
0xa3: {  	[sflag:s23] =	ssyncset.done $0x0  }
0xa4: {  	s25 =	simm.s32 $0x1B8E;
	s24 =	sld [smem:$0x3FFE];
	[sflag:s23] =	ssyncadd.s32 $0xFFFFFFFF  }
0xa5: {  	s26 =	simm.s32 $execute0_lowered;
	[smem:$0x3FD2] =	sst s25  }
0xa6: {  	s4 =	sshll.u32 s26, $0x1;
	_ =	strace $0x80000049;
	[dreg:$0x1] =	wrdreg $0xFFFFFFFF  }
0xa7: {  	s28 =	simm.s32 $_size_execute0_lowered;
	s2 =	sadd.s32 s2, s4;
	[dreg:$0x0] =	wrdreg $0x0  }
0xa8: {  	s4 =	sshll.u32 s28, $0x1;
	[dreg:$0x2] =	wrdreg s2  }
0xa9: {  	[dreg:$0x3] =	wrdreg s4  }
0xaa: {  	[dreg:$0x4] =	wrdreg $0xC0  }
0xab: {  	_ =	task [dreg:s6], $0x5FFFF  }
0xac: {  	[dreg:$0x1] =	wrdreg $0xFFFFFFFF  }
0xad: {  	[dreg:$0x0] =	wrdreg $0x60  }
0xae: {  	[dreg:$0x2] =	wrdreg s24  }
0xaf: {  	[dreg:$0x3] =	wrdreg $0x11A400  }
0xb0: {  	[dreg:$0x4] =	wrdreg $0x9  }
0xb1: {  	_ =	task.clear_ibuf [dreg:s6], $0x5FFFF;
	_ =	strace $0x90000049  }
0xb2: {  	s29 =	simm.s32 $0x9;
	_ =	strace $0x8000004B  }
0xb3: {  	_ =	swait.ge [sflag:s29], $0x1  }
0xb4: {  	[sflag:s29] =	ssyncadd.s32 $0xFFFFFFFF  }
0xb5: {  	_ =	strace $0x9000004B  }
0xb6: {  	_ =	sfence  }
0xb7: {  	s30 =	sld [smem:$0x0];
	_ =	sdelay $0x2  }
0xb8: {  	s31 =	sshll.u32 s1, $0xD;
	s1 =	sshrl.u32 s1, $0x2  }
0xb9: {  	s3 =	sand.u32 $0x4000, s31;
	s1 =	sadd.s32 s1, s30  }
0xba: {  	s0 =	sor.u32 s3, s0;
	s1 =	sshll.u32 s1, $0x11  }
0xbb: {  	s0 =	sor.u32 s1, s0  }
0xbc: {  	s0 =	sadd.s32 $0x8F2B, s0  }
0xbd: {  	[sflag:s0] =	ssyncadd.remote.s32 $0x1  }
0xbe: {  	_ =	sfence.sel $0xFFFF  }
0xbf: {  	[dreg:$0x0] =	wrdreg $0xFFFFFFFF;
	(pc) =	sbr.abs _section_cstart, $3  }
0xc0: {  	[dreg:$0x1] =	wrdreg $0xFFFFFFFF  }
0xc1: {  	_ =	task.clear_ibuf [dreg:s6], $0x2FFFF;
	_ =	strace $0x9FFFFFFF  }
0xc2: {  	(tm) =	ssettm $0x7FFFFFFF  }
0xc3: {  	_ =	shalt  }
tec
execute0_lowered:
.L_overlay_start_1:
0x0: {  	(tag) =	ssettag $0x1  }
0x1: {  	s0 =	rddreg [dreg:$0x0]  }
0x2: {  	s1 =	rddreg [dreg:$0x1];
	s3 =	stileid.u32  }
0x3: {  	s2 =	srdreg.scid;
	s4 =	smul.u32 $0x9C4, s3  }
0x4: {  	s5 =	simm.s32 $0x0;
	s2 =	sand.u32 $0x1, s2;
	s15 =	smul.u32 $0x27000, s3  }
0x5: {  	[smem:$0x7FF] =	sst s5;
	s12 =	smul.u32 $0x13880, s2  }
0x6: {  	_ =	strace $0x8000004A;
	s2 =	ssub.s32 $0x2, s2;
	s4 =	sadd.s32 s4, s0  }
0x7: {  	s13 =	sshrl.u32 s2, $0x1;
	s17 =	sshrl.u32 s15, $0x2;
	s14 =	sadd.s32 $0xCA00, s4  }
0x8: {  	s2 =	ssub.s32 s2, s13;
	s4 =	sadd.s32 $0x2C00, s4;
	[dreg:$0x3] =	wrdreg s14  }
0x9: {  	s10 =	sadd.s32 s17, s1;
	[dreg:$0x4] =	wrdreg s4;
	s2 =	smax.u32 s2, $0x1  }
0xa: {  	s19 =	sadd.s32 $0x600, s10;
	[dreg:$0x6] =	wrdreg s2  }
0xb: {  	s20 =	sadd.s32 $0xC00, s10;
	[dreg:$0x7] =	wrdreg s19  }
0xc: {  	s21 =	sadd.s32 $0x1200, s10;
	[dreg:$0x8] =	wrdreg s20  }
0xd: {  	s22 =	sadd.s32 $0x1800, s10;
	[dreg:$0x9] =	wrdreg s21  }
0xe: {  	s23 =	sadd.s32 $0x1E00, s10;
	[dreg:$0xa] =	wrdreg s22  }
0xf: {  	s24 =	sadd.s32 $0x2400, s10;
	[dreg:$0xb] =	wrdreg s23  }
0x10: {  	s8 =	smul.u32 $0x9C00, s3;
	s25 =	sadd.s32 $0x2A00, s10;
	[dreg:$0xc] =	wrdreg s24  }
0x11: {  	s26 =	sadd.s32 $0x3000, s10;
	[dreg:$0xd] =	wrdreg s25  }
0x12: {  	s16 =	sshrl.u32 s8, $0x3;
	s4 =	sadd.s32 $0x3600, s10;
	[dreg:$0xe] =	wrdreg s26  }
0x13: {  	s18 =	sadd.s32 s8, s1;
	s8 =	sadd.s32 $0x3C00, s10;
	[dreg:$0xf] =	wrdreg s4  }
0x14: {  	s11 =	sadd.s32 $0x4200, s10;
	[dreg:$0x10] =	wrdreg s8  }
0x15: {  	s0 =	sadd.s32 s12, s0;
	s12 =	sadd.s32 $0x4800, s10;
	[dreg:$0x11] =	wrdreg s11  }
0x16: {  	s13 =	sadd.s32 $0x4E00, s10;
	[dreg:$0x12] =	wrdreg s12  }
0x17: {  	s9 =	sadd.s32 $0x8BC00, s0;
	[dreg:$0x13] =	wrdreg s13  }
0x18: {  	s28 =	simm.s32 $0x8;
	s14 =	sshrl.u32 s18, $0x3;
	[dreg:$0x5] =	wrdreg s9  }
0x19: {  	s29 =	simm.s32 $0x6;
	s15 =	sadd.s32 $0x5400, s10;
	[dreg:$0x15] =	wrdreg s14  }
0x1a: {  	s30 =	simm.s32 $0x9;
	s17 =	sadd.s32 $0x6000, s10;
	[dreg:$0x16] =	wrdreg s15  }
0x1b: {  	s31 =	simm.s32 $0xA;
	s18 =	sadd.s32 $0x6600, s10;
	[dreg:$0x18] =	wrdreg s17  }
0x1c: {  	s7 =	sadd.s32 $0x64A00, s0;
	s0 =	sadd.s32 s16, s9;
	[dreg:$0x19] =	wrdreg s18  }
0x1d: {  	s6 =	sadd.s32 $0x9C000, s1;
	s16 =	sadd.s32 $0x5A00, s10;
	[dreg:$0x14] =	wrdreg s0  }
0x1e: {  	p0 =	sne.s32 s3, $0x0;
	s19 =	sadd.s32 $0x6C00, s10;
	[dreg:$0x17] =	wrdreg s16  }
0x1f: {  	s20 =	sadd.s32 $0x7200, s10;
	s21 =	sadd.s32 $0x7800, s10;
	[dreg:$0x1a] =	wrdreg s19  }
0x20: {  	s22 =	sadd.s32 $0x7E00, s10;
	s23 =	sadd.s32 $0x8400, s10;
	[dreg:$0x1b] =	wrdreg s20  }
0x21: {  	s24 =	sadd.s32 $0x8A00, s10;
	s25 =	sadd.s32 $0x9000, s10;
	[dreg:$0x1c] =	wrdreg s21  }
0x22: {  	s26 =	sadd.s32 $0x9600, s10;
	s14 =	simm.s32 $0x11440;
	[dreg:$0x1d] =	wrdreg s22  }
0x23: {  	s15 =	simm.s32 $0x1;
	s17 =	simm.s32 $0x7;
	[dreg:$0x1e] =	wrdreg s23  }
0x24: {  	s18 =	simm.s32 $0x50;
	s8 =	simm.s32 $0xB040;
	[dreg:$0x1f] =	wrdreg s24  }
.Ltmp0:
0x25: {  	s13 =	simm.s32 $0xC;
	[smem:$0x7FC] =	sst s25;
	(pc) =	sbr.rel .LBB2_1-.Ltmp0, $4  }
0x26: {  	s2 =	simm.s32 $0xD;
	s4 =	simm.s32 $0x0;
	[smem:$0x7FD] =	sst s26  }
0x27: {  	s16 =	simm.s32 $0x2;
	s19 =	simm.s32 $0x9C40;
	s20 =	simm.s32 $0xC440  }
0x28: {  	s21 =	simm.s32 $0xD840;
	s22 =	simm.s32 $0xEC40;
	s24 =	simm.s32 $0x10040  }
0x29: {  	v0 =	vimm.f32 $0.0e+00;
	s25 =	simm.s32 $0x4;
	s26 =	simm.s32 $0x5;
	s0 =	simm.s32 $0xB  }
.LBB2_4:
0x2a: {  	_ =	swait.ge [sflag:s0], $0x1400  }
0x2b: {  	[sflag:s0] =	ssyncset.done $0x0  }
0x2c: {  	[sflag:s0] =	ssyncadd.s32 $0xFFFFEC00  }
0x2d: {  	_ =	swait.ge [sflag:s13], $0x1400  }
0x2e: {  	[sflag:s13] =	ssyncset.done $0x0  }
0x2f: {  	[sflag:s13] =	ssyncadd.s32 $0xFFFFEC00  }
0x30: {  	_ =	swait.ge [sflag:s17], $0x1400  }
0x31: {  	[sflag:s17] =	ssyncset.done $0x0  }
0x32: {  	[sflag:s17] =	ssyncadd.s32 $0xFFFFEC00  }
0x33: {  	_ =	swait.ge [sflag:s28], $0x1400  }
0x34: {  	[sflag:s28] =	ssyncset.done $0x0  }
0x35: {  	[sflag:s28] =	ssyncadd.s32 $0xFFFFEC00  }
0x36: {  	_ =	swait.ge [sflag:s30], $0x1400  }
0x37: {  	[sflag:s30] =	ssyncset.done $0x0  }
0x38: {  	[sflag:s30] =	ssyncadd.s32 $0xFFFFEC00  }
0x39: {  	_ =	swait.ge [sflag:s31], $0x1400  }
0x3a: {  	[sflag:s31] =	ssyncset.done $0x0  }
0x3b: {  	[sflag:s31] =	ssyncadd.s32 $0xFFFFEC00  }
0x3c: {  	s3 =	stileid.u32;
	[bflag:$0x0] =	sbarrier.arrive $0xFFFF  }
0x3d: {  	s3 =	sshll.u32 s3, $0x6;
	s5 =	rddreg [dreg:$0x14]  }
0x3e: {  	s3 =	sor.u32 $0x1C0D, s3;
	s9 =	rddreg [dreg:$0x15]  }
0x3f: {  	[hbm:s5], [sflag:s3] =	dma.local [spmem:s9], $0x1380  }
0x40: {  	_ =	swait.ge [sflag:s2], $0x1380  }
0x41: {  	[sflag:s2] =	ssyncset.done $0x0;
	s5 =	rddreg [dreg:$0x5]  }
0x42: {  	s9 =	sshrl.u32 @!p0 s6, $0x3;
	[sflag:s2] =	ssyncadd.s32 $0xFFFFEC80;
	s5 =	sadd.s32 @!p0 $0x13800, s5  }
0x43: {  	[hbm:s5], [sflag:s3] =	dma.local @!p0 [spmem:s9], $0x80  }
0x44: {  	s3 =	simm.s32 @!p0 $0xD  }
0x45: {  	_ =	swait.ge @!p0 [sflag:s3], $0x80  }
0x46: {  	s4 =	sadd.s32 $0x1, s4;
	s23 =	rddreg [dreg:$0x6]  }
0x47: {  	p1 =	sne.s32 s4, s23  }
.Ltmp1:
0x48: {  	_ = 	snop;
	(pc) =	sbr.rel @!p1 .LBB2_5-.Ltmp1, $3  }
0x49: {  	_ =	sdelay $0x1  }
0x4a: {  	[sflag:s3] =	ssyncset.done @!p0 $0x0  }
0x4b: {  	[sflag:s3] =	ssyncadd.s32 @!p0 $0xFFFFFF80  }
.LBB2_1:
0x4c: {  	s3 =	simm.s32 $0x0;
	s5 =	rddreg [dreg:$0x3]  }
0x4d: {  	[tilespmem:s3], [sflag:$0x1] =	stream.linear.gather [hbm4b:s5+s3], $0x4E20, $0x38;
	[tilespmem:$0x1B6A0] =	vst v63  }
0x4e: {  	s12 =	rddreg [dreg:$0x4];
	s9 =	simm.s32 $0x4E20  }
0x4f: {  	[tilespmem:s9], [sflag:$0x2] =	stream.linear.gather [hbm4b:s12+s3], $0x4E20, $0x38;
	[tilespmem:$0x1B6A0] =	vst v63  }
0x50: {  	[tilespmem:$0x11440] =	vst v0  }
0x51: {  	[tilespmem:$0x11450] =	vst v0  }
0x52: {  	[tilespmem:$0x11460] =	vst v0  }
0x53: {  	[tilespmem:$0x11470] =	vst v0  }
0x54: {  	[tilespmem:$0x11480] =	vst v0  }
0x55: {  	[tilespmem:$0x11490] =	vst v0  }
0x56: {  	[tilespmem:$0x114A0] =	vst v0  }
0x57: {  	[tilespmem:$0x114B0] =	vst v0  }
0x58: {  	[tilespmem:$0x114C0] =	vst v0  }
0x59: {  	[tilespmem:$0x114D0] =	vst v0  }
0x5a: {  	[tilespmem:$0x114E0] =	vst v0  }
0x5b: {  	[tilespmem:$0x114F0] =	vst v0  }
0x5c: {  	[tilespmem:$0x11500] =	vst v0  }
0x5d: {  	[tilespmem:$0x11510] =	vst v0  }
0x5e: {  	[tilespmem:$0x11520] =	vst v0  }
0x5f: {  	[tilespmem:$0x11530] =	vst v0  }
0x60: {  	[tilespmem:$0x11540] =	vst v0  }
0x61: {  	[tilespmem:$0x11550] =	vst v0  }
0x62: {  	[tilespmem:$0x11560] =	vst v0  }
0x63: {  	[tilespmem:$0x11570] =	vst v0  }
0x64: {  	[tilespmem:$0x11580] =	vst v0  }
0x65: {  	[tilespmem:$0x11590] =	vst v0  }
0x66: {  	[tilespmem:$0x115A0] =	vst v0  }
0x67: {  	[tilespmem:$0x115B0] =	vst v0  }
0x68: {  	[tilespmem:$0x115C0] =	vst v0  }
0x69: {  	[tilespmem:$0x115D0] =	vst v0  }
0x6a: {  	[tilespmem:$0x115E0] =	vst v0  }
0x6b: {  	[tilespmem:$0x115F0] =	vst v0  }
0x6c: {  	[tilespmem:$0x11600] =	vst v0  }
0x6d: {  	[tilespmem:$0x11610] =	vst v0  }
0x6e: {  	[tilespmem:$0x11620] =	vst v0  }
0x6f: {  	[tilespmem:$0x11630] =	vst v0  }
0x70: {  	[tilespmem:$0x11640] =	vst v0  }
0x71: {  	[tilespmem:$0x11650] =	vst v0  }
0x72: {  	[tilespmem:$0x11660] =	vst v0  }
0x73: {  	[tilespmem:$0x11670] =	vst v0  }
0x74: {  	[tilespmem:$0x11680] =	vst v0  }
0x75: {  	[tilespmem:$0x11690] =	vst v0  }
0x76: {  	[tilespmem:$0x116A0] =	vst v0  }
0x77: {  	[tilespmem:$0x116B0] =	vst v0  }
0x78: {  	[tilespmem:$0x116C0] =	vst v0  }
0x79: {  	[tilespmem:$0x116D0] =	vst v0  }
0x7a: {  	[tilespmem:$0x116E0] =	vst v0  }
0x7b: {  	[tilespmem:$0x116F0] =	vst v0  }
0x7c: {  	[tilespmem:$0x11700] =	vst v0  }
0x7d: {  	[tilespmem:$0x11710] =	vst v0  }
0x7e: {  	[tilespmem:$0x11720] =	vst v0  }
0x7f: {  	[tilespmem:$0x11730] =	vst v0  }
0x80: {  	[tilespmem:$0x11740] =	vst v0  }
0x81: {  	[tilespmem:$0x11750] =	vst v0  }
0x82: {  	[tilespmem:$0x11760] =	vst v0  }
0x83: {  	[tilespmem:$0x11770] =	vst v0  }
0x84: {  	[tilespmem:$0x11780] =	vst v0  }
0x85: {  	[tilespmem:$0x11790] =	vst v0  }
0x86: {  	[tilespmem:$0x117A0] =	vst v0  }
0x87: {  	[tilespmem:$0x117B0] =	vst v0  }
0x88: {  	[tilespmem:$0x117C0] =	vst v0  }
0x89: {  	[tilespmem:$0x117D0] =	vst v0  }
0x8a: {  	[tilespmem:$0x117E0] =	vst v0  }
0x8b: {  	[tilespmem:$0x117F0] =	vst v0  }
0x8c: {  	[tilespmem:$0x11800] =	vst v0  }
0x8d: {  	[tilespmem:$0x11810] =	vst v0  }
0x8e: {  	[tilespmem:$0x11820] =	vst v0  }
0x8f: {  	[tilespmem:$0x11830] =	vst v0  }
0x90: {  	[tilespmem:$0x11840] =	vst v0  }
0x91: {  	[tilespmem:$0x11850] =	vst v0  }
0x92: {  	[tilespmem:$0x11860] =	vst v0  }
0x93: {  	[tilespmem:$0x11870] =	vst v0  }
0x94: {  	[tilespmem:$0x11880] =	vst v0  }
0x95: {  	[tilespmem:$0x11890] =	vst v0  }
0x96: {  	[tilespmem:$0x118A0] =	vst v0  }
0x97: {  	[tilespmem:$0x118B0] =	vst v0  }
0x98: {  	[tilespmem:$0x118C0] =	vst v0  }
0x99: {  	[tilespmem:$0x118D0] =	vst v0  }
0x9a: {  	[tilespmem:$0x118E0] =	vst v0  }
0x9b: {  	[tilespmem:$0x118F0] =	vst v0  }
0x9c: {  	[tilespmem:$0x11900] =	vst v0  }
0x9d: {  	[tilespmem:$0x11910] =	vst v0  }
0x9e: {  	[tilespmem:$0x11920] =	vst v0  }
0x9f: {  	[tilespmem:$0x11930] =	vst v0  }
0xa0: {  	[tilespmem:$0x11940] =	vst v0  }
0xa1: {  	[tilespmem:$0x11950] =	vst v0  }
0xa2: {  	[tilespmem:$0x11960] =	vst v0  }
0xa3: {  	[tilespmem:$0x11970] =	vst v0  }
0xa4: {  	[tilespmem:$0x11980] =	vst v0  }
0xa5: {  	[tilespmem:$0x11990] =	vst v0  }
0xa6: {  	[tilespmem:$0x119A0] =	vst v0  }
0xa7: {  	[tilespmem:$0x119B0] =	vst v0  }
0xa8: {  	[tilespmem:$0x119C0] =	vst v0  }
0xa9: {  	[tilespmem:$0x119D0] =	vst v0  }
0xaa: {  	[tilespmem:$0x119E0] =	vst v0  }
0xab: {  	[tilespmem:$0x119F0] =	vst v0  }
0xac: {  	[tilespmem:$0x11A00] =	vst v0  }
0xad: {  	[tilespmem:$0x11A10] =	vst v0  }
0xae: {  	[tilespmem:$0x11A20] =	vst v0  }
0xaf: {  	s23 =	rddreg [dreg:$0x7];
	[tilespmem:$0x11A30] =	vst v0  }
0xb0: {  	[spmem:s10] =	stream.linear.scatter [tilespmem:s14], [sflag:$0x7], $0x600, $0x38;
	[tilespmem:$0x1B6A0] =	vst v63  }
0xb1: {  	s11 =	rddreg [dreg:$0x8]  }
0xb2: {  	[spmem:s23] =	stream.linear.scatter [tilespmem:s14], [sflag:$0x7], $0x600, $0x38;
	[tilespmem:$0x1B6A0] =	vst v63  }
0xb3: {  	s12 =	rddreg [dreg:$0x9]  }
0xb4: {  	[spmem:s11] =	stream.linear.scatter [tilespmem:s14], [sflag:$0x7], $0x600, $0x38;
	[tilespmem:$0x1B6A0] =	vst v63  }
0xb5: {  	s23 =	rddreg [dreg:$0xa]  }
0xb6: {  	[spmem:s12] =	stream.linear.scatter [tilespmem:s14], [sflag:$0x7], $0x600, $0x38;
	[tilespmem:$0x1B6A0] =	vst v63  }
0xb7: {  	s11 =	rddreg [dreg:$0xb]  }
0xb8: {  	[spmem:s23] =	stream.linear.scatter [tilespmem:s14], [sflag:$0x7], $0x600, $0x38;
	[tilespmem:$0x1B6A0] =	vst v63  }
0xb9: {  	s12 =	rddreg [dreg:$0xc]  }
0xba: {  	[spmem:s11] =	stream.linear.scatter [tilespmem:s14], [sflag:$0x7], $0x600, $0x38;
	[tilespmem:$0x1B6A0] =	vst v63  }
0xbb: {  	s23 =	rddreg [dreg:$0xd]  }
0xbc: {  	[spmem:s12] =	stream.linear.scatter [tilespmem:s14], [sflag:$0x7], $0x600, $0x38;
	[tilespmem:$0x1B6A0] =	vst v63  }
0xbd: {  	s11 =	rddreg [dreg:$0xe]  }
0xbe: {  	[spmem:s23] =	stream.linear.scatter [tilespmem:s14], [sflag:$0x7], $0x600, $0x38;
	[tilespmem:$0x1B6A0] =	vst v63  }
0xbf: {  	s12 =	rddreg [dreg:$0xf]  }
0xc0: {  	[spmem:s11] =	stream.linear.scatter [tilespmem:s14], [sflag:$0x7], $0x600, $0x38;
	[tilespmem:$0x1B6A0] =	vst v63  }
0xc1: {  	s23 =	rddreg [dreg:$0x10]  }
0xc2: {  	[spmem:s12] =	stream.linear.scatter [tilespmem:s14], [sflag:$0x7], $0x600, $0x38;
	[tilespmem:$0x1B6A0] =	vst v63  }
0xc3: {  	s11 =	rddreg [dreg:$0x11]  }
0xc4: {  	[spmem:s23] =	stream.linear.scatter [tilespmem:s14], [sflag:$0x7], $0x600, $0x38;
	[tilespmem:$0x1B6A0] =	vst v63  }
0xc5: {  	s12 =	rddreg [dreg:$0x12]  }
0xc6: {  	[spmem:s11] =	stream.linear.scatter [tilespmem:s14], [sflag:$0x7], $0x600, $0x38;
	[tilespmem:$0x1B6A0] =	vst v63  }
0xc7: {  	s23 =	rddreg [dreg:$0x13]  }
0xc8: {  	[spmem:s12] =	stream.linear.scatter [tilespmem:s14], [sflag:$0x7], $0x600, $0x38;
	[tilespmem:$0x1B6A0] =	vst v63  }
0xc9: {  	s11 =	rddreg [dreg:$0x16]  }
0xca: {  	[spmem:s23] =	stream.linear.scatter [tilespmem:s14], [sflag:$0x7], $0x600, $0x38;
	[tilespmem:$0x1B6A0] =	vst v63  }
0xcb: {  	s12 =	rddreg [dreg:$0x17]  }
0xcc: {  	[spmem:s11] =	stream.linear.scatter [tilespmem:s14], [sflag:$0x7], $0x600, $0x38;
	[tilespmem:$0x1B6A0] =	vst v63  }
0xcd: {  	s23 =	rddreg [dreg:$0x18]  }
0xce: {  	[spmem:s12] =	stream.linear.scatter [tilespmem:s14], [sflag:$0x7], $0x600, $0x38;
	[tilespmem:$0x1B6A0] =	vst v63  }
0xcf: {  	s11 =	rddreg [dreg:$0x19]  }
0xd0: {  	[spmem:s23] =	stream.linear.scatter [tilespmem:s14], [sflag:$0x7], $0x600, $0x38;
	[tilespmem:$0x1B6A0] =	vst v63  }
0xd1: {  	s12 =	rddreg [dreg:$0x1a]  }
0xd2: {  	[spmem:s11] =	stream.linear.scatter [tilespmem:s14], [sflag:$0x7], $0x600, $0x38;
	[tilespmem:$0x1B6A0] =	vst v63  }
0xd3: {  	s23 =	rddreg [dreg:$0x1b]  }
0xd4: {  	[spmem:s12] =	stream.linear.scatter [tilespmem:s14], [sflag:$0x7], $0x600, $0x38;
	[tilespmem:$0x1B6A0] =	vst v63  }
0xd5: {  	s11 =	rddreg [dreg:$0x1c]  }
0xd6: {  	[spmem:s23] =	stream.linear.scatter [tilespmem:s14], [sflag:$0x7], $0x600, $0x38;
	[tilespmem:$0x1B6A0] =	vst v63  }
0xd7: {  	s12 =	rddreg [dreg:$0x1d]  }
0xd8: {  	[spmem:s11] =	stream.linear.scatter [tilespmem:s14], [sflag:$0x7], $0x600, $0x38;
	[tilespmem:$0x1B6A0] =	vst v63  }
0xd9: {  	s23 =	rddreg [dreg:$0x1e]  }
0xda: {  	[spmem:s12] =	stream.linear.scatter [tilespmem:s14], [sflag:$0x7], $0x600, $0x38;
	[tilespmem:$0x1B6A0] =	vst v63  }
0xdb: {  	s11 =	rddreg [dreg:$0x1f]  }
0xdc: {  	[spmem:s23] =	stream.linear.scatter [tilespmem:s14], [sflag:$0x7], $0x600, $0x38;
	[tilespmem:$0x1B6A0] =	vst v63  }
0xdd: {  	s12 =	sld [smem:$0x7FC]  }
0xde: {  	[spmem:s11] =	stream.linear.scatter [tilespmem:s14], [sflag:$0x7], $0x600, $0x38;
	[tilespmem:$0x1B6A0] =	vst v63  }
0xdf: {  	s23 =	sld [smem:$0x7FD]  }
0xe0: {  	[spmem:s12] =	stream.linear.scatter [tilespmem:s14], [sflag:$0x7], $0x600, $0x38;
	[tilespmem:$0x1B6A0] =	vst v63  }
0xe1: {  	_ = 	snop  }
0xe2: {  	[spmem:s23] =	stream.linear.scatter [tilespmem:s14], [sflag:$0x7], $0x600, $0x38;
	[tilespmem:$0x1B6A0] =	vst v63  }
0xe3: {  	s5 =	simm.s32 @!p0 $0x11440  }
0xe4: {  	[spmem:s6] =	stream.linear.scatter @!p0 [tilespmem:s5], [sflag:$0x7], $0x600, $0x38;
	[tilespmem:$0x1B6A0] =	vst v63  }
0xe5: {  	_ =	swait.ge [sflag:s15], $0x4E20  }
0xe6: {  	[sflag:s15] =	ssyncset.done $0x0  }
0xe7: {  	[sflag:s15] =	ssyncadd.s32 $0xFFFFB1E0  }
0xe8: {  	_ =	swait.ge [sflag:s16], $0x4E20  }
0xe9: {  	[sflag:s16] =	ssyncset.done $0x0  }
0xea: {  	[sflag:s16] =	ssyncadd.s32 $0xFFFFB1E0  }
0xeb: {  	_ =	swait.ge [sflag:s17], $0x600  }
0xec: {  	[sflag:s17] =	ssyncset.done $0x0  }
0xed: {  	[sflag:s17] =	ssyncadd.s32 $0xFFFFFA00  }
0xee: {  	_ =	swait.ge [sflag:s17], $0x600  }
0xef: {  	[sflag:s17] =	ssyncset.done $0x0  }
0xf0: {  	[sflag:s17] =	ssyncadd.s32 $0xFFFFFA00  }
0xf1: {  	_ =	swait.ge [sflag:s17], $0x600  }
0xf2: {  	[sflag:s17] =	ssyncset.done $0x0  }
0xf3: {  	[sflag:s17] =	ssyncadd.s32 $0xFFFFFA00  }
0xf4: {  	_ =	swait.ge [sflag:s17], $0x600  }
0xf5: {  	[sflag:s17] =	ssyncset.done $0x0  }
0xf6: {  	[sflag:s17] =	ssyncadd.s32 $0xFFFFFA00  }
0xf7: {  	_ =	swait.ge [sflag:s17], $0x600  }
0xf8: {  	[sflag:s17] =	ssyncset.done $0x0  }
0xf9: {  	[sflag:s17] =	ssyncadd.s32 $0xFFFFFA00  }
0xfa: {  	_ =	swait.ge [sflag:s17], $0x600  }
0xfb: {  	[sflag:s17] =	ssyncset.done $0x0  }
0xfc: {  	[sflag:s17] =	ssyncadd.s32 $0xFFFFFA00  }
0xfd: {  	_ =	swait.ge [sflag:s17], $0x600  }
0xfe: {  	[sflag:s17] =	ssyncset.done $0x0  }
0xff: {  	[sflag:s17] =	ssyncadd.s32 $0xFFFFFA00  }
0x100: {  	_ =	swait.ge [sflag:s17], $0x600  }
0x101: {  	[sflag:s17] =	ssyncset.done $0x0  }
0x102: {  	[sflag:s17] =	ssyncadd.s32 $0xFFFFFA00  }
0x103: {  	_ =	swait.ge [sflag:s17], $0x600  }
0x104: {  	[sflag:s17] =	ssyncset.done $0x0  }
0x105: {  	[sflag:s17] =	ssyncadd.s32 $0xFFFFFA00  }
0x106: {  	_ =	swait.ge [sflag:s17], $0x600  }
0x107: {  	[sflag:s17] =	ssyncset.done $0x0  }
0x108: {  	[sflag:s17] =	ssyncadd.s32 $0xFFFFFA00  }
0x109: {  	_ =	swait.ge [sflag:s17], $0x600  }
0x10a: {  	[sflag:s17] =	ssyncset.done $0x0  }
0x10b: {  	[sflag:s17] =	ssyncadd.s32 $0xFFFFFA00  }
0x10c: {  	_ =	swait.ge [sflag:s17], $0x600  }
0x10d: {  	[sflag:s17] =	ssyncset.done $0x0  }
0x10e: {  	[sflag:s17] =	ssyncadd.s32 $0xFFFFFA00  }
0x10f: {  	_ =	swait.ge [sflag:s17], $0x600  }
0x110: {  	[sflag:s17] =	ssyncset.done $0x0  }
0x111: {  	[sflag:s17] =	ssyncadd.s32 $0xFFFFFA00  }
0x112: {  	_ =	swait.ge [sflag:s17], $0x600  }
0x113: {  	[sflag:s17] =	ssyncset.done $0x0  }
0x114: {  	[sflag:s17] =	ssyncadd.s32 $0xFFFFFA00  }
0x115: {  	_ =	swait.ge [sflag:s17], $0x600  }
0x116: {  	[sflag:s17] =	ssyncset.done $0x0  }
0x117: {  	[sflag:s17] =	ssyncadd.s32 $0xFFFFFA00  }
0x118: {  	_ =	swait.ge [sflag:s17], $0x600  }
0x119: {  	[sflag:s17] =	ssyncset.done $0x0  }
0x11a: {  	[sflag:s17] =	ssyncadd.s32 $0xFFFFFA00  }
0x11b: {  	_ =	swait.ge [sflag:s17], $0x600  }
0x11c: {  	[sflag:s17] =	ssyncset.done $0x0  }
0x11d: {  	[sflag:s17] =	ssyncadd.s32 $0xFFFFFA00  }
0x11e: {  	_ =	swait.ge [sflag:s17], $0x600  }
0x11f: {  	[sflag:s17] =	ssyncset.done $0x0  }
0x120: {  	[sflag:s17] =	ssyncadd.s32 $0xFFFFFA00  }
0x121: {  	_ =	swait.ge [sflag:s17], $0x600  }
0x122: {  	[sflag:s17] =	ssyncset.done $0x0  }
0x123: {  	[sflag:s17] =	ssyncadd.s32 $0xFFFFFA00  }
0x124: {  	_ =	swait.ge [sflag:s17], $0x600  }
0x125: {  	[sflag:s17] =	ssyncset.done $0x0  }
0x126: {  	[sflag:s17] =	ssyncadd.s32 $0xFFFFFA00  }
0x127: {  	_ =	swait.ge [sflag:s17], $0x600  }
0x128: {  	[sflag:s17] =	ssyncset.done $0x0  }
0x129: {  	[sflag:s17] =	ssyncadd.s32 $0xFFFFFA00  }
0x12a: {  	_ =	swait.ge [sflag:s17], $0x600  }
0x12b: {  	[sflag:s17] =	ssyncset.done $0x0  }
0x12c: {  	[sflag:s17] =	ssyncadd.s32 $0xFFFFFA00  }
0x12d: {  	_ =	swait.ge [sflag:s17], $0x600  }
0x12e: {  	[sflag:s17] =	ssyncset.done $0x0  }
0x12f: {  	[sflag:s17] =	ssyncadd.s32 $0xFFFFFA00  }
0x130: {  	_ =	swait.ge [sflag:s17], $0x600  }
0x131: {  	[sflag:s17] =	ssyncset.done $0x0  }
0x132: {  	[sflag:s17] =	ssyncadd.s32 $0xFFFFFA00  }
0x133: {  	_ =	swait.ge [sflag:s17], $0x600  }
0x134: {  	[sflag:s17] =	ssyncset.done $0x0  }
0x135: {  	[sflag:s17] =	ssyncadd.s32 $0xFFFFFA00  }
0x136: {  	_ =	swait.ge [sflag:s17], $0x600  }
0x137: {  	[sflag:s17] =	ssyncset.done $0x0  }
0x138: {  	s5 =	simm.s32 @!p0 $0x7;
	[sflag:s17] =	ssyncadd.s32 $0xFFFFFA00  }
0x139: {  	_ =	swait.ge @!p0 [sflag:s5], $0x600  }
0x13a: {  	[sflag:s5] =	ssyncset.done @!p0 $0x0  }
0x13b: {  	[sflag:s5] =	ssyncadd.s32 @!p0 $0xFFFFFA00  }
0x13c: {  	[bflag:$0x0] =	sbarrier.arrive $0xFFFF  }
0x13d: {  	[tilespmem:s19], [sflag:$0x1] =	stream.indirect.gather [hbm4b:s7+s18], $0x40, s3, s18, $0xb8;
	[tilespmem:$0x1B6A0] =	vst v63  }
0x13e: {  	_ = 	snop  }
0x13f: {  	[tilespmem:s8], [sflag:$0x2] =	stream.indirect.gather [hbm4b:s7+s18], $0x40, s18, s18, $0xb8;
	[tilespmem:$0x1B6A0] =	vst v63  }
0x140: {  	s11 =	simm.s32 $0xA0  }
0x141: {  	[tilespmem:s20], [sflag:$0x3] =	stream.indirect.gather [hbm4b:s7+s18], $0x40, s11, s18, $0xb8;
	[tilespmem:$0x1B6A0] =	vst v63  }
0x142: {  	_ =	swait.ge [sflag:s15], $0x1400  }
0x143: {  	[sflag:s15] =	ssyncset.done $0x0  }
0x144: {  	[sflag:s15] =	ssyncadd.s32 $0xFFFFEC00  }
0x145: {  	[spmem:s1] =	stream.indirect.scatter.add.f32 [tilespmem:s19], [sflag:$0x7], $0x40, s9, s18, $0xb8;
	[tilespmem:$0x1B6A0] =	vst v63  }
0x146: {  	s12 =	simm.s32 $0xF0  }
0x147: {  	[tilespmem:s21], [sflag:$0x4] =	stream.indirect.gather [hbm4b:s7+s18], $0x40, s12, s18, $0xb8;
	[tilespmem:$0x1B6A0] =	vst v63  }
0x148: {  	_ =	swait.ge [sflag:s16], $0x1400  }
0x149: {  	[sflag:s16] =	ssyncset.done $0x0  }
0x14a: {  	s23 =	simm.s32 $0x4E70;
	[sflag:s16] =	ssyncadd.s32 $0xFFFFEC00  }
0x14b: {  	[spmem:s1] =	stream.indirect.scatter.add.f32 [tilespmem:s8], [sflag:$0x8], $0x40, s23, s18, $0xb8;
	[tilespmem:$0x1B6A0] =	vst v63  }
0x14c: {  	s5 =	simm.s32 $0x140;
	s9 =	simm.s32 $0x3  }
0x14d: {  	[tilespmem:s22], [sflag:$0x5] =	stream.indirect.gather [hbm4b:s7+s18], $0x40, s5, s18, $0xb8;
	[tilespmem:$0x1B6A0] =	vst v63  }
0x14e: {  	_ =	swait.ge [sflag:s9], $0x1400  }
0x14f: {  	[sflag:s9] =	ssyncset.done $0x0  }
0x150: {  	s11 =	simm.s32 $0x4EC0;
	[sflag:s9] =	ssyncadd.s32 $0xFFFFEC00  }
0x151: {  	[spmem:s1] =	stream.indirect.scatter.add.f32 [tilespmem:s20], [sflag:$0x9], $0x40, s11, s18, $0xb8;
	[tilespmem:$0x1B6A0] =	vst v63  }
0x152: {  	s12 =	simm.s32 $0x190  }
0x153: {  	[tilespmem:s24], [sflag:$0x6] =	stream.indirect.gather [hbm4b:s7+s18], $0x40, s12, s18, $0xb8;
	[tilespmem:$0x1B6A0] =	vst v63  }
0x154: {  	_ =	swait.ge [sflag:s25], $0x1400  }
0x155: {  	[sflag:s25] =	ssyncset.done $0x0  }
0x156: {  	s23 =	simm.s32 $0x4F10;
	[sflag:s25] =	ssyncadd.s32 $0xFFFFEC00  }
0x157: {  	[spmem:s1] =	stream.indirect.scatter.add.f32 [tilespmem:s21], [sflag:$0xA], $0x40, s23, s18, $0xb8;
	[tilespmem:$0x1B6A0] =	vst v63  }
0x158: {  	_ =	swait.ge [sflag:s17], $0x1400  }
0x159: {  	[sflag:s17] =	ssyncset.done $0x0  }
0x15a: {  	s5 =	simm.s32 $0x1E0;
	[sflag:s17] =	ssyncadd.s32 $0xFFFFEC00  }
0x15b: {  	[tilespmem:s19], [sflag:$0x1] =	stream.indirect.gather [hbm4b:s7+s18], $0x40, s5, s18, $0xb8;
	[tilespmem:$0x1B6A0] =	vst v63  }
0x15c: {  	_ =	swait.ge [sflag:s26], $0x1400  }
0x15d: {  	[sflag:s26] =	ssyncset.done $0x0  }
0x15e: {  	s9 =	simm.s32 $0x4F60;
	[sflag:s26] =	ssyncadd.s32 $0xFFFFEC00  }
0x15f: {  	[spmem:s1] =	stream.indirect.scatter.add.f32 [tilespmem:s22], [sflag:$0xB], $0x40, s9, s18, $0xb8;
	[tilespmem:$0x1B6A0] =	vst v63  }
0x160: {  	_ =	swait.ge [sflag:s28], $0x1400  }
0x161: {  	[sflag:s28] =	ssyncset.done $0x0  }
0x162: {  	s11 =	simm.s32 $0x230;
	[sflag:s28] =	ssyncadd.s32 $0xFFFFEC00  }
0x163: {  	[tilespmem:s8], [sflag:$0x2] =	stream.indirect.gather [hbm4b:s7+s18], $0x40, s11, s18, $0xb8;
	[tilespmem:$0x1B6A0] =	vst v63  }
0x164: {  	_ =	swait.ge [sflag:s29], $0x1400  }
0x165: {  	[sflag:s29] =	ssyncset.done $0x0  }
0x166: {  	s12 =	simm.s32 $0x4FB0;
	[sflag:s29] =	ssyncadd.s32 $0xFFFFEC00  }
0x167: {  	[spmem:s1] =	stream.indirect.scatter.add.f32 [tilespmem:s24], [sflag:$0xC], $0x40, s12, s18, $0xb8;
	[tilespmem:$0x1B6A0] =	vst v63  }
0x168: {  	_ =	swait.ge [sflag:s30], $0x1400  }
0x169: {  	[sflag:s30] =	ssyncset.done $0x0  }
0x16a: {  	s23 =	simm.s32 $0x280;
	s5 =	simm.s32 $0x0;
	[sflag:s30] =	ssyncadd.s32 $0xFFFFEC00  }
0x16b: {  	[tilespmem:s20], [sflag:$0x3] =	stream.indirect.gather [hbm4b:s7+s18], $0x40, s23, s18, $0xb8;
	[tilespmem:$0x1B6A0] =	vst v63  }
.LBB2_2:
0x16c: {  	_ =	swait.ge [sflag:s15], $0x1400  }
0x16d: {  	s9 =	sshra.s32 s5, $0x2;
	[sflag:s15] =	ssyncset.done $0x0  }
0x16e: {  	s11 =	sadd.s32 $0x5000, s9;
	[sflag:s15] =	ssyncadd.s32 $0xFFFFEC00  }
0x16f: {  	[spmem:s1] =	stream.indirect.scatter.add.f32 [tilespmem:s19], [sflag:$0x7], $0x40, s11, s18, $0xb8;
	[tilespmem:$0x1B6A0] =	vst v63  }
0x170: {  	_ =	swait.ge [sflag:s31], $0x1400  }
0x171: {  	[sflag:s31] =	ssyncset.done $0x0  }
0x172: {  	s3 =	sadd.s32 $0x2D0, s9;
	[sflag:s31] =	ssyncadd.s32 $0xFFFFEC00  }
0x173: {  	[tilespmem:s21], [sflag:$0x4] =	stream.indirect.gather [hbm4b:s7+s18], $0x40, s3, s18, $0xb8;
	[tilespmem:$0x1B6A0] =	vst v63  }
0x174: {  	_ =	swait.ge [sflag:s16], $0x1400  }
0x175: {  	p1 =	sne.s32 s5, $0x12C00;
	[sflag:s16] =	ssyncset.done $0x0  }
0x176: {  	s12 =	sadd.s32 $0x5050, s9;
	s11 =	simm.s32 @p1 $0xB;
	[sflag:s16] =	ssyncadd.s32 $0xFFFFEC00  }
0x177: {  	[spmem:s1] =	stream.indirect.scatter.add.f32 [tilespmem:s8], [sflag:$0x8], $0x40, s12, s18, $0xb8;
	[tilespmem:$0x1B6A0] =	vst v63  }
0x178: {  	_ =	swait.ge @p1 [sflag:s11], $0x1400  }
0x179: {  	[sflag:s11] =	ssyncset.done @p1 $0x0  }
0x17a: {  	[sflag:s11] =	ssyncadd.s32 @p1 $0xFFFFEC00;
	s11 =	sshra.s32 @p1 s5, $0x2  }
0x17b: {  	s23 =	simm.s32 @p1 $0xEC40;
	s3 =	simm.s32 @p1 $0x50;
	s12 =	sadd.s32 @p1 $0x320, s11  }
0x17c: {  	[tilespmem:s23], [sflag:$0x5] =	stream.indirect.gather @p1 [hbm4b:s7+s3], $0x40, s12, s3, $0xb8;
	[tilespmem:$0x1B6A0] =	vst v63  }
0x17d: {  	s12 =	simm.s32 @p1 $0x3  }
0x17e: {  	_ =	swait.ge @p1 [sflag:s12], $0x1400  }
0x17f: {  	[sflag:s12] =	ssyncset.done @p1 $0x0  }
0x180: {  	s23 =	simm.s32 @p1 $0xC440;
	[sflag:s12] =	ssyncadd.s32 @p1 $0xFFFFEC00;
	s12 =	sadd.s32 @p1 $0x50A0, s11  }
0x181: {  	[spmem:s1] =	stream.indirect.scatter.add.f32 @p1 [tilespmem:s23], [sflag:$0x9], $0x40, s12, s3, $0xb8;
	[tilespmem:$0x1B6A0] =	vst v63  }
0x182: {  	s12 =	simm.s32 @p1 $0xC  }
0x183: {  	_ =	swait.ge @p1 [sflag:s12], $0x1400  }
0x184: {  	[sflag:s12] =	ssyncset.done @p1 $0x0  }
0x185: {  	s11 =	sadd.s32 @p1 $0x370, s11;
	[sflag:s12] =	ssyncadd.s32 @p1 $0xFFFFEC00;
	s12 =	simm.s32 @p1 $0x10040  }
0x186: {  	[tilespmem:s12], [sflag:$0x6] =	stream.indirect.gather @p1 [hbm4b:s7+s3], $0x40, s11, s3, $0xb8;
	[tilespmem:$0x1B6A0] =	vst v63  }
0x187: {  	s3 =	simm.s32 @!p1 $0x3  }
0x188: {  	_ =	swait.ge @!p1 [sflag:s3], $0x1400  }
0x189: {  	[sflag:s3] =	ssyncset.done @!p1 $0x0  }
0x18a: {  	[sflag:s3] =	ssyncadd.s32 @!p1 $0xFFFFEC00;
	s3 =	sshra.s32 @!p1 s5, $0x2  }
0x18b: {  	s11 =	simm.s32 @!p1 $0x50;
	s12 =	simm.s32 @!p1 $0xC440;
	s3 =	sadd.s32 @!p1 $0x50A0, s3  }
0x18c: {  	[spmem:s1] =	stream.indirect.scatter.add.f32 @!p1 [tilespmem:s12], [sflag:$0x9], $0x40, s3, s11, $0xb8;
	[tilespmem:$0x1B6A0] =	vst v63  }
0x18d: {  	p1 =	seq.s32 s5, $0x12C00  }
.Ltmp2:
0x18e: {  	_ = 	snop;
	(pc) =	sbr.rel @p1 .LBB2_4-.Ltmp2, $4  }
0x18f: {  	_ =	swait.ge [sflag:s25], $0x1400  }
0x190: {  	[sflag:s25] =	ssyncset.done $0x0  }
0x191: {  	s23 =	sadd.s32 $0x50F0, s9;
	[sflag:s25] =	ssyncadd.s32 $0xFFFFEC00  }
0x192: {  	[spmem:s1] =	stream.indirect.scatter.add.f32 [tilespmem:s21], [sflag:$0xA], $0x40, s23, s18, $0xb8;
	[tilespmem:$0x1B6A0] =	vst v63  }
0x193: {  	_ =	swait.ge [sflag:s17], $0x1400  }
0x194: {  	[sflag:s17] =	ssyncset.done $0x0  }
0x195: {  	s3 =	sadd.s32 $0x3C0, s9;
	[sflag:s17] =	ssyncadd.s32 $0xFFFFEC00  }
0x196: {  	[tilespmem:s19], [sflag:$0x1] =	stream.indirect.gather [hbm4b:s7+s18], $0x40, s3, s18, $0xb8;
	[tilespmem:$0x1B6A0] =	vst v63  }
0x197: {  	_ =	swait.ge [sflag:s26], $0x1400  }
0x198: {  	[sflag:s26] =	ssyncset.done $0x0  }
0x199: {  	s23 =	sadd.s32 $0x5140, s9;
	[sflag:s26] =	ssyncadd.s32 $0xFFFFEC00  }
0x19a: {  	[spmem:s1] =	stream.indirect.scatter.add.f32 [tilespmem:s22], [sflag:$0xB], $0x40, s23, s18, $0xb8;
	[tilespmem:$0x1B6A0] =	vst v63  }
0x19b: {  	_ =	swait.ge [sflag:s28], $0x1400  }
0x19c: {  	[sflag:s28] =	ssyncset.done $0x0  }
0x19d: {  	s11 =	sadd.s32 $0x410, s9;
	[sflag:s28] =	ssyncadd.s32 $0xFFFFEC00  }
0x19e: {  	[tilespmem:s8], [sflag:$0x2] =	stream.indirect.gather [hbm4b:s7+s18], $0x40, s11, s18, $0xb8;
	[tilespmem:$0x1B6A0] =	vst v63  }
0x19f: {  	_ =	swait.ge [sflag:s29], $0x1400  }
0x1a0: {  	[sflag:s29] =	ssyncset.done $0x0  }
0x1a1: {  	s12 =	sadd.s32 $0x5190, s9;
	[sflag:s29] =	ssyncadd.s32 $0xFFFFEC00  }
0x1a2: {  	[spmem:s1] =	stream.indirect.scatter.add.f32 [tilespmem:s24], [sflag:$0xC], $0x40, s12, s18, $0xb8;
	[tilespmem:$0x1B6A0] =	vst v63  }
.Ltmp3:
0x1a3: {  	_ = 	snop;
	(pc) =	sbr.rel .LBB2_2-.Ltmp3, $4  }
0x1a4: {  	_ =	swait.ge [sflag:s30], $0x1400  }
0x1a5: {  	[sflag:s30] =	ssyncset.done $0x0  }
0x1a6: {  	s5 =	sadd.s32 $0x780, s5;
	s23 =	sadd.s32 $0x460, s9;
	[sflag:s30] =	ssyncadd.s32 $0xFFFFEC00  }
0x1a7: {  	[tilespmem:s20], [sflag:$0x3] =	stream.indirect.gather [hbm4b:s7+s18], $0x40, s23, s18, $0xb8;
	[tilespmem:$0x1B6A0] =	vst v63  }
.LBB2_5:
0x1a8: {  	_ =	sfence.sel $0x180000  }
0x1a9: {  	[bflag:$0x0] =	sbarrier.arrive $0xFFFF  }
0x1aa: {  	_ =	strace $0x9000004A  }
0x1ab: {  	[bflag:$0x2] =	sbarrier.arrive $0xFFFF  }
0x1ac: {  	s0 =	rddreg [dreg:$0x2]  }
0x1ad: {  	s0 =	sadd.s32 @!p0 $0x100000, s0  }
0x1ae: {  	[sflag:s0] =	ssyncadd.tile.s32 @!p0 $0x1;
	_ =	shalt  }
.Lfunc_end2:
_tile_overlayer_lowered:
.L_overlay_start_2:
0x1af: {  	(tag) =	ssettag $0x2  }
0x1b0: {  	s0 =	rddreg [dreg:$0x0];
	s2 =	stileid.u32  }
0x1b1: {  	s1 =	rddreg [dreg:$0x1];
	p0 =	sne.s32 s2, $0x0  }
0x1b2: {  	s3 =	rddreg [dreg:$0x2];
	[bflag:$0x3] =	sbarrier.arrive $0xFFFF;
	s2 =	simm.s32 @!p0 $0x1C0D  }
0x1b3: {  	[timem:s3], [sflag:s2] =	dma.local @!p0 [hbm:s0], s1  }
0x1b4: {  	s0 =	simm.s32 @!p0 $0xD  }
0x1b5: {  	_ =	swait.ge @!p0 [sflag:s0], s1  }
0x1b6: {  	s1 =	ssub.s32 @!p0 $0x0, s1;
	[sflag:s0] =	ssyncset.done @!p0 $0x0  }
0x1b7: {  	[sflag:s0] =	ssyncadd.s32 @!p0 s1  }
0x1b8: {  	[bflag:$0x3] =	sbarrier.arrive $0xFFFF  }
0x1b9: {  	_ =	shalt  }

// kernel: kernel.15.cloned.1.call-start
scs
__scs_entry_jumppad:
0x0: {  	(pc) =	sbr.rel $0x88, $3  }
0x1: {  	(tag) =	ssettag $0x0;
	lr =	simm.s32 $0x1  }
0x2: {  	[smem:$0x3F92] =	sst lr;
	_ =	strace $0xD0000000  }
0x3: {  	_ = 	snop  }
0x4: {  	_ = 	snop  }
0x5: {  	_ = 	snop  }
0x6: {  	_ = 	snop  }
0x7: {  	_ = 	snop  }
__scs_overlays_trampoline_lowered:
0x8: {  	[smem:$0x3FA1] =	sst s0  }
0x9: {  	[smem:$0x3FA2] =	sst s1  }
0xa: {  	[smem:$0x3FA3] =	sst s2  }
0xb: {  	[smem:$0x3FA4] =	sst s3  }
0xc: {  	[smem:$0x3FA5] =	sst s4  }
0xd: {  	[smem:$0x3FA6] =	sst s5  }
0xe: {  	[smem:$0x3FA7] =	sst s6  }
0xf: {  	[smem:$0x3FA8] =	sst s7  }
0x10: {  	[smem:$0x3FA9] =	sst s8  }
0x11: {  	[smem:$0x3FAA] =	sst s9;
	s0 =	simm.s32 @!p0 $0x0  }
0x12: {  	s1 =	sld [smem:$0x3F90];
	s0 =	simm.s32 @p0 $0x1  }
0x13: {  	[smem:$0x3FAB] =	sst s0;
	s0 =	simm.s32 @!p1 $0x0  }
0x14: {  	s2 =	sld [smem:$0x3F8F];
	s0 =	simm.s32 @p1 $0x1  }
0x15: {  	[smem:$0x3FAC] =	sst s0;
	s0 =	simm.s32 @!p2 $0x0  }
0x16: {  	s3 =	sld [smem:$0x3FDB];
	s0 =	simm.s32 @p2 $0x1  }
0x17: {  	s4 =	simm.s32 $0x1BF5;
	[smem:$0x3FAE] =	sst s0  }
0x18: {  	s0 =	sld [smem:$0x3F91];
	_ =	swait.ge [sflag:s4], $0x0  }
0x19: {  	s7 =	sld [smem:$0x3F92]  }
0x1a: {  	s8 =	sadd.s32 $0xFFFFE003, lr  }
0x1b: {  	s9 =	sadd.s32 $0xFFFFFEF7, lr;
	s5 =	simm.s32 $0xFFFFFFFF;
	p2 =	slt.u32 s8, $0xFFFFF086  }
0x1c: {  	p1 =	slt.u32 s9, $0xF7A;
	s5 =	simm.s32 @!p2 $0x0  }
0x1d: {  	s5 =	simm.s32 @p1 $0x1;
	p0 =	seq.s32 s7, s2  }
0x1e: {  	s7 =	smul.u32 @!p0 $0xF7A, s2;
	p2 =	seq.s32 @!p0 s5, $0x0  }
0x1f: {  	s9 =	smul.u32 $0xF7A, s1;
	s8 =	simm.s32 @!p0 $0x1BF5;
	p2 =	por !p2, p0  }
0x20: {  	[sflag:s8] =	ssyncset.s32 @!p0 $0xFFFFF086;
	s6 =	sadd.s32 @!p0 s3, s7;
	s7 =	simm.s32 @!p0 $0x108  }
0x21: {  	s3 =	sadd.s32 s3, s9;
	s6 =	sadd.s32 @!p0 $0x88, s6;
	s7 =	simm.s32 @p2 $0x1082  }
0x22: {  	[simem:s7], [sflag:s8] =	dma.local @!p0 [hbm:s6], $0xF7A  }
0x23: {  	s9 =	sor.u32 $0xD0000000, s2;
	s6 =	simm.s32 $0x108;
	_ =	swait.ge @!p0 [sflag:s8], $0x0  }
0x24: {  	s3 =	sadd.s32 $0x88, s3;
	s6 =	simm.s32 @!p1 $0x1082;
	[sflag:s4] =	ssyncset.s32 $0xFFFFF086  }
0x25: {  	[simem:s6], [sflag:s4] =	dma.local [hbm:s3], $0xF7A  }
0x26: {  	[smem:$0x3F92] =	sst s1;
	(tag) =	ssettag s2;
	_ =	strace s9  }
0x27: {  	s1 =	sld [smem:$0x3FA2]  }
0x28: {  	s2 =	sld [smem:$0x3FA3]  }
0x29: {  	s4 =	sld [smem:$0x3FA5]  }
0x2a: {  	p0 =	seq.s32 s5, $0x0;
	s5 =	sld [smem:$0x3FA6]  }
0x2b: {  	s6 =	sld [smem:$0x3FA7]  }
0x2c: {  	s7 =	sld [smem:$0x3FA8]  }
0x2d: {  	s3 =	simm.s32 $0x108;
	s8 =	sld [smem:$0x3FA9]  }
0x2e: {  	s3 =	simm.s32 @!p0 $0x1082;
	s9 =	sld [smem:$0x3FAA]  }
0x2f: {  	lr =	sadd.s32 s0, s3;
	s0 =	sld [smem:$0x3FA1]  }
0x30: {  	s3 =	sld [smem:$0x3FA4]  }
0x31: {  	[smem:$0x3FAD] =	sst s10  }
0x32: {  	s10 =	sld [smem:$0x3FAB];
	_ =	sdelay $0x3  }
0x33: {  	p0 =	seq.s32 s10, $0x1;
	s10 =	sld [smem:$0x3FAD];
	_ =	sdelay $0x3  }
0x34: {  	[smem:$0x3FAD] =	sst s10  }
0x35: {  	s10 =	sld [smem:$0x3FAC];
	_ =	sdelay $0x3  }
0x36: {  	p1 =	seq.s32 s10, $0x1;
	s10 =	sld [smem:$0x3FAD];
	_ =	sdelay $0x3  }
0x37: {  	[smem:$0x3FAD] =	sst s10  }
0x38: {  	s10 =	sld [smem:$0x3FAE]  }
0x39: {  	_ = 	snop;
	(pc) =	sbr.ind lr, $3  }
0x3a: {  	_ = 	snop  }
0x3b: {  	_ = 	snop  }
0x3c: {  	p2 =	seq.s32 s10, $0x1;
	s10 =	sld [smem:$0x3FAD]  }
0x3d: {  	_ =	shalt  }
0x3e: {  	_ =	shalt  }
0x3f: {  	_ =	shalt  }
0x40: {  	_ =	shalt  }
0x41: {  	_ =	shalt  }
0x42: {  	_ =	shalt  }
0x43: {  	_ =	shalt  }
0x44: {  	_ =	shalt  }
0x45: {  	_ =	shalt  }
0x46: {  	_ =	shalt  }
0x47: {  	_ =	shalt  }
0x48: {  	_ =	shalt  }
0x49: {  	_ =	shalt  }
0x4a: {  	_ =	shalt  }
0x4b: {  	_ =	shalt  }
0x4c: {  	_ =	shalt  }
0x4d: {  	_ =	shalt  }
0x4e: {  	_ =	shalt  }
0x4f: {  	_ =	shalt  }
0x50: {  	_ =	shalt  }
0x51: {  	_ =	shalt  }
0x52: {  	_ =	shalt  }
0x53: {  	_ =	shalt  }
0x54: {  	_ =	shalt  }
0x55: {  	_ =	shalt  }
0x56: {  	_ =	shalt  }
0x57: {  	_ =	shalt  }
0x58: {  	_ =	shalt  }
0x59: {  	_ =	shalt  }
0x5a: {  	_ =	shalt  }
0x5b: {  	_ =	shalt  }
0x5c: {  	_ =	shalt  }
0x5d: {  	_ =	shalt  }
0x5e: {  	_ =	shalt  }
0x5f: {  	_ =	shalt  }
0x60: {  	_ =	shalt  }
0x61: {  	_ =	shalt  }
0x62: {  	_ =	shalt  }
0x63: {  	_ =	shalt  }
0x64: {  	_ =	shalt  }
0x65: {  	_ =	shalt  }
0x66: {  	_ =	shalt  }
0x67: {  	_ =	shalt  }
0x68: {  	_ =	shalt  }
0x69: {  	_ =	shalt  }
0x6a: {  	_ =	shalt  }
0x6b: {  	_ =	shalt  }
0x6c: {  	_ =	shalt  }
0x6d: {  	_ =	shalt  }
0x6e: {  	_ =	shalt  }
0x6f: {  	_ =	shalt  }
0x70: {  	_ =	shalt  }
0x71: {  	_ =	shalt  }
0x72: {  	_ =	shalt  }
0x73: {  	_ =	shalt  }
0x74: {  	_ =	shalt  }
0x75: {  	_ =	shalt  }
0x76: {  	_ =	shalt  }
0x77: {  	_ =	shalt  }
0x78: {  	_ =	shalt  }
0x79: {  	_ =	shalt  }
0x7a: {  	_ =	shalt  }
0x7b: {  	_ =	shalt  }
0x7c: {  	_ =	shalt  }
0x7d: {  	_ =	shalt  }
0x7e: {  	_ =	shalt  }
0x7f: {  	_ =	shalt  }
0x80: {  	_ =	shalt  }
0x81: {  	_ =	shalt  }
0x82: {  	_ =	shalt  }
0x83: {  	_ =	shalt  }
0x84: {  	_ =	shalt  }
0x85: {  	_ =	shalt  }
0x86: {  	_ =	shalt  }
0x87: {  	_ =	shalt  }
.Lfunc_end0:
.L_simem_size_0:
called_computation.2_lowered:
.L_overlay_start_0:
0x88: {  	s2 =	sld [smem:$0x3FD9]  }
0x89: {  	s3 =	sld [smem:$0x3FFE];
	_ =	sdelay $0x1  }
0x8a: {  	s1 =	srdreg.scid  }
0x8b: {  	s0 =	sand.u32 $0x1, s1  }
0x8c: {  	s17 =	sshll.u32 s0, $0xA;
	s2 =	sadd.s32 s3, s2  }
0x8d: {  	s2 =	sadd.s32 s2, s17  }
0x8e: {  	[smem:$0x3FB9] =	sst s2  }
0x8f: {  	_ = 	snop  }
0x90: {  	s2 =	sld [smem:$0x3FD0];
	(tm) =	ssettm $0x1  }
0x91: {  	s18 =	sld [smem:$0x3FFB];
	_ =	sdelay $0x3  }
0x92: {  	_ =	strace s18  }
0x93: {  	s3 =	sld [smem:$0x3FFC];
	_ =	sdelay $0x3  }
0x94: {  	_ =	strace s3  }
0x95: {  	s3 =	sld [smem:$0x3FFD];
	_ =	sdelay $0x3  }
0x96: {  	_ =	strace s3  }
0x97: {  	_ =	strace $0x8FFFFFFF  }
0x98: {  	s19 =	sld [smem:$0x3FDB];
	_ =	sdelay $0x1  }
0x99: {  	s4 =	simm.s32 $_scs_section_size  }
0x9a: {  	s5 =	simm.s32 $_size__tile_overlayer_lowered;
	s6 =	simm.s32 $_tile_overlayer_lowered  }
0x9b: {  	s22 =	simm.s32 $0x1BFF;
	s21 =	sshll.u32 s6, $0x1;
	s3 =	sadd.s32 s4, s19  }
0x9c: {  	s7 =	simm.s32 $0x0;
	s20 =	sshll.u32 s5, $0x1;
	s5 =	sadd.s32 s21, s3  }
0x9d: {  	[timem:s7], [sflag:s22] =	dma.local [hbm:s5], s20  }
0x9e: {  	_ =	swait.ge [sflag:s22], s20  }
0x9f: {  	s4 =	ssub.s32 $0x0, s20;
	[sflag:s22] =	ssyncset.done $0x0  }
0xa0: {  	[sflag:s22] =	ssyncadd.s32 s4;
	_ =	sdelay $0x1  }
0xa1: {  	s23 =	simm.s32 $0x1B8B  }
0xa2: {  	_ =	swait.ge [sflag:s23], $0x1  }
0xa3: {  	[sflag:s23] =	ssyncset.done $0x0  }
0xa4: {  	s25 =	simm.s32 $0x1B8E;
	s24 =	sld [smem:$0x3FFE];
	[sflag:s23] =	ssyncadd.s32 $0xFFFFFFFF  }
0xa5: {  	s26 =	simm.s32 $execute0_lowered;
	[smem:$0x3FD2] =	sst s25  }
0xa6: {  	s5 =	sshll.u32 s26, $0x1;
	_ =	strace $0x8000004C;
	[dreg:$0x1] =	wrdreg $0xFFFFFFFF  }
0xa7: {  	s28 =	simm.s32 $_size_execute0_lowered;
	s3 =	sadd.s32 s3, s5;
	[dreg:$0x0] =	wrdreg $0x0  }
0xa8: {  	s5 =	sshll.u32 s28, $0x1;
	[dreg:$0x2] =	wrdreg s3  }
0xa9: {  	[dreg:$0x3] =	wrdreg s5  }
0xaa: {  	[dreg:$0x4] =	wrdreg $0xC0  }
0xab: {  	_ =	task [dreg:s7], $0x5FFFF  }
0xac: {  	[dreg:$0x1] =	wrdreg $0xFFFFFFFF  }
0xad: {  	[dreg:$0x0] =	wrdreg $0x60  }
0xae: {  	[dreg:$0x2] =	wrdreg s2  }
0xaf: {  	[dreg:$0x3] =	wrdreg s24  }
0xb0: {  	[dreg:$0x4] =	wrdreg $0xEF400  }
0xb1: {  	[dreg:$0x5] =	wrdreg $0x9  }
0xb2: {  	_ =	task.clear_ibuf [dreg:s7], $0x6FFFF;
	_ =	strace $0x9000004C  }
0xb3: {  	s29 =	simm.s32 $0x9;
	_ =	strace $0x8000004E  }
0xb4: {  	_ =	swait.ge [sflag:s29], $0x1  }
0xb5: {  	[sflag:s29] =	ssyncadd.s32 $0xFFFFFFFF  }
0xb6: {  	_ =	strace $0x9000004E  }
0xb7: {  	_ =	sfence  }
0xb8: {  	s30 =	sld [smem:$0x0];
	_ =	sdelay $0x2  }
0xb9: {  	s31 =	sshll.u32 s1, $0xD;
	s1 =	sshrl.u32 s1, $0x2  }
0xba: {  	s3 =	sand.u32 $0x4000, s31;
	s1 =	sadd.s32 s1, s30  }
0xbb: {  	s0 =	sor.u32 s3, s0;
	s1 =	sshll.u32 s1, $0x11  }
0xbc: {  	s0 =	sor.u32 s1, s0  }
0xbd: {  	s0 =	sadd.s32 $0x8F2B, s0  }
0xbe: {  	[sflag:s0] =	ssyncadd.remote.s32 $0x1  }
0xbf: {  	_ =	sfence.sel $0xFFFF  }
0xc0: {  	[dreg:$0x0] =	wrdreg $0xFFFFFFFF;
	(pc) =	sbr.abs _section_cstart, $3  }
0xc1: {  	[dreg:$0x1] =	wrdreg $0xFFFFFFFF  }
0xc2: {  	_ =	task.clear_ibuf [dreg:s7], $0x2FFFF;
	_ =	strace $0x9FFFFFFF  }
0xc3: {  	(tm) =	ssettm $0x7FFFFFFF  }
tec
execute0_lowered:
.L_overlay_start_1:
0x0: {  	(tag) =	ssettag $0x1  }
0x1: {  	s0 =	rddreg [dreg:$0x0]  }
0x2: {  	s2 =	rddreg [dreg:$0x1];
	s9 =	stileid.u32  }
0x3: {  	s1 =	rddreg [dreg:$0x2];
	s4 =	smul.u32 $0x9C4, s9  }
0x4: {  	s3 =	srdreg.scid;
	s8 =	smul.u32 $0x13800, s9  }
0x5: {  	s5 =	simm.s32 $0x0;
	s3 =	sand.u32 $0x1, s3;
	s21 =	smul.u32 $0x4E00, s9  }
0x6: {  	[smem:$0x7FF] =	sst s5;
	s19 =	smul.u32 $0x9C40, s3  }
0x7: {  	s3 =	ssub.s32 $0x2, s3;
	_ =	strace $0x8000004D;
	s4 =	sadd.s32 s4, s2  }
0x8: {  	s6 =	sshrl.u32 s3, $0x1;
	s22 =	sshrl.u32 s8, $0x2;
	s20 =	sadd.s32 $0xCA00, s4  }
0x9: {  	s25 =	sadd.s32 s21, s1;
	s4 =	sadd.s32 $0x2C00, s4;
	[dreg:$0x4] =	wrdreg s20  }
0xa: {  	s7 =	sadd.s32 s0, s19;
	s0 =	sshrl.u32 s25, $0x3;
	[dreg:$0x5] =	wrdreg s4  }
0xb: {  	s3 =	ssub.s32 s3, s6;
	s8 =	sadd.s32 s22, s1;
	[dreg:$0x17] =	wrdreg s0  }
0xc: {  	s3 =	smax.u32 s3, $0x1;
	[dreg:$0x7] =	wrdreg s8  }
0xd: {  	s26 =	sadd.s32 $0x300, s8;
	[dreg:$0x8] =	wrdreg s3  }
0xe: {  	s29 =	sadd.s32 $0x600, s8;
	[dreg:$0x9] =	wrdreg s26  }
0xf: {  	s30 =	sadd.s32 $0x900, s8;
	[dreg:$0xa] =	wrdreg s29  }
0x10: {  	s31 =	sadd.s32 $0xC00, s8;
	[dreg:$0xb] =	wrdreg s30  }
0x11: {  	s4 =	sadd.s32 $0xF00, s8;
	[dreg:$0xc] =	wrdreg s31  }
0x12: {  	s10 =	sadd.s32 $0x1200, s8;
	[dreg:$0xd] =	wrdreg s4  }
0x13: {  	s11 =	sadd.s32 $0x1500, s8;
	[dreg:$0xe] =	wrdreg s10  }
0x14: {  	s12 =	sadd.s32 $0x1800, s8;
	[dreg:$0xf] =	wrdreg s11  }
0x15: {  	s13 =	sadd.s32 $0x1B00, s8;
	[dreg:$0x10] =	wrdreg s12  }
0x16: {  	s14 =	sadd.s32 $0x1E00, s8;
	[dreg:$0x11] =	wrdreg s13  }
0x17: {  	s15 =	sadd.s32 $0x2100, s8;
	[dreg:$0x12] =	wrdreg s14  }
0x18: {  	s16 =	sadd.s32 $0x2400, s8;
	[dreg:$0x13] =	wrdreg s15  }
0x19: {  	s2 =	sadd.s32 s19, s2;
	s17 =	sadd.s32 $0x2700, s8;
	[dreg:$0x14] =	wrdreg s16  }
0x1a: {  	s23 =	sadd.s32 $0x64A00, s2;
	[dreg:$0x15] =	wrdreg s17  }
0x1b: {  	s18 =	sadd.s32 $0x2A00, s8;
	[dreg:$0x6] =	wrdreg s23  }
0x1c: {  	s19 =	sadd.s32 $0x2D00, s8;
	[dreg:$0x18] =	wrdreg s18  }
0x1d: {  	s20 =	sadd.s32 $0x3000, s8;
	[dreg:$0x19] =	wrdreg s19  }
0x1e: {  	s24 =	sshrl.u32 s21, $0x3;
	s21 =	sadd.s32 $0x3300, s8;
	[dreg:$0x1a] =	wrdreg s20  }
0x1f: {  	s22 =	sadd.s32 $0x3600, s8;
	[dreg:$0x1b] =	wrdreg s21  }
0x20: {  	s28 =	simm.s32 $0x0;
	s25 =	sadd.s32 $0x3F00, s8;
	[dreg:$0x1c] =	wrdreg s22  }
0x21: {  	p1 =	sne.s32 s9, $0x0;
	s2 =	sadd.s32 s24, s23;
	[dreg:$0x1f] =	wrdreg s25  }
0x22: {  	s6 =	sadd.s32 $0x4E000, s1;
	s23 =	sadd.s32 $0x3900, s8;
	[dreg:$0x16] =	wrdreg s2  }
0x23: {  	s0 =	simm.s32 @!p1 $0x0;
	s24 =	sadd.s32 $0x3C00, s8;
	[dreg:$0x1d] =	wrdreg s23  }
0x24: {  	s26 =	sadd.s32 $0x4200, s8;
	s29 =	sadd.s32 $0x4500, s8;
	[dreg:$0x1e] =	wrdreg s24  }
0x25: {  	s30 =	sadd.s32 $0x4800, s8;
	s31 =	sadd.s32 $0x4B00, s8;
	[smem:$0x7F9] =	sst s26  }
0x26: {  	s13 =	simm.s32 $0xEC40;
	s14 =	simm.s32 $0x1;
	[smem:$0x7FA] =	sst s29  }
0x27: {  	s15 =	simm.s32 $0x2;
	s16 =	simm.s32 $0x9;
	[smem:$0x7FB] =	sst s30  }
0x28: {  	s17 =	simm.s32 $0x50;
	s0 =	simm.s32 @p1 $0x1;
	[smem:$0x7FC] =	sst s31  }
0x29: {  	v0 =	vimm.f32 $0.0e+00;
	s18 =	simm.s32 $0x9C40;
	s19 =	simm.s32 $0xA640;
	[smem:$0x7FD] =	sst s0  }
.LBB2_1:
0x2a: {  	s2 =	simm.s32 $0x0;
	s0 =	rddreg [dreg:$0x4]  }
0x2b: {  	[tilespmem:s2], [sflag:$0x1] =	stream.linear.gather [hbm4b:s0+s2], $0x4E20, $0x38;
	[tilespmem:$0x13D70] =	vst v63  }
0x2c: {  	s24 =	rddreg [dreg:$0x5];
	s3 =	simm.s32 $0x4E20  }
0x2d: {  	[tilespmem:s3], [sflag:$0x2] =	stream.linear.gather [hbm4b:s24+s2], $0x4E20, $0x38;
	[tilespmem:$0x13D70] =	vst v63  }
0x2e: {  	[tilespmem:$0xEC40] =	vst v0  }
0x2f: {  	[tilespmem:$0xEC50] =	vst v0  }
0x30: {  	[tilespmem:$0xEC60] =	vst v0  }
0x31: {  	[tilespmem:$0xEC70] =	vst v0  }
0x32: {  	[tilespmem:$0xEC80] =	vst v0  }
0x33: {  	[tilespmem:$0xEC90] =	vst v0  }
0x34: {  	[tilespmem:$0xECA0] =	vst v0  }
0x35: {  	[tilespmem:$0xECB0] =	vst v0  }
0x36: {  	[tilespmem:$0xECC0] =	vst v0  }
0x37: {  	[tilespmem:$0xECD0] =	vst v0  }
0x38: {  	[tilespmem:$0xECE0] =	vst v0  }
0x39: {  	[tilespmem:$0xECF0] =	vst v0  }
0x3a: {  	[tilespmem:$0xED00] =	vst v0  }
0x3b: {  	[tilespmem:$0xED10] =	vst v0  }
0x3c: {  	[tilespmem:$0xED20] =	vst v0  }
0x3d: {  	[tilespmem:$0xED30] =	vst v0  }
0x3e: {  	[tilespmem:$0xED40] =	vst v0  }
0x3f: {  	[tilespmem:$0xED50] =	vst v0  }
0x40: {  	[tilespmem:$0xED60] =	vst v0  }
0x41: {  	[tilespmem:$0xED70] =	vst v0  }
0x42: {  	[tilespmem:$0xED80] =	vst v0  }
0x43: {  	[tilespmem:$0xED90] =	vst v0  }
0x44: {  	[tilespmem:$0xEDA0] =	vst v0  }
0x45: {  	[tilespmem:$0xEDB0] =	vst v0  }
0x46: {  	[tilespmem:$0xEDC0] =	vst v0  }
0x47: {  	[tilespmem:$0xEDD0] =	vst v0  }
0x48: {  	[tilespmem:$0xEDE0] =	vst v0  }
0x49: {  	[tilespmem:$0xEDF0] =	vst v0  }
0x4a: {  	[tilespmem:$0xEE00] =	vst v0  }
0x4b: {  	[tilespmem:$0xEE10] =	vst v0  }
0x4c: {  	[tilespmem:$0xEE20] =	vst v0  }
0x4d: {  	[tilespmem:$0xEE30] =	vst v0  }
0x4e: {  	[tilespmem:$0xEE40] =	vst v0  }
0x4f: {  	[tilespmem:$0xEE50] =	vst v0  }
0x50: {  	[tilespmem:$0xEE60] =	vst v0  }
0x51: {  	[tilespmem:$0xEE70] =	vst v0  }
0x52: {  	[tilespmem:$0xEE80] =	vst v0  }
0x53: {  	[tilespmem:$0xEE90] =	vst v0  }
0x54: {  	[tilespmem:$0xEEA0] =	vst v0  }
0x55: {  	[tilespmem:$0xEEB0] =	vst v0  }
0x56: {  	[tilespmem:$0xEEC0] =	vst v0  }
0x57: {  	[tilespmem:$0xEED0] =	vst v0  }
0x58: {  	[tilespmem:$0xEEE0] =	vst v0  }
0x59: {  	[tilespmem:$0xEEF0] =	vst v0  }
0x5a: {  	[tilespmem:$0xEF00] =	vst v0  }
0x5b: {  	[tilespmem:$0xEF10] =	vst v0  }
0x5c: {  	s25 =	rddreg [dreg:$0x7];
	[tilespmem:$0xEF20] =	vst v0  }
0x5d: {  	s26 =	rddreg [dreg:$0x9];
	[tilespmem:$0xEF30] =	vst v0  }
0x5e: {  	[spmem:s25] =	stream.linear.scatter [tilespmem:s13], [sflag:$0x9], $0x300, $0x38;
	[tilespmem:$0x13D70] =	vst v63  }
0x5f: {  	s4 =	rddreg [dreg:$0xb]  }
0x60: {  	[spmem:s26] =	stream.linear.scatter [tilespmem:s13], [sflag:$0x9], $0x300, $0x38;
	[tilespmem:$0x13D70] =	vst v63  }
0x61: {  	s3 =	rddreg [dreg:$0xa]  }
0x62: {  	[spmem:s3] =	stream.linear.scatter [tilespmem:s13], [sflag:$0x9], $0x300, $0x38;
	[tilespmem:$0x13D70] =	vst v63  }
0x63: {  	s5 =	rddreg [dreg:$0xc]  }
0x64: {  	[spmem:s4] =	stream.linear.scatter [tilespmem:s13], [sflag:$0x9], $0x300, $0x38;
	[tilespmem:$0x13D70] =	vst v63  }
0x65: {  	s8 =	rddreg [dreg:$0xd]  }
0x66: {  	[spmem:s5] =	stream.linear.scatter [tilespmem:s13], [sflag:$0x9], $0x300, $0x38;
	[tilespmem:$0x13D70] =	vst v63  }
0x67: {  	s9 =	rddreg [dreg:$0xe]  }
0x68: {  	[spmem:s8] =	stream.linear.scatter [tilespmem:s13], [sflag:$0x9], $0x300, $0x38;
	[tilespmem:$0x13D70] =	vst v63  }
0x69: {  	s10 =	rddreg [dreg:$0xf]  }
0x6a: {  	[spmem:s9] =	stream.linear.scatter [tilespmem:s13], [sflag:$0x9], $0x300, $0x38;
	[tilespmem:$0x13D70] =	vst v63  }
0x6b: {  	s11 =	rddreg [dreg:$0x10]  }
0x6c: {  	[spmem:s10] =	stream.linear.scatter [tilespmem:s13], [sflag:$0x9], $0x300, $0x38;
	[tilespmem:$0x13D70] =	vst v63  }
0x6d: {  	s12 =	rddreg [dreg:$0x11]  }
0x6e: {  	[spmem:s11] =	stream.linear.scatter [tilespmem:s13], [sflag:$0x9], $0x300, $0x38;
	[tilespmem:$0x13D70] =	vst v63  }
0x6f: {  	s20 =	rddreg [dreg:$0x12]  }
0x70: {  	[spmem:s12] =	stream.linear.scatter [tilespmem:s13], [sflag:$0x9], $0x300, $0x38;
	[tilespmem:$0x13D70] =	vst v63  }
0x71: {  	s21 =	rddreg [dreg:$0x13]  }
0x72: {  	[spmem:s20] =	stream.linear.scatter [tilespmem:s13], [sflag:$0x9], $0x300, $0x38;
	[tilespmem:$0x13D70] =	vst v63  }
0x73: {  	s22 =	rddreg [dreg:$0x14]  }
0x74: {  	[spmem:s21] =	stream.linear.scatter [tilespmem:s13], [sflag:$0x9], $0x300, $0x38;
	[tilespmem:$0x13D70] =	vst v63  }
0x75: {  	s23 =	rddreg [dreg:$0x15]  }
0x76: {  	[spmem:s22] =	stream.linear.scatter [tilespmem:s13], [sflag:$0x9], $0x300, $0x38;
	[tilespmem:$0x13D70] =	vst v63  }
0x77: {  	s24 =	rddreg [dreg:$0x18]  }
0x78: {  	[spmem:s23] =	stream.linear.scatter [tilespmem:s13], [sflag:$0x9], $0x300, $0x38;
	[tilespmem:$0x13D70] =	vst v63  }
0x79: {  	s25 =	rddreg [dreg:$0x19]  }
0x7a: {  	[spmem:s24] =	stream.linear.scatter [tilespmem:s13], [sflag:$0x9], $0x300, $0x38;
	[tilespmem:$0x13D70] =	vst v63  }
0x7b: {  	s26 =	rddreg [dreg:$0x1a]  }
0x7c: {  	[spmem:s25] =	stream.linear.scatter [tilespmem:s13], [sflag:$0x9], $0x300, $0x38;
	[tilespmem:$0x13D70] =	vst v63  }
0x7d: {  	s3 =	rddreg [dreg:$0x1b]  }
0x7e: {  	[spmem:s26] =	stream.linear.scatter [tilespmem:s13], [sflag:$0x9], $0x300, $0x38;
	[tilespmem:$0x13D70] =	vst v63  }
0x7f: {  	s4 =	rddreg [dreg:$0x1c]  }
0x80: {  	[spmem:s3] =	stream.linear.scatter [tilespmem:s13], [sflag:$0x9], $0x300, $0x38;
	[tilespmem:$0x13D70] =	vst v63  }
0x81: {  	s5 =	rddreg [dreg:$0x1d]  }
0x82: {  	[spmem:s4] =	stream.linear.scatter [tilespmem:s13], [sflag:$0x9], $0x300, $0x38;
	[tilespmem:$0x13D70] =	vst v63  }
0x83: {  	s8 =	rddreg [dreg:$0x1e]  }
0x84: {  	[spmem:s5] =	stream.linear.scatter [tilespmem:s13], [sflag:$0x9], $0x300, $0x38;
	[tilespmem:$0x13D70] =	vst v63  }
0x85: {  	s9 =	rddreg [dreg:$0x1f]  }
0x86: {  	[spmem:s8] =	stream.linear.scatter [tilespmem:s13], [sflag:$0x9], $0x300, $0x38;
	[tilespmem:$0x13D70] =	vst v63  }
0x87: {  	s10 =	sld [smem:$0x7F9]  }
0x88: {  	[spmem:s9] =	stream.linear.scatter [tilespmem:s13], [sflag:$0x9], $0x300, $0x38;
	[tilespmem:$0x13D70] =	vst v63  }
0x89: {  	s11 =	sld [smem:$0x7FA]  }
0x8a: {  	[spmem:s10] =	stream.linear.scatter [tilespmem:s13], [sflag:$0x9], $0x300, $0x38;
	[tilespmem:$0x13D70] =	vst v63  }
0x8b: {  	s12 =	sld [smem:$0x7FB]  }
0x8c: {  	[spmem:s11] =	stream.linear.scatter [tilespmem:s13], [sflag:$0x9], $0x300, $0x38;
	[tilespmem:$0x13D70] =	vst v63  }
0x8d: {  	s20 =	sld [smem:$0x7FC]  }
0x8e: {  	[spmem:s12] =	stream.linear.scatter [tilespmem:s13], [sflag:$0x9], $0x300, $0x38;
	[tilespmem:$0x13D70] =	vst v63  }
0x8f: {  	_ = 	snop  }
0x90: {  	[spmem:s20] =	stream.linear.scatter [tilespmem:s13], [sflag:$0x9], $0x300, $0x38;
	[tilespmem:$0x13D70] =	vst v63  }
0x91: {  	s0 =	simm.s32 @!p1 $0xEC40  }
0x92: {  	[spmem:s6] =	stream.linear.scatter @!p1 [tilespmem:s0], [sflag:$0x9], $0x300, $0x38;
	[tilespmem:$0x13D70] =	vst v63  }
0x93: {  	_ =	swait.ge [sflag:s14], $0x4E20  }
0x94: {  	[sflag:s14] =	ssyncset.done $0x0  }
0x95: {  	[sflag:s14] =	ssyncadd.s32 $0xFFFFB1E0  }
0x96: {  	_ =	swait.ge [sflag:s15], $0x4E20  }
0x97: {  	[sflag:s15] =	ssyncset.done $0x0  }
0x98: {  	[sflag:s15] =	ssyncadd.s32 $0xFFFFB1E0  }
0x99: {  	_ =	swait.ge [sflag:s16], $0x300  }
0x9a: {  	[sflag:s16] =	ssyncset.done $0x0  }
0x9b: {  	[sflag:s16] =	ssyncadd.s32 $0xFFFFFD00  }
0x9c: {  	_ =	swait.ge [sflag:s16], $0x300  }
0x9d: {  	[sflag:s16] =	ssyncset.done $0x0  }
0x9e: {  	[sflag:s16] =	ssyncadd.s32 $0xFFFFFD00  }
0x9f: {  	_ =	swait.ge [sflag:s16], $0x300  }
0xa0: {  	[sflag:s16] =	ssyncset.done $0x0  }
0xa1: {  	[sflag:s16] =	ssyncadd.s32 $0xFFFFFD00  }
0xa2: {  	_ =	swait.ge [sflag:s16], $0x300  }
0xa3: {  	[sflag:s16] =	ssyncset.done $0x0  }
0xa4: {  	[sflag:s16] =	ssyncadd.s32 $0xFFFFFD00  }
0xa5: {  	_ =	swait.ge [sflag:s16], $0x300  }
0xa6: {  	[sflag:s16] =	ssyncset.done $0x0  }
0xa7: {  	[sflag:s16] =	ssyncadd.s32 $0xFFFFFD00  }
0xa8: {  	_ =	swait.ge [sflag:s16], $0x300  }
0xa9: {  	[sflag:s16] =	ssyncset.done $0x0  }
0xaa: {  	[sflag:s16] =	ssyncadd.s32 $0xFFFFFD00  }
0xab: {  	_ =	swait.ge [sflag:s16], $0x300  }
0xac: {  	[sflag:s16] =	ssyncset.done $0x0  }
0xad: {  	[sflag:s16] =	ssyncadd.s32 $0xFFFFFD00  }
0xae: {  	_ =	swait.ge [sflag:s16], $0x300  }
0xaf: {  	[sflag:s16] =	ssyncset.done $0x0  }
0xb0: {  	[sflag:s16] =	ssyncadd.s32 $0xFFFFFD00  }
0xb1: {  	_ =	swait.ge [sflag:s16], $0x300  }
0xb2: {  	[sflag:s16] =	ssyncset.done $0x0  }
0xb3: {  	[sflag:s16] =	ssyncadd.s32 $0xFFFFFD00  }
0xb4: {  	_ =	swait.ge [sflag:s16], $0x300  }
0xb5: {  	[sflag:s16] =	ssyncset.done $0x0  }
0xb6: {  	[sflag:s16] =	ssyncadd.s32 $0xFFFFFD00  }
0xb7: {  	_ =	swait.ge [sflag:s16], $0x300  }
0xb8: {  	[sflag:s16] =	ssyncset.done $0x0  }
0xb9: {  	[sflag:s16] =	ssyncadd.s32 $0xFFFFFD00  }
0xba: {  	_ =	swait.ge [sflag:s16], $0x300  }
0xbb: {  	[sflag:s16] =	ssyncset.done $0x0  }
0xbc: {  	[sflag:s16] =	ssyncadd.s32 $0xFFFFFD00  }
0xbd: {  	_ =	swait.ge [sflag:s16], $0x300  }
0xbe: {  	[sflag:s16] =	ssyncset.done $0x0  }
0xbf: {  	[sflag:s16] =	ssyncadd.s32 $0xFFFFFD00  }
0xc0: {  	_ =	swait.ge [sflag:s16], $0x300  }
0xc1: {  	[sflag:s16] =	ssyncset.done $0x0  }
0xc2: {  	[sflag:s16] =	ssyncadd.s32 $0xFFFFFD00  }
0xc3: {  	_ =	swait.ge [sflag:s16], $0x300  }
0xc4: {  	[sflag:s16] =	ssyncset.done $0x0  }
0xc5: {  	[sflag:s16] =	ssyncadd.s32 $0xFFFFFD00  }
0xc6: {  	_ =	swait.ge [sflag:s16], $0x300  }
0xc7: {  	[sflag:s16] =	ssyncset.done $0x0  }
0xc8: {  	[sflag:s16] =	ssyncadd.s32 $0xFFFFFD00  }
0xc9: {  	_ =	swait.ge [sflag:s16], $0x300  }
0xca: {  	[sflag:s16] =	ssyncset.done $0x0  }
0xcb: {  	[sflag:s16] =	ssyncadd.s32 $0xFFFFFD00  }
0xcc: {  	_ =	swait.ge [sflag:s16], $0x300  }
0xcd: {  	[sflag:s16] =	ssyncset.done $0x0  }
0xce: {  	[sflag:s16] =	ssyncadd.s32 $0xFFFFFD00  }
0xcf: {  	_ =	swait.ge [sflag:s16], $0x300  }
0xd0: {  	[sflag:s16] =	ssyncset.done $0x0  }
0xd1: {  	[sflag:s16] =	ssyncadd.s32 $0xFFFFFD00  }
0xd2: {  	_ =	swait.ge [sflag:s16], $0x300  }
0xd3: {  	[sflag:s16] =	ssyncset.done $0x0  }
0xd4: {  	[sflag:s16] =	ssyncadd.s32 $0xFFFFFD00  }
0xd5: {  	_ =	swait.ge [sflag:s16], $0x300  }
0xd6: {  	[sflag:s16] =	ssyncset.done $0x0  }
0xd7: {  	[sflag:s16] =	ssyncadd.s32 $0xFFFFFD00  }
0xd8: {  	_ =	swait.ge [sflag:s16], $0x300  }
0xd9: {  	[sflag:s16] =	ssyncset.done $0x0  }
0xda: {  	[sflag:s16] =	ssyncadd.s32 $0xFFFFFD00  }
0xdb: {  	_ =	swait.ge [sflag:s16], $0x300  }
0xdc: {  	[sflag:s16] =	ssyncset.done $0x0  }
0xdd: {  	[sflag:s16] =	ssyncadd.s32 $0xFFFFFD00  }
0xde: {  	_ =	swait.ge [sflag:s16], $0x300  }
0xdf: {  	[sflag:s16] =	ssyncset.done $0x0  }
0xe0: {  	[sflag:s16] =	ssyncadd.s32 $0xFFFFFD00  }
0xe1: {  	_ =	swait.ge [sflag:s16], $0x300  }
0xe2: {  	[sflag:s16] =	ssyncset.done $0x0  }
0xe3: {  	[sflag:s16] =	ssyncadd.s32 $0xFFFFFD00  }
0xe4: {  	_ =	swait.ge [sflag:s16], $0x300  }
0xe5: {  	[sflag:s16] =	ssyncset.done $0x0  }
0xe6: {  	s0 =	simm.s32 @!p1 $0x9;
	[sflag:s16] =	ssyncadd.s32 $0xFFFFFD00  }
0xe7: {  	_ =	swait.ge @!p1 [sflag:s0], $0x300  }
0xe8: {  	[sflag:s0] =	ssyncset.done @!p1 $0x0  }
0xe9: {  	[sflag:s0] =	ssyncadd.s32 @!p1 $0xFFFFFD00  }
0xea: {  	[bflag:$0x0] =	sbarrier.arrive $0xFFFF  }
0xeb: {  	[tilespmem:s18], [sflag:$0x1] =	stream.indirect.gather [hbm4b:s7+s17], $0x20, s2, s17, $0xb8;
	[tilespmem:$0x13D70] =	vst v63  }
0xec: {  	_ = 	snop  }
0xed: {  	[tilespmem:s19], [sflag:$0x2] =	stream.indirect.gather [hbm4b:s7+s17], $0x20, s17, s17, $0xb8;
	[tilespmem:$0x13D70] =	vst v63  }
0xee: {  	s21 =	simm.s32 $0xA0;
	s22 =	simm.s32 $0xB040  }
0xef: {  	[tilespmem:s22], [sflag:$0x3] =	stream.indirect.gather [hbm4b:s7+s17], $0x20, s21, s17, $0xb8;
	[tilespmem:$0x13D70] =	vst v63  }
0xf0: {  	s23 =	simm.s32 $0xF0;
	s24 =	simm.s32 $0xBA40;
	p1 =	por $0x0, $0x0  }
0xf1: {  	[tilespmem:s24], [sflag:$0x4] =	stream.indirect.gather [hbm4b:s7+s17], $0x20, s23, s17, $0xb8;
	[tilespmem:$0x13D70] =	vst v63  }
0xf2: {  	p0 =	por @!p1 $0x1, $0x1;
	_ =	swait.ge [sflag:s14], $0xA00  }
0xf3: {  	p2 =	por p0, p1;
	[sflag:s14] =	ssyncset.done $0x0  }
0xf4: {  	s25 =	simm.s32 $0x4E20;
	s2 =	simm.s32 @!p2 $0xD;
	[sflag:s14] =	ssyncadd.s32 $0xFFFFF600  }
0xf5: {  	[spmem:s1] =	stream.indirect.scatter.add.f32 [tilespmem:s18], [sflag:$0x9], $0x20, s25, s17, $0xb8;
	[tilespmem:$0x13D70] =	vst v63  }
0xf6: {  	_ =	swait.ge @!p2 [sflag:s2], $0xA00  }
0xf7: {  	s0 =	simm.s32 @!p1 $0x140;
	s3 =	simm.s32 @!p1 $0xC440;
	[sflag:s2] =	ssyncset.done @!p2 $0x0  }
0xf8: {  	p0 =	por $0x0, $0x0;
	[sflag:s2] =	ssyncadd.s32 @!p2 $0xFFFFF600;
	s2 =	simm.s32 @!p1 $0x50  }
0xf9: {  	[tilespmem:s3], [sflag:$0x5] =	stream.indirect.gather @!p1 [hbm4b:s7+s2], $0x20, s0, s2, $0xb8;
	[tilespmem:$0x13D70] =	vst v63  }
0xfa: {  	p2 =	por @!p0 $0x1, $0x1;
	_ =	swait.ge [sflag:s15], $0xA00  }
0xfb: {  	p3 =	por p2, p0;
	[sflag:s15] =	ssyncset.done $0x0  }
0xfc: {  	s26 =	simm.s32 $0x4E70;
	s4 =	simm.s32 @!p3 $0xE;
	[sflag:s15] =	ssyncadd.s32 $0xFFFFF600  }
0xfd: {  	[spmem:s1] =	stream.indirect.scatter.add.f32 [tilespmem:s19], [sflag:$0xA], $0x20, s26, s17, $0xb8;
	[tilespmem:$0x13D70] =	vst v63  }
0xfe: {  	s5 =	simm.s32 @!p0 $0x190;
	_ =	swait.ge @!p3 [sflag:s4], $0xA00  }
0xff: {  	p2 =	por $0x0, $0x0;
	s0 =	simm.s32 @!p0 $0x50;
	[sflag:s4] =	ssyncset.done @!p3 $0x0  }
0x100: {  	s8 =	simm.s32 @!p2 $0x3;
	[sflag:s4] =	ssyncadd.s32 @!p3 $0xFFFFF600;
	s4 =	simm.s32 @!p0 $0xCE40  }
0x101: {  	[tilespmem:s4], [sflag:$0x6] =	stream.indirect.gather @!p0 [hbm4b:s7+s0], $0x20, s5, s0, $0xb8;
	[tilespmem:$0x13D70] =	vst v63  }
0x102: {  	s11 =	simm.s32 @!p2 $0xB040;
	p3 =	por @!p2 $0x1, $0x1;
	_ =	swait.ge @!p2 [sflag:s8], $0xA00  }
0x103: {  	p3 =	por p3, p2;
	s5 =	simm.s32 @!p2 $0x4EC0;
	[sflag:s8] =	ssyncset.done @!p2 $0x0  }
0x104: {  	s10 =	simm.s32 @!p3 $0xF;
	[sflag:s8] =	ssyncadd.s32 @!p2 $0xFFFFF600;
	s8 =	simm.s32 @!p2 $0x50  }
0x105: {  	[spmem:s1] =	stream.indirect.scatter.add.f32 @!p2 [tilespmem:s11], [sflag:$0xB], $0x20, s5, s8, $0xb8;
	[tilespmem:$0x13D70] =	vst v63  }
0x106: {  	_ =	swait.ge @!p3 [sflag:s10], $0xA00  }
0x107: {  	s5 =	simm.s32 @!p2 $0x1E0;
	[sflag:s10] =	ssyncset.done @!p3 $0x0  }
0x108: {  	s11 =	simm.s32 @!p2 $0x4;
	[sflag:s10] =	ssyncadd.s32 @!p3 $0xFFFFF600;
	s10 =	simm.s32 @!p2 $0xD840  }
0x109: {  	[tilespmem:s10], [sflag:$0x7] =	stream.indirect.gather @!p2 [hbm4b:s7+s8], $0x20, s5, s8, $0xb8;
	[tilespmem:$0x13D70] =	vst v63  }
0x10a: {  	_ =	swait.ge @!p2 [sflag:s11], $0xA00  }
0x10b: {  	s5 =	simm.s32 @!p2 $0x4F10;
	[sflag:s11] =	ssyncset.done @!p2 $0x0  }
0x10c: {  	s10 =	simm.s32 @!p2 $0xBA40;
	[sflag:s11] =	ssyncadd.s32 @!p2 $0xFFFFF600;
	s11 =	simm.s32 @!p3 $0x10  }
0x10d: {  	[spmem:s1] =	stream.indirect.scatter.add.f32 @!p2 [tilespmem:s10], [sflag:$0xC], $0x20, s5, s8, $0xb8;
	[tilespmem:$0x13D70] =	vst v63  }
0x10e: {  	_ =	swait.ge @!p3 [sflag:s11], $0xA00  }
0x10f: {  	s5 =	simm.s32 @!p2 $0x230;
	[sflag:s11] =	ssyncset.done @!p3 $0x0  }
0x110: {  	s10 =	simm.s32 @!p2 $0xE240;
	[sflag:s11] =	ssyncadd.s32 @!p3 $0xFFFFF600;
	s11 =	simm.s32 @!p1 $0x5  }
0x111: {  	[tilespmem:s10], [sflag:$0x8] =	stream.indirect.gather @!p2 [hbm4b:s7+s8], $0x20, s5, s8, $0xb8;
	[tilespmem:$0x13D70] =	vst v63  }
0x112: {  	_ =	swait.ge @!p1 [sflag:s11], $0xA00  }
0x113: {  	s30 =	simm.s32 $0x7;
	s5 =	simm.s32 @!p1 $0x4F60;
	[sflag:s11] =	ssyncset.done @!p1 $0x0  }
0x114: {  	s8 =	simm.s32 @!p1 $0x9;
	p2 =	por $0x0, $0x0;
	[sflag:s11] =	ssyncadd.s32 @!p1 $0xFFFFF600  }
0x115: {  	[spmem:s1] =	stream.indirect.scatter.add.f32 @!p1 [tilespmem:s3], [sflag:$0xD], $0x20, s5, s2, $0xb8;
	[tilespmem:$0x13D70] =	vst v63  }
0x116: {  	s31 =	simm.s32 $0xA00;
	s22 =	simm.s32 @!p2 $0xD840;
	_ =	swait.ge @!p1 [sflag:s8], $0xA00  }
0x117: {  	s23 =	simm.s32 @!p2 $0x50;
	s3 =	simm.s32 @!p1 $0x280;
	[sflag:s8] =	ssyncset.done @!p1 $0x0  }
0x118: {  	s5 =	simm.s32 @!p1 $0x9C40;
	[sflag:s8] =	ssyncadd.s32 @!p1 $0xFFFFF600;
	s8 =	simm.s32 @!p0 $0x6  }
0x119: {  	[tilespmem:s5], [sflag:$0x1] =	stream.indirect.gather @!p1 [hbm4b:s7+s2], $0x20, s3, s2, $0xb8;
	[tilespmem:$0x13D70] =	vst v63  }
0x11a: {  	p1 =	por $0x0, $0x0;
	s2 =	simm.s32 @!p0 $0x4FB0;
	_ =	swait.ge @!p0 [sflag:s8], $0xA00  }
0x11b: {  	s3 =	simm.s32 @!p0 $0xA;
	p3 =	por @!p1 $0x0, $0x0;
	[sflag:s8] =	ssyncset.done @!p0 $0x0  }
0x11c: {  	s29 =	simm.s32 @!p1 $0x5050;
	p1 =	por p1, p1;
	[sflag:s8] =	ssyncadd.s32 @!p0 $0xFFFFF600  }
0x11d: {  	[spmem:s1] =	stream.indirect.scatter.add.f32 @!p0 [tilespmem:s4], [sflag:$0xE], $0x20, s2, s0, $0xb8;
	[tilespmem:$0x13D70] =	vst v63  }
0x11e: {  	s11 =	simm.s32 @!p1 $0xE240;
	p5 =	por p3, p1;
	_ =	swait.ge @!p0 [sflag:s3], $0xA00  }
0x11f: {  	s21 =	simm.s32 @!p1 $0x50;
	s10 =	simm.s32 @!p5 $0x50;
	[sflag:s3] =	ssyncset.done @!p0 $0x0  }
0x120: {  	s2 =	simm.s32 @!p0 $0x2D0;
	s4 =	simm.s32 @!p0 $0xA640;
	[sflag:s3] =	ssyncadd.s32 @!p0 $0xFFFFF600  }
0x121: {  	[tilespmem:s4], [sflag:$0x2] =	stream.indirect.gather @!p0 [hbm4b:s7+s0], $0x20, s2, s0, $0xb8;
	[tilespmem:$0x13D70] =	vst v63  }
0x122: {  	s12 =	simm.s32 @!p5 $0x370;
	s8 =	simm.s32 @!p2 $0x5000;
	p0 =	por @!p2 $0x0, $0x0  }
0x123: {  	s2 =	simm.s32 @!p2 $0x7;
	s0 =	simm.s32 $0x0;
	p3 =	por p0, p2  }
0x124: {  	_ =	swait.ge @!p2 [sflag:s2], $0xA00;
	s4 =	simm.s32 @!p3 $0xB040;
	s5 =	simm.s32 @!p3 $0x320  }
0x125: {  	s3 =	simm.s32 @!p3 $0x50;
	[sflag:s2] =	ssyncset.done @!p2 $0x0;
	s20 =	simm.s32 @!p3 $0xB  }
.LBB2_2:
0x126: {  	[sflag:s2] =	ssyncadd.s32 @!p2 $0xFFFFF600;
	s30 =	sadd.s32 $0x8, s30  }
0x127: {  	[spmem:s1] =	stream.indirect.scatter.add.f32 @!p2 [tilespmem:s22], [sflag:$0xF], $0x20, s8, s23, $0xb8;
	[tilespmem:$0x13D70] =	vst v63  }
0x128: {  	s0 =	sadd.s32 $0x1, s0;
	p6 =	sgt.u32 s30, $0xF9  }
0x129: {  	p0 =	sgt.u32 @!p6 s0, $0x1D  }
0x12a: {  	_ =	swait.ge @!p3 [sflag:s20], $0xA00;
	s8 =	simm.s32 @!p0 $0x0  }
0x12b: {  	[sflag:s20] =	ssyncset.done @!p3 $0x0;
	s8 =	simm.s32 @p0 $0x1  }
0x12c: {  	[sflag:s20] =	ssyncadd.s32 @!p3 $0xFFFFF600;
	s20 =	simm.s32 @!p1 $0x8;
	[smem:$0x7F8] =	sst s8  }
0x12d: {  	[tilespmem:s4], [sflag:$0x3] =	stream.indirect.gather @!p3 [hbm4b:s7+s3], $0x20, s5, s3, $0xb8;
	[tilespmem:$0x13D70] =	vst v63  }
0x12e: {  	_ =	swait.ge @!p1 [sflag:s20], $0xA00  }
0x12f: {  	s2 =	smov.u32 s31;
	[sflag:s20] =	ssyncset.done @!p1 $0x0  }
0x130: {  	s24 =	sadd.s32 $0xFFFFFFFD, s30;
	[sflag:s20] =	ssyncadd.s32 @!p1 $0xFFFFF600;
	s20 =	simm.s32 @!p5 $0xC  }
0x131: {  	[spmem:s1] =	stream.indirect.scatter.add.f32 @!p1 [tilespmem:s11], [sflag:$0x10], $0x20, s29, s21, $0xb8;
	[tilespmem:$0x13D70] =	vst v63  }
0x132: {  	s25 =	sadd.s32 $0xFFFFFFFB, s30;
	s26 =	sshra.s32 s2, $0x2;
	_ =	swait.ge @!p5 [sflag:s20], $0xA00  }
0x133: {  	s9 =	sadd.s32 $0xFFFFFFFE, s30;
	p2 =	sgt.u32 s24, $0xF9;
	[sflag:s20] =	ssyncset.done @!p5 $0x0  }
0x134: {  	s8 =	sshra.s32 @!p2 s31, $0x2;
	s11 =	simm.s32 @!p5 $0xBA40;
	[sflag:s20] =	ssyncadd.s32 @!p5 $0xFFFFF600  }
0x135: {  	[tilespmem:s11], [sflag:$0x4] =	stream.indirect.gather @!p5 [hbm4b:s7+s10], $0x20, s12, s10, $0xb8;
	[tilespmem:$0x13D70] =	vst v63  }
0x136: {  	p0 =	seq.s32 @!p2 s2, $0x0;
	s3 =	sadd.s32 @!p2 $0x140, s8;
	_ =	swait.ge [sflag:s14], $0xA00  }
0x137: {  	s5 =	sadd.s32 @!p2 $0x4F60, s8;
	p1 =	por p0, p2;
	[sflag:s14] =	ssyncset.done $0x0  }
0x138: {  	s20 =	sadd.s32 $0x4E20, s26;
	s12 =	simm.s32 @!p1 $0xD;
	[sflag:s14] =	ssyncadd.s32 $0xFFFFF600  }
0x139: {  	[spmem:s1] =	stream.indirect.scatter.add.f32 [tilespmem:s18], [sflag:$0x9], $0x20, s20, s17, $0xb8;
	[tilespmem:$0x13D70] =	vst v63  }
0x13a: {  	s4 =	sadd.s32 @!p2 $0x280, s8;
	s8 =	sshra.s32 @!p6 s31, $0x2;
	_ =	swait.ge @!p1 [sflag:s12], $0xA00  }
0x13b: {  	p4 =	sgt.u32 s9, $0xF9;
	s8 =	sadd.s32 @!p6 $0x5050, s8;
	[sflag:s12] =	ssyncset.done @!p1 $0x0  }
0x13c: {  	s11 =	simm.s32 @!p2 $0xC440;
	s10 =	simm.s32 @!p2 $0x50;
	[sflag:s12] =	ssyncadd.s32 @!p1 $0xFFFFF600  }
0x13d: {  	[tilespmem:s11], [sflag:$0x5] =	stream.indirect.gather @!p2 [hbm4b:s7+s10], $0x20, s3, s10, $0xb8;
	[tilespmem:$0x13D70] =	vst v63  }
0x13e: {  	s29 =	smov.u32 s8;
	p0 =	seq.s32 @!p4 s2, $0x0;
	_ =	swait.ge [sflag:s15], $0xA00  }
0x13f: {  	s21 =	sadd.s32 $0x4E70, s26;
	p0 =	por p0, p4;
	[sflag:s15] =	ssyncset.done $0x0  }
0x140: {  	s22 =	simm.s32 @!p0 $0xE;
	p5 =	sgt.u32 s25, $0xF9;
	[sflag:s15] =	ssyncadd.s32 $0xFFFFF600  }
0x141: {  	[spmem:s1] =	stream.indirect.scatter.add.f32 [tilespmem:s19], [sflag:$0xA], $0x20, s21, s17, $0xb8;
	[tilespmem:$0x13D70] =	vst v63  }
0x142: {  	s26 =	simm.s32 @!p5 $0x3;
	s20 =	sshra.s32 @!p4 s2, $0x2;
	_ =	swait.ge @!p0 [sflag:s22], $0xA00  }
0x143: {  	s9 =	simm.s32 @!p5 $0xB040;
	s8 =	sadd.s32 @!p4 $0x190, s20;
	[sflag:s22] =	ssyncset.done @!p0 $0x0  }
0x144: {  	s3 =	simm.s32 @!p4 $0x50;
	s21 =	simm.s32 @!p4 $0xCE40;
	[sflag:s22] =	ssyncadd.s32 @!p0 $0xFFFFF600  }
0x145: {  	[tilespmem:s21], [sflag:$0x6] =	stream.indirect.gather @!p4 [hbm4b:s7+s3], $0x20, s8, s3, $0xb8;
	[tilespmem:$0x13D70] =	vst v63  }
0x146: {  	s12 =	sshra.s32 @!p5 s2, $0x2;
	p1 =	seq.s32 @!p5 s2, $0x0;
	_ =	swait.ge @!p5 [sflag:s26], $0xA00  }
0x147: {  	s23 =	sadd.s32 @!p5 $0x4EC0, s12;
	p3 =	por p1, p5;
	[sflag:s26] =	ssyncset.done @!p5 $0x0  }
0x148: {  	s8 =	simm.s32 @!p3 $0xF;
	[sflag:s26] =	ssyncadd.s32 @!p5 $0xFFFFF600;
	s26 =	simm.s32 @!p5 $0x50  }
0x149: {  	[spmem:s1] =	stream.indirect.scatter.add.f32 @!p5 [tilespmem:s9], [sflag:$0xB], $0x20, s23, s26, $0xb8;
	[tilespmem:$0x13D70] =	vst v63  }
0x14a: {  	_ =	swait.ge @!p3 [sflag:s8], $0xA00  }
0x14b: {  	s24 =	sadd.s32 @!p5 $0x1E0, s12;
	[sflag:s8] =	ssyncset.done @!p3 $0x0  }
0x14c: {  	s9 =	simm.s32 @!p5 $0x4;
	[sflag:s8] =	ssyncadd.s32 @!p3 $0xFFFFF600;
	s8 =	simm.s32 @!p5 $0xD840  }
0x14d: {  	[tilespmem:s8], [sflag:$0x7] =	stream.indirect.gather @!p5 [hbm4b:s7+s26], $0x20, s24, s26, $0xb8;
	[tilespmem:$0x13D70] =	vst v63  }
0x14e: {  	_ =	swait.ge @!p5 [sflag:s9], $0xA00  }
0x14f: {  	s25 =	sadd.s32 @!p5 $0x4F10, s12;
	[sflag:s9] =	ssyncset.done @!p5 $0x0  }
0x150: {  	s8 =	simm.s32 @!p5 $0xBA40;
	[sflag:s9] =	ssyncadd.s32 @!p5 $0xFFFFF600;
	s9 =	simm.s32 @!p3 $0x10  }
0x151: {  	[spmem:s1] =	stream.indirect.scatter.add.f32 @!p5 [tilespmem:s8], [sflag:$0xC], $0x20, s25, s26, $0xb8;
	[tilespmem:$0x13D70] =	vst v63  }
0x152: {  	_ =	swait.ge @!p3 [sflag:s9], $0xA00  }
0x153: {  	s12 =	sadd.s32 @!p5 $0x230, s12;
	[sflag:s9] =	ssyncset.done @!p3 $0x0  }
0x154: {  	s8 =	simm.s32 @!p5 $0xE240;
	[sflag:s9] =	ssyncadd.s32 @!p3 $0xFFFFF600;
	s9 =	simm.s32 @!p2 $0x5  }
0x155: {  	[tilespmem:s8], [sflag:$0x8] =	stream.indirect.gather @!p5 [hbm4b:s7+s26], $0x20, s12, s26, $0xb8;
	[tilespmem:$0x13D70] =	vst v63  }
0x156: {  	s31 =	sadd.s32 $0xA00, s31;
	_ =	swait.ge @!p2 [sflag:s9], $0xA00  }
0x157: {  	p1 =	por p6, p6;
	s22 =	sadd.s32 @!p4 $0x4FB0, s20;
	[sflag:s9] =	ssyncset.done @!p2 $0x0  }
0x158: {  	s20 =	sadd.s32 @!p4 $0x2D0, s20;
	s8 =	simm.s32 @!p2 $0x9;
	[sflag:s9] =	ssyncadd.s32 @!p2 $0xFFFFF600  }
0x159: {  	[spmem:s1] =	stream.indirect.scatter.add.f32 @!p2 [tilespmem:s11], [sflag:$0xD], $0x20, s5, s10, $0xb8;
	[tilespmem:$0x13D70] =	vst v63  }
0x15a: {  	p0 =	sne.s32 s31, $0x14000;
	s26 =	sadd.s32 $0xFFFFFFFF, s30;
	_ =	swait.ge @!p2 [sflag:s8], $0xA00  }
0x15b: {  	s9 =	simm.s32 @!p4 $0xA640;
	[sflag:s8] =	ssyncset.done @!p2 $0x0;
	s25 =	sld [smem:$0x7F8]  }
0x15c: {  	s11 =	simm.s32 @!p1 $0xE240;
	s5 =	simm.s32 @!p2 $0x9C40;
	[sflag:s8] =	ssyncadd.s32 @!p2 $0xFFFFF600  }
0x15d: {  	[tilespmem:s5], [sflag:$0x1] =	stream.indirect.gather @!p2 [hbm4b:s7+s10], $0x20, s4, s10, $0xb8;
	[tilespmem:$0x13D70] =	vst v63  }
0x15e: {  	s8 =	simm.s32 @!p4 $0x6;
	p2 =	sgt.u32 s26, $0xF9;
	p6 =	seq.s32 s25, $0x1  }
0x15f: {  	_ =	swait.ge @!p4 [sflag:s8], $0xA00;
	p3 =	sgt.u32 @!p2 s0, $0x1D;
	s23 =	simm.s32 @!p2 $0x50  }
0x160: {  	p5 =	por p6, p1;
	[sflag:s8] =	ssyncset.done @!p4 $0x0;
	p3 =	por p3, p2  }
0x161: {  	s4 =	sshra.s32 @!p5 s2, $0x2;
	s10 =	simm.s32 @!p5 $0x50;
	[sflag:s8] =	ssyncadd.s32 @!p4 $0xFFFFF600  }
0x162: {  	s8 =	sshra.s32 @!p2 s2, $0x2;
	s12 =	sadd.s32 @!p5 $0x370, s4;
	s4 =	simm.s32 @!p4 $0xA  }
0x163: {  	[spmem:s1] =	stream.indirect.scatter.add.f32 @!p4 [tilespmem:s21], [sflag:$0xE], $0x20, s22, s3, $0xb8;
	[tilespmem:$0x13D70] =	vst v63  }
0x164: {  	s5 =	sshra.s32 @!p3 s2, $0x2;
	s2 =	simm.s32 @!p2 $0x7;
	_ =	swait.ge @!p4 [sflag:s4], $0xA00  }
.Ltmp0:
0x165: {  	s22 =	simm.s32 @!p2 $0xD840;
	[sflag:s4] =	ssyncset.done @!p4 $0x0;
	(pc) =	sbr.rel @p0 .LBB2_2-.Ltmp0, $4  }
0x166: {  	s5 =	sadd.s32 @!p3 $0x320, s5;
	s21 =	simm.s32 @!p1 $0x50;
	[sflag:s4] =	ssyncadd.s32 @!p4 $0xFFFFF600  }
0x167: {  	[tilespmem:s9], [sflag:$0x2] =	stream.indirect.gather @!p4 [hbm4b:s7+s3], $0x20, s20, s3, $0xb8;
	[tilespmem:$0x13D70] =	vst v63  }
0x168: {  	s8 =	sadd.s32 @!p2 $0x5000, s8;
	s4 =	simm.s32 @!p3 $0xB040;
	_ =	swait.ge @!p2 [sflag:s2], $0xA00  }
0x169: {  	s3 =	simm.s32 @!p3 $0x50;
	s20 =	simm.s32 @!p3 $0xB;
	[sflag:s2] =	ssyncset.done @!p2 $0x0  }
0x16a: {  	[sflag:s2] =	ssyncadd.s32 @!p2 $0xFFFFF600  }
0x16b: {  	[spmem:s1] =	stream.indirect.scatter.add.f32 @!p2 [tilespmem:s22], [sflag:$0xF], $0x20, s8, s23, $0xb8;
	[tilespmem:$0x13D70] =	vst v63  }
0x16c: {  	_ =	swait.ge @!p3 [sflag:s20], $0xA00  }
0x16d: {  	[sflag:s20] =	ssyncset.done @!p3 $0x0  }
0x16e: {  	s0 =	simm.s32 @!p1 $0x8;
	[sflag:s20] =	ssyncadd.s32 @!p3 $0xFFFFF600  }
0x16f: {  	[tilespmem:s4], [sflag:$0x3] =	stream.indirect.gather @!p3 [hbm4b:s7+s3], $0x20, s5, s3, $0xb8;
	[tilespmem:$0x13D70] =	vst v63  }
0x170: {  	_ =	swait.ge @!p1 [sflag:s0], $0xA00  }
0x171: {  	[sflag:s0] =	ssyncset.done @!p1 $0x0  }
0x172: {  	[sflag:s0] =	ssyncadd.s32 @!p1 $0xFFFFF600;
	s0 =	simm.s32 @!p5 $0xC  }
0x173: {  	[spmem:s1] =	stream.indirect.scatter.add.f32 @!p1 [tilespmem:s11], [sflag:$0x10], $0x20, s29, s21, $0xb8;
	[tilespmem:$0x13D70] =	vst v63  }
0x174: {  	_ =	swait.ge @!p5 [sflag:s0], $0xA00  }
0x175: {  	[sflag:s0] =	ssyncset.done @!p5 $0x0  }
0x176: {  	[sflag:s0] =	ssyncadd.s32 @!p5 $0xFFFFF600;
	s0 =	simm.s32 @!p5 $0xBA40  }
0x177: {  	[tilespmem:s0], [sflag:$0x4] =	stream.indirect.gather @!p5 [hbm4b:s7+s10], $0x20, s12, s10, $0xb8;
	[tilespmem:$0x13D70] =	vst v63  }
0x178: {  	s10 =	simm.s32 $0xB  }
0x179: {  	_ =	swait.ge [sflag:s10], $0xA00  }
0x17a: {  	[sflag:s10] =	ssyncset.done $0x0  }
0x17b: {  	s11 =	simm.s32 $0xC;
	[sflag:s10] =	ssyncadd.s32 $0xFFFFF600  }
0x17c: {  	_ =	swait.ge [sflag:s11], $0xA00  }
0x17d: {  	[sflag:s11] =	ssyncset.done $0x0  }
0x17e: {  	s12 =	simm.s32 $0xD;
	[sflag:s11] =	ssyncadd.s32 $0xFFFFF600  }
0x17f: {  	_ =	swait.ge [sflag:s12], $0xA00  }
0x180: {  	[sflag:s12] =	ssyncset.done $0x0  }
0x181: {  	s20 =	simm.s32 $0xE;
	[sflag:s12] =	ssyncadd.s32 $0xFFFFF600  }
0x182: {  	_ =	swait.ge [sflag:s20], $0xA00  }
0x183: {  	[sflag:s20] =	ssyncset.done $0x0  }
0x184: {  	s21 =	simm.s32 $0xF;
	[sflag:s20] =	ssyncadd.s32 $0xFFFFF600  }
0x185: {  	_ =	swait.ge [sflag:s21], $0xA00  }
0x186: {  	[sflag:s21] =	ssyncset.done $0x0  }
0x187: {  	s22 =	simm.s32 $0x10;
	[sflag:s21] =	ssyncadd.s32 $0xFFFFF600  }
0x188: {  	_ =	swait.ge [sflag:s22], $0xA00  }
0x189: {  	[sflag:s22] =	ssyncset.done $0x0  }
0x18a: {  	[sflag:s22] =	ssyncadd.s32 $0xFFFFF600  }
0x18b: {  	_ =	swait.ge [sflag:s16], $0xA00  }
0x18c: {  	[sflag:s16] =	ssyncset.done $0x0  }
0x18d: {  	s23 =	simm.s32 $0xA;
	[sflag:s16] =	ssyncadd.s32 $0xFFFFF600  }
0x18e: {  	_ =	swait.ge [sflag:s23], $0xA00  }
0x18f: {  	[sflag:s23] =	ssyncset.done $0x0  }
0x190: {  	[sflag:s23] =	ssyncadd.s32 $0xFFFFF600  }
0x191: {  	s24 =	stileid.u32;
	[bflag:$0x0] =	sbarrier.arrive $0xFFFF  }
0x192: {  	s0 =	sshll.u32 s24, $0x6;
	s25 =	rddreg [dreg:$0x16]  }
0x193: {  	s29 =	simm.s32 $0x11;
	s0 =	sor.u32 $0x1C11, s0;
	s26 =	rddreg [dreg:$0x17]  }
0x194: {  	[hbm:s25], [sflag:s0] =	dma.local [spmem:s26], $0x9C0  }
0x195: {  	_ =	swait.ge [sflag:s29], $0x9C0  }
0x196: {  	s30 =	sld [smem:$0x7FD];
	_ =	sdelay $0x2  }
0x197: {  	[sflag:s29] =	ssyncset.done $0x0;
	s2 =	rddreg [dreg:$0x6];
	p1 =	seq.s32 s30, $0x1  }
0x198: {  	[sflag:s29] =	ssyncadd.s32 $0xFFFFF640;
	s2 =	sadd.s32 @!p1 $0x9C00, s2;
	s3 =	sshrl.u32 @!p1 s6, $0x3  }
0x199: {  	[hbm:s2], [sflag:s0] =	dma.local @!p1 [spmem:s3], $0x40  }
0x19a: {  	s0 =	simm.s32 @!p1 $0x11  }
0x19b: {  	_ =	swait.ge @!p1 [sflag:s0], $0x40  }
0x19c: {  	s28 =	sadd.s32 $0x1, s28;
	s31 =	rddreg [dreg:$0x8]  }
0x19d: {  	p0 =	sne.s32 s28, s31  }
.Ltmp1:
0x19e: {  	_ = 	snop;
	(pc) =	sbr.rel @p0 .LBB2_1-.Ltmp1, $3  }
0x19f: {  	_ =	sdelay $0x1  }
0x1a0: {  	[sflag:s0] =	ssyncset.done @!p1 $0x0  }
0x1a1: {  	[sflag:s0] =	ssyncadd.s32 @!p1 $0xFFFFFFC0  }
0x1a2: {  	_ =	sfence.sel $0x180000  }
0x1a3: {  	[bflag:$0x0] =	sbarrier.arrive $0xFFFF  }
0x1a4: {  	_ =	strace $0x9000004D  }
0x1a5: {  	[bflag:$0x2] =	sbarrier.arrive $0xFFFF  }
0x1a6: {  	s0 =	rddreg [dreg:$0x3]  }
0x1a7: {  	s0 =	sadd.s32 @!p1 $0x100000, s0  }
0x1a8: {  	[sflag:s0] =	ssyncadd.tile.s32 @!p1 $0x1;
	_ =	shalt  }
.Lfunc_end2:
_tile_overlayer_lowered:
.L_overlay_start_2:
0x1a9: {  	(tag) =	ssettag $0x2  }
0x1aa: {  	s0 =	rddreg [dreg:$0x0];
	s2 =	stileid.u32  }
0x1ab: {  	s1 =	rddreg [dreg:$0x1];
	p0 =	sne.s32 s2, $0x0  }
0x1ac: {  	s3 =	rddreg [dreg:$0x2];
	[bflag:$0x3] =	sbarrier.arrive $0xFFFF;
	s2 =	simm.s32 @!p0 $0x1C11  }
0x1ad: {  	[timem:s3], [sflag:s2] =	dma.local @!p0 [hbm:s0], s1  }
0x1ae: {  	s0 =	simm.s32 @!p0 $0x11  }
0x1af: {  	_ =	swait.ge @!p0 [sflag:s0], s1  }
0x1b0: {  	s1 =	ssub.s32 @!p0 $0x0, s1;
	[sflag:s0] =	ssyncset.done @!p0 $0x0  }
0x1b1: {  	[sflag:s0] =	ssyncadd.s32 @!p0 s1  }
0x1b2: {  	[bflag:$0x3] =	sbarrier.arrive $0xFFFF  }
0x1b3: {  	_ =	shalt  }

// kernel: kernel.9.cloned.1.call-start
scs
__scs_entry_jumppad:
0x0: {  	(pc) =	sbr.rel $0x88, $3  }
0x1: {  	(tag) =	ssettag $0x0;
	lr =	simm.s32 $0x1  }
0x2: {  	[smem:$0x3F92] =	sst lr;
	_ =	strace $0xD0000000  }
0x3: {  	_ = 	snop  }
0x4: {  	_ = 	snop  }
0x5: {  	_ = 	snop  }
0x6: {  	_ = 	snop  }
0x7: {  	_ = 	snop  }
__scs_overlays_trampoline_lowered:
0x8: {  	[smem:$0x3FA1] =	sst s0  }
0x9: {  	[smem:$0x3FA2] =	sst s1  }
0xa: {  	[smem:$0x3FA3] =	sst s2  }
0xb: {  	[smem:$0x3FA4] =	sst s3  }
0xc: {  	[smem:$0x3FA5] =	sst s4  }
0xd: {  	[smem:$0x3FA6] =	sst s5  }
0xe: {  	[smem:$0x3FA7] =	sst s6  }
0xf: {  	[smem:$0x3FA8] =	sst s7  }
0x10: {  	[smem:$0x3FA9] =	sst s8  }
0x11: {  	[smem:$0x3FAA] =	sst s9;
	s0 =	simm.s32 @!p0 $0x0  }
0x12: {  	s1 =	sld [smem:$0x3F90];
	s0 =	simm.s32 @p0 $0x1  }
0x13: {  	[smem:$0x3FAB] =	sst s0;
	s0 =	simm.s32 @!p1 $0x0  }
0x14: {  	s2 =	sld [smem:$0x3F8F];
	s0 =	simm.s32 @p1 $0x1  }
0x15: {  	[smem:$0x3FAC] =	sst s0;
	s0 =	simm.s32 @!p2 $0x0  }
0x16: {  	s3 =	sld [smem:$0x3FDB];
	s0 =	simm.s32 @p2 $0x1  }
0x17: {  	s4 =	simm.s32 $0x1BF5;
	[smem:$0x3FAE] =	sst s0  }
0x18: {  	s0 =	sld [smem:$0x3F91];
	_ =	swait.ge [sflag:s4], $0x0  }
0x19: {  	s7 =	sld [smem:$0x3F92]  }
0x1a: {  	s8 =	sadd.s32 $0xFFFFE003, lr  }
0x1b: {  	s9 =	sadd.s32 $0xFFFFFEF7, lr;
	s5 =	simm.s32 $0xFFFFFFFF;
	p2 =	slt.u32 s8, $0xFFFFF086  }
0x1c: {  	p1 =	slt.u32 s9, $0xF7A;
	s5 =	simm.s32 @!p2 $0x0  }
0x1d: {  	s5 =	simm.s32 @p1 $0x1;
	p0 =	seq.s32 s7, s2  }
0x1e: {  	s7 =	smul.u32 @!p0 $0xF7A, s2;
	p2 =	seq.s32 @!p0 s5, $0x0  }
0x1f: {  	s9 =	smul.u32 $0xF7A, s1;
	s8 =	simm.s32 @!p0 $0x1BF5;
	p2 =	por !p2, p0  }
0x20: {  	[sflag:s8] =	ssyncset.s32 @!p0 $0xFFFFF086;
	s6 =	sadd.s32 @!p0 s3, s7;
	s7 =	simm.s32 @!p0 $0x108  }
0x21: {  	s3 =	sadd.s32 s3, s9;
	s6 =	sadd.s32 @!p0 $0x88, s6;
	s7 =	simm.s32 @p2 $0x1082  }
0x22: {  	[simem:s7], [sflag:s8] =	dma.local @!p0 [hbm:s6], $0xF7A  }
0x23: {  	s9 =	sor.u32 $0xD0000000, s2;
	s6 =	simm.s32 $0x108;
	_ =	swait.ge @!p0 [sflag:s8], $0x0  }
0x24: {  	s3 =	sadd.s32 $0x88, s3;
	s6 =	simm.s32 @!p1 $0x1082;
	[sflag:s4] =	ssyncset.s32 $0xFFFFF086  }
0x25: {  	[simem:s6], [sflag:s4] =	dma.local [hbm:s3], $0xF7A  }
0x26: {  	[smem:$0x3F92] =	sst s1;
	(tag) =	ssettag s2;
	_ =	strace s9  }
0x27: {  	s1 =	sld [smem:$0x3FA2]  }
0x28: {  	s2 =	sld [smem:$0x3FA3]  }
0x29: {  	s4 =	sld [smem:$0x3FA5]  }
0x2a: {  	p0 =	seq.s32 s5, $0x0;
	s5 =	sld [smem:$0x3FA6]  }
0x2b: {  	s6 =	sld [smem:$0x3FA7]  }
0x2c: {  	s7 =	sld [smem:$0x3FA8]  }
0x2d: {  	s3 =	simm.s32 $0x108;
	s8 =	sld [smem:$0x3FA9]  }
0x2e: {  	s3 =	simm.s32 @!p0 $0x1082;
	s9 =	sld [smem:$0x3FAA]  }
0x2f: {  	lr =	sadd.s32 s0, s3;
	s0 =	sld [smem:$0x3FA1]  }
0x30: {  	s3 =	sld [smem:$0x3FA4]  }
0x31: {  	[smem:$0x3FAD] =	sst s10  }
0x32: {  	s10 =	sld [smem:$0x3FAB];
	_ =	sdelay $0x3  }
0x33: {  	p0 =	seq.s32 s10, $0x1;
	s10 =	sld [smem:$0x3FAD];
	_ =	sdelay $0x3  }
0x34: {  	[smem:$0x3FAD] =	sst s10  }
0x35: {  	s10 =	sld [smem:$0x3FAC];
	_ =	sdelay $0x3  }
0x36: {  	p1 =	seq.s32 s10, $0x1;
	s10 =	sld [smem:$0x3FAD];
	_ =	sdelay $0x3  }
0x37: {  	[smem:$0x3FAD] =	sst s10  }
0x38: {  	s10 =	sld [smem:$0x3FAE]  }
0x39: {  	_ = 	snop;
	(pc) =	sbr.ind lr, $3  }
0x3a: {  	_ = 	snop  }
0x3b: {  	_ = 	snop  }
0x3c: {  	p2 =	seq.s32 s10, $0x1;
	s10 =	sld [smem:$0x3FAD]  }
0x3d: {  	_ =	shalt  }
0x3e: {  	_ =	shalt  }
0x3f: {  	_ =	shalt  }
0x40: {  	_ =	shalt  }
0x41: {  	_ =	shalt  }
0x42: {  	_ =	shalt  }
0x43: {  	_ =	shalt  }
0x44: {  	_ =	shalt  }
0x45: {  	_ =	shalt  }
0x46: {  	_ =	shalt  }
0x47: {  	_ =	shalt  }
0x48: {  	_ =	shalt  }
0x49: {  	_ =	shalt  }
0x4a: {  	_ =	shalt  }
0x4b: {  	_ =	shalt  }
0x4c: {  	_ =	shalt  }
0x4d: {  	_ =	shalt  }
0x4e: {  	_ =	shalt  }
0x4f: {  	_ =	shalt  }
0x50: {  	_ =	shalt  }
0x51: {  	_ =	shalt  }
0x52: {  	_ =	shalt  }
0x53: {  	_ =	shalt  }
0x54: {  	_ =	shalt  }
0x55: {  	_ =	shalt  }
0x56: {  	_ =	shalt  }
0x57: {  	_ =	shalt  }
0x58: {  	_ =	shalt  }
0x59: {  	_ =	shalt  }
0x5a: {  	_ =	shalt  }
0x5b: {  	_ =	shalt  }
0x5c: {  	_ =	shalt  }
0x5d: {  	_ =	shalt  }
0x5e: {  	_ =	shalt  }
0x5f: {  	_ =	shalt  }
0x60: {  	_ =	shalt  }
0x61: {  	_ =	shalt  }
0x62: {  	_ =	shalt  }
0x63: {  	_ =	shalt  }
0x64: {  	_ =	shalt  }
0x65: {  	_ =	shalt  }
0x66: {  	_ =	shalt  }
0x67: {  	_ =	shalt  }
0x68: {  	_ =	shalt  }
0x69: {  	_ =	shalt  }
0x6a: {  	_ =	shalt  }
0x6b: {  	_ =	shalt  }
0x6c: {  	_ =	shalt  }
0x6d: {  	_ =	shalt  }
0x6e: {  	_ =	shalt  }
0x6f: {  	_ =	shalt  }
0x70: {  	_ =	shalt  }
0x71: {  	_ =	shalt  }
0x72: {  	_ =	shalt  }
0x73: {  	_ =	shalt  }
0x74: {  	_ =	shalt  }
0x75: {  	_ =	shalt  }
0x76: {  	_ =	shalt  }
0x77: {  	_ =	shalt  }
0x78: {  	_ =	shalt  }
0x79: {  	_ =	shalt  }
0x7a: {  	_ =	shalt  }
0x7b: {  	_ =	shalt  }
0x7c: {  	_ =	shalt  }
0x7d: {  	_ =	shalt  }
0x7e: {  	_ =	shalt  }
0x7f: {  	_ =	shalt  }
0x80: {  	_ =	shalt  }
0x81: {  	_ =	shalt  }
0x82: {  	_ =	shalt  }
0x83: {  	_ =	shalt  }
0x84: {  	_ =	shalt  }
0x85: {  	_ =	shalt  }
0x86: {  	_ =	shalt  }
0x87: {  	_ =	shalt  }
.Lfunc_end0:
.L_simem_size_0:
called_computation_lowered:
.L_overlay_start_0:
0x88: {  	s2 =	sld [smem:$0x3FD9]  }
0x89: {  	s3 =	sld [smem:$0x3FFE];
	_ =	sdelay $0x1  }
0x8a: {  	s1 =	srdreg.scid  }
0x8b: {  	s0 =	sand.u32 $0x1, s1  }
0x8c: {  	s17 =	sshll.u32 s0, $0xA;
	s2 =	sadd.s32 s3, s2  }
0x8d: {  	s2 =	sadd.s32 s2, s17  }
0x8e: {  	[smem:$0x3FB9] =	sst s2  }
0x8f: {  	_ = 	snop  }
0x90: {  	s2 =	sld [smem:$0x3FD0];
	(tm) =	ssettm $0x1  }
0x91: {  	s18 =	sld [smem:$0x3FFB];
	_ =	sdelay $0x3  }
0x92: {  	_ =	strace s18  }
0x93: {  	s3 =	sld [smem:$0x3FFC];
	_ =	sdelay $0x3  }
0x94: {  	_ =	strace s3  }
0x95: {  	s3 =	sld [smem:$0x3FFD];
	_ =	sdelay $0x3  }
0x96: {  	_ =	strace s3  }
0x97: {  	_ =	strace $0x8FFFFFFF  }
0x98: {  	s19 =	sld [smem:$0x3FDB];
	_ =	sdelay $0x1  }
0x99: {  	s4 =	simm.s32 $_scs_section_size  }
0x9a: {  	s5 =	simm.s32 $_size__tile_overlayer_lowered;
	s6 =	simm.s32 $_tile_overlayer_lowered  }
0x9b: {  	s22 =	simm.s32 $0x1BFF;
	s21 =	sshll.u32 s6, $0x1;
	s3 =	sadd.s32 s4, s19  }
0x9c: {  	s7 =	simm.s32 $0x0;
	s20 =	sshll.u32 s5, $0x1;
	s5 =	sadd.s32 s21, s3  }
0x9d: {  	[timem:s7], [sflag:s22] =	dma.local [hbm:s5], s20  }
0x9e: {  	_ =	swait.ge [sflag:s22], s20  }
0x9f: {  	s4 =	ssub.s32 $0x0, s20;
	[sflag:s22] =	ssyncset.done $0x0  }
0xa0: {  	[sflag:s22] =	ssyncadd.s32 s4;
	_ =	sdelay $0x1  }
0xa1: {  	s23 =	simm.s32 $0x1B8B  }
0xa2: {  	_ =	swait.ge [sflag:s23], $0x1  }
0xa3: {  	[sflag:s23] =	ssyncset.done $0x0  }
0xa4: {  	s25 =	simm.s32 $0x1B8E;
	s24 =	sld [smem:$0x3FFE];
	[sflag:s23] =	ssyncadd.s32 $0xFFFFFFFF  }
0xa5: {  	s26 =	simm.s32 $execute0_lowered;
	[smem:$0x3FD2] =	sst s25  }
0xa6: {  	s5 =	sshll.u32 s26, $0x1;
	_ =	strace $0x80000046;
	[dreg:$0x1] =	wrdreg $0xFFFFFFFF  }
0xa7: {  	s28 =	simm.s32 $_size_execute0_lowered;
	s3 =	sadd.s32 s3, s5;
	[dreg:$0x0] =	wrdreg $0x0  }
0xa8: {  	s5 =	sshll.u32 s28, $0x1;
	[dreg:$0x2] =	wrdreg s3  }
0xa9: {  	[dreg:$0x3] =	wrdreg s5  }
0xaa: {  	[dreg:$0x4] =	wrdreg $0xC0  }
0xab: {  	_ =	task [dreg:s7], $0x5FFFF  }
0xac: {  	[dreg:$0x1] =	wrdreg $0xFFFFFFFF  }
0xad: {  	[dreg:$0x0] =	wrdreg $0x60  }
0xae: {  	[dreg:$0x2] =	wrdreg s24  }
0xaf: {  	[dreg:$0x3] =	wrdreg s2  }
0xb0: {  	[dreg:$0x4] =	wrdreg $0xF2400  }
0xb1: {  	[dreg:$0x5] =	wrdreg $0x195200  }
0xb2: {  	[dreg:$0x6] =	wrdreg $0x9  }
0xb3: {  	_ =	task.clear_ibuf [dreg:s7], $0x7FFFF;
	_ =	strace $0x90000046  }
0xb4: {  	s29 =	simm.s32 $0x9;
	_ =	strace $0x80000048  }
0xb5: {  	_ =	swait.ge [sflag:s29], $0x1  }
0xb6: {  	[sflag:s29] =	ssyncadd.s32 $0xFFFFFFFF  }
0xb7: {  	_ =	strace $0x90000048  }
0xb8: {  	_ =	sfence  }
0xb9: {  	s30 =	sld [smem:$0x0];
	_ =	sdelay $0x2  }
0xba: {  	s31 =	sshll.u32 s1, $0xD;
	s1 =	sshrl.u32 s1, $0x2  }
0xbb: {  	s3 =	sand.u32 $0x4000, s31;
	s1 =	sadd.s32 s1, s30  }
0xbc: {  	s0 =	sor.u32 s3, s0;
	s1 =	sshll.u32 s1, $0x11  }
0xbd: {  	s0 =	sor.u32 s1, s0  }
0xbe: {  	s0 =	sadd.s32 $0x8F2B, s0  }
0xbf: {  	[sflag:s0] =	ssyncadd.remote.s32 $0x1  }
0xc0: {  	_ =	sfence.sel $0xFFFF  }
0xc1: {  	[dreg:$0x0] =	wrdreg $0xFFFFFFFF;
	(pc) =	sbr.abs _section_cstart, $3  }
0xc2: {  	[dreg:$0x1] =	wrdreg $0xFFFFFFFF  }
0xc3: {  	_ =	task.clear_ibuf [dreg:s7], $0x2FFFF;
	_ =	strace $0x9FFFFFFF  }
0xc4: {  	(tm) =	ssettm $0x7FFFFFFF  }
0xc5: {  	_ =	shalt  }
tec
execute0_lowered:
.L_overlay_start_1:
0x0: {  	(tag) =	ssettag $0x1  }
0x1: {  	s0 =	rddreg [dreg:$0x0]  }
0x2: {  	s4 =	rddreg [dreg:$0x1];
	s11 =	stileid.u32  }
0x3: {  	s3 =	srdreg.scid;
	s6 =	smul.u32 $0x9C4, s11  }
0x4: {  	s1 =	rddreg [dreg:$0x2];
	s5 =	sand.u32 $0x1, s3;
	s3 =	smul.u32 $0x270, s11  }
0x5: {  	s2 =	rddreg [dreg:$0x3];
	s7 =	simm.s32 $0x0;
	s25 =	smul.u32 $0x2700, s11  }
0x6: {  	[smem:$0x7FF] =	sst s7;
	s30 =	smul.u32 $0x27000, s11  }
0x7: {  	s23 =	smul.u32 $0x13880, s5;
	_ =	strace $0x80000047;
	s8 =	ssub.s32 $0x2, s5  }
0x8: {  	s10 =	smul.u32 $0x4E20, s5;
	s6 =	sadd.s32 s6, s0;
	s9 =	sshrl.u32 s8, $0x1  }
0x9: {  	s11 =	sshrl.u32 s30, $0x2;
	s14 =	sadd.s32 $0x18, s3;
	s16 =	sadd.s32 $0x30, s3  }
0xa: {  	s29 =	sadd.s32 $0x1E0, s3;
	s0 =	sadd.s32 s23, s0;
	[smem:$0x7D8] =	sst s14  }
0xb: {  	s24 =	ssub.s32 s8, s9;
	s26 =	sadd.s32 $0xCA00, s6;
	[smem:$0x7DC] =	sst s16  }
0xc: {  	s6 =	sadd.s32 $0x2C00, s6;
	s31 =	sadd.s32 s4, s10;
	[dreg:$0x5] =	wrdreg s26  }
0xd: {  	s4 =	sshrl.u32 s25, $0x3;
	s10 =	sadd.s32 s25, s2;
	[dreg:$0x6] =	wrdreg s6  }
0xe: {  	s13 =	sadd.s32 s11, s1;
	s15 =	sshll.u32 s14, $0x6;
	[dreg:$0x8] =	wrdreg s31  }
0xf: {  	s11 =	sadd.s32 $0x48, s3;
	s17 =	sshll.u32 s16, $0x6;
	[smem:$0x7F8] =	sst s4  }
0x10: {  	s16 =	sadd.s32 $0xA8, s3;
	s8 =	sadd.s32 $0x16800, s0;
	[dreg:$0x9] =	wrdreg s10  }
0x11: {  	s0 =	sadd.s32 $0x3DA00, s0;
	s12 =	smax.u32 s24, $0x1;
	[dreg:$0xb] =	wrdreg s13  }
0x12: {  	s18 =	sadd.s32 s17, s1;
	s13 =	sadd.s32 $0x60, s3;
	[dreg:$0x7] =	wrdreg s0  }
0x13: {  	s10 =	sadd.s32 $0x78, s3;
	s17 =	sshll.u32 s16, $0x6;
	[dreg:$0xa] =	wrdreg s12  }
0x14: {  	s0 =	sadd.s32 s15, s1;
	s12 =	sshll.u32 s11, $0x6;
	[dreg:$0xd] =	wrdreg s18  }
0x15: {  	s14 =	sshll.u32 s13, $0x6;
	s21 =	sshll.u32 s10, $0x6;
	s24 =	sadd.s32 s17, s1  }
0x16: {  	s17 =	sadd.s32 $0x108, s3;
	s11 =	sshll.u32 s11, $0x4;
	s13 =	sshll.u32 s13, $0x4  }
0x17: {  	[dreg:$0xc] =	wrdreg s0;
	s19 =	sadd.s32 s12, s1;
	s12 =	sadd.s32 $0x90, s3  }
0x18: {  	s20 =	sadd.s32 s14, s1;
	s22 =	sadd.s32 s21, s1;
	[dreg:$0x12] =	wrdreg s24  }
0x19: {  	s14 =	sadd.s32 $0xC0, s3;
	s0 =	sshll.u32 s17, $0x6;
	[dreg:$0xe] =	wrdreg s19  }
0x1a: {  	s11 =	sadd.s32 s11, s2;
	s13 =	sadd.s32 s13, s2;
	[dreg:$0xf] =	wrdreg s20  }
0x1b: {  	s15 =	sshll.u32 s12, $0x6;
	[dreg:$0x10] =	wrdreg s22;
	s25 =	sshll.u32 s14, $0x6  }
0x1c: {  	s19 =	sadd.s32 $0xF0, s3;
	s4 =	sadd.s32 s0, s1;
	[smem:$0x7DE] =	sst s11  }
0x1d: {  	s22 =	sadd.s32 $0x138, s3;
	[smem:$0x7DF] =	sst s13;
	s11 =	sshll.u32 s16, $0x4  }
0x1e: {  	s23 =	sadd.s32 s15, s1;
	s15 =	sadd.s32 $0xD8, s3;
	[dreg:$0x16] =	wrdreg s4  }
0x1f: {  	s26 =	sadd.s32 s25, s1;
	s20 =	sshll.u32 s19, $0x6;
	[dreg:$0x11] =	wrdreg s23  }
0x20: {  	s16 =	sadd.s32 s11, s2;
	s18 =	sshll.u32 s15, $0x6;
	[dreg:$0x13] =	wrdreg s26  }
0x21: {  	s31 =	sadd.s32 s20, s1;
	s23 =	sshll.u32 s22, $0x6;
	[smem:$0x7E2] =	sst s16  }
0x22: {  	s20 =	sadd.s32 $0x150, s3;
	s30 =	sadd.s32 s18, s1;
	[dreg:$0x15] =	wrdreg s31  }
0x23: {  	s18 =	sadd.s32 $0x120, s3;
	s7 =	sadd.s32 s23, s1;
	[dreg:$0x14] =	wrdreg s30  }
0x24: {  	s9 =	sshll.u32 s20, $0x6;
	s21 =	sshll.u32 s18, $0x6;
	[dreg:$0x18] =	wrdreg s7  }
0x25: {  	s23 =	sadd.s32 s9, s1;
	s16 =	sshll.u32 s18, $0x4;
	s6 =	sadd.s32 s21, s1  }
0x26: {  	s21 =	sadd.s32 $0x168, s3;
	[dreg:$0x19] =	wrdreg s23;
	s23 =	sadd.s32 $0x198, s3  }
0x27: {  	s18 =	sadd.s32 s16, s2;
	[dreg:$0x17] =	wrdreg s6;
	s24 =	sshll.u32 s21, $0x6  }
0x28: {  	s30 =	sshll.u32 s23, $0x6;
	[smem:$0x7E7] =	sst s18;
	s25 =	sadd.s32 s24, s1  }
0x29: {  	s24 =	sadd.s32 $0x1B0, s3;
	s31 =	sadd.s32 s30, s1;
	s30 =	sadd.s32 $0x1F8, s3  }
0x2a: {  	[dreg:$0x1a] =	wrdreg s25;
	s25 =	sadd.s32 $0x180, s3;
	s28 =	sshll.u32 s24, $0x6  }
0x2b: {  	[dreg:$0x1c] =	wrdreg s31;
	s31 =	sshll.u32 s30, $0x6;
	s4 =	sadd.s32 s28, s1  }
0x2c: {  	s26 =	sshll.u32 s25, $0x6;
	s9 =	sadd.s32 s31, s1;
	[dreg:$0x1d] =	wrdreg s4  }
0x2d: {  	s26 =	sadd.s32 s26, s1;
	[smem:$0x7D4] =	sst s9;
	s9 =	sadd.s32 $0x228, s3  }
0x2e: {  	[dreg:$0x1b] =	wrdreg s26;
	s26 =	sadd.s32 $0x1C8, s3;
	s4 =	sshll.u32 s9, $0x6  }
0x2f: {  	s31 =	stileid.u32;
	s28 =	sshll.u32 s26, $0x6;
	s4 =	sadd.s32 s4, s1  }
0x30: {  	s6 =	sadd.s32 s28, s1;
	s28 =	sshll.u32 s29, $0x6;
	[smem:$0x7D6] =	sst s4  }
0x31: {  	s7 =	sadd.s32 s28, s1;
	s28 =	smul.u32 $0x9C00, s31;
	s31 =	sadd.s32 $0x210, s3  }
0x32: {  	[dreg:$0x1e] =	wrdreg s6;
	s0 =	sshll.u32 s31, $0x6  }
0x33: {  	[dreg:$0x1f] =	wrdreg s7;
	s7 =	sadd.s32 $0x240, s3;
	s0 =	sadd.s32 s0, s1  }
0x34: {  	s6 =	sshll.u32 s7, $0x6;
	[smem:$0x7D5] =	sst s0  }
0x35: {  	s4 =	sshrl.u32 s28, $0x3;
	s0 =	sadd.s32 $0x258, s3;
	s3 =	sld [smem:$0x7D8]  }
0x36: {  	s6 =	sadd.s32 s6, s1;
	[smem:$0x7F5] =	sst s4  }
0x37: {  	[smem:$0x7D7] =	sst s6;
	s6 =	sshrl.u32 s28, $0x2  }
0x38: {  	s4 =	sadd.s32 s28, s1;
	s6 =	sadd.s32 s6, s2;
	s28 =	sshll.u32 s3, $0x4  }
0x39: {  	[smem:$0x7DA] =	sst s6;
	s6 =	sadd.s32 s28, s2  }
0x3a: {  	[smem:$0x7DB] =	sst s6  }
0x3b: {  	s18 =	sshll.u32 s30, $0x4;
	s3 =	sshll.u32 s0, $0x6;
	s6 =	sld [smem:$0x7DC]  }
0x3c: {  	s30 =	sld [smem:$0x7F5];
	s0 =	sshll.u32 s0, $0x4;
	s3 =	sadd.s32 s3, s1  }
0x3d: {  	s0 =	sadd.s32 s0, s2;
	[smem:$0x7D9] =	sst s3  }
0x3e: {  	s11 =	sshll.u32 s19, $0x4;
	[smem:$0x7F4] =	sst s0;
	s3 =	sshll.u32 s6, $0x4  }
0x3f: {  	s6 =	sshll.u32 s10, $0x4;
	s10 =	sshll.u32 s12, $0x4;
	s3 =	sadd.s32 s3, s2  }
0x40: {  	s13 =	sadd.s32 s10, s2;
	s10 =	sshll.u32 s15, $0x4;
	[smem:$0x7DD] =	sst s3  }
0x41: {  	s15 =	sshll.u32 s17, $0x4;
	s3 =	sadd.s32 s6, s2;
	[smem:$0x7E1] =	sst s13  }
0x42: {  	s17 =	sshll.u32 s22, $0x4;
	s13 =	sadd.s32 s10, s2;
	[smem:$0x7E0] =	sst s3  }
0x43: {  	s6 =	sshll.u32 s14, $0x4;
	s14 =	sadd.s32 s11, s2;
	[smem:$0x7E4] =	sst s13  }
0x44: {  	s22 =	sshll.u32 s21, $0x4;
	s19 =	sadd.s32 s17, s2;
	[smem:$0x7E5] =	sst s14  }
0x45: {  	s25 =	sshll.u32 s25, $0x4;
	s10 =	sadd.s32 s22, s2;
	[smem:$0x7E8] =	sst s19  }
0x46: {  	s11 =	sadd.s32 s25, s2;
	[smem:$0x7EA] =	sst s10  }
0x47: {  	s12 =	sshll.u32 s23, $0x4;
	s23 =	sshll.u32 s7, $0x4;
	[smem:$0x7EB] =	sst s11  }
0x48: {  	s3 =	sadd.s32 s6, s2;
	s14 =	sshll.u32 s26, $0x4;
	s26 =	rddreg [dreg:$0x7]  }
0x49: {  	s13 =	sshll.u32 s24, $0x4;
	s24 =	sadd.s32 s23, s2;
	[smem:$0x7E3] =	sst s3  }
0x4a: {  	s19 =	sshll.u32 s31, $0x4;
	s31 =	sshrl.u32 s4, $0x3;
	[smem:$0x7F3] =	sst s24  }
0x4b: {  	p5 =	sne.s32 s5, $0x0;
	s10 =	sadd.s32 $0x9C000, s1;
	[smem:$0x7F7] =	sst s31  }
0x4c: {  	p6 =	seq.s32 s5, $0x0;
	s3 =	sadd.s32 s15, s2;
	[smem:$0x7FB] =	sst s10  }
0x4d: {  	s20 =	sshll.u32 s20, $0x4;
	s15 =	sadd.s32 s13, s2;
	[smem:$0x7E6] =	sst s3  }
0x4e: {  	s28 =	simm.s32 $0x9C40;
	s0 =	sadd.s32 s30, s26;
	[smem:$0x7ED] =	sst s15  }
0x4f: {  	s17 =	sshll.u32 s29, $0x4;
	s22 =	sshll.u32 s9, $0x4;
	[smem:$0x7F6] =	sst s0  }
0x50: {  	s25 =	stileid.u32;
	s3 =	sadd.s32 s20, s2;
	s0 =	sld [smem:$0x7F8]  }
0x51: {  	s29 =	simm.s32 $0xB040;
	[smem:$0x7E9] =	sst s3;
	s3 =	sadd.s32 s12, s2  }
0x52: {  	p1 =	sne.s32 s25, $0x0;
	[smem:$0x7EC] =	sst s3;
	s3 =	sadd.s32 s17, s2  }
0x53: {  	s11 =	sadd.s32 $0x27000, s2;
	[smem:$0x7EF] =	sst s3;
	s3 =	sadd.s32 s22, s2  }
0x54: {  	s23 =	simm.s32 $0x2;
	s25 =	simm.s32 $0x6;
	[smem:$0x7F2] =	sst s3  }
0x55: {  	s16 =	sadd.s32 s14, s2;
	s21 =	sadd.s32 s19, s2;
	s3 =	rddreg [dreg:$0x8]  }
0x56: {  	[smem:$0x7EE] =	sst s16;
	s0 =	sadd.s32 @p1 s0, s3;
	s3 =	simm.s32 @!p1 $0x0  }
0x57: {  	s24 =	simm.s32 $0x5;
	[smem:$0x7F1] =	sst s21;
	s3 =	simm.s32 @p1 $0x1  }
0x58: {  	s20 =	sadd.s32 s18, s2;
	[smem:$0x7FA] =	sst s3;
	s3 =	simm.s32 @!p5 $0x0  }
0x59: {  	s26 =	simm.s32 $0x50;
	[smem:$0x7F0] =	sst s20;
	s3 =	simm.s32 @p5 $0x1  }
0x5a: {  	s21 =	simm.s32 $0x193A0;
	[smem:$0x7FC] =	sst s3;
	s3 =	simm.s32 @!p6 $0x0  }
0x5b: {  	s20 =	simm.s32 $0xEC40;
	[smem:$0x7F9] =	sst s0;
	s3 =	simm.s32 @p6 $0x1  }
0x5c: {  	v0 =	vimm.f32 $0.0e+00;
	v1 =	vimm.f32 $1.000000000e+00;
	s22 =	simm.s32 $0x1;
	s0 =	simm.s32 $0x0;
	[smem:$0x7FD] =	sst s3  }
.LBB2_1:
0x5d: {  	s3 =	simm.s32 $0x0;
	s4 =	rddreg [dreg:$0x5]  }
0x5e: {  	[tilespmem:s3], [sflag:$0x1] =	stream.linear.gather [hbm4b:s4+s3], $0x4E20, $0x38;
	[tilespmem:$0x1BC38] =	vst v63  }
0x5f: {  	s31 =	rddreg [dreg:$0x6];
	s6 =	simm.s32 $0x4E20  }
0x60: {  	[tilespmem:s6], [sflag:$0x2] =	stream.linear.gather [hbm4b:s31+s3], $0x4E20, $0x38;
	[tilespmem:$0x1BC38] =	vst v63  }
0x61: {  	[tilespmem:$0xEC40] =	vst v0  }
0x62: {  	[tilespmem:$0xEC50] =	vst v0  }
0x63: {  	[tilespmem:$0xEC60] =	vst v0  }
0x64: {  	[tilespmem:$0xEC70] =	vst v0  }
0x65: {  	[tilespmem:$0xEC80] =	vst v0  }
0x66: {  	[tilespmem:$0xEC90] =	vst v0  }
0x67: {  	[tilespmem:$0xECA0] =	vst v0  }
0x68: {  	[tilespmem:$0xECB0] =	vst v0  }
0x69: {  	[tilespmem:$0xECC0] =	vst v0  }
0x6a: {  	[tilespmem:$0xECD0] =	vst v0  }
0x6b: {  	[tilespmem:$0xECE0] =	vst v0  }
0x6c: {  	[tilespmem:$0xECF0] =	vst v0  }
0x6d: {  	[tilespmem:$0xED00] =	vst v0  }
0x6e: {  	[tilespmem:$0xED10] =	vst v0  }
0x6f: {  	[tilespmem:$0xED20] =	vst v0  }
0x70: {  	[tilespmem:$0xED30] =	vst v0  }
0x71: {  	[tilespmem:$0xED40] =	vst v0  }
0x72: {  	[tilespmem:$0xED50] =	vst v0  }
0x73: {  	[tilespmem:$0xED60] =	vst v0  }
0x74: {  	[tilespmem:$0xED70] =	vst v0  }
0x75: {  	[tilespmem:$0xED80] =	vst v0  }
0x76: {  	[tilespmem:$0xED90] =	vst v0  }
0x77: {  	[tilespmem:$0xEDA0] =	vst v0  }
0x78: {  	[tilespmem:$0xEDB0] =	vst v0  }
0x79: {  	[tilespmem:$0xEDC0] =	vst v0  }
0x7a: {  	[tilespmem:$0xEDD0] =	vst v0  }
0x7b: {  	[tilespmem:$0xEDE0] =	vst v0  }
0x7c: {  	[tilespmem:$0xEDF0] =	vst v0  }
0x7d: {  	[tilespmem:$0xEE00] =	vst v0  }
0x7e: {  	[tilespmem:$0xEE10] =	vst v0  }
0x7f: {  	[tilespmem:$0xEE20] =	vst v0  }
0x80: {  	[tilespmem:$0xEE30] =	vst v0  }
0x81: {  	[tilespmem:$0xEE40] =	vst v0  }
0x82: {  	[tilespmem:$0xEE50] =	vst v0  }
0x83: {  	[tilespmem:$0xEE60] =	vst v0  }
0x84: {  	[tilespmem:$0xEE70] =	vst v0  }
0x85: {  	[tilespmem:$0xEE80] =	vst v0  }
0x86: {  	[tilespmem:$0xEE90] =	vst v0  }
0x87: {  	[tilespmem:$0xEEA0] =	vst v0  }
0x88: {  	[tilespmem:$0xEEB0] =	vst v0  }
0x89: {  	[tilespmem:$0xEEC0] =	vst v0  }
0x8a: {  	[tilespmem:$0xEED0] =	vst v0  }
0x8b: {  	[tilespmem:$0xEEE0] =	vst v0  }
0x8c: {  	[tilespmem:$0xEEF0] =	vst v0  }
0x8d: {  	[tilespmem:$0xEF00] =	vst v0  }
0x8e: {  	[tilespmem:$0xEF10] =	vst v0  }
0x8f: {  	[tilespmem:$0xEF20] =	vst v0  }
0x90: {  	[tilespmem:$0xEF30] =	vst v0  }
0x91: {  	[tilespmem:$0xEF40] =	vst v0  }
0x92: {  	[tilespmem:$0xEF50] =	vst v0  }
0x93: {  	[tilespmem:$0xEF60] =	vst v0  }
0x94: {  	[tilespmem:$0xEF70] =	vst v0  }
0x95: {  	[tilespmem:$0xEF80] =	vst v0  }
0x96: {  	[tilespmem:$0xEF90] =	vst v0  }
0x97: {  	[tilespmem:$0xEFA0] =	vst v0  }
0x98: {  	[tilespmem:$0xEFB0] =	vst v0  }
0x99: {  	[tilespmem:$0xEFC0] =	vst v0  }
0x9a: {  	[tilespmem:$0xEFD0] =	vst v0  }
0x9b: {  	[tilespmem:$0xEFE0] =	vst v0  }
0x9c: {  	[tilespmem:$0xEFF0] =	vst v0  }
0x9d: {  	[tilespmem:$0xF000] =	vst v0  }
0x9e: {  	[tilespmem:$0xF010] =	vst v0  }
0x9f: {  	[tilespmem:$0xF020] =	vst v0  }
0xa0: {  	[tilespmem:$0xF030] =	vst v0  }
0xa1: {  	[tilespmem:$0xF040] =	vst v0  }
0xa2: {  	[tilespmem:$0xF050] =	vst v0  }
0xa3: {  	[tilespmem:$0xF060] =	vst v0  }
0xa4: {  	[tilespmem:$0xF070] =	vst v0  }
0xa5: {  	[tilespmem:$0xF080] =	vst v0  }
0xa6: {  	[tilespmem:$0xF090] =	vst v0  }
0xa7: {  	[tilespmem:$0xF0A0] =	vst v0  }
0xa8: {  	[tilespmem:$0xF0B0] =	vst v0  }
0xa9: {  	[tilespmem:$0xF0C0] =	vst v0  }
0xaa: {  	[tilespmem:$0xF0D0] =	vst v0  }
0xab: {  	[tilespmem:$0xF0E0] =	vst v0  }
0xac: {  	[tilespmem:$0xF0F0] =	vst v0  }
0xad: {  	[tilespmem:$0xF100] =	vst v0  }
0xae: {  	[tilespmem:$0xF110] =	vst v0  }
0xaf: {  	[tilespmem:$0xF120] =	vst v0  }
0xb0: {  	[tilespmem:$0xF130] =	vst v0  }
0xb1: {  	[tilespmem:$0xF140] =	vst v0  }
0xb2: {  	[tilespmem:$0xF150] =	vst v0  }
0xb3: {  	[tilespmem:$0xF160] =	vst v0  }
0xb4: {  	[tilespmem:$0xF170] =	vst v0  }
0xb5: {  	[tilespmem:$0xF180] =	vst v0  }
0xb6: {  	[tilespmem:$0xF190] =	vst v0  }
0xb7: {  	[tilespmem:$0xF1A0] =	vst v0  }
0xb8: {  	[tilespmem:$0xF1B0] =	vst v0  }
0xb9: {  	[tilespmem:$0xF1C0] =	vst v0  }
0xba: {  	[tilespmem:$0xF1D0] =	vst v0  }
0xbb: {  	[tilespmem:$0xF1E0] =	vst v0  }
0xbc: {  	[tilespmem:$0xF1F0] =	vst v0  }
0xbd: {  	[tilespmem:$0xF200] =	vst v0  }
0xbe: {  	[tilespmem:$0xF210] =	vst v0  }
0xbf: {  	s7 =	rddreg [dreg:$0xb];
	[tilespmem:$0xF220] =	vst v0  }
0xc0: {  	s9 =	rddreg [dreg:$0xc];
	[tilespmem:$0xF230] =	vst v0  }
0xc1: {  	[spmem:s7] =	stream.linear.scatter [tilespmem:s20], [sflag:$0x5], $0x600, $0x38;
	[tilespmem:$0x1BC38] =	vst v63  }
0xc2: {  	s12 =	rddreg [dreg:$0xd]  }
0xc3: {  	[spmem:s9] =	stream.linear.scatter [tilespmem:s20], [sflag:$0x5], $0x600, $0x38;
	[tilespmem:$0x1BC38] =	vst v63  }
0xc4: {  	s13 =	rddreg [dreg:$0xe]  }
0xc5: {  	[spmem:s12] =	stream.linear.scatter [tilespmem:s20], [sflag:$0x5], $0x600, $0x38;
	[tilespmem:$0x1BC38] =	vst v63  }
0xc6: {  	s14 =	rddreg [dreg:$0xf]  }
0xc7: {  	[spmem:s13] =	stream.linear.scatter [tilespmem:s20], [sflag:$0x5], $0x600, $0x38;
	[tilespmem:$0x1BC38] =	vst v63  }
0xc8: {  	s15 =	rddreg [dreg:$0x10]  }
0xc9: {  	[spmem:s14] =	stream.linear.scatter [tilespmem:s20], [sflag:$0x5], $0x600, $0x38;
	[tilespmem:$0x1BC38] =	vst v63  }
0xca: {  	s16 =	rddreg [dreg:$0x11]  }
0xcb: {  	[spmem:s15] =	stream.linear.scatter [tilespmem:s20], [sflag:$0x5], $0x600, $0x38;
	[tilespmem:$0x1BC38] =	vst v63  }
0xcc: {  	s17 =	rddreg [dreg:$0x12]  }
0xcd: {  	[spmem:s16] =	stream.linear.scatter [tilespmem:s20], [sflag:$0x5], $0x600, $0x38;
	[tilespmem:$0x1BC38] =	vst v63  }
0xce: {  	s18 =	rddreg [dreg:$0x13]  }
0xcf: {  	[spmem:s17] =	stream.linear.scatter [tilespmem:s20], [sflag:$0x5], $0x600, $0x38;
	[tilespmem:$0x1BC38] =	vst v63  }
0xd0: {  	s19 =	rddreg [dreg:$0x14]  }
0xd1: {  	[spmem:s18] =	stream.linear.scatter [tilespmem:s20], [sflag:$0x5], $0x600, $0x38;
	[tilespmem:$0x1BC38] =	vst v63  }
0xd2: {  	s30 =	rddreg [dreg:$0x15]  }
0xd3: {  	[spmem:s19] =	stream.linear.scatter [tilespmem:s20], [sflag:$0x5], $0x600, $0x38;
	[tilespmem:$0x1BC38] =	vst v63  }
0xd4: {  	s4 =	rddreg [dreg:$0x17]  }
0xd5: {  	[spmem:s30] =	stream.linear.scatter [tilespmem:s20], [sflag:$0x5], $0x600, $0x38;
	[tilespmem:$0x1BC38] =	vst v63  }
0xd6: {  	s31 =	rddreg [dreg:$0x16]  }
0xd7: {  	[spmem:s31] =	stream.linear.scatter [tilespmem:s20], [sflag:$0x5], $0x600, $0x38;
	[tilespmem:$0x1BC38] =	vst v63  }
0xd8: {  	s6 =	rddreg [dreg:$0x18]  }
0xd9: {  	[spmem:s4] =	stream.linear.scatter [tilespmem:s20], [sflag:$0x5], $0x600, $0x38;
	[tilespmem:$0x1BC38] =	vst v63  }
0xda: {  	s7 =	rddreg [dreg:$0x19]  }
0xdb: {  	[spmem:s6] =	stream.linear.scatter [tilespmem:s20], [sflag:$0x5], $0x600, $0x38;
	[tilespmem:$0x1BC38] =	vst v63  }
0xdc: {  	s9 =	rddreg [dreg:$0x1a]  }
0xdd: {  	[spmem:s7] =	stream.linear.scatter [tilespmem:s20], [sflag:$0x5], $0x600, $0x38;
	[tilespmem:$0x1BC38] =	vst v63  }
0xde: {  	s12 =	rddreg [dreg:$0x1b]  }
0xdf: {  	[spmem:s9] =	stream.linear.scatter [tilespmem:s20], [sflag:$0x5], $0x600, $0x38;
	[tilespmem:$0x1BC38] =	vst v63  }
0xe0: {  	s13 =	rddreg [dreg:$0x1c]  }
0xe1: {  	[spmem:s12] =	stream.linear.scatter [tilespmem:s20], [sflag:$0x5], $0x600, $0x38;
	[tilespmem:$0x1BC38] =	vst v63  }
0xe2: {  	s14 =	rddreg [dreg:$0x1d]  }
0xe3: {  	[spmem:s13] =	stream.linear.scatter [tilespmem:s20], [sflag:$0x5], $0x600, $0x38;
	[tilespmem:$0x1BC38] =	vst v63  }
0xe4: {  	s15 =	rddreg [dreg:$0x1e]  }
0xe5: {  	[spmem:s14] =	stream.linear.scatter [tilespmem:s20], [sflag:$0x5], $0x600, $0x38;
	[tilespmem:$0x1BC38] =	vst v63  }
0xe6: {  	s16 =	rddreg [dreg:$0x1f]  }
0xe7: {  	[spmem:s15] =	stream.linear.scatter [tilespmem:s20], [sflag:$0x5], $0x600, $0x38;
	[tilespmem:$0x1BC38] =	vst v63  }
0xe8: {  	s17 =	sld [smem:$0x7D4]  }
0xe9: {  	[spmem:s16] =	stream.linear.scatter [tilespmem:s20], [sflag:$0x5], $0x600, $0x38;
	[tilespmem:$0x1BC38] =	vst v63  }
0xea: {  	s18 =	sld [smem:$0x7D5]  }
0xeb: {  	[spmem:s17] =	stream.linear.scatter [tilespmem:s20], [sflag:$0x5], $0x600, $0x38;
	[tilespmem:$0x1BC38] =	vst v63  }
0xec: {  	s19 =	sld [smem:$0x7D6]  }
0xed: {  	[spmem:s18] =	stream.linear.scatter [tilespmem:s20], [sflag:$0x5], $0x600, $0x38;
	[tilespmem:$0x1BC38] =	vst v63  }
0xee: {  	s30 =	sld [smem:$0x7D7]  }
0xef: {  	[spmem:s19] =	stream.linear.scatter [tilespmem:s20], [sflag:$0x5], $0x600, $0x38;
	[tilespmem:$0x1BC38] =	vst v63  }
0xf0: {  	s31 =	sld [smem:$0x7D9]  }
0xf1: {  	[spmem:s30] =	stream.linear.scatter [tilespmem:s20], [sflag:$0x5], $0x600, $0x38;
	[tilespmem:$0x1BC38] =	vst v63  }
0xf2: {  	_ = 	snop  }
0xf3: {  	[spmem:s31] =	stream.linear.scatter [tilespmem:s20], [sflag:$0x5], $0x600, $0x38;
	[tilespmem:$0x1BC38] =	vst v63  }
0xf4: {  	s3 =	simm.s32 @!p1 $0xEC40  }
0xf5: {  	[spmem:s10] =	stream.linear.scatter @!p1 [tilespmem:s3], [sflag:$0x5], $0x600, $0x38;
	[tilespmem:$0x1BC38] =	vst v63  }
0xf6: {  	s4 =	simm.s32 $0x0;
	s3 =	simm.s32 $0x40  }
.LBB2_2:
0xf7: {  	p0 =	sne.s32 s3, $0x13C0;
	[tilespmem:s4+$0x18EA0] =	vst v1;
	s4 =	smov.u32 s3;
	s3 =	sadd.s32 $0x40, s3  }
.Ltmp0:
0xf8: {  	(pc) =	sbr.rel @p0 .LBB2_2-.Ltmp0, $2  }
0xf9: {  	_ =	sdelay $0x2  }
0xfa: {  	s4 =	sshra.s32 s4, $0x2  }
0xfb: {  	[tilespmem:s4+$0x18EA0] =	vst v1  }
0xfc: {  	[tilespmem:$0x193A0] =	vst v0  }
0xfd: {  	[tilespmem:$0x193B0] =	vst v0  }
0xfe: {  	[tilespmem:$0x193C0] =	vst v0  }
0xff: {  	[tilespmem:$0x193D0] =	vst v0  }
0x100: {  	[tilespmem:$0x193E0] =	vst v0  }
0x101: {  	[tilespmem:$0x193F0] =	vst v0  }
0x102: {  	[tilespmem:$0x19400] =	vst v0  }
0x103: {  	[tilespmem:$0x19410] =	vst v0  }
0x104: {  	[tilespmem:$0x19420] =	vst v0  }
0x105: {  	[tilespmem:$0x19430] =	vst v0  }
0x106: {  	[tilespmem:$0x19440] =	vst v0  }
0x107: {  	[tilespmem:$0x19450] =	vst v0  }
0x108: {  	[tilespmem:$0x19460] =	vst v0  }
0x109: {  	[tilespmem:$0x19470] =	vst v0  }
0x10a: {  	[tilespmem:$0x19480] =	vst v0  }
0x10b: {  	[tilespmem:$0x19490] =	vst v0  }
0x10c: {  	[tilespmem:$0x194A0] =	vst v0  }
0x10d: {  	[tilespmem:$0x194B0] =	vst v0  }
0x10e: {  	[tilespmem:$0x194C0] =	vst v0  }
0x10f: {  	[tilespmem:$0x194D0] =	vst v0  }
0x110: {  	[tilespmem:$0x194E0] =	vst v0  }
0x111: {  	s3 =	sld [smem:$0x7DA];
	[tilespmem:$0x194F0] =	vst v0  }
0x112: {  	[tilespmem:$0x19500] =	vst v0  }
0x113: {  	s10 =	sld [smem:$0x7DB];
	[tilespmem:$0x19510] =	vst v0  }
0x114: {  	[spmem:s3] =	stream.linear.scatter [tilespmem:s21], [sflag:$0x6], $0x180, $0x38;
	[tilespmem:$0x1BC38] =	vst v63  }
0x115: {  	s12 =	sld [smem:$0x7DD]  }
0x116: {  	[spmem:s10] =	stream.linear.scatter [tilespmem:s21], [sflag:$0x6], $0x180, $0x38;
	[tilespmem:$0x1BC38] =	vst v63  }
0x117: {  	s13 =	sld [smem:$0x7DE]  }
0x118: {  	[spmem:s12] =	stream.linear.scatter [tilespmem:s21], [sflag:$0x6], $0x180, $0x38;
	[tilespmem:$0x1BC38] =	vst v63  }
0x119: {  	s14 =	sld [smem:$0x7DF]  }
0x11a: {  	[spmem:s13] =	stream.linear.scatter [tilespmem:s21], [sflag:$0x6], $0x180, $0x38;
	[tilespmem:$0x1BC38] =	vst v63  }
0x11b: {  	s15 =	sld [smem:$0x7E0]  }
0x11c: {  	[spmem:s14] =	stream.linear.scatter [tilespmem:s21], [sflag:$0x6], $0x180, $0x38;
	[tilespmem:$0x1BC38] =	vst v63  }
0x11d: {  	s16 =	sld [smem:$0x7E1]  }
0x11e: {  	[spmem:s15] =	stream.linear.scatter [tilespmem:s21], [sflag:$0x6], $0x180, $0x38;
	[tilespmem:$0x1BC38] =	vst v63  }
0x11f: {  	s17 =	sld [smem:$0x7E2]  }
0x120: {  	[spmem:s16] =	stream.linear.scatter [tilespmem:s21], [sflag:$0x6], $0x180, $0x38;
	[tilespmem:$0x1BC38] =	vst v63  }
0x121: {  	s18 =	sld [smem:$0x7E3]  }
0x122: {  	[spmem:s17] =	stream.linear.scatter [tilespmem:s21], [sflag:$0x6], $0x180, $0x38;
	[tilespmem:$0x1BC38] =	vst v63  }
0x123: {  	s19 =	sld [smem:$0x7E4]  }
0x124: {  	[spmem:s18] =	stream.linear.scatter [tilespmem:s21], [sflag:$0x6], $0x180, $0x38;
	[tilespmem:$0x1BC38] =	vst v63  }
0x125: {  	s30 =	sld [smem:$0x7E5]  }
0x126: {  	[spmem:s19] =	stream.linear.scatter [tilespmem:s21], [sflag:$0x6], $0x180, $0x38;
	[tilespmem:$0x1BC38] =	vst v63  }
0x127: {  	s31 =	sld [smem:$0x7E6]  }
0x128: {  	[spmem:s30] =	stream.linear.scatter [tilespmem:s21], [sflag:$0x6], $0x180, $0x38;
	[tilespmem:$0x1BC38] =	vst v63  }
0x129: {  	s4 =	sld [smem:$0x7E7]  }
0x12a: {  	[spmem:s31] =	stream.linear.scatter [tilespmem:s21], [sflag:$0x6], $0x180, $0x38;
	[tilespmem:$0x1BC38] =	vst v63  }
0x12b: {  	s6 =	sld [smem:$0x7E8]  }
0x12c: {  	[spmem:s4] =	stream.linear.scatter [tilespmem:s21], [sflag:$0x6], $0x180, $0x38;
	[tilespmem:$0x1BC38] =	vst v63  }
0x12d: {  	s7 =	sld [smem:$0x7E9]  }
0x12e: {  	[spmem:s6] =	stream.linear.scatter [tilespmem:s21], [sflag:$0x6], $0x180, $0x38;
	[tilespmem:$0x1BC38] =	vst v63  }
0x12f: {  	s9 =	sld [smem:$0x7EA]  }
0x130: {  	[spmem:s7] =	stream.linear.scatter [tilespmem:s21], [sflag:$0x6], $0x180, $0x38;
	[tilespmem:$0x1BC38] =	vst v63  }
0x131: {  	s10 =	sld [smem:$0x7EB]  }
0x132: {  	[spmem:s9] =	stream.linear.scatter [tilespmem:s21], [sflag:$0x6], $0x180, $0x38;
	[tilespmem:$0x1BC38] =	vst v63  }
0x133: {  	s12 =	sld [smem:$0x7EC]  }
0x134: {  	[spmem:s10] =	stream.linear.scatter [tilespmem:s21], [sflag:$0x6], $0x180, $0x38;
	[tilespmem:$0x1BC38] =	vst v63  }
0x135: {  	s13 =	sld [smem:$0x7ED]  }
0x136: {  	[spmem:s12] =	stream.linear.scatter [tilespmem:s21], [sflag:$0x6], $0x180, $0x38;
	[tilespmem:$0x1BC38] =	vst v63  }
0x137: {  	s14 =	sld [smem:$0x7EE]  }
0x138: {  	[spmem:s13] =	stream.linear.scatter [tilespmem:s21], [sflag:$0x6], $0x180, $0x38;
	[tilespmem:$0x1BC38] =	vst v63  }
0x139: {  	s15 =	sld [smem:$0x7EF]  }
0x13a: {  	[spmem:s14] =	stream.linear.scatter [tilespmem:s21], [sflag:$0x6], $0x180, $0x38;
	[tilespmem:$0x1BC38] =	vst v63  }
0x13b: {  	s16 =	sld [smem:$0x7F0]  }
0x13c: {  	[spmem:s15] =	stream.linear.scatter [tilespmem:s21], [sflag:$0x6], $0x180, $0x38;
	[tilespmem:$0x1BC38] =	vst v63  }
0x13d: {  	s17 =	sld [smem:$0x7F1]  }
0x13e: {  	[spmem:s16] =	stream.linear.scatter [tilespmem:s21], [sflag:$0x6], $0x180, $0x38;
	[tilespmem:$0x1BC38] =	vst v63  }
0x13f: {  	s18 =	sld [smem:$0x7F2]  }
0x140: {  	[spmem:s17] =	stream.linear.scatter [tilespmem:s21], [sflag:$0x6], $0x180, $0x38;
	[tilespmem:$0x1BC38] =	vst v63  }
0x141: {  	s19 =	sld [smem:$0x7F3]  }
0x142: {  	[spmem:s18] =	stream.linear.scatter [tilespmem:s21], [sflag:$0x6], $0x180, $0x38;
	[tilespmem:$0x1BC38] =	vst v63  }
0x143: {  	s30 =	sld [smem:$0x7F4]  }
0x144: {  	[spmem:s19] =	stream.linear.scatter [tilespmem:s21], [sflag:$0x6], $0x180, $0x38;
	[tilespmem:$0x1BC38] =	vst v63  }
0x145: {  	_ = 	snop  }
0x146: {  	[spmem:s30] =	stream.linear.scatter [tilespmem:s21], [sflag:$0x6], $0x180, $0x38;
	[tilespmem:$0x1BC38] =	vst v63  }
0x147: {  	s3 =	simm.s32 @!p1 $0x193A0  }
0x148: {  	[spmem:s11] =	stream.linear.scatter @!p1 [tilespmem:s3], [sflag:$0x6], $0x180, $0x38;
	[tilespmem:$0x1BC38] =	vst v63  }
0x149: {  	_ =	swait.ge [sflag:s22], $0x4E20  }
0x14a: {  	[sflag:s22] =	ssyncset.done $0x0  }
0x14b: {  	[sflag:s22] =	ssyncadd.s32 $0xFFFFB1E0  }
0x14c: {  	_ =	swait.ge [sflag:s23], $0x4E20  }
0x14d: {  	[sflag:s23] =	ssyncset.done $0x0  }
0x14e: {  	[sflag:s23] =	ssyncadd.s32 $0xFFFFB1E0  }
0x14f: {  	_ =	swait.ge [sflag:s24], $0x600  }
0x150: {  	[sflag:s24] =	ssyncset.done $0x0  }
0x151: {  	[sflag:s24] =	ssyncadd.s32 $0xFFFFFA00  }
0x152: {  	_ =	swait.ge [sflag:s24], $0x600  }
0x153: {  	[sflag:s24] =	ssyncset.done $0x0  }
0x154: {  	[sflag:s24] =	ssyncadd.s32 $0xFFFFFA00  }
0x155: {  	_ =	swait.ge [sflag:s24], $0x600  }
0x156: {  	[sflag:s24] =	ssyncset.done $0x0  }
0x157: {  	[sflag:s24] =	ssyncadd.s32 $0xFFFFFA00  }
0x158: {  	_ =	swait.ge [sflag:s24], $0x600  }
0x159: {  	[sflag:s24] =	ssyncset.done $0x0  }
0x15a: {  	[sflag:s24] =	ssyncadd.s32 $0xFFFFFA00  }
0x15b: {  	_ =	swait.ge [sflag:s24], $0x600  }
0x15c: {  	[sflag:s24] =	ssyncset.done $0x0  }
0x15d: {  	[sflag:s24] =	ssyncadd.s32 $0xFFFFFA00  }
0x15e: {  	_ =	swait.ge [sflag:s24], $0x600  }
0x15f: {  	[sflag:s24] =	ssyncset.done $0x0  }
0x160: {  	[sflag:s24] =	ssyncadd.s32 $0xFFFFFA00  }
0x161: {  	_ =	swait.ge [sflag:s24], $0x600  }
0x162: {  	[sflag:s24] =	ssyncset.done $0x0  }
0x163: {  	[sflag:s24] =	ssyncadd.s32 $0xFFFFFA00  }
0x164: {  	_ =	swait.ge [sflag:s24], $0x600  }
0x165: {  	[sflag:s24] =	ssyncset.done $0x0  }
0x166: {  	[sflag:s24] =	ssyncadd.s32 $0xFFFFFA00  }
0x167: {  	_ =	swait.ge [sflag:s24], $0x600  }
0x168: {  	[sflag:s24] =	ssyncset.done $0x0  }
0x169: {  	[sflag:s24] =	ssyncadd.s32 $0xFFFFFA00  }
0x16a: {  	_ =	swait.ge [sflag:s24], $0x600  }
0x16b: {  	[sflag:s24] =	ssyncset.done $0x0  }
0x16c: {  	[sflag:s24] =	ssyncadd.s32 $0xFFFFFA00  }
0x16d: {  	_ =	swait.ge [sflag:s24], $0x600  }
0x16e: {  	[sflag:s24] =	ssyncset.done $0x0  }
0x16f: {  	[sflag:s24] =	ssyncadd.s32 $0xFFFFFA00  }
0x170: {  	_ =	swait.ge [sflag:s24], $0x600  }
0x171: {  	[sflag:s24] =	ssyncset.done $0x0  }
0x172: {  	[sflag:s24] =	ssyncadd.s32 $0xFFFFFA00  }
0x173: {  	_ =	swait.ge [sflag:s24], $0x600  }
0x174: {  	[sflag:s24] =	ssyncset.done $0x0  }
0x175: {  	[sflag:s24] =	ssyncadd.s32 $0xFFFFFA00  }
0x176: {  	_ =	swait.ge [sflag:s24], $0x600  }
0x177: {  	[sflag:s24] =	ssyncset.done $0x0  }
0x178: {  	[sflag:s24] =	ssyncadd.s32 $0xFFFFFA00  }
0x179: {  	_ =	swait.ge [sflag:s24], $0x600  }
0x17a: {  	[sflag:s24] =	ssyncset.done $0x0  }
0x17b: {  	[sflag:s24] =	ssyncadd.s32 $0xFFFFFA00  }
0x17c: {  	_ =	swait.ge [sflag:s24], $0x600  }
0x17d: {  	[sflag:s24] =	ssyncset.done $0x0  }
0x17e: {  	[sflag:s24] =	ssyncadd.s32 $0xFFFFFA00  }
0x17f: {  	_ =	swait.ge [sflag:s24], $0x600  }
0x180: {  	[sflag:s24] =	ssyncset.done $0x0  }
0x181: {  	[sflag:s24] =	ssyncadd.s32 $0xFFFFFA00  }
0x182: {  	_ =	swait.ge [sflag:s24], $0x600  }
0x183: {  	[sflag:s24] =	ssyncset.done $0x0  }
0x184: {  	[sflag:s24] =	ssyncadd.s32 $0xFFFFFA00  }
0x185: {  	_ =	swait.ge [sflag:s24], $0x600  }
0x186: {  	[sflag:s24] =	ssyncset.done $0x0  }
0x187: {  	[sflag:s24] =	ssyncadd.s32 $0xFFFFFA00  }
0x188: {  	_ =	swait.ge [sflag:s24], $0x600  }
0x189: {  	[sflag:s24] =	ssyncset.done $0x0  }
0x18a: {  	[sflag:s24] =	ssyncadd.s32 $0xFFFFFA00  }
0x18b: {  	_ =	swait.ge [sflag:s24], $0x600  }
0x18c: {  	[sflag:s24] =	ssyncset.done $0x0  }
0x18d: {  	[sflag:s24] =	ssyncadd.s32 $0xFFFFFA00  }
0x18e: {  	_ =	swait.ge [sflag:s24], $0x600  }
0x18f: {  	[sflag:s24] =	ssyncset.done $0x0  }
0x190: {  	[sflag:s24] =	ssyncadd.s32 $0xFFFFFA00  }
0x191: {  	_ =	swait.ge [sflag:s24], $0x600  }
0x192: {  	[sflag:s24] =	ssyncset.done $0x0  }
0x193: {  	[sflag:s24] =	ssyncadd.s32 $0xFFFFFA00  }
0x194: {  	_ =	swait.ge [sflag:s24], $0x600  }
0x195: {  	[sflag:s24] =	ssyncset.done $0x0  }
0x196: {  	[sflag:s24] =	ssyncadd.s32 $0xFFFFFA00  }
0x197: {  	_ =	swait.ge [sflag:s24], $0x600  }
0x198: {  	[sflag:s24] =	ssyncset.done $0x0  }
0x199: {  	[sflag:s24] =	ssyncadd.s32 $0xFFFFFA00  }
0x19a: {  	_ =	swait.ge [sflag:s24], $0x600  }
0x19b: {  	[sflag:s24] =	ssyncset.done $0x0  }
0x19c: {  	s3 =	simm.s32 @!p1 $0x5;
	[sflag:s24] =	ssyncadd.s32 $0xFFFFFA00  }
0x19d: {  	_ =	swait.ge @!p1 [sflag:s3], $0x600  }
0x19e: {  	[sflag:s3] =	ssyncset.done @!p1 $0x0  }
0x19f: {  	[sflag:s3] =	ssyncadd.s32 @!p1 $0xFFFFFA00  }
0x1a0: {  	_ =	swait.ge [sflag:s25], $0x180  }
0x1a1: {  	[sflag:s25] =	ssyncset.done $0x0  }
0x1a2: {  	[sflag:s25] =	ssyncadd.s32 $0xFFFFFE80  }
0x1a3: {  	_ =	swait.ge [sflag:s25], $0x180  }
0x1a4: {  	[sflag:s25] =	ssyncset.done $0x0  }
0x1a5: {  	[sflag:s25] =	ssyncadd.s32 $0xFFFFFE80  }
0x1a6: {  	_ =	swait.ge [sflag:s25], $0x180  }
0x1a7: {  	[sflag:s25] =	ssyncset.done $0x0  }
0x1a8: {  	[sflag:s25] =	ssyncadd.s32 $0xFFFFFE80  }
0x1a9: {  	_ =	swait.ge [sflag:s25], $0x180  }
0x1aa: {  	[sflag:s25] =	ssyncset.done $0x0  }
0x1ab: {  	[sflag:s25] =	ssyncadd.s32 $0xFFFFFE80  }
0x1ac: {  	_ =	swait.ge [sflag:s25], $0x180  }
0x1ad: {  	[sflag:s25] =	ssyncset.done $0x0  }
0x1ae: {  	[sflag:s25] =	ssyncadd.s32 $0xFFFFFE80  }
0x1af: {  	_ =	swait.ge [sflag:s25], $0x180  }
0x1b0: {  	[sflag:s25] =	ssyncset.done $0x0  }
0x1b1: {  	[sflag:s25] =	ssyncadd.s32 $0xFFFFFE80  }
0x1b2: {  	_ =	swait.ge [sflag:s25], $0x180  }
0x1b3: {  	[sflag:s25] =	ssyncset.done $0x0  }
0x1b4: {  	[sflag:s25] =	ssyncadd.s32 $0xFFFFFE80  }
0x1b5: {  	_ =	swait.ge [sflag:s25], $0x180  }
0x1b6: {  	[sflag:s25] =	ssyncset.done $0x0  }
0x1b7: {  	[sflag:s25] =	ssyncadd.s32 $0xFFFFFE80  }
0x1b8: {  	_ =	swait.ge [sflag:s25], $0x180  }
0x1b9: {  	[sflag:s25] =	ssyncset.done $0x0  }
0x1ba: {  	[sflag:s25] =	ssyncadd.s32 $0xFFFFFE80  }
0x1bb: {  	_ =	swait.ge [sflag:s25], $0x180  }
0x1bc: {  	[sflag:s25] =	ssyncset.done $0x0  }
0x1bd: {  	[sflag:s25] =	ssyncadd.s32 $0xFFFFFE80  }
0x1be: {  	_ =	swait.ge [sflag:s25], $0x180  }
0x1bf: {  	[sflag:s25] =	ssyncset.done $0x0  }
0x1c0: {  	[sflag:s25] =	ssyncadd.s32 $0xFFFFFE80  }
0x1c1: {  	_ =	swait.ge [sflag:s25], $0x180  }
0x1c2: {  	[sflag:s25] =	ssyncset.done $0x0  }
0x1c3: {  	[sflag:s25] =	ssyncadd.s32 $0xFFFFFE80  }
0x1c4: {  	_ =	swait.ge [sflag:s25], $0x180  }
0x1c5: {  	[sflag:s25] =	ssyncset.done $0x0  }
0x1c6: {  	[sflag:s25] =	ssyncadd.s32 $0xFFFFFE80  }
0x1c7: {  	_ =	swait.ge [sflag:s25], $0x180  }
0x1c8: {  	[sflag:s25] =	ssyncset.done $0x0  }
0x1c9: {  	[sflag:s25] =	ssyncadd.s32 $0xFFFFFE80  }
0x1ca: {  	_ =	swait.ge [sflag:s25], $0x180  }
0x1cb: {  	[sflag:s25] =	ssyncset.done $0x0  }
0x1cc: {  	[sflag:s25] =	ssyncadd.s32 $0xFFFFFE80  }
0x1cd: {  	_ =	swait.ge [sflag:s25], $0x180  }
0x1ce: {  	[sflag:s25] =	ssyncset.done $0x0  }
0x1cf: {  	[sflag:s25] =	ssyncadd.s32 $0xFFFFFE80  }
0x1d0: {  	_ =	swait.ge [sflag:s25], $0x180  }
0x1d1: {  	[sflag:s25] =	ssyncset.done $0x0  }
0x1d2: {  	[sflag:s25] =	ssyncadd.s32 $0xFFFFFE80  }
0x1d3: {  	_ =	swait.ge [sflag:s25], $0x180  }
0x1d4: {  	[sflag:s25] =	ssyncset.done $0x0  }
0x1d5: {  	[sflag:s25] =	ssyncadd.s32 $0xFFFFFE80  }
0x1d6: {  	_ =	swait.ge [sflag:s25], $0x180  }
0x1d7: {  	[sflag:s25] =	ssyncset.done $0x0  }
0x1d8: {  	[sflag:s25] =	ssyncadd.s32 $0xFFFFFE80  }
0x1d9: {  	_ =	swait.ge [sflag:s25], $0x180  }
0x1da: {  	[sflag:s25] =	ssyncset.done $0x0  }
0x1db: {  	[sflag:s25] =	ssyncadd.s32 $0xFFFFFE80  }
0x1dc: {  	_ =	swait.ge [sflag:s25], $0x180  }
0x1dd: {  	[sflag:s25] =	ssyncset.done $0x0  }
0x1de: {  	[sflag:s25] =	ssyncadd.s32 $0xFFFFFE80  }
0x1df: {  	_ =	swait.ge [sflag:s25], $0x180  }
0x1e0: {  	[sflag:s25] =	ssyncset.done $0x0  }
0x1e1: {  	[sflag:s25] =	ssyncadd.s32 $0xFFFFFE80  }
0x1e2: {  	_ =	swait.ge [sflag:s25], $0x180  }
0x1e3: {  	[sflag:s25] =	ssyncset.done $0x0  }
0x1e4: {  	[sflag:s25] =	ssyncadd.s32 $0xFFFFFE80  }
0x1e5: {  	_ =	swait.ge [sflag:s25], $0x180  }
0x1e6: {  	[sflag:s25] =	ssyncset.done $0x0  }
0x1e7: {  	[sflag:s25] =	ssyncadd.s32 $0xFFFFFE80  }
0x1e8: {  	_ =	swait.ge [sflag:s25], $0x180  }
0x1e9: {  	[sflag:s25] =	ssyncset.done $0x0  }
0x1ea: {  	[sflag:s25] =	ssyncadd.s32 $0xFFFFFE80  }
0x1eb: {  	_ =	swait.ge [sflag:s25], $0x180  }
0x1ec: {  	[sflag:s25] =	ssyncset.done $0x0  }
0x1ed: {  	s3 =	simm.s32 @!p1 $0x6;
	[sflag:s25] =	ssyncadd.s32 $0xFFFFFE80  }
0x1ee: {  	_ =	swait.ge @!p1 [sflag:s3], $0x180  }
0x1ef: {  	[sflag:s3] =	ssyncset.done @!p1 $0x0  }
0x1f0: {  	[sflag:s3] =	ssyncadd.s32 @!p1 $0xFFFFFE80  }
0x1f1: {  	s31 =	simm.s32 $0x0;
	[bflag:$0x0] =	sbarrier.arrive $0xFFFF  }
0x1f2: {  	[tilespmem:s28], [sflag:$0x1] =	stream.indirect.gather [hbm4b:s8+s26], $0x40, s31, s26, $0xb8;
	[tilespmem:$0x1BC38] =	vst v63  }
0x1f3: {  	p4 =	por $0x0, $0x0  }
0x1f4: {  	[tilespmem:s29], [sflag:$0x2] =	stream.indirect.gather [hbm4b:s8+s26], $0x40, s26, s26, $0xb8;
	[tilespmem:$0x1BC38] =	vst v63  }
0x1f5: {  	p0 =	por @!p4 $0x1, $0x1;
	_ =	swait.ge [sflag:s22], $0x1400  }
0x1f6: {  	p2 =	por p0, p4;
	[sflag:s22] =	ssyncset.done $0x0  }
0x1f7: {  	p3 =	sne.s32 @!p2 s5, $0x0;
	s6 =	simm.s32 $0x4E20;
	[sflag:s22] =	ssyncadd.s32 $0xFFFFEC00  }
0x1f8: {  	[spmem:s1] =	stream.indirect.scatter.add.f32 [tilespmem:s28], [sflag:$0x5], $0x40, s6, s26, $0xb8;
	[tilespmem:$0x1BC38] =	vst v63  }
0x1f9: {  	s4 =	simm.s32 @!p5 $0x50;
	s7 =	simm.s32 @!p2 $0x7;
	s3 =	simm.s32 @!p5 $0x18EA0  }
0x1fa: {  	[spmem:s2] =	stream.indirect.scatter.add.f32 @!p5 [tilespmem:s3], [sflag:$0x5], $0x10, s6, s4, $0xb8;
	[tilespmem:$0x1BC38] =	vst v63  }
0x1fb: {  	p0 =	por @!p4 p3, p0;
	_ =	swait.ge @!p2 [sflag:s7], $0x1400  }
0x1fc: {  	p0 =	por p0, p4;
	[sflag:s7] =	ssyncset.done @!p2 $0x0  }
0x1fd: {  	s6 =	simm.s32 @!p0 $0x7;
	[sflag:s7] =	ssyncadd.s32 @!p2 $0xFFFFEC00  }
0x1fe: {  	_ =	swait.ge @!p0 [sflag:s6], $0x500  }
0x1ff: {  	s12 =	simm.s32 @!p4 $0xC440;
	[sflag:s6] =	ssyncset.done @!p0 $0x0  }
0x200: {  	s13 =	simm.s32 @!p4 $0x50;
	s7 =	simm.s32 @!p4 $0xA0;
	[sflag:s6] =	ssyncadd.s32 @!p0 $0xFFFFFB00  }
0x201: {  	[tilespmem:s12], [sflag:$0x3] =	stream.indirect.gather @!p4 [hbm4b:s8+s13], $0x40, s7, s13, $0xb8;
	[tilespmem:$0x1BC38] =	vst v63  }
0x202: {  	p3 =	por $0x0, $0x0;
	_ =	swait.ge [sflag:s23], $0x1400  }
0x203: {  	s14 =	simm.s32 $0x4E70;
	p0 =	por @!p3 $0x1, $0x1;
	[sflag:s23] =	ssyncset.done $0x0  }
0x204: {  	s6 =	simm.s32 @!p6 $0x50;
	p2 =	por p0, p3;
	[sflag:s23] =	ssyncadd.s32 $0xFFFFEC00  }
0x205: {  	[spmem:s1] =	stream.indirect.scatter.add.f32 [tilespmem:s29], [sflag:$0x6], $0x40, s14, s26, $0xb8;
	[tilespmem:$0x1BC38] =	vst v63  }
0x206: {  	s7 =	simm.s32 @!p6 $0x18EA0;
	p5 =	seq.s32 @!p2 s5, $0x0;
	s15 =	simm.s32 @!p2 $0x8  }
0x207: {  	[spmem:s2] =	stream.indirect.scatter.add.f32 @!p6 [tilespmem:s7], [sflag:$0x6], $0x10, s14, s6, $0xb8;
	[tilespmem:$0x1BC38] =	vst v63  }
0x208: {  	p0 =	por @!p3 p5, p0;
	_ =	swait.ge @!p2 [sflag:s15], $0x1400  }
0x209: {  	p0 =	por p0, p3;
	[sflag:s15] =	ssyncset.done @!p2 $0x0  }
0x20a: {  	s14 =	simm.s32 @!p0 $0x8;
	[sflag:s15] =	ssyncadd.s32 @!p2 $0xFFFFEC00  }
0x20b: {  	_ =	swait.ge @!p0 [sflag:s14], $0x500  }
0x20c: {  	s16 =	simm.s32 @!p4 $0x3;
	s17 =	simm.s32 @!p3 $0xD840;
	[sflag:s14] =	ssyncset.done @!p0 $0x0  }
0x20d: {  	s15 =	simm.s32 @!p3 $0xF0;
	[sflag:s14] =	ssyncadd.s32 @!p0 $0xFFFFFB00;
	s14 =	simm.s32 @!p3 $0x50  }
0x20e: {  	[tilespmem:s17], [sflag:$0x4] =	stream.indirect.gather @!p3 [hbm4b:s8+s14], $0x40, s15, s14, $0xb8;
	[tilespmem:$0x1BC38] =	vst v63  }
0x20f: {  	_ =	swait.ge @!p4 [sflag:s16], $0x1400  }
0x210: {  	p0 =	sne.s32 @!p4 s5, $0x0;
	[sflag:s16] =	ssyncset.done @!p4 $0x0  }
0x211: {  	s15 =	simm.s32 @!p4 $0x4EC0;
	p2 =	por !p0, p4;
	[sflag:s16] =	ssyncadd.s32 @!p4 $0xFFFFEC00  }
0x212: {  	[spmem:s1] =	stream.indirect.scatter.add.f32 @!p4 [tilespmem:s12], [sflag:$0x7], $0x40, s15, s13, $0xb8;
	[tilespmem:$0x1BC38] =	vst v63  }
0x213: {  	s12 =	simm.s32 @!p2 $0x5  }
0x214: {  	_ =	swait.ge @!p2 [sflag:s12], $0x1400  }
0x215: {  	p0 =	por p0, p4;
	[sflag:s12] =	ssyncset.done @!p2 $0x0  }
0x216: {  	s16 =	simm.s32 @!p0 $0x18EA0;
	[sflag:s12] =	ssyncadd.s32 @!p2 $0xFFFFEC00;
	s12 =	simm.s32 @!p0 $0x50  }
0x217: {  	[spmem:s2] =	stream.indirect.scatter.add.f32 @!p0 [tilespmem:s16], [sflag:$0x7], $0x10, s15, s12, $0xb8;
	[tilespmem:$0x1BC38] =	vst v63  }
0x218: {  	s12 =	simm.s32 @!p0 $0x5  }
0x219: {  	_ =	swait.ge @!p0 [sflag:s12], $0x1400  }
0x21a: {  	[sflag:s12] =	ssyncset.done @!p0 $0x0  }
0x21b: {  	[sflag:s12] =	ssyncadd.s32 @!p0 $0xFFFFEC00  }
0x21c: {  	_ =	swait.ge @!p0 [sflag:s12], $0x500  }
0x21d: {  	[sflag:s12] =	ssyncset.done @!p0 $0x0  }
0x21e: {  	s15 =	simm.s32 @!p4 $0x140;
	[sflag:s12] =	ssyncadd.s32 @!p0 $0xFFFFFB00;
	s12 =	simm.s32 @!p4 $0x9C40  }
0x21f: {  	[tilespmem:s12], [sflag:$0x1] =	stream.indirect.gather @!p4 [hbm4b:s8+s13], $0x40, s15, s13, $0xb8;
	[tilespmem:$0x1BC38] =	vst v63  }
0x220: {  	s12 =	simm.s32 @!p3 $0x4  }
0x221: {  	p0 =	seq.s32 @!p3 s5, $0x0;
	_ =	swait.ge @!p3 [sflag:s12], $0x1400  }
0x222: {  	p2 =	por !p0, p3;
	[sflag:s12] =	ssyncset.done @!p3 $0x0  }
0x223: {  	s13 =	simm.s32 @!p3 $0x4F10;
	[sflag:s12] =	ssyncadd.s32 @!p3 $0xFFFFEC00;
	s12 =	simm.s32 @!p2 $0x6  }
0x224: {  	[spmem:s1] =	stream.indirect.scatter.add.f32 @!p3 [tilespmem:s17], [sflag:$0x8], $0x40, s13, s14, $0xb8;
	[tilespmem:$0x1BC38] =	vst v63  }
0x225: {  	p0 =	por p0, p3;
	_ =	swait.ge @!p2 [sflag:s12], $0x1400  }
0x226: {  	s15 =	simm.s32 @!p0 $0x18EA0;
	[sflag:s12] =	ssyncset.done @!p2 $0x0  }
0x227: {  	s16 =	simm.s32 @!p0 $0x6;
	[sflag:s12] =	ssyncadd.s32 @!p2 $0xFFFFEC00;
	s12 =	simm.s32 @!p0 $0x50  }
0x228: {  	[spmem:s2] =	stream.indirect.scatter.add.f32 @!p0 [tilespmem:s15], [sflag:$0x8], $0x10, s13, s12, $0xb8;
	[tilespmem:$0x1BC38] =	vst v63  }
0x229: {  	s9 =	smov.u32 s11;
	s12 =	simm.s32 $0x3;
	_ =	swait.ge @!p0 [sflag:s16], $0x1400  }
0x22a: {  	s13 =	simm.s32 $0x500;
	s15 =	simm.s32 @!p3 $0x190;
	[sflag:s16] =	ssyncset.done @!p0 $0x0  }
.LBB2_4:
0x22b: {  	[sflag:s16] =	ssyncadd.s32 @!p0 $0xFFFFEC00  }
0x22c: {  	_ =	swait.ge @!p0 [sflag:s16], $0x500  }
0x22d: {  	s12 =	sadd.s32 $0x4, s12;
	s30 =	smov.u32 s13;
	[sflag:s16] =	ssyncset.done @!p0 $0x0  }
0x22e: {  	s17 =	simm.s32 @!p3 $0xB040;
	s18 =	sadd.s32 $0xFFFFFFFF, s12;
	[sflag:s16] =	ssyncadd.s32 @!p0 $0xFFFFFB00  }
0x22f: {  	[tilespmem:s17], [sflag:$0x2] =	stream.indirect.gather @!p3 [hbm4b:s8+s14], $0x40, s15, s14, $0xb8;
	[tilespmem:$0x1BC38] =	vst v63  }
0x230: {  	s11 =	sshra.s32 s30, $0x2;
	p5 =	sgt.u32 s18, $0xF9;
	_ =	swait.ge [sflag:s22], $0x1400  }
0x231: {  	p2 =	seq.s32 @!p5 s30, $0x0;
	[sflag:s22] =	ssyncset.done $0x0;
	s10 =	sld [smem:$0x7FC]  }
0x232: {  	s15 =	sadd.s32 $0x4E20, s11;
	p0 =	por p2, p5;
	[sflag:s22] =	ssyncadd.s32 $0xFFFFEC00  }
0x233: {  	[spmem:s1] =	stream.indirect.scatter.add.f32 [tilespmem:s28], [sflag:$0x5], $0x40, s15, s26, $0xb8;
	[tilespmem:$0x1BC38] =	vst v63  }
0x234: {  	p3 =	sne.s32 @!p0 s5, $0x0;
	s17 =	simm.s32 @!p0 $0x7;
	p1 =	seq.s32 s10, $0x1  }
0x235: {  	[spmem:s2] =	stream.indirect.scatter.add.f32 @!p1 [tilespmem:s3], [sflag:$0x5], $0x10, s15, s4, $0xb8;
	[tilespmem:$0x1BC38] =	vst v63  }
0x236: {  	p2 =	por @!p5 p3, p2;
	_ =	swait.ge @!p0 [sflag:s17], $0x1400  }
0x237: {  	p2 =	por p2, p5;
	[sflag:s17] =	ssyncset.done @!p0 $0x0  }
0x238: {  	s15 =	simm.s32 @!p2 $0x7;
	[sflag:s17] =	ssyncadd.s32 @!p0 $0xFFFFEC00  }
0x239: {  	s18 =	sshra.s32 @!p5 s30, $0x2;
	_ =	swait.ge @!p2 [sflag:s15], $0x500  }
0x23a: {  	s31 =	simm.s32 @!p5 $0xC440;
	s14 =	sadd.s32 @!p5 $0xA0, s18;
	[sflag:s15] =	ssyncset.done @!p2 $0x0  }
0x23b: {  	p3 =	sgt.u32 s12, $0xF9;
	s17 =	simm.s32 @!p5 $0x50;
	[sflag:s15] =	ssyncadd.s32 @!p2 $0xFFFFFB00  }
0x23c: {  	[tilespmem:s31], [sflag:$0x3] =	stream.indirect.gather @!p5 [hbm4b:s8+s17], $0x40, s14, s17, $0xb8;
	[tilespmem:$0x1BC38] =	vst v63  }
0x23d: {  	p0 =	seq.s32 @!p3 s30, $0x0;
	_ =	swait.ge [sflag:s23], $0x1400  }
0x23e: {  	p2 =	por p0, p3;
	[sflag:s23] =	ssyncset.done $0x0;
	s19 =	sld [smem:$0x7FD]  }
0x23f: {  	s11 =	sadd.s32 $0x4E70, s11;
	p1 =	seq.s32 @!p2 s5, $0x0;
	[sflag:s23] =	ssyncadd.s32 $0xFFFFEC00  }
0x240: {  	[spmem:s1] =	stream.indirect.scatter.add.f32 [tilespmem:s29], [sflag:$0x6], $0x40, s11, s26, $0xb8;
	[tilespmem:$0x1BC38] =	vst v63  }
0x241: {  	s14 =	simm.s32 @!p2 $0x8;
	p1 =	por @!p3 p1, p0;
	p0 =	seq.s32 s19, $0x1  }
0x242: {  	[spmem:s2] =	stream.indirect.scatter.add.f32 @!p0 [tilespmem:s7], [sflag:$0x6], $0x10, s11, s6, $0xb8;
	[tilespmem:$0x1BC38] =	vst v63  }
0x243: {  	_ =	swait.ge @!p2 [sflag:s14], $0x1400  }
0x244: {  	p1 =	por p1, p3;
	[sflag:s14] =	ssyncset.done @!p2 $0x0  }
0x245: {  	s11 =	simm.s32 @!p1 $0x8;
	[sflag:s14] =	ssyncadd.s32 @!p2 $0xFFFFEC00  }
0x246: {  	s30 =	sshra.s32 @!p3 s30, $0x2;
	_ =	swait.ge @!p1 [sflag:s11], $0x500  }
0x247: {  	s10 =	sadd.s32 @!p3 $0xF0, s30;
	s19 =	simm.s32 @!p5 $0x3;
	[sflag:s11] =	ssyncset.done @!p1 $0x0  }
0x248: {  	s14 =	simm.s32 @!p3 $0x50;
	[sflag:s11] =	ssyncadd.s32 @!p1 $0xFFFFFB00;
	s11 =	simm.s32 @!p3 $0xD840  }
0x249: {  	[tilespmem:s11], [sflag:$0x4] =	stream.indirect.gather @!p3 [hbm4b:s8+s14], $0x40, s10, s14, $0xb8;
	[tilespmem:$0x1BC38] =	vst v63  }
0x24a: {  	p6 =	sne.s32 @!p5 s5, $0x0;
	_ =	swait.ge @!p5 [sflag:s19], $0x1400  }
0x24b: {  	s16 =	sadd.s32 @!p5 $0x140, s18;
	p1 =	por !p6, p5;
	[sflag:s19] =	ssyncset.done @!p5 $0x0  }
0x24c: {  	s10 =	sadd.s32 @!p5 $0x4EC0, s18;
	s18 =	simm.s32 @!p1 $0x5;
	[sflag:s19] =	ssyncadd.s32 @!p5 $0xFFFFEC00  }
0x24d: {  	[spmem:s1] =	stream.indirect.scatter.add.f32 @!p5 [tilespmem:s31], [sflag:$0x7], $0x40, s10, s17, $0xb8;
	[tilespmem:$0x1BC38] =	vst v63  }
0x24e: {  	p6 =	por p6, p5;
	_ =	swait.ge @!p1 [sflag:s18], $0x1400  }
0x24f: {  	s19 =	simm.s32 @!p6 $0x50;
	[sflag:s18] =	ssyncset.done @!p1 $0x0  }
0x250: {  	s31 =	simm.s32 @!p6 $0x18EA0;
	[sflag:s18] =	ssyncadd.s32 @!p1 $0xFFFFEC00;
	s18 =	simm.s32 @!p6 $0x5  }
0x251: {  	[spmem:s2] =	stream.indirect.scatter.add.f32 @!p6 [tilespmem:s31], [sflag:$0x7], $0x10, s10, s19, $0xb8;
	[tilespmem:$0x1BC38] =	vst v63  }
0x252: {  	_ =	swait.ge @!p6 [sflag:s18], $0x1400  }
0x253: {  	[sflag:s18] =	ssyncset.done @!p6 $0x0  }
0x254: {  	[sflag:s18] =	ssyncadd.s32 @!p6 $0xFFFFEC00  }
0x255: {  	_ =	swait.ge @!p6 [sflag:s18], $0x500  }
0x256: {  	[sflag:s18] =	ssyncset.done @!p6 $0x0  }
0x257: {  	s10 =	simm.s32 @!p5 $0x9C40;
	[sflag:s18] =	ssyncadd.s32 @!p6 $0xFFFFFB00;
	s18 =	simm.s32 @!p3 $0x4  }
0x258: {  	[tilespmem:s10], [sflag:$0x1] =	stream.indirect.gather @!p5 [hbm4b:s8+s17], $0x40, s16, s17, $0xb8;
	[tilespmem:$0x1BC38] =	vst v63  }
0x259: {  	p0 =	seq.s32 @!p3 s5, $0x0;
	_ =	swait.ge @!p3 [sflag:s18], $0x1400  }
0x25a: {  	s13 =	sadd.s32 $0x500, s13;
	p1 =	por !p0, p3;
	[sflag:s18] =	ssyncset.done @!p3 $0x0  }
0x25b: {  	s10 =	sadd.s32 @!p3 $0x4F10, s30;
	s16 =	simm.s32 @!p1 $0x6;
	[sflag:s18] =	ssyncadd.s32 @!p3 $0xFFFFEC00  }
0x25c: {  	[spmem:s1] =	stream.indirect.scatter.add.f32 @!p3 [tilespmem:s11], [sflag:$0x8], $0x40, s10, s14, $0xb8;
	[tilespmem:$0x1BC38] =	vst v63  }
0x25d: {  	p4 =	sne.s32 s13, $0x13B00;
	p0 =	por p0, p3;
	_ =	swait.ge @!p1 [sflag:s16], $0x1400  }
.Ltmp1:
0x25e: {  	s17 =	simm.s32 @!p0 $0x18EA0;
	[sflag:s16] =	ssyncset.done @!p1 $0x0;
	(pc) =	sbr.rel @p4 .LBB2_4-.Ltmp1, $4  }
0x25f: {  	s11 =	simm.s32 @!p0 $0x50;
	[sflag:s16] =	ssyncadd.s32 @!p1 $0xFFFFEC00;
	s16 =	simm.s32 @!p0 $0x6  }
0x260: {  	[spmem:s2] =	stream.indirect.scatter.add.f32 @!p0 [tilespmem:s17], [sflag:$0x8], $0x10, s10, s11, $0xb8;
	[tilespmem:$0x1BC38] =	vst v63  }
0x261: {  	_ =	swait.ge @!p0 [sflag:s16], $0x1400  }
0x262: {  	s15 =	sadd.s32 @!p3 $0x190, s30;
	[sflag:s16] =	ssyncset.done @!p0 $0x0  }
0x263: {  	[sflag:s16] =	ssyncadd.s32 @!p0 $0xFFFFEC00  }
0x264: {  	_ =	swait.ge @!p0 [sflag:s16], $0x500  }
0x265: {  	[sflag:s16] =	ssyncset.done @!p0 $0x0  }
0x266: {  	s3 =	simm.s32 @!p3 $0xB040;
	[sflag:s16] =	ssyncadd.s32 @!p0 $0xFFFFFB00  }
0x267: {  	[tilespmem:s3], [sflag:$0x2] =	stream.indirect.gather @!p3 [hbm4b:s8+s14], $0x40, s15, s14, $0xb8;
	[tilespmem:$0x1BC38] =	vst v63  }
0x268: {  	s15 =	simm.s32 $0x7  }
0x269: {  	_ =	swait.ge [sflag:s15], $0x1400  }
0x26a: {  	s16 =	sld [smem:$0x7FC];
	_ =	sdelay $0x2  }
0x26b: {  	[sflag:s15] =	ssyncset.done $0x0;
	p5 =	seq.s32 s16, $0x1  }
0x26c: {  	[sflag:s15] =	ssyncadd.s32 $0xFFFFEC00;
	s3 =	simm.s32 @p5 $0x8  }
0x26d: {  	_ =	swait.ge @p5 [sflag:s3], $0x1400  }
0x26e: {  	[sflag:s3] =	ssyncset.done @p5 $0x0  }
0x26f: {  	[sflag:s3] =	ssyncadd.s32 @p5 $0xFFFFEC00  }
0x270: {  	_ =	swait.ge @p5 [sflag:s3], $0x500  }
0x271: {  	[sflag:s3] =	ssyncset.done @p5 $0x0  }
0x272: {  	[sflag:s3] =	ssyncadd.s32 @p5 $0xFFFFFB00;
	s3 =	simm.s32 @p5 $0x5  }
0x273: {  	_ =	swait.ge @p5 [sflag:s3], $0x1400  }
0x274: {  	[sflag:s3] =	ssyncset.done @p5 $0x0  }
0x275: {  	[sflag:s3] =	ssyncadd.s32 @p5 $0xFFFFEC00;
	s3 =	simm.s32 @p5 $0x6  }
0x276: {  	_ =	swait.ge @p5 [sflag:s3], $0x1400  }
0x277: {  	[sflag:s3] =	ssyncset.done @p5 $0x0  }
0x278: {  	[sflag:s3] =	ssyncadd.s32 @p5 $0xFFFFEC00  }
0x279: {  	_ =	swait.ge @p5 [sflag:s3], $0x500  }
0x27a: {  	[sflag:s3] =	ssyncset.done @p5 $0x0  }
0x27b: {  	[sflag:s3] =	ssyncadd.s32 @p5 $0xFFFFFB00;
	s3 =	simm.s32 @!p5 $0x7  }
0x27c: {  	_ =	swait.ge @!p5 [sflag:s3], $0x500  }
0x27d: {  	[sflag:s3] =	ssyncset.done @!p5 $0x0  }
0x27e: {  	[sflag:s3] =	ssyncadd.s32 @!p5 $0xFFFFFB00;
	s3 =	simm.s32 @!p5 $0x8  }
0x27f: {  	_ =	swait.ge @!p5 [sflag:s3], $0x1400  }
0x280: {  	[sflag:s3] =	ssyncset.done @!p5 $0x0  }
0x281: {  	[sflag:s3] =	ssyncadd.s32 @!p5 $0xFFFFEC00;
	s3 =	simm.s32 @!p5 $0x5  }
0x282: {  	_ =	swait.ge @!p5 [sflag:s3], $0x1400  }
0x283: {  	[sflag:s3] =	ssyncset.done @!p5 $0x0  }
0x284: {  	[sflag:s3] =	ssyncadd.s32 @!p5 $0xFFFFEC00  }
0x285: {  	_ =	swait.ge @!p5 [sflag:s3], $0x500  }
0x286: {  	[sflag:s3] =	ssyncset.done @!p5 $0x0  }
0x287: {  	[sflag:s3] =	ssyncadd.s32 @!p5 $0xFFFFFB00;
	s3 =	simm.s32 @!p5 $0x6  }
0x288: {  	_ =	swait.ge @!p5 [sflag:s3], $0x1400  }
0x289: {  	[sflag:s3] =	ssyncset.done @!p5 $0x0  }
0x28a: {  	[sflag:s3] =	ssyncadd.s32 @!p5 $0xFFFFEC00  }
0x28b: {  	[bflag:$0x0] =	sbarrier.arrive $0xFFFF  }
0x28c: {  	s4 =	sld [smem:$0x7F6]  }
0x28d: {  	s17 =	stileid.u32;
	s6 =	sld [smem:$0x7F7]  }
0x28e: {  	s3 =	sshll.u32 s17, $0x6  }
0x28f: {  	s18 =	simm.s32 $0x9;
	s3 =	sor.u32 $0x1C09, s3  }
0x290: {  	[hbm:s4], [sflag:s3] =	dma.local [spmem:s6], $0x1380  }
0x291: {  	_ =	swait.ge [sflag:s18], $0x1380  }
0x292: {  	s19 =	sld [smem:$0x7FA];
	_ =	sdelay $0x1  }
0x293: {  	s6 =	sld [smem:$0x7F9]  }
0x294: {  	[sflag:s18] =	ssyncset.done $0x0;
	s7 =	rddreg [dreg:$0x9];
	p1 =	seq.s32 s19, $0x1  }
0x295: {  	[sflag:s18] =	ssyncadd.s32 $0xFFFFEC80;
	s4 =	sshrl.u32 @p1 s7, $0x3  }
0x296: {  	[hbm:s6], [sflag:s3] =	dma.local @p1 [spmem:s4], $0x4E0  }
0x297: {  	s4 =	simm.s32 @p1 $0x9  }
0x298: {  	_ =	swait.ge @p1 [sflag:s4], $0x4E0  }
0x299: {  	s10 =	sld [smem:$0x7FB]  }
0x29a: {  	[sflag:s4] =	ssyncset.done @p1 $0x0  }
0x29b: {  	[sflag:s4] =	ssyncadd.s32 @p1 $0xFFFFFB20;
	s4 =	rddreg [dreg:$0x7]  }
0x29c: {  	s4 =	sadd.s32 @!p1 $0x13800, s4;
	s6 =	sshrl.u32 @!p1 s10, $0x3  }
0x29d: {  	[hbm:s4], [sflag:s3] =	dma.local @!p1 [spmem:s6], $0x80  }
0x29e: {  	s4 =	simm.s32 @!p1 $0x9  }
0x29f: {  	_ =	swait.ge @!p1 [sflag:s4], $0x80  }
0x2a0: {  	[sflag:s4] =	ssyncset.done @!p1 $0x0  }
0x2a1: {  	s6 =	sshrl.u32 @!p1 s7, $0x3;
	s7 =	rddreg [dreg:$0x8];
	[sflag:s4] =	ssyncadd.s32 @!p1 $0xFFFFFF80  }
0x2a2: {  	[hbm:s7], [sflag:s3] =	dma.local @!p1 [spmem:s6], $0x4E0  }
0x2a3: {  	_ =	swait.ge @!p1 [sflag:s4], $0x4E0  }
0x2a4: {  	[sflag:s4] =	ssyncset.done @!p1 $0x0  }
0x2a5: {  	s6 =	sadd.s32 @!p1 $0x4E00, s7;
	s7 =	sshrl.u32 @!p1 s9, $0x3;
	[sflag:s4] =	ssyncadd.s32 @!p1 $0xFFFFFB20  }
0x2a6: {  	[hbm:s6], [sflag:s3] =	dma.local @!p1 [spmem:s7], $0x20  }
0x2a7: {  	_ =	swait.ge @!p1 [sflag:s4], $0x20  }
0x2a8: {  	s0 =	sadd.s32 $0x1, s0;
	s30 =	rddreg [dreg:$0xa]  }
0x2a9: {  	p0 =	sne.s32 s0, s30  }
.Ltmp2:
0x2aa: {  	_ = 	snop;
	(pc) =	sbr.rel @p0 .LBB2_1-.Ltmp2, $3  }
0x2ab: {  	s31 =	sld [smem:$0x7FD];
	_ =	sdelay $0x1  }
0x2ac: {  	[sflag:s4] =	ssyncset.done @!p1 $0x0  }
0x2ad: {  	s11 =	smov.u32 s9;
	[sflag:s4] =	ssyncadd.s32 @!p1 $0xFFFFFFE0;
	p6 =	seq.s32 s31, $0x1  }
0x2ae: {  	_ =	sfence.sel $0x180000  }
0x2af: {  	[bflag:$0x0] =	sbarrier.arrive $0xFFFF  }
0x2b0: {  	_ =	strace $0x90000047  }
0x2b1: {  	[bflag:$0x2] =	sbarrier.arrive $0xFFFF  }
0x2b2: {  	s0 =	rddreg [dreg:$0x4]  }
0x2b3: {  	s0 =	sadd.s32 @!p1 $0x100000, s0  }
0x2b4: {  	[sflag:s0] =	ssyncadd.tile.s32 @!p1 $0x1;
	_ =	shalt  }
.Lfunc_end2:
_tile_overlayer_lowered:
.L_overlay_start_2:
0x2b5: {  	(tag) =	ssettag $0x2  }
0x2b6: {  	s0 =	rddreg [dreg:$0x0];
	s2 =	stileid.u32  }
0x2b7: {  	s1 =	rddreg [dreg:$0x1];
	p0 =	sne.s32 s2, $0x0  }
0x2b8: {  	s3 =	rddreg [dreg:$0x2];
	[bflag:$0x3] =	sbarrier.arrive $0xFFFF;
	s2 =	simm.s32 @!p0 $0x1C09  }
0x2b9: {  	[timem:s3], [sflag:s2] =	dma.local @!p0 [hbm:s0], s1  }
0x2ba: {  	s0 =	simm.s32 @!p0 $0x9  }
0x2bb: {  	_ =	swait.ge @!p0 [sflag:s0], s1  }
0x2bc: {  	s1 =	ssub.s32 @!p0 $0x0, s1;
	[sflag:s0] =	ssyncset.done @!p0 $0x0  }
0x2bd: {  	[sflag:s0] =	ssyncadd.s32 @!p0 s1  }
0x2be: {  	[bflag:$0x3] =	sbarrier.arrive $0xFFFF  }
0x2bf: {  	_ =	shalt  }

</sc_bundles>
